<compile_context>
chip_gen: v7x
topology: tpu7x:2x2x1
jax: 0.10.2.dev20260603
libtpu: 0.0.44.dev20260713+nightly
codegen_flags: <defaults>
</compile_context>

<pallas_src>
import functools

import jax
import jax.numpy as jnp
from jax import lax
from jax.experimental import pallas as pl
from jax.experimental.pallas import tpu as pltpu
from jax.experimental.pallas import tpu_sc as plsc

BEAM = 16
VOCAB = 100000
SRC_LEN = 200
LANES = 16
NUM_CORES = 2
NUM_SUBCORES = 16
NUM_TILES = NUM_CORES * NUM_SUBCORES
NCAND = NUM_TILES * LANES

CHUNK0 = 50048
CHUNK1 = VOCAB - CHUNK0
SCAN_LEN = 50176
DMA_CHUNK = 12544
N_CHUNKS = SCAN_LEN // DMA_CHUNK
UNROLL = 16
U_ELEMS = UNROLL * LANES
ITERS_PER_CHUNK = DMA_CHUNK // U_ELEMS
CAP = 2048
NEG = -1.0e30


def _phase1_body(lp0_hbm, lp1_hbm, prev_hbm, sc_hbm, fi_hbm,
                 a_v, b_v, pv_v, ks_v, ki_v, ci_v, sems_a, sems_b, sem_p):
  wid = lax.axis_index("s") * NUM_CORES + lax.axis_index("c")
  row = wid // 2
  half = wid % 2

  prev_cp = pltpu.make_async_copy(prev_hbm, pv_v, sem_p)
  prev_cp.start()

  negv = jnp.full((LANES,), NEG, jnp.float32)
  for off in range(CHUNK0, SCAN_LEN, LANES):
    a_v[pl.ds(off, LANES)] = negv
    b_v[pl.ds(off, LANES)] = negv

  @pl.when(half == 1)
  def _():
    for off in range(CHUNK1, CHUNK0, LANES):
      a_v[pl.ds(off, LANES)] = negv
      b_v[pl.ds(off, LANES)] = negv

  def _copies(k, base, length):
    src0 = base + k * DMA_CHUNK
    cp_a = pltpu.make_async_copy(
        lp0_hbm.at[row, 0, pl.ds(src0, length)],
        a_v.at[pl.ds(k * DMA_CHUNK, length)], sems_a[k])
    cp_b = pltpu.make_async_copy(
        lp1_hbm.at[row, 0, pl.ds(src0, length)],
        b_v.at[pl.ds(k * DMA_CHUNK, length)], sems_b[k])
    return cp_a, cp_b

  def _do(k, action):
    if k < N_CHUNKS - 1:
      @pl.when(half == 0)
      def _():
        for cp in _copies(k, 0, DMA_CHUNK):
          action(cp)
      @pl.when(half == 1)
      def _():
        for cp in _copies(k, CHUNK0, DMA_CHUNK):
          action(cp)
    else:
      @pl.when(half == 0)
      def _():
        for cp in _copies(k, 0, CHUNK0 - k * DMA_CHUNK):
          action(cp)
      @pl.when(half == 1)
      def _():
        for cp in _copies(k, CHUNK0, CHUNK1 - k * DMA_CHUNK):
          action(cp)

  def start(k):
    _do(k, lambda cp: cp.start())

  def wait(k):
    _do(k, lambda cp: cp.wait())

  lane = lax.iota(jnp.int32, LANES)

  def _merge(keys, vals, cand, cidx):
    c_k, c_i = plsc.sort_key_val(cand, cidx, descending=False)
    take = c_k > keys
    n_k = jnp.maximum(keys, c_k)
    n_v = jnp.where(take, c_i, vals)
    n_k, n_v = plsc.sort_key_val(n_k, n_v, descending=True)
    return n_k, n_v

  def _minlane(m):
    for d in (8, 4, 2, 1):
      m = jnp.minimum(m, m[lane ^ d])
    return m

  def fold_body(i, m):
    for j in range(UNROLL):
      s = (a_v[pl.ds(i * U_ELEMS + j * LANES, LANES)]
           + b_v[pl.ds(i * U_ELEMS + j * LANES, LANES)])
      m = jnp.maximum(m, s)
    return m

  def make_fused(thr):
    def fused_body(i, carry):
      m, off = carry
      ss, cnts, poss = [], [], []
      for j in range(UNROLL):
        s = (a_v[pl.ds(i * U_ELEMS + j * LANES, LANES)]
             + b_v[pl.ds(i * U_ELEMS + j * LANES, LANES)])
        mask = s >= thr
        ss.append((s, mask))
        cnts.append(plsc.all_reduce_population_count(mask))
        poss.append(plsc.cumsum(mask.astype(jnp.int32)))
        m = jnp.maximum(m, s)
      pref = [off]
      for j in range(1, UNROLL):
        pref.append(pref[-1] + cnts[j - 1])
      for j in range(UNROLL):
        s, mask = ss[j]
        idx = jnp.minimum(pref[j] + poss[j], CAP + 15)
        e = (i * U_ELEMS + j * LANES) + lane
        plsc.store_scatter(ci_v, [idx], e, mask=mask)
      return m, pref[-1] + cnts[-1]
    return fused_body

  m = jnp.full((LANES,), NEG, jnp.float32)
  off = jnp.full((LANES,), -1, jnp.int32)

  start(0)
  start(1)
  wait(0)
  m = lax.fori_loop(0, ITERS_PER_CHUNK, fold_body, m)
  thr = _minlane(m)
  m, off = lax.fori_loop(0, ITERS_PER_CHUNK, make_fused(thr), (m, off))
  for k in range(1, N_CHUNKS):
    if k + 1 < N_CHUNKS:
      start(k + 1)
    wait(k)
    m, off = lax.fori_loop(k * ITERS_PER_CHUNK, (k + 1) * ITERS_PER_CHUNK,
                           make_fused(thr), (m, off))
    thr = _minlane(m)

  count = jnp.max(off) + 1
  sent_idx = jnp.minimum(count + lane, CAP + 15)
  plsc.store_scatter(ci_v, [sent_idx],
                     jnp.full((LANES,), SCAN_LEN - 1, jnp.int32))

  keys0 = jnp.full((LANES,), NEG, jnp.float32)
  vals0 = jnp.zeros((LANES,), jnp.int32)

  def fast_path(keys, vals):
    def body(v, carry):
      keys, vals = carry
      ci = ci_v[pl.ds(v * LANES, LANES)]
      cs = plsc.load_gather(a_v, [ci]) + plsc.load_gather(b_v, [ci])
      return _merge(keys, vals, cs, ci)
    nv = (count + 15) // 16
    return lax.fori_loop(0, nv, body, (keys, vals))

  def slow_path(keys, vals):
    def body(g, carry):
      keys, vals = carry
      s = a_v[pl.ds(g * LANES, LANES)] + b_v[pl.ds(g * LANES, LANES)]
      return _merge(keys, vals, s, g * LANES + lane)
    return lax.fori_loop(0, SCAN_LEN // LANES, body, (keys, vals))

  keys, vals = lax.cond(count <= CAP, fast_path, slow_path, keys0, vals0)

  prev_cp.wait()
  row_vec = jnp.full((LANES,), row, jnp.int32)
  prevs = plsc.load_gather(pv_v, [row_vec])
  col = half * CHUNK0
  ks_v[...] = 0.5 * keys + prevs
  ki_v[...] = (row * VOCAB + (col + vals)).astype(jnp.float32)
  out_s = pltpu.make_async_copy(
      ks_v, sc_hbm.at[pl.ds(wid * LANES, LANES)], sems_a[0])
  out_f = pltpu.make_async_copy(
      ki_v, fi_hbm.at[pl.ds(wid * LANES, LANES)], sems_b[0])
  out_s.start()
  out_f.start()
  out_s.wait()
  out_f.wait()


def _select_body(sr_ref, fr_ref, os_ref, ot_ref, oh_ref, oa_ref):
  sr = sr_ref[...]
  fr = fr_ref[...]
  scl = jnp.transpose(sr)
  fcl = jnp.transpose(fr)
  above = (sr > scl) | ((sr == scl) & (fr < fcl))
  rank = jnp.sum(above.astype(jnp.float32), axis=1, keepdims=True)
  kio = lax.broadcasted_iota(jnp.int32, (NCAND, BEAM), 1).astype(jnp.float32)
  onehot = (rank == kio).astype(jnp.float32)
  scores = jnp.sum(scl * onehot, axis=0, keepdims=True)
  flat = jnp.sum(fcl * onehot, axis=0, keepdims=True)
  hyp = jnp.floor((flat + 0.5) * (1.0 / VOCAB))
  tok = flat - hyp * VOCAB
  os_ref[...] = scores
  ot_ref[...] = tok.astype(jnp.int32)
  oh_ref[...] = hyp.astype(jnp.int32)
  oa_ref[...] = jnp.zeros((BEAM, SRC_LEN), jnp.float32)


@functools.cache
def _build_kernels():
  mesh = plsc.VectorSubcoreMesh(
      core_axis_name="c", subcore_axis_name="s",
      num_cores=NUM_CORES, num_subcores=NUM_SUBCORES)
  phase1 = functools.partial(
      pl.kernel,
      out_type=(
          jax.ShapeDtypeStruct((NCAND,), jnp.float32),
          jax.ShapeDtypeStruct((NCAND,), jnp.float32),
      ),
      name="topk_scan",
      mesh=mesh,
      compiler_params=pltpu.CompilerParams(needs_layout_passes=False),
      scratch_types=[
          pltpu.VMEM((SCAN_LEN,), jnp.float32),
          pltpu.VMEM((SCAN_LEN,), jnp.float32),
          pltpu.VMEM((BEAM,), jnp.float32),
          pltpu.VMEM((LANES,), jnp.float32),
          pltpu.VMEM((LANES,), jnp.float32),
          pltpu.VMEM((CAP + 16,), jnp.int32),
          [pltpu.SemaphoreType.DMA] * N_CHUNKS,
          [pltpu.SemaphoreType.DMA] * N_CHUNKS,
          pltpu.SemaphoreType.DMA,
      ],
  )(_phase1_body)
  select = pl.pallas_call(
      _select_body,
      name="topk_select",
      out_shape=(
          jax.ShapeDtypeStruct((1, BEAM), jnp.float32),
          jax.ShapeDtypeStruct((1, BEAM), jnp.int32),
          jax.ShapeDtypeStruct((1, BEAM), jnp.int32),
          jax.ShapeDtypeStruct((BEAM, SRC_LEN), jnp.float32),
      ),
  )
  return phase1, select


def kernel(log_probs_model0, log_probs_model1, attn_model0, attn_model1,
           prev_scores):
  phase1, select = _build_kernels()
  cand_s, cand_f = phase1(log_probs_model0, log_probs_model1, prev_scores)
  scores, tok, hyp, attention_weights = select(
      cand_s.reshape(1, NCAND), cand_f.reshape(1, NCAND))
  return (scores.reshape(BEAM), tok.reshape(BEAM), hyp.reshape(BEAM),
          attention_weights)

# --- scband reference (transcript-rebuilt; emitter-appended) ---
"""Pipeline reference for scband-decoder-batched-step-ensemble-62758062129420 (READ-ONLY COPY).

The authoritative reference and input builder live on the scoring server;
editing this copy changes nothing except your own understanding.
"""

import jax, jax.numpy as jnp
import numpy as np

BEAM = 16
VOCAB = 100000
SRC_LEN = 200


def setup_inputs(seed: int = 0) -> dict:
    key = jax.random.key(seed)
    k1, k2, k3, k4, k5 = jax.random.split(key, 5)
    log_probs_model0 = jax.nn.log_softmax(
        jax.random.normal(k1, (BEAM, 1, VOCAB), dtype=jnp.float32), axis=-1)
    log_probs_model1 = jax.nn.log_softmax(
        jax.random.normal(k2, (BEAM, 1, VOCAB), dtype=jnp.float32), axis=-1)
    attn_model0 = jax.random.uniform(k3, (BEAM, 1, SRC_LEN), dtype=jnp.float32)
    attn_model1 = jax.random.uniform(k4, (BEAM, 1, SRC_LEN), dtype=jnp.float32)
    prev_scores = jax.random.normal(k5, (BEAM,), dtype=jnp.float32)
    return {
        "log_probs_model0": log_probs_model0,
        "log_probs_model1": log_probs_model1,
        "attn_model0": attn_model0,
        "attn_model1": attn_model1,
        "prev_scores": prev_scores,
    }


def reference(log_probs_model0, log_probs_model1, attn_model0, attn_model1, prev_scores):
    # beam_search_aggregate_topk with record_attention=False, 2-model ensemble
    average_log_probs = jnp.mean(
        jnp.concatenate([log_probs_model0, log_probs_model1], axis=1),
        axis=1, keepdims=True)  # [BEAM, 1, VOCAB]
    # topk over vocab per hypothesis
    best_scores_k_by_k, best_tokens_k_by_k = jax.lax.top_k(
        jnp.squeeze(average_log_probs, axis=1), BEAM)  # [BEAM, BEAM]
    prev_scores_k_by_k = jnp.broadcast_to(
        prev_scores.reshape(-1, 1), (prev_scores.shape[0], BEAM))
    total_scores_k_by_k = best_scores_k_by_k + prev_scores_k_by_k
    total_scores_flat = total_scores_k_by_k.reshape(-1)
    best_tokens_flat = best_tokens_k_by_k.reshape(-1)
    # topk over flattened beam*beam candidates
    best_scores, best_indices = jax.lax.top_k(total_scores_flat, BEAM)
    best_tokens = jnp.take(best_tokens_flat, best_indices, axis=0).reshape(-1)
    prev_hypos = best_indices // BEAM
    # record_attention=False branch
    attention_weights = jnp.zeros((BEAM, attn_model0.shape[2]), dtype=jnp.float32)
    return best_scores, best_tokens, prev_hypos, attention_weights

if __name__ == "__main__":
    import jax
    _d = setup_inputs()
    print(jax.jit(kernel)(*tuple(_d.values())))

</pallas_src>

<mosaic_0001>
#map = affine_map<(d0, d1) -> (0, 0, 0)>
#map1 = affine_map<(d0, d1) -> (0)>
module attributes {stable_mosaic.version = 14 : i64} {
  func.func @topk_scan(%arg0: i32, %arg1: i32, %arg2: memref<16x1x100000xf32, #tpu.memory_space<hbm>>, %arg3: memref<16x1x100000xf32, #tpu.memory_space<hbm>>, %arg4: memref<16xf32, #tpu.memory_space<hbm>>, %arg5: memref<512xf32, #tpu.memory_space<hbm>>, %arg6: memref<512xf32, #tpu.memory_space<hbm>>, %arg7: memref<50176xf32, #tpu.memory_space<vmem>>, %arg8: memref<50176xf32, #tpu.memory_space<vmem>>, %arg9: memref<16xf32, #tpu.memory_space<vmem>>, %arg10: memref<16xf32, #tpu.memory_space<vmem>>, %arg11: memref<16xf32, #tpu.memory_space<vmem>>, %arg12: memref<2064xi32, #tpu.memory_space<vmem>>, %arg13: memref<!tpu.dma_semaphore, #tpu.memory_space<semaphore_mem>>, %arg14: memref<!tpu.dma_semaphore, #tpu.memory_space<semaphore_mem>>, %arg15: memref<!tpu.dma_semaphore, #tpu.memory_space<semaphore_mem>>, %arg16: memref<!tpu.dma_semaphore, #tpu.memory_space<semaphore_mem>>, %arg17: memref<!tpu.dma_semaphore, #tpu.memory_space<semaphore_mem>>, %arg18: memref<!tpu.dma_semaphore, #tpu.memory_space<semaphore_mem>>, %arg19: memref<!tpu.dma_semaphore, #tpu.memory_space<semaphore_mem>>, %arg20: memref<!tpu.dma_semaphore, #tpu.memory_space<semaphore_mem>>, %arg21: memref<!tpu.dma_semaphore, #tpu.memory_space<semaphore_mem>>) attributes {dimension_semantics = [#tpu.dimension_semantics<core_parallel>, #tpu.dimension_semantics<subcore_parallel>], iteration_bounds = array<i64: 2, 16>, scalar_prefetch = 0 : i64, scratch_operands = 15 : i64, tpu.core_type = #tpu.core_type<sc_vector_subcore>, window_params = [{transform_indices = #map}, {transform_indices = #map}, {transform_indices = #map1}, {transform_indices = #map1}, {transform_indices = #map1}]} {
    %mul3A = arith.constant 2 : i32
    %mul3A_0 = arith.muli %arg1, %mul3A : i32
    %add3A = arith.addi %mul3A_0, %arg0 : i32
    %jit3A = arith.constant 2 : i32
    %div3A = arith.divsi %add3A, %jit3A : i32
    %sign3A = arith.constant 0 : i32
    %sign3A_1 = arith.cmpi sgt, %add3A, %sign3A : i32
    %sign3A_2 = arith.extui %sign3A_1 : i1 to i32
    %sign3A_3 = arith.constant 0 : i32
    %sign3A_4 = arith.cmpi slt, %add3A, %sign3A_3 : i32
    %sign3A_5 = arith.extui %sign3A_4 : i1 to i32
    %sign3A_6 = arith.subi %sign3A_2, %sign3A_5 : i32
    %sign3A_7 = arith.constant 0 : i32
    %sign3A_8 = arith.cmpi sgt, %jit3A, %sign3A_7 : i32
    %sign3A_9 = arith.extui %sign3A_8 : i1 to i32
    %sign3A_10 = arith.constant 0 : i32
    %sign3A_11 = arith.cmpi slt, %jit3A, %sign3A_10 : i32
    %sign3A_12 = arith.extui %sign3A_11 : i1 to i32
    %sign3A_13 = arith.subi %sign3A_9, %sign3A_12 : i32
    %ne3A = arith.cmpi ne, %sign3A_6, %sign3A_13 : i32
    %rem3A = arith.remsi %add3A, %jit3A : i32
    %ne3A_14 = arith.constant 0 : i32
    %ne3A_15 = arith.cmpi ne, %rem3A, %ne3A_14 : i32
    %and3A = arith.andi %ne3A, %ne3A_15 : i1
    %sub3A = arith.constant 1 : i32
    %sub3A_16 = arith.subi %div3A, %sub3A : i32
    %select_n3A = arith.select %and3A, %sub3A_16, %div3A : i32
    %jit3A_17 = arith.constant 2 : i32
    %eq3A = arith.constant 0 : i32
    %eq3A_18 = arith.cmpi eq, %jit3A_17, %eq3A : i32
    %jit3A_19 = arith.constant 1 : i32
    %select_n3A_20 = arith.select %eq3A_18, %jit3A_19, %jit3A_17 : i32
    %rem3A_21 = arith.remsi %add3A, %select_n3A_20 : i32
    %ne3A_22 = arith.constant 0 : i32
    %ne3A_23 = arith.cmpi ne, %rem3A_21, %ne3A_22 : i32
    %lt3A = arith.constant 0 : i32
    %lt3A_24 = arith.cmpi slt, %rem3A_21, %lt3A : i32
    %lt3A_25 = arith.constant 0 : i32
    %lt3A_26 = arith.cmpi slt, %select_n3A_20, %lt3A_25 : i32
    %ne3A_27 = arith.xori %lt3A_24, %lt3A_26 : i1
    %and3A_28 = arith.andi %ne3A_27, %ne3A_23 : i1
    %add3A_29 = arith.addi %rem3A_21, %select_n3A_20 : i32
    %select_n3A_30 = arith.select %and3A_28, %add3A_29, %rem3A_21 : i32
    tpu.enqueue_dma source(%arg4 : memref<16xf32, #tpu.memory_space<hbm>>) target(%arg9 : memref<16xf32, #tpu.memory_space<vmem>>) target_semaphore(%arg21 : memref<!tpu.dma_semaphore, #tpu.memory_space<semaphore_mem>>)
    %broadcast_in_dim3A = arith.constant -1.000000e+30 : f32
    %broadcast_in_dim3A_31 = vector.broadcast %broadcast_in_dim3A : f32 to vector<16xf32>
    %swap3A = arith.constant 50048 : index
    %swap3A_32 = tpu.vector_load %arg7[%swap3A] {strides = array<i32>} : memref<50176xf32, #tpu.memory_space<vmem>>, vector<16xf32>,
    tpu.vector_store %arg7[%swap3A], %broadcast_in_dim3A_31 {strides = array<i32>} : memref<50176xf32, #tpu.memory_space<vmem>>, vector<16xf32>,
    %swap3A_33 = arith.constant 50048 : index
    %swap3A_34 = tpu.vector_load %arg8[%swap3A_33] {strides = array<i32>} : memref<50176xf32, #tpu.memory_space<vmem>>, vector<16xf32>,
    tpu.vector_store %arg8[%swap3A_33], %broadcast_in_dim3A_31 {strides = array<i32>} : memref<50176xf32, #tpu.memory_space<vmem>>, vector<16xf32>,
    %swap3A_35 = arith.constant 50064 : index
    %swap3A_36 = tpu.vector_load %arg7[%swap3A_35] {strides = array<i32>} : memref<50176xf32, #tpu.memory_space<vmem>>, vector<16xf32>,
    tpu.vector_store %arg7[%swap3A_35], %broadcast_in_dim3A_31 {strides = array<i32>} : memref<50176xf32, #tpu.memory_space<vmem>>, vector<16xf32>,
    %swap3A_37 = arith.constant 50064 : index
    %swap3A_38 = tpu.vector_load %arg8[%swap3A_37] {strides = array<i32>} : memref<50176xf32, #tpu.memory_space<vmem>>, vector<16xf32>,
    tpu.vector_store %arg8[%swap3A_37], %broadcast_in_dim3A_31 {strides = array<i32>} : memref<50176xf32, #tpu.memory_space<vmem>>, vector<16xf32>,
    %swap3A_39 = arith.constant 50080 : index
    %swap3A_40 = tpu.vector_load %arg7[%swap3A_39] {strides = array<i32>} : memref<50176xf32, #tpu.memory_space<vmem>>, vector<16xf32>,
    tpu.vector_store %arg7[%swap3A_39], %broadcast_in_dim3A_31 {strides = array<i32>} : memref<50176xf32, #tpu.memory_space<vmem>>, vector<16xf32>,
    %swap3A_41 = arith.constant 50080 : index
    %swap3A_42 = tpu.vector_load %arg8[%swap3A_41] {strides = array<i32>} : memref<50176xf32, #tpu.memory_space<vmem>>, vector<16xf32>,
    tpu.vector_store %arg8[%swap3A_41], %broadcast_in_dim3A_31 {strides = array<i32>} : memref<50176xf32, #tpu.memory_space<vmem>>, vector<16xf32>,
    %swap3A_43 = arith.constant 50096 : index
    %swap3A_44 = tpu.vector_load %arg7[%swap3A_43] {strides = array<i32>} : memref<50176xf32, #tpu.memory_space<vmem>>, vector<16xf32>,
    tpu.vector_store %arg7[%swap3A_43], %broadcast_in_dim3A_31 {strides = array<i32>} : memref<50176xf32, #tpu.memory_space<vmem>>, vector<16xf32>,
    %swap3A_45 = arith.constant 50096 : index
    %swap3A_46 = tpu.vector_load %arg8[%swap3A_45] {strides = array<i32>} : memref<50176xf32, #tpu.memory_space<vmem>>, vector<16xf32>,
    tpu.vector_store %arg8[%swap3A_45], %broadcast_in_dim3A_31 {strides = array<i32>} : memref<50176xf32, #tpu.memory_space<vmem>>, vector<16xf32>,
    %swap3A_47 = arith.constant 50112 : index
    %swap3A_48 = tpu.vector_load %arg7[%swap3A_47] {strides = array<i32>} : memref<50176xf32, #tpu.memory_space<vmem>>, vector<16xf32>,
    tpu.vector_store %arg7[%swap3A_47], %broadcast_in_dim3A_31 {strides = array<i32>} : memref<50176xf32, #tpu.memory_space<vmem>>, vector<16xf32>,
    %swap3A_49 = arith.constant 50112 : index
    %swap3A_50 = tpu.vector_load %arg8[%swap3A_49] {strides = array<i32>} : memref<50176xf32, #tpu.memory_space<vmem>>, vector<16xf32>,
    tpu.vector_store %arg8[%swap3A_49], %broadcast_in_dim3A_31 {strides = array<i32>} : memref<50176xf32, #tpu.memory_space<vmem>>, vector<16xf32>,
    %swap3A_51 = arith.constant 50128 : index
    %swap3A_52 = tpu.vector_load %arg7[%swap3A_51] {strides = array<i32>} : memref<50176xf32, #tpu.memory_space<vmem>>, vector<16xf32>,
    tpu.vector_store %arg7[%swap3A_51], %broadcast_in_dim3A_31 {strides = array<i32>} : memref<50176xf32, #tpu.memory_space<vmem>>, vector<16xf32>,
    %swap3A_53 = arith.constant 50128 : index
    %swap3A_54 = tpu.vector_load %arg8[%swap3A_53] {strides = array<i32>} : memref<50176xf32, #tpu.memory_space<vmem>>, vector<16xf32>,
    tpu.vector_store %arg8[%swap3A_53], %broadcast_in_dim3A_31 {strides = array<i32>} : memref<50176xf32, #tpu.memory_space<vmem>>, vector<16xf32>,
    %swap3A_55 = arith.constant 50144 : index
    %swap3A_56 = tpu.vector_load %arg7[%swap3A_55] {strides = array<i32>} : memref<50176xf32, #tpu.memory_space<vmem>>, vector<16xf32>,
    tpu.vector_store %arg7[%swap3A_55], %broadcast_in_dim3A_31 {strides = array<i32>} : memref<50176xf32, #tpu.memory_space<vmem>>, vector<16xf32>,
    %swap3A_57 = arith.constant 50144 : index
    %swap3A_58 = tpu.vector_load %arg8[%swap3A_57] {strides = array<i32>} : memref<50176xf32, #tpu.memory_space<vmem>>, vector<16xf32>,
    tpu.vector_store %arg8[%swap3A_57], %broadcast_in_dim3A_31 {strides = array<i32>} : memref<50176xf32, #tpu.memory_space<vmem>>, vector<16xf32>,
    %swap3A_59 = arith.constant 50160 : index
    %swap3A_60 = tpu.vector_load %arg7[%swap3A_59] {strides = array<i32>} : memref<50176xf32, #tpu.memory_space<vmem>>, vector<16xf32>,
    tpu.vector_store %arg7[%swap3A_59], %broadcast_in_dim3A_31 {strides = array<i32>} : memref<50176xf32, #tpu.memory_space<vmem>>, vector<16xf32>,
    %swap3A_61 = arith.constant 50160 : index
    %swap3A_62 = tpu.vector_load %arg8[%swap3A_61] {strides = array<i32>} : memref<50176xf32, #tpu.memory_space<vmem>>, vector<16xf32>,
    tpu.vector_store %arg8[%swap3A_61], %broadcast_in_dim3A_31 {strides = array<i32>} : memref<50176xf32, #tpu.memory_space<vmem>>, vector<16xf32>,
    %eq3A_63 = arith.constant 1 : i32
    %eq3A_64 = arith.cmpi eq, %select_n3A_30, %eq3A_63 : i32
    %convert_element_type3A = arith.extui %eq3A_64 : i1 to i32
    %cond3A = arith.constant 0 : i32
    %cond3A_65 = arith.cmpi ne, %convert_element_type3A, %cond3A : i32
    scf.if %cond3A_65 {
      %swap3A_454 = arith.constant 49952 : index
      %swap3A_455 = tpu.vector_load %arg7[%swap3A_454] {strides = array<i32>} : memref<50176xf32, #tpu.memory_space<vmem>>, vector<16xf32>,
      tpu.vector_store %arg7[%swap3A_454], %broadcast_in_dim3A_31 {strides = array<i32>} : memref<50176xf32, #tpu.memory_space<vmem>>, vector<16xf32>,
      %swap3A_456 = arith.constant 49952 : index
      %swap3A_457 = tpu.vector_load %arg8[%swap3A_456] {strides = array<i32>} : memref<50176xf32, #tpu.memory_space<vmem>>, vector<16xf32>,
      tpu.vector_store %arg8[%swap3A_456], %broadcast_in_dim3A_31 {strides = array<i32>} : memref<50176xf32, #tpu.memory_space<vmem>>, vector<16xf32>,
      %swap3A_458 = arith.constant 49968 : index
      %swap3A_459 = tpu.vector_load %arg7[%swap3A_458] {strides = array<i32>} : memref<50176xf32, #tpu.memory_space<vmem>>, vector<16xf32>,
      tpu.vector_store %arg7[%swap3A_458], %broadcast_in_dim3A_31 {strides = array<i32>} : memref<50176xf32, #tpu.memory_space<vmem>>, vector<16xf32>,
      %swap3A_460 = arith.constant 49968 : index
      %swap3A_461 = tpu.vector_load %arg8[%swap3A_460] {strides = array<i32>} : memref<50176xf32, #tpu.memory_space<vmem>>, vector<16xf32>,
      tpu.vector_store %arg8[%swap3A_460], %broadcast_in_dim3A_31 {strides = array<i32>} : memref<50176xf32, #tpu.memory_space<vmem>>, vector<16xf32>,
      %swap3A_462 = arith.constant 49984 : index
      %swap3A_463 = tpu.vector_load %arg7[%swap3A_462] {strides = array<i32>} : memref<50176xf32, #tpu.memory_space<vmem>>, vector<16xf32>,
      tpu.vector_store %arg7[%swap3A_462], %broadcast_in_dim3A_31 {strides = array<i32>} : memref<50176xf32, #tpu.memory_space<vmem>>, vector<16xf32>,
      %swap3A_464 = arith.constant 49984 : index
      %swap3A_465 = tpu.vector_load %arg8[%swap3A_464] {strides = array<i32>} : memref<50176xf32, #tpu.memory_space<vmem>>, vector<16xf32>,
      tpu.vector_store %arg8[%swap3A_464], %broadcast_in_dim3A_31 {strides = array<i32>} : memref<50176xf32, #tpu.memory_space<vmem>>, vector<16xf32>,
      %swap3A_466 = arith.constant 50000 : index
      %swap3A_467 = tpu.vector_load %arg7[%swap3A_466] {strides = array<i32>} : memref<50176xf32, #tpu.memory_space<vmem>>, vector<16xf32>,
      tpu.vector_store %arg7[%swap3A_466], %broadcast_in_dim3A_31 {strides = array<i32>} : memref<50176xf32, #tpu.memory_space<vmem>>, vector<16xf32>,
      %swap3A_468 = arith.constant 50000 : index
      %swap3A_469 = tpu.vector_load %arg8[%swap3A_468] {strides = array<i32>} : memref<50176xf32, #tpu.memory_space<vmem>>, vector<16xf32>,
      tpu.vector_store %arg8[%swap3A_468], %broadcast_in_dim3A_31 {strides = array<i32>} : memref<50176xf32, #tpu.memory_space<vmem>>, vector<16xf32>,
      %swap3A_470 = arith.constant 50016 : index
      %swap3A_471 = tpu.vector_load %arg7[%swap3A_470] {strides = array<i32>} : memref<50176xf32, #tpu.memory_space<vmem>>, vector<16xf32>,
      tpu.vector_store %arg7[%swap3A_470], %broadcast_in_dim3A_31 {strides = array<i32>} : memref<50176xf32, #tpu.memory_space<vmem>>, vector<16xf32>,
      %swap3A_472 = arith.constant 50016 : index
      %swap3A_473 = tpu.vector_load %arg8[%swap3A_472] {strides = array<i32>} : memref<50176xf32, #tpu.memory_space<vmem>>, vector<16xf32>,
      tpu.vector_store %arg8[%swap3A_472], %broadcast_in_dim3A_31 {strides = array<i32>} : memref<50176xf32, #tpu.memory_space<vmem>>, vector<16xf32>,
      %swap3A_474 = arith.constant 50032 : index
      %swap3A_475 = tpu.vector_load %arg7[%swap3A_474] {strides = array<i32>} : memref<50176xf32, #tpu.memory_space<vmem>>, vector<16xf32>,
      tpu.vector_store %arg7[%swap3A_474], %broadcast_in_dim3A_31 {strides = array<i32>} : memref<50176xf32, #tpu.memory_space<vmem>>, vector<16xf32>,
      %swap3A_476 = arith.constant 50032 : index
      %swap3A_477 = tpu.vector_load %arg8[%swap3A_476] {strides = array<i32>} : memref<50176xf32, #tpu.memory_space<vmem>>, vector<16xf32>,
      tpu.vector_store %arg8[%swap3A_476], %broadcast_in_dim3A_31 {strides = array<i32>} : memref<50176xf32, #tpu.memory_space<vmem>>, vector<16xf32>,
    } else {
    }
    %iota3A = tpu.iota {dimensions = array<i32: 0>} : vector<16xi32>
    %broadcast_in_dim3A_66 = arith.constant -1.000000e+30 : f32
    %broadcast_in_dim3A_67 = vector.broadcast %broadcast_in_dim3A_66 : f32 to vector<16xf32>
    %broadcast_in_dim3A_68 = arith.constant -1 : i32
    %broadcast_in_dim3A_69 = vector.broadcast %broadcast_in_dim3A_68 : i32 to vector<16xi32>
    %eq3A_70 = arith.constant 0 : i32
    %eq3A_71 = arith.cmpi eq, %select_n3A_30, %eq3A_70 : i32
    %convert_element_type3A_72 = arith.extui %eq3A_71 : i1 to i32
    %cond3A_73 = arith.constant 0 : i32
    %cond3A_74 = arith.cmpi ne, %convert_element_type3A_72, %cond3A_73 : i32
    scf.if %cond3A_74 {
      %dma_start3A_454 = arith.constant 0 : i32
      %dma_start3A_455 = arith.constant 0 : i32
      %dma_start3A_456 = tpu.memref_slice %arg7[%dma_start3A_455] : memref<50176xf32, #tpu.memory_space<vmem>> -> memref<12544xf32, #tpu.memory_space<vmem>>
      %dma_start3A_457 = arith.constant 0 : i32
      %dma_start3A_458 = tpu.memref_slice %arg2[%select_n3A, %dma_start3A_454, %dma_start3A_457] : memref<16x1x100000xf32, #tpu.memory_space<hbm>> -> memref<1x1x12544xf32, #tpu.memory_space<hbm>>
      %dma_start3A_459 = tpu.memref_squeeze %dma_start3A_458 : memref<1x1x12544xf32, #tpu.memory_space<hbm>> -> memref<12544xf32, #tpu.memory_space<hbm>>
      %dma_start3A_460 = arith.constant 0 : i32
      %dma_start3A_461 = tpu.memref_slice %arg7[%dma_start3A_460] : memref<50176xf32, #tpu.memory_space<vmem>> -> memref<12544xf32, #tpu.memory_space<vmem>>
      %dma_start3A_462 = arith.constant 0 : i32
      %dma_start3A_463 = tpu.memref_slice %arg2[%select_n3A, %dma_start3A_454, %dma_start3A_462] : memref<16x1x100000xf32, #tpu.memory_space<hbm>> -> memref<1x1x12544xf32, #tpu.memory_space<hbm>>
      %dma_start3A_464 = tpu.memref_squeeze %dma_start3A_463 : memref<1x1x12544xf32, #tpu.memory_space<hbm>> -> memref<12544xf32, #tpu.memory_space<hbm>>
      tpu.enqueue_dma source(%dma_start3A_464 : memref<12544xf32, #tpu.memory_space<hbm>>) target(%dma_start3A_461 : memref<12544xf32, #tpu.memory_space<vmem>>) target_semaphore(%arg13 : memref<!tpu.dma_semaphore, #tpu.memory_space<semaphore_mem>>)
      %dma_start3A_465 = arith.constant 0 : i32
      %dma_start3A_466 = arith.constant 0 : i32
      %dma_start3A_467 = tpu.memref_slice %arg8[%dma_start3A_466] : memref<50176xf32, #tpu.memory_space<vmem>> -> memref<12544xf32, #tpu.memory_space<vmem>>
      %dma_start3A_468 = arith.constant 0 : i32
      %dma_start3A_469 = tpu.memref_slice %arg3[%select_n3A, %dma_start3A_465, %dma_start3A_468] : memref<16x1x100000xf32, #tpu.memory_space<hbm>> -> memref<1x1x12544xf32, #tpu.memory_space<hbm>>
      %dma_start3A_470 = tpu.memref_squeeze %dma_start3A_469 : memref<1x1x12544xf32, #tpu.memory_space<hbm>> -> memref<12544xf32, #tpu.memory_space<hbm>>
      %dma_start3A_471 = arith.constant 0 : i32
      %dma_start3A_472 = tpu.memref_slice %arg8[%dma_start3A_471] : memref<50176xf32, #tpu.memory_space<vmem>> -> memref<12544xf32, #tpu.memory_space<vmem>>
      %dma_start3A_473 = arith.constant 0 : i32
      %dma_start3A_474 = tpu.memref_slice %arg3[%select_n3A, %dma_start3A_465, %dma_start3A_473] : memref<16x1x100000xf32, #tpu.memory_space<hbm>> -> memref<1x1x12544xf32, #tpu.memory_space<hbm>>
      %dma_start3A_475 = tpu.memref_squeeze %dma_start3A_474 : memref<1x1x12544xf32, #tpu.memory_space<hbm>> -> memref<12544xf32, #tpu.memory_space<hbm>>
      tpu.enqueue_dma source(%dma_start3A_475 : memref<12544xf32, #tpu.memory_space<hbm>>) target(%dma_start3A_472 : memref<12544xf32, #tpu.memory_space<vmem>>) target_semaphore(%arg17 : memref<!tpu.dma_semaphore, #tpu.memory_space<semaphore_mem>>)
    } else {
    }
    %eq3A_75 = arith.constant 1 : i32
    %eq3A_76 = arith.cmpi eq, %select_n3A_30, %eq3A_75 : i32
    %convert_element_type3A_77 = arith.extui %eq3A_76 : i1 to i32
    %cond3A_78 = arith.constant 0 : i32
    %cond3A_79 = arith.cmpi ne, %convert_element_type3A_77, %cond3A_78 : i32
    scf.if %cond3A_79 {
      %dma_start3A_454 = arith.constant 0 : i32
      %dma_start3A_455 = arith.constant 0 : i32
      %dma_start3A_456 = tpu.memref_slice %arg7[%dma_start3A_455] : memref<50176xf32, #tpu.memory_space<vmem>> -> memref<12544xf32, #tpu.memory_space<vmem>>
      %dma_start3A_457 = arith.constant 50048 : i32
      %dma_start3A_458 = tpu.memref_slice %arg2[%select_n3A, %dma_start3A_454, %dma_start3A_457] : memref<16x1x100000xf32, #tpu.memory_space<hbm>> -> memref<1x1x12544xf32, #tpu.memory_space<hbm>>
      %dma_start3A_459 = tpu.memref_squeeze %dma_start3A_458 : memref<1x1x12544xf32, #tpu.memory_space<hbm>> -> memref<12544xf32, #tpu.memory_space<hbm>>
      %dma_start3A_460 = arith.constant 0 : i32
      %dma_start3A_461 = tpu.memref_slice %arg7[%dma_start3A_460] : memref<50176xf32, #tpu.memory_space<vmem>> -> memref<12544xf32, #tpu.memory_space<vmem>>
      %dma_start3A_462 = arith.constant 50048 : i32
      %dma_start3A_463 = tpu.memref_slice %arg2[%select_n3A, %dma_start3A_454, %dma_start3A_462] : memref<16x1x100000xf32, #tpu.memory_space<hbm>> -> memref<1x1x12544xf32, #tpu.memory_space<hbm>>
      %dma_start3A_464 = tpu.memref_squeeze %dma_start3A_463 : memref<1x1x12544xf32, #tpu.memory_space<hbm>> -> memref<12544xf32, #tpu.memory_space<hbm>>
      tpu.enqueue_dma source(%dma_start3A_464 : memref<12544xf32, #tpu.memory_space<hbm>>) target(%dma_start3A_461 : memref<12544xf32, #tpu.memory_space<vmem>>) target_semaphore(%arg13 : memref<!tpu.dma_semaphore, #tpu.memory_space<semaphore_mem>>)
      %dma_start3A_465 = arith.constant 0 : i32
      %dma_start3A_466 = arith.constant 0 : i32
      %dma_start3A_467 = tpu.memref_slice %arg8[%dma_start3A_466] : memref<50176xf32, #tpu.memory_space<vmem>> -> memref<12544xf32, #tpu.memory_space<vmem>>
      %dma_start3A_468 = arith.constant 50048 : i32
      %dma_start3A_469 = tpu.memref_slice %arg3[%select_n3A, %dma_start3A_465, %dma_start3A_468] : memref<16x1x100000xf32, #tpu.memory_space<hbm>> -> memref<1x1x12544xf32, #tpu.memory_space<hbm>>
      %dma_start3A_470 = tpu.memref_squeeze %dma_start3A_469 : memref<1x1x12544xf32, #tpu.memory_space<hbm>> -> memref<12544xf32, #tpu.memory_space<hbm>>
      %dma_start3A_471 = arith.constant 0 : i32
      %dma_start3A_472 = tpu.memref_slice %arg8[%dma_start3A_471] : memref<50176xf32, #tpu.memory_space<vmem>> -> memref<12544xf32, #tpu.memory_space<vmem>>
      %dma_start3A_473 = arith.constant 50048 : i32
      %dma_start3A_474 = tpu.memref_slice %arg3[%select_n3A, %dma_start3A_465, %dma_start3A_473] : memref<16x1x100000xf32, #tpu.memory_space<hbm>> -> memref<1x1x12544xf32, #tpu.memory_space<hbm>>
      %dma_start3A_475 = tpu.memref_squeeze %dma_start3A_474 : memref<1x1x12544xf32, #tpu.memory_space<hbm>> -> memref<12544xf32, #tpu.memory_space<hbm>>
      tpu.enqueue_dma source(%dma_start3A_475 : memref<12544xf32, #tpu.memory_space<hbm>>) target(%dma_start3A_472 : memref<12544xf32, #tpu.memory_space<vmem>>) target_semaphore(%arg17 : memref<!tpu.dma_semaphore, #tpu.memory_space<semaphore_mem>>)
    } else {
    }
    %eq3A_80 = arith.constant 0 : i32
    %eq3A_81 = arith.cmpi eq, %select_n3A_30, %eq3A_80 : i32
    %convert_element_type3A_82 = arith.extui %eq3A_81 : i1 to i32
    %cond3A_83 = arith.constant 0 : i32
    %cond3A_84 = arith.cmpi ne, %convert_element_type3A_82, %cond3A_83 : i32
    scf.if %cond3A_84 {
      %dma_start3A_454 = arith.constant 0 : i32
      %dma_start3A_455 = arith.constant 12544 : i32
      %dma_start3A_456 = tpu.memref_slice %arg7[%dma_start3A_455] : memref<50176xf32, #tpu.memory_space<vmem>> -> memref<12544xf32, #tpu.memory_space<vmem>>
      %dma_start3A_457 = arith.constant 12544 : i32
      %dma_start3A_458 = tpu.memref_slice %arg2[%select_n3A, %dma_start3A_454, %dma_start3A_457] : memref<16x1x100000xf32, #tpu.memory_space<hbm>> -> memref<1x1x12544xf32, #tpu.memory_space<hbm>>
      %dma_start3A_459 = tpu.memref_squeeze %dma_start3A_458 : memref<1x1x12544xf32, #tpu.memory_space<hbm>> -> memref<12544xf32, #tpu.memory_space<hbm>>
      %dma_start3A_460 = arith.constant 12544 : i32
      %dma_start3A_461 = tpu.memref_slice %arg7[%dma_start3A_460] : memref<50176xf32, #tpu.memory_space<vmem>> -> memref<12544xf32, #tpu.memory_space<vmem>>
      %dma_start3A_462 = arith.constant 12544 : i32
      %dma_start3A_463 = tpu.memref_slice %arg2[%select_n3A, %dma_start3A_454, %dma_start3A_462] : memref<16x1x100000xf32, #tpu.memory_space<hbm>> -> memref<1x1x12544xf32, #tpu.memory_space<hbm>>
      %dma_start3A_464 = tpu.memref_squeeze %dma_start3A_463 : memref<1x1x12544xf32, #tpu.memory_space<hbm>> -> memref<12544xf32, #tpu.memory_space<hbm>>
      tpu.enqueue_dma source(%dma_start3A_464 : memref<12544xf32, #tpu.memory_space<hbm>>) target(%dma_start3A_461 : memref<12544xf32, #tpu.memory_space<vmem>>) target_semaphore(%arg14 : memref<!tpu.dma_semaphore, #tpu.memory_space<semaphore_mem>>)
      %dma_start3A_465 = arith.constant 0 : i32
      %dma_start3A_466 = arith.constant 12544 : i32
      %dma_start3A_467 = tpu.memref_slice %arg8[%dma_start3A_466] : memref<50176xf32, #tpu.memory_space<vmem>> -> memref<12544xf32, #tpu.memory_space<vmem>>
      %dma_start3A_468 = arith.constant 12544 : i32
      %dma_start3A_469 = tpu.memref_slice %arg3[%select_n3A, %dma_start3A_465, %dma_start3A_468] : memref<16x1x100000xf32, #tpu.memory_space<hbm>> -> memref<1x1x12544xf32, #tpu.memory_space<hbm>>
      %dma_start3A_470 = tpu.memref_squeeze %dma_start3A_469 : memref<1x1x12544xf32, #tpu.memory_space<hbm>> -> memref<12544xf32, #tpu.memory_space<hbm>>
      %dma_start3A_471 = arith.constant 12544 : i32
      %dma_start3A_472 = tpu.memref_slice %arg8[%dma_start3A_471] : memref<50176xf32, #tpu.memory_space<vmem>> -> memref<12544xf32, #tpu.memory_space<vmem>>
      %dma_start3A_473 = arith.constant 12544 : i32
      %dma_start3A_474 = tpu.memref_slice %arg3[%select_n3A, %dma_start3A_465, %dma_start3A_473] : memref<16x1x100000xf32, #tpu.memory_space<hbm>> -> memref<1x1x12544xf32, #tpu.memory_space<hbm>>
      %dma_start3A_475 = tpu.memref_squeeze %dma_start3A_474 : memref<1x1x12544xf32, #tpu.memory_space<hbm>> -> memref<12544xf32, #tpu.memory_space<hbm>>
      tpu.enqueue_dma source(%dma_start3A_475 : memref<12544xf32, #tpu.memory_space<hbm>>) target(%dma_start3A_472 : memref<12544xf32, #tpu.memory_space<vmem>>) target_semaphore(%arg18 : memref<!tpu.dma_semaphore, #tpu.memory_space<semaphore_mem>>)
    } else {
    }
    %eq3A_85 = arith.constant 1 : i32
    %eq3A_86 = arith.cmpi eq, %select_n3A_30, %eq3A_85 : i32
    %convert_element_type3A_87 = arith.extui %eq3A_86 : i1 to i32
    %cond3A_88 = arith.constant 0 : i32
    %cond3A_89 = arith.cmpi ne, %convert_element_type3A_87, %cond3A_88 : i32
    scf.if %cond3A_89 {
      %dma_start3A_454 = arith.constant 0 : i32
      %dma_start3A_455 = arith.constant 12544 : i32
      %dma_start3A_456 = tpu.memref_slice %arg7[%dma_start3A_455] : memref<50176xf32, #tpu.memory_space<vmem>> -> memref<12544xf32, #tpu.memory_space<vmem>>
      %dma_start3A_457 = arith.constant 62592 : i32
      %dma_start3A_458 = tpu.memref_slice %arg2[%select_n3A, %dma_start3A_454, %dma_start3A_457] : memref<16x1x100000xf32, #tpu.memory_space<hbm>> -> memref<1x1x12544xf32, #tpu.memory_space<hbm>>
      %dma_start3A_459 = tpu.memref_squeeze %dma_start3A_458 : memref<1x1x12544xf32, #tpu.memory_space<hbm>> -> memref<12544xf32, #tpu.memory_space<hbm>>
      %dma_start3A_460 = arith.constant 12544 : i32
      %dma_start3A_461 = tpu.memref_slice %arg7[%dma_start3A_460] : memref<50176xf32, #tpu.memory_space<vmem>> -> memref<12544xf32, #tpu.memory_space<vmem>>
      %dma_start3A_462 = arith.constant 62592 : i32
      %dma_start3A_463 = tpu.memref_slice %arg2[%select_n3A, %dma_start3A_454, %dma_start3A_462] : memref<16x1x100000xf32, #tpu.memory_space<hbm>> -> memref<1x1x12544xf32, #tpu.memory_space<hbm>>
      %dma_start3A_464 = tpu.memref_squeeze %dma_start3A_463 : memref<1x1x12544xf32, #tpu.memory_space<hbm>> -> memref<12544xf32, #tpu.memory_space<hbm>>
      tpu.enqueue_dma source(%dma_start3A_464 : memref<12544xf32, #tpu.memory_space<hbm>>) target(%dma_start3A_461 : memref<12544xf32, #tpu.memory_space<vmem>>) target_semaphore(%arg14 : memref<!tpu.dma_semaphore, #tpu.memory_space<semaphore_mem>>)
      %dma_start3A_465 = arith.constant 0 : i32
      %dma_start3A_466 = arith.constant 12544 : i32
      %dma_start3A_467 = tpu.memref_slice %arg8[%dma_start3A_466] : memref<50176xf32, #tpu.memory_space<vmem>> -> memref<12544xf32, #tpu.memory_space<vmem>>
      %dma_start3A_468 = arith.constant 62592 : i32
      %dma_start3A_469 = tpu.memref_slice %arg3[%select_n3A, %dma_start3A_465, %dma_start3A_468] : memref<16x1x100000xf32, #tpu.memory_space<hbm>> -> memref<1x1x12544xf32, #tpu.memory_space<hbm>>
      %dma_start3A_470 = tpu.memref_squeeze %dma_start3A_469 : memref<1x1x12544xf32, #tpu.memory_space<hbm>> -> memref<12544xf32, #tpu.memory_space<hbm>>
      %dma_start3A_471 = arith.constant 12544 : i32
      %dma_start3A_472 = tpu.memref_slice %arg8[%dma_start3A_471] : memref<50176xf32, #tpu.memory_space<vmem>> -> memref<12544xf32, #tpu.memory_space<vmem>>
      %dma_start3A_473 = arith.constant 62592 : i32
      %dma_start3A_474 = tpu.memref_slice %arg3[%select_n3A, %dma_start3A_465, %dma_start3A_473] : memref<16x1x100000xf32, #tpu.memory_space<hbm>> -> memref<1x1x12544xf32, #tpu.memory_space<hbm>>
      %dma_start3A_475 = tpu.memref_squeeze %dma_start3A_474 : memref<1x1x12544xf32, #tpu.memory_space<hbm>> -> memref<12544xf32, #tpu.memory_space<hbm>>
      tpu.enqueue_dma source(%dma_start3A_475 : memref<12544xf32, #tpu.memory_space<hbm>>) target(%dma_start3A_472 : memref<12544xf32, #tpu.memory_space<vmem>>) target_semaphore(%arg18 : memref<!tpu.dma_semaphore, #tpu.memory_space<semaphore_mem>>)
    } else {
    }
    %eq3A_90 = arith.constant 0 : i32
    %eq3A_91 = arith.cmpi eq, %select_n3A_30, %eq3A_90 : i32
    %convert_element_type3A_92 = arith.extui %eq3A_91 : i1 to i32
    %cond3A_93 = arith.constant 0 : i32
    %cond3A_94 = arith.cmpi ne, %convert_element_type3A_92, %cond3A_93 : i32
    scf.if %cond3A_94 {
      %dma_wait3A_454 = arith.constant 0 : i32
      %dma_wait3A_455 = arith.constant 0 : i32
      %dma_wait3A_456 = tpu.memref_slice %arg7[%dma_wait3A_455] : memref<50176xf32, #tpu.memory_space<vmem>> -> memref<12544xf32, #tpu.memory_space<vmem>>
      %dma_wait3A_457 = arith.constant 0 : i32
      %dma_wait3A_458 = tpu.memref_slice %arg2[%select_n3A, %dma_wait3A_454, %dma_wait3A_457] : memref<16x1x100000xf32, #tpu.memory_space<hbm>> -> memref<1x1x12544xf32, #tpu.memory_space<hbm>>
      %dma_wait3A_459 = tpu.memref_squeeze %dma_wait3A_458 : memref<1x1x12544xf32, #tpu.memory_space<hbm>> -> memref<12544xf32, #tpu.memory_space<hbm>>
      %dma_wait3A_460 = arith.constant 0 : i32
      %dma_wait3A_461 = tpu.memref_slice %arg7[%dma_wait3A_460] : memref<50176xf32, #tpu.memory_space<vmem>> -> memref<12544xf32, #tpu.memory_space<vmem>>
      %dma_wait3A_462 = arith.constant 0 : i32
      %dma_wait3A_463 = tpu.memref_slice %arg2[%select_n3A, %dma_wait3A_454, %dma_wait3A_462] : memref<16x1x100000xf32, #tpu.memory_space<hbm>> -> memref<1x1x12544xf32, #tpu.memory_space<hbm>>
      %dma_wait3A_464 = tpu.memref_squeeze %dma_wait3A_463 : memref<1x1x12544xf32, #tpu.memory_space<hbm>> -> memref<12544xf32, #tpu.memory_space<hbm>>
      tpu.wait_dma2 semaphore(%arg13 : memref<!tpu.dma_semaphore, #tpu.memory_space<semaphore_mem>>) src(%dma_wait3A_464 : memref<12544xf32, #tpu.memory_space<hbm>>) dst(%dma_wait3A_461 : memref<12544xf32, #tpu.memory_space<vmem>>)
      %dma_wait3A_465 = arith.constant 0 : i32
      %dma_wait3A_466 = arith.constant 0 : i32
      %dma_wait3A_467 = tpu.memref_slice %arg8[%dma_wait3A_466] : memref<50176xf32, #tpu.memory_space<vmem>> -> memref<12544xf32, #tpu.memory_space<vmem>>
      %dma_wait3A_468 = arith.constant 0 : i32
      %dma_wait3A_469 = tpu.memref_slice %arg3[%select_n3A, %dma_wait3A_465, %dma_wait3A_468] : memref<16x1x100000xf32, #tpu.memory_space<hbm>> -> memref<1x1x12544xf32, #tpu.memory_space<hbm>>
      %dma_wait3A_470 = tpu.memref_squeeze %dma_wait3A_469 : memref<1x1x12544xf32, #tpu.memory_space<hbm>> -> memref<12544xf32, #tpu.memory_space<hbm>>
      %dma_wait3A_471 = arith.constant 0 : i32
      %dma_wait3A_472 = tpu.memref_slice %arg8[%dma_wait3A_471] : memref<50176xf32, #tpu.memory_space<vmem>> -> memref<12544xf32, #tpu.memory_space<vmem>>
      %dma_wait3A_473 = arith.constant 0 : i32
      %dma_wait3A_474 = tpu.memref_slice %arg3[%select_n3A, %dma_wait3A_465, %dma_wait3A_473] : memref<16x1x100000xf32, #tpu.memory_space<hbm>> -> memref<1x1x12544xf32, #tpu.memory_space<hbm>>
      %dma_wait3A_475 = tpu.memref_squeeze %dma_wait3A_474 : memref<1x1x12544xf32, #tpu.memory_space<hbm>> -> memref<12544xf32, #tpu.memory_space<hbm>>
      tpu.wait_dma2 semaphore(%arg17 : memref<!tpu.dma_semaphore, #tpu.memory_space<semaphore_mem>>) src(%dma_wait3A_475 : memref<12544xf32, #tpu.memory_space<hbm>>) dst(%dma_wait3A_472 : memref<12544xf32, #tpu.memory_space<vmem>>)
    } else {
    }
    %eq3A_95 = arith.constant 1 : i32
    %eq3A_96 = arith.cmpi eq, %select_n3A_30, %eq3A_95 : i32
    %convert_element_type3A_97 = arith.extui %eq3A_96 : i1 to i32
    %cond3A_98 = arith.constant 0 : i32
    %cond3A_99 = arith.cmpi ne, %convert_element_type3A_97, %cond3A_98 : i32
    scf.if %cond3A_99 {
      %dma_wait3A_454 = arith.constant 0 : i32
      %dma_wait3A_455 = arith.constant 0 : i32
      %dma_wait3A_456 = tpu.memref_slice %arg7[%dma_wait3A_455] : memref<50176xf32, #tpu.memory_space<vmem>> -> memref<12544xf32, #tpu.memory_space<vmem>>
      %dma_wait3A_457 = arith.constant 50048 : i32
      %dma_wait3A_458 = tpu.memref_slice %arg2[%select_n3A, %dma_wait3A_454, %dma_wait3A_457] : memref<16x1x100000xf32, #tpu.memory_space<hbm>> -> memref<1x1x12544xf32, #tpu.memory_space<hbm>>
      %dma_wait3A_459 = tpu.memref_squeeze %dma_wait3A_458 : memref<1x1x12544xf32, #tpu.memory_space<hbm>> -> memref<12544xf32, #tpu.memory_space<hbm>>
      %dma_wait3A_460 = arith.constant 0 : i32
      %dma_wait3A_461 = tpu.memref_slice %arg7[%dma_wait3A_460] : memref<50176xf32, #tpu.memory_space<vmem>> -> memref<12544xf32, #tpu.memory_space<vmem>>
      %dma_wait3A_462 = arith.constant 50048 : i32
      %dma_wait3A_463 = tpu.memref_slice %arg2[%select_n3A, %dma_wait3A_454, %dma_wait3A_462] : memref<16x1x100000xf32, #tpu.memory_space<hbm>> -> memref<1x1x12544xf32, #tpu.memory_space<hbm>>
      %dma_wait3A_464 = tpu.memref_squeeze %dma_wait3A_463 : memref<1x1x12544xf32, #tpu.memory_space<hbm>> -> memref<12544xf32, #tpu.memory_space<hbm>>
      tpu.wait_dma2 semaphore(%arg13 : memref<!tpu.dma_semaphore, #tpu.memory_space<semaphore_mem>>) src(%dma_wait3A_464 : memref<12544xf32, #tpu.memory_space<hbm>>) dst(%dma_wait3A_461 : memref<12544xf32, #tpu.memory_space<vmem>>)
      %dma_wait3A_465 = arith.constant 0 : i32
      %dma_wait3A_466 = arith.constant 0 : i32
      %dma_wait3A_467 = tpu.memref_slice %arg8[%dma_wait3A_466] : memref<50176xf32, #tpu.memory_space<vmem>> -> memref<12544xf32, #tpu.memory_space<vmem>>
      %dma_wait3A_468 = arith.constant 50048 : i32
      %dma_wait3A_469 = tpu.memref_slice %arg3[%select_n3A, %dma_wait3A_465, %dma_wait3A_468] : memref<16x1x100000xf32, #tpu.memory_space<hbm>> -> memref<1x1x12544xf32, #tpu.memory_space<hbm>>
      %dma_wait3A_470 = tpu.memref_squeeze %dma_wait3A_469 : memref<1x1x12544xf32, #tpu.memory_space<hbm>> -> memref<12544xf32, #tpu.memory_space<hbm>>
      %dma_wait3A_471 = arith.constant 0 : i32
      %dma_wait3A_472 = tpu.memref_slice %arg8[%dma_wait3A_471] : memref<50176xf32, #tpu.memory_space<vmem>> -> memref<12544xf32, #tpu.memory_space<vmem>>
      %dma_wait3A_473 = arith.constant 50048 : i32
      %dma_wait3A_474 = tpu.memref_slice %arg3[%select_n3A, %dma_wait3A_465, %dma_wait3A_473] : memref<16x1x100000xf32, #tpu.memory_space<hbm>> -> memref<1x1x12544xf32, #tpu.memory_space<hbm>>
      %dma_wait3A_475 = tpu.memref_squeeze %dma_wait3A_474 : memref<1x1x12544xf32, #tpu.memory_space<hbm>> -> memref<12544xf32, #tpu.memory_space<hbm>>
      tpu.wait_dma2 semaphore(%arg17 : memref<!tpu.dma_semaphore, #tpu.memory_space<semaphore_mem>>) src(%dma_wait3A_475 : memref<12544xf32, #tpu.memory_space<hbm>>) dst(%dma_wait3A_472 : memref<12544xf32, #tpu.memory_space<vmem>>)
    } else {
    }
    %scan3A = arith.constant 0 : i32
    %scan3A_100 = arith.constant 49 : i32
    %scan3A_101 = arith.addi %scan3A, %scan3A_100 : i32
    %scan3A_102 = arith.constant 1 : i32
    %scan3A_103 = scf.for %scan3A_454 = %scan3A to %scan3A_101 step %scan3A_102 iter_args(%scan3A_455 = %broadcast_in_dim3A_67) -> (vector<16xf32>)  : i32 {
      %mul3A_456 = arith.constant 256 : i32
      %mul3A_457 = arith.muli %scan3A_454, %mul3A_456 : i32
      %add3A_458 = arith.constant 0 : i32
      %add3A_459 = arith.addi %mul3A_457, %add3A_458 : i32
      %get3A = arith.index_cast %add3A_459 : i32 to index
      %get3A_460 = tpu.vector_load %arg7[%get3A] {strides = array<i32>} : memref<50176xf32, #tpu.memory_space<vmem>>, vector<16xf32>,
      %mul3A_461 = arith.constant 256 : i32
      %mul3A_462 = arith.muli %scan3A_454, %mul3A_461 : i32
      %add3A_463 = arith.constant 0 : i32
      %add3A_464 = arith.addi %mul3A_462, %add3A_463 : i32
      %get3A_465 = arith.index_cast %add3A_464 : i32 to index
      %get3A_466 = tpu.vector_load %arg8[%get3A_465] {strides = array<i32>} : memref<50176xf32, #tpu.memory_space<vmem>>, vector<16xf32>,
      %add3A_467 = arith.addf %get3A_460, %get3A_466 : vector<16xf32>
      %max3A = arith.maximumf %scan3A_455, %add3A_467 : vector<16xf32>
      %mul3A_468 = arith.constant 256 : i32
      %mul3A_469 = arith.muli %scan3A_454, %mul3A_468 : i32
      %add3A_470 = arith.constant 16 : i32
      %add3A_471 = arith.addi %mul3A_469, %add3A_470 : i32
      %get3A_472 = arith.index_cast %add3A_471 : i32 to index
      %get3A_473 = tpu.vector_load %arg7[%get3A_472] {strides = array<i32>} : memref<50176xf32, #tpu.memory_space<vmem>>, vector<16xf32>,
      %mul3A_474 = arith.constant 256 : i32
      %mul3A_475 = arith.muli %scan3A_454, %mul3A_474 : i32
      %add3A_476 = arith.constant 16 : i32
      %add3A_477 = arith.addi %mul3A_475, %add3A_476 : i32
      %get3A_478 = arith.index_cast %add3A_477 : i32 to index
      %get3A_479 = tpu.vector_load %arg8[%get3A_478] {strides = array<i32>} : memref<50176xf32, #tpu.memory_space<vmem>>, vector<16xf32>,
      %add3A_480 = arith.addf %get3A_473, %get3A_479 : vector<16xf32>
      %max3A_481 = arith.maximumf %max3A, %add3A_480 : vector<16xf32>
      %mul3A_482 = arith.constant 256 : i32
      %mul3A_483 = arith.muli %scan3A_454, %mul3A_482 : i32
      %add3A_484 = arith.constant 32 : i32
      %add3A_485 = arith.addi %mul3A_483, %add3A_484 : i32
      %get3A_486 = arith.index_cast %add3A_485 : i32 to index
      %get3A_487 = tpu.vector_load %arg7[%get3A_486] {strides = array<i32>} : memref<50176xf32, #tpu.memory_space<vmem>>, vector<16xf32>,
      %mul3A_488 = arith.constant 256 : i32
      %mul3A_489 = arith.muli %scan3A_454, %mul3A_488 : i32
      %add3A_490 = arith.constant 32 : i32
      %add3A_491 = arith.addi %mul3A_489, %add3A_490 : i32
      %get3A_492 = arith.index_cast %add3A_491 : i32 to index
      %get3A_493 = tpu.vector_load %arg8[%get3A_492] {strides = array<i32>} : memref<50176xf32, #tpu.memory_space<vmem>>, vector<16xf32>,
      %add3A_494 = arith.addf %get3A_487, %get3A_493 : vector<16xf32>
      %max3A_495 = arith.maximumf %max3A_481, %add3A_494 : vector<16xf32>
      %mul3A_496 = arith.constant 256 : i32
      %mul3A_497 = arith.muli %scan3A_454, %mul3A_496 : i32
      %add3A_498 = arith.constant 48 : i32
      %add3A_499 = arith.addi %mul3A_497, %add3A_498 : i32
      %get3A_500 = arith.index_cast %add3A_499 : i32 to index
      %get3A_501 = tpu.vector_load %arg7[%get3A_500] {strides = array<i32>} : memref<50176xf32, #tpu.memory_space<vmem>>, vector<16xf32>,
      %mul3A_502 = arith.constant 256 : i32
      %mul3A_503 = arith.muli %scan3A_454, %mul3A_502 : i32
      %add3A_504 = arith.constant 48 : i32
      %add3A_505 = arith.addi %mul3A_503, %add3A_504 : i32
      %get3A_506 = arith.index_cast %add3A_505 : i32 to index
      %get3A_507 = tpu.vector_load %arg8[%get3A_506] {strides = array<i32>} : memref<50176xf32, #tpu.memory_space<vmem>>, vector<16xf32>,
      %add3A_508 = arith.addf %get3A_501, %get3A_507 : vector<16xf32>
      %max3A_509 = arith.maximumf %max3A_495, %add3A_508 : vector<16xf32>
      %mul3A_510 = arith.constant 256 : i32
      %mul3A_511 = arith.muli %scan3A_454, %mul3A_510 : i32
      %add3A_512 = arith.constant 64 : i32
      %add3A_513 = arith.addi %mul3A_511, %add3A_512 : i32
      %get3A_514 = arith.index_cast %add3A_513 : i32 to index
      %get3A_515 = tpu.vector_load %arg7[%get3A_514] {strides = array<i32>} : memref<50176xf32, #tpu.memory_space<vmem>>, vector<16xf32>,
      %mul3A_516 = arith.constant 256 : i32
      %mul3A_517 = arith.muli %scan3A_454, %mul3A_516 : i32
      %add3A_518 = arith.constant 64 : i32
      %add3A_519 = arith.addi %mul3A_517, %add3A_518 : i32
      %get3A_520 = arith.index_cast %add3A_519 : i32 to index
      %get3A_521 = tpu.vector_load %arg8[%get3A_520] {strides = array<i32>} : memref<50176xf32, #tpu.memory_space<vmem>>, vector<16xf32>,
      %add3A_522 = arith.addf %get3A_515, %get3A_521 : vector<16xf32>
      %max3A_523 = arith.maximumf %max3A_509, %add3A_522 : vector<16xf32>
      %mul3A_524 = arith.constant 256 : i32
      %mul3A_525 = arith.muli %scan3A_454, %mul3A_524 : i32
      %add3A_526 = arith.constant 80 : i32
      %add3A_527 = arith.addi %mul3A_525, %add3A_526 : i32
      %get3A_528 = arith.index_cast %add3A_527 : i32 to index
      %get3A_529 = tpu.vector_load %arg7[%get3A_528] {strides = array<i32>} : memref<50176xf32, #tpu.memory_space<vmem>>, vector<16xf32>,
      %mul3A_530 = arith.constant 256 : i32
      %mul3A_531 = arith.muli %scan3A_454, %mul3A_530 : i32
      %add3A_532 = arith.constant 80 : i32
      %add3A_533 = arith.addi %mul3A_531, %add3A_532 : i32
      %get3A_534 = arith.index_cast %add3A_533 : i32 to index
      %get3A_535 = tpu.vector_load %arg8[%get3A_534] {strides = array<i32>} : memref<50176xf32, #tpu.memory_space<vmem>>, vector<16xf32>,
      %add3A_536 = arith.addf %get3A_529, %get3A_535 : vector<16xf32>
      %max3A_537 = arith.maximumf %max3A_523, %add3A_536 : vector<16xf32>
      %mul3A_538 = arith.constant 256 : i32
      %mul3A_539 = arith.muli %scan3A_454, %mul3A_538 : i32
      %add3A_540 = arith.constant 96 : i32
      %add3A_541 = arith.addi %mul3A_539, %add3A_540 : i32
      %get3A_542 = arith.index_cast %add3A_541 : i32 to index
      %get3A_543 = tpu.vector_load %arg7[%get3A_542] {strides = array<i32>} : memref<50176xf32, #tpu.memory_space<vmem>>, vector<16xf32>,
      %mul3A_544 = arith.constant 256 : i32
      %mul3A_545 = arith.muli %scan3A_454, %mul3A_544 : i32
      %add3A_546 = arith.constant 96 : i32
      %add3A_547 = arith.addi %mul3A_545, %add3A_546 : i32
      %get3A_548 = arith.index_cast %add3A_547 : i32 to index
      %get3A_549 = tpu.vector_load %arg8[%get3A_548] {strides = array<i32>} : memref<50176xf32, #tpu.memory_space<vmem>>, vector<16xf32>,
      %add3A_550 = arith.addf %get3A_543, %get3A_549 : vector<16xf32>
      %max3A_551 = arith.maximumf %max3A_537, %add3A_550 : vector<16xf32>
      %mul3A_552 = arith.constant 256 : i32
      %mul3A_553 = arith.muli %scan3A_454, %mul3A_552 : i32
      %add3A_554 = arith.constant 112 : i32
      %add3A_555 = arith.addi %mul3A_553, %add3A_554 : i32
      %get3A_556 = arith.index_cast %add3A_555 : i32 to index
      %get3A_557 = tpu.vector_load %arg7[%get3A_556] {strides = array<i32>} : memref<50176xf32, #tpu.memory_space<vmem>>, vector<16xf32>,
      %mul3A_558 = arith.constant 256 : i32
      %mul3A_559 = arith.muli %scan3A_454, %mul3A_558 : i32
      %add3A_560 = arith.constant 112 : i32
      %add3A_561 = arith.addi %mul3A_559, %add3A_560 : i32
      %get3A_562 = arith.index_cast %add3A_561 : i32 to index
      %get3A_563 = tpu.vector_load %arg8[%get3A_562] {strides = array<i32>} : memref<50176xf32, #tpu.memory_space<vmem>>, vector<16xf32>,
      %add3A_564 = arith.addf %get3A_557, %get3A_563 : vector<16xf32>
      %max3A_565 = arith.maximumf %max3A_551, %add3A_564 : vector<16xf32>
      %mul3A_566 = arith.constant 256 : i32
      %mul3A_567 = arith.muli %scan3A_454, %mul3A_566 : i32
      %add3A_568 = arith.constant 128 : i32
      %add3A_569 = arith.addi %mul3A_567, %add3A_568 : i32
      %get3A_570 = arith.index_cast %add3A_569 : i32 to index
      %get3A_571 = tpu.vector_load %arg7[%get3A_570] {strides = array<i32>} : memref<50176xf32, #tpu.memory_space<vmem>>, vector<16xf32>,
      %mul3A_572 = arith.constant 256 : i32
      %mul3A_573 = arith.muli %scan3A_454, %mul3A_572 : i32
      %add3A_574 = arith.constant 128 : i32
      %add3A_575 = arith.addi %mul3A_573, %add3A_574 : i32
      %get3A_576 = arith.index_cast %add3A_575 : i32 to index
      %get3A_577 = tpu.vector_load %arg8[%get3A_576] {strides = array<i32>} : memref<50176xf32, #tpu.memory_space<vmem>>, vector<16xf32>,
      %add3A_578 = arith.addf %get3A_571, %get3A_577 : vector<16xf32>
      %max3A_579 = arith.maximumf %max3A_565, %add3A_578 : vector<16xf32>
      %mul3A_580 = arith.constant 256 : i32
      %mul3A_581 = arith.muli %scan3A_454, %mul3A_580 : i32
      %add3A_582 = arith.constant 144 : i32
      %add3A_583 = arith.addi %mul3A_581, %add3A_582 : i32
      %get3A_584 = arith.index_cast %add3A_583 : i32 to index
      %get3A_585 = tpu.vector_load %arg7[%get3A_584] {strides = array<i32>} : memref<50176xf32, #tpu.memory_space<vmem>>, vector<16xf32>,
      %mul3A_586 = arith.constant 256 : i32
      %mul3A_587 = arith.muli %scan3A_454, %mul3A_586 : i32
      %add3A_588 = arith.constant 144 : i32
      %add3A_589 = arith.addi %mul3A_587, %add3A_588 : i32
      %get3A_590 = arith.index_cast %add3A_589 : i32 to index
      %get3A_591 = tpu.vector_load %arg8[%get3A_590] {strides = array<i32>} : memref<50176xf32, #tpu.memory_space<vmem>>, vector<16xf32>,
      %add3A_592 = arith.addf %get3A_585, %get3A_591 : vector<16xf32>
      %max3A_593 = arith.maximumf %max3A_579, %add3A_592 : vector<16xf32>
      %mul3A_594 = arith.constant 256 : i32
      %mul3A_595 = arith.muli %scan3A_454, %mul3A_594 : i32
      %add3A_596 = arith.constant 160 : i32
      %add3A_597 = arith.addi %mul3A_595, %add3A_596 : i32
      %get3A_598 = arith.index_cast %add3A_597 : i32 to index
      %get3A_599 = tpu.vector_load %arg7[%get3A_598] {strides = array<i32>} : memref<50176xf32, #tpu.memory_space<vmem>>, vector<16xf32>,
      %mul3A_600 = arith.constant 256 : i32
      %mul3A_601 = arith.muli %scan3A_454, %mul3A_600 : i32
      %add3A_602 = arith.constant 160 : i32
      %add3A_603 = arith.addi %mul3A_601, %add3A_602 : i32
      %get3A_604 = arith.index_cast %add3A_603 : i32 to index
      %get3A_605 = tpu.vector_load %arg8[%get3A_604] {strides = array<i32>} : memref<50176xf32, #tpu.memory_space<vmem>>, vector<16xf32>,
      %add3A_606 = arith.addf %get3A_599, %get3A_605 : vector<16xf32>
      %max3A_607 = arith.maximumf %max3A_593, %add3A_606 : vector<16xf32>
      %mul3A_608 = arith.constant 256 : i32
      %mul3A_609 = arith.muli %scan3A_454, %mul3A_608 : i32
      %add3A_610 = arith.constant 176 : i32
      %add3A_611 = arith.addi %mul3A_609, %add3A_610 : i32
      %get3A_612 = arith.index_cast %add3A_611 : i32 to index
      %get3A_613 = tpu.vector_load %arg7[%get3A_612] {strides = array<i32>} : memref<50176xf32, #tpu.memory_space<vmem>>, vector<16xf32>,
      %mul3A_614 = arith.constant 256 : i32
      %mul3A_615 = arith.muli %scan3A_454, %mul3A_614 : i32
      %add3A_616 = arith.constant 176 : i32
      %add3A_617 = arith.addi %mul3A_615, %add3A_616 : i32
      %get3A_618 = arith.index_cast %add3A_617 : i32 to index
      %get3A_619 = tpu.vector_load %arg8[%get3A_618] {strides = array<i32>} : memref<50176xf32, #tpu.memory_space<vmem>>, vector<16xf32>,
      %add3A_620 = arith.addf %get3A_613, %get3A_619 : vector<16xf32>
      %max3A_621 = arith.maximumf %max3A_607, %add3A_620 : vector<16xf32>
      %mul3A_622 = arith.constant 256 : i32
      %mul3A_623 = arith.muli %scan3A_454, %mul3A_622 : i32
      %add3A_624 = arith.constant 192 : i32
      %add3A_625 = arith.addi %mul3A_623, %add3A_624 : i32
      %get3A_626 = arith.index_cast %add3A_625 : i32 to index
      %get3A_627 = tpu.vector_load %arg7[%get3A_626] {strides = array<i32>} : memref<50176xf32, #tpu.memory_space<vmem>>, vector<16xf32>,
      %mul3A_628 = arith.constant 256 : i32
      %mul3A_629 = arith.muli %scan3A_454, %mul3A_628 : i32
      %add3A_630 = arith.constant 192 : i32
      %add3A_631 = arith.addi %mul3A_629, %add3A_630 : i32
      %get3A_632 = arith.index_cast %add3A_631 : i32 to index
      %get3A_633 = tpu.vector_load %arg8[%get3A_632] {strides = array<i32>} : memref<50176xf32, #tpu.memory_space<vmem>>, vector<16xf32>,
      %add3A_634 = arith.addf %get3A_627, %get3A_633 : vector<16xf32>
      %max3A_635 = arith.maximumf %max3A_621, %add3A_634 : vector<16xf32>
      %mul3A_636 = arith.constant 256 : i32
      %mul3A_637 = arith.muli %scan3A_454, %mul3A_636 : i32
      %add3A_638 = arith.constant 208 : i32
      %add3A_639 = arith.addi %mul3A_637, %add3A_638 : i32
      %get3A_640 = arith.index_cast %add3A_639 : i32 to index
      %get3A_641 = tpu.vector_load %arg7[%get3A_640] {strides = array<i32>} : memref<50176xf32, #tpu.memory_space<vmem>>, vector<16xf32>,
      %mul3A_642 = arith.constant 256 : i32
      %mul3A_643 = arith.muli %scan3A_454, %mul3A_642 : i32
      %add3A_644 = arith.constant 208 : i32
      %add3A_645 = arith.addi %mul3A_643, %add3A_644 : i32
      %get3A_646 = arith.index_cast %add3A_645 : i32 to index
      %get3A_647 = tpu.vector_load %arg8[%get3A_646] {strides = array<i32>} : memref<50176xf32, #tpu.memory_space<vmem>>, vector<16xf32>,
      %add3A_648 = arith.addf %get3A_641, %get3A_647 : vector<16xf32>
      %max3A_649 = arith.maximumf %max3A_635, %add3A_648 : vector<16xf32>
      %mul3A_650 = arith.constant 256 : i32
      %mul3A_651 = arith.muli %scan3A_454, %mul3A_650 : i32
      %add3A_652 = arith.constant 224 : i32
      %add3A_653 = arith.addi %mul3A_651, %add3A_652 : i32
      %get3A_654 = arith.index_cast %add3A_653 : i32 to index
      %get3A_655 = tpu.vector_load %arg7[%get3A_654] {strides = array<i32>} : memref<50176xf32, #tpu.memory_space<vmem>>, vector<16xf32>,
      %mul3A_656 = arith.constant 256 : i32
      %mul3A_657 = arith.muli %scan3A_454, %mul3A_656 : i32
      %add3A_658 = arith.constant 224 : i32
      %add3A_659 = arith.addi %mul3A_657, %add3A_658 : i32
      %get3A_660 = arith.index_cast %add3A_659 : i32 to index
      %get3A_661 = tpu.vector_load %arg8[%get3A_660] {strides = array<i32>} : memref<50176xf32, #tpu.memory_space<vmem>>, vector<16xf32>,
      %add3A_662 = arith.addf %get3A_655, %get3A_661 : vector<16xf32>
      %max3A_663 = arith.maximumf %max3A_649, %add3A_662 : vector<16xf32>
      %mul3A_664 = arith.constant 256 : i32
      %mul3A_665 = arith.muli %scan3A_454, %mul3A_664 : i32
      %add3A_666 = arith.constant 240 : i32
      %add3A_667 = arith.addi %mul3A_665, %add3A_666 : i32
      %get3A_668 = arith.index_cast %add3A_667 : i32 to index
      %get3A_669 = tpu.vector_load %arg7[%get3A_668] {strides = array<i32>} : memref<50176xf32, #tpu.memory_space<vmem>>, vector<16xf32>,
      %mul3A_670 = arith.constant 256 : i32
      %mul3A_671 = arith.muli %scan3A_454, %mul3A_670 : i32
      %add3A_672 = arith.constant 240 : i32
      %add3A_673 = arith.addi %mul3A_671, %add3A_672 : i32
      %get3A_674 = arith.index_cast %add3A_673 : i32 to index
      %get3A_675 = tpu.vector_load %arg8[%get3A_674] {strides = array<i32>} : memref<50176xf32, #tpu.memory_space<vmem>>, vector<16xf32>,
      %add3A_676 = arith.addf %get3A_669, %get3A_675 : vector<16xf32>
      %max3A_677 = arith.maximumf %max3A_663, %add3A_676 : vector<16xf32>
      scf.yield %max3A_677 : vector<16xf32>
    }
    %scan3A_104 = arith.constant 49 : i32
    %xor3A = arith.constant 8 : i32
    %xor3A_105 = vector.broadcast %xor3A : i32 to vector<16xi32>
    %xor3A_106 = arith.xori %iota3A, %xor3A_105 : vector<16xi32>
    %lt3A_107 = arith.constant 0 : i32
    %lt3A_108 = vector.broadcast %lt3A_107 : i32 to vector<16xi32>
    %lt3A_109 = arith.cmpi slt, %xor3A_106, %lt3A_108 : vector<16xi32>
    %add3A_110 = arith.constant 16 : i32
    %add3A_111 = vector.broadcast %add3A_110 : i32 to vector<16xi32>
    %add3A_112 = arith.addi %xor3A_106, %add3A_111 : vector<16xi32>
    %select_n3A_113 = arith.select %lt3A_109, %add3A_112, %xor3A_106 : vector<16xi1>, vector<16xi32>
    %broadcast_in_dim3A_114 = vector.shape_cast %select_n3A_113 : vector<16xi32> to vector<16x1xi32>
    %gather3A = vector.shape_cast %broadcast_in_dim3A_114 : vector<16x1xi32> to vector<16xi32>
    %gather3A_115 = tpu.dynamic_gather %scan3A_103[%gather3A] in [0] : vector<16xf32>, vector<16xi32> -> vector<16xf32>
    %min3A = arith.minimumf %scan3A_103, %gather3A_115 : vector<16xf32>
    %xor3A_116 = arith.constant 4 : i32
    %xor3A_117 = vector.broadcast %xor3A_116 : i32 to vector<16xi32>
    %xor3A_118 = arith.xori %iota3A, %xor3A_117 : vector<16xi32>
    %lt3A_119 = arith.constant 0 : i32
    %lt3A_120 = vector.broadcast %lt3A_119 : i32 to vector<16xi32>
    %lt3A_121 = arith.cmpi slt, %xor3A_118, %lt3A_120 : vector<16xi32>
    %add3A_122 = arith.constant 16 : i32
    %add3A_123 = vector.broadcast %add3A_122 : i32 to vector<16xi32>
    %add3A_124 = arith.addi %xor3A_118, %add3A_123 : vector<16xi32>
    %select_n3A_125 = arith.select %lt3A_121, %add3A_124, %xor3A_118 : vector<16xi1>, vector<16xi32>
    %broadcast_in_dim3A_126 = vector.shape_cast %select_n3A_125 : vector<16xi32> to vector<16x1xi32>
    %gather3A_127 = vector.shape_cast %broadcast_in_dim3A_126 : vector<16x1xi32> to vector<16xi32>
    %gather3A_128 = tpu.dynamic_gather %min3A[%gather3A_127] in [0] : vector<16xf32>, vector<16xi32> -> vector<16xf32>
    %min3A_129 = arith.minimumf %min3A, %gather3A_128 : vector<16xf32>
    %xor3A_130 = arith.constant 2 : i32
    %xor3A_131 = vector.broadcast %xor3A_130 : i32 to vector<16xi32>
    %xor3A_132 = arith.xori %iota3A, %xor3A_131 : vector<16xi32>
    %lt3A_133 = arith.constant 0 : i32
    %lt3A_134 = vector.broadcast %lt3A_133 : i32 to vector<16xi32>
    %lt3A_135 = arith.cmpi slt, %xor3A_132, %lt3A_134 : vector<16xi32>
    %add3A_136 = arith.constant 16 : i32
    %add3A_137 = vector.broadcast %add3A_136 : i32 to vector<16xi32>
    %add3A_138 = arith.addi %xor3A_132, %add3A_137 : vector<16xi32>
    %select_n3A_139 = arith.select %lt3A_135, %add3A_138, %xor3A_132 : vector<16xi1>, vector<16xi32>
    %broadcast_in_dim3A_140 = vector.shape_cast %select_n3A_139 : vector<16xi32> to vector<16x1xi32>
    %gather3A_141 = vector.shape_cast %broadcast_in_dim3A_140 : vector<16x1xi32> to vector<16xi32>
    %gather3A_142 = tpu.dynamic_gather %min3A_129[%gather3A_141] in [0] : vector<16xf32>, vector<16xi32> -> vector<16xf32>
    %min3A_143 = arith.minimumf %min3A_129, %gather3A_142 : vector<16xf32>
    %xor3A_144 = arith.constant 1 : i32
    %xor3A_145 = vector.broadcast %xor3A_144 : i32 to vector<16xi32>
    %xor3A_146 = arith.xori %iota3A, %xor3A_145 : vector<16xi32>
    %lt3A_147 = arith.constant 0 : i32
    %lt3A_148 = vector.broadcast %lt3A_147 : i32 to vector<16xi32>
    %lt3A_149 = arith.cmpi slt, %xor3A_146, %lt3A_148 : vector<16xi32>
    %add3A_150 = arith.constant 16 : i32
    %add3A_151 = vector.broadcast %add3A_150 : i32 to vector<16xi32>
    %add3A_152 = arith.addi %xor3A_146, %add3A_151 : vector<16xi32>
    %select_n3A_153 = arith.select %lt3A_149, %add3A_152, %xor3A_146 : vector<16xi1>, vector<16xi32>
    %broadcast_in_dim3A_154 = vector.shape_cast %select_n3A_153 : vector<16xi32> to vector<16x1xi32>
    %gather3A_155 = vector.shape_cast %broadcast_in_dim3A_154 : vector<16x1xi32> to vector<16xi32>
    %gather3A_156 = tpu.dynamic_gather %min3A_143[%gather3A_155] in [0] : vector<16xf32>, vector<16xi32> -> vector<16xf32>
    %min3A_157 = arith.minimumf %min3A_143, %gather3A_156 : vector<16xf32>
    %scan3A_158 = arith.constant 0 : i32
    %scan3A_159 = arith.constant 49 : i32
    %scan3A_160 = arith.addi %scan3A_158, %scan3A_159 : i32
    %scan3A_161 = arith.constant 1 : i32
    %scan3A_162:2 = scf.for %scan3A_454 = %scan3A_158 to %scan3A_160 step %scan3A_161 iter_args(%scan3A_455 = %scan3A_103, %scan3A_456 = %broadcast_in_dim3A_69) -> (vector<16xf32>, vector<16xi32>)  : i32 {
      %mul3A_457 = arith.constant 256 : i32
      %mul3A_458 = arith.muli %scan3A_454, %mul3A_457 : i32
      %add3A_459 = arith.constant 0 : i32
      %add3A_460 = arith.addi %mul3A_458, %add3A_459 : i32
      %get3A = arith.index_cast %add3A_460 : i32 to index
      %get3A_461 = tpu.vector_load %arg7[%get3A] {strides = array<i32>} : memref<50176xf32, #tpu.memory_space<vmem>>, vector<16xf32>,
      %mul3A_462 = arith.constant 256 : i32
      %mul3A_463 = arith.muli %scan3A_454, %mul3A_462 : i32
      %add3A_464 = arith.constant 0 : i32
      %add3A_465 = arith.addi %mul3A_463, %add3A_464 : i32
      %get3A_466 = arith.index_cast %add3A_465 : i32 to index
      %get3A_467 = tpu.vector_load %arg8[%get3A_466] {strides = array<i32>} : memref<50176xf32, #tpu.memory_space<vmem>>, vector<16xf32>,
      %add3A_468 = arith.addf %get3A_461, %get3A_467 : vector<16xf32>
      %ge3A = arith.cmpf oge, %add3A_468, %min3A_157 : vector<16xf32>
      %all_reduce_population_count3A = tpu.all_reduce %ge3A {dim = 0 : i64, kind = #tpu.reduction_kind<sum>} : vector<16xi1> -> vector<16xi32>
      %convert_element_type3A_469 = arith.extui %ge3A : vector<16xi1> to vector<16xi32>
      %broadcast_in_dim3A_470 = arith.constant true
      %broadcast_in_dim3A_471 = vector.broadcast %broadcast_in_dim3A_470 : i1 to vector<16xi1>
      %masked_cumsum3A = tpu.scan <sum>, %convert_element_type3A_469 masked %broadcast_in_dim3A_471 : vector<16xi32>, vector<16xi1> -> vector<16xi32>
      %max3A = arith.maximumf %scan3A_455, %add3A_468 : vector<16xf32>
      %mul3A_472 = arith.constant 256 : i32
      %mul3A_473 = arith.muli %scan3A_454, %mul3A_472 : i32
      %add3A_474 = arith.constant 16 : i32
      %add3A_475 = arith.addi %mul3A_473, %add3A_474 : i32
      %get3A_476 = arith.index_cast %add3A_475 : i32 to index
      %get3A_477 = tpu.vector_load %arg7[%get3A_476] {strides = array<i32>} : memref<50176xf32, #tpu.memory_space<vmem>>, vector<16xf32>,
      %mul3A_478 = arith.constant 256 : i32
      %mul3A_479 = arith.muli %scan3A_454, %mul3A_478 : i32
      %add3A_480 = arith.constant 16 : i32
      %add3A_481 = arith.addi %mul3A_479, %add3A_480 : i32
      %get3A_482 = arith.index_cast %add3A_481 : i32 to index
      %get3A_483 = tpu.vector_load %arg8[%get3A_482] {strides = array<i32>} : memref<50176xf32, #tpu.memory_space<vmem>>, vector<16xf32>,
      %add3A_484 = arith.addf %get3A_477, %get3A_483 : vector<16xf32>
      %ge3A_485 = arith.cmpf oge, %add3A_484, %min3A_157 : vector<16xf32>
      %all_reduce_population_count3A_486 = tpu.all_reduce %ge3A_485 {dim = 0 : i64, kind = #tpu.reduction_kind<sum>} : vector<16xi1> -> vector<16xi32>
      %convert_element_type3A_487 = arith.extui %ge3A_485 : vector<16xi1> to vector<16xi32>
      %broadcast_in_dim3A_488 = arith.constant true
      %broadcast_in_dim3A_489 = vector.broadcast %broadcast_in_dim3A_488 : i1 to vector<16xi1>
      %masked_cumsum3A_490 = tpu.scan <sum>, %convert_element_type3A_487 masked %broadcast_in_dim3A_489 : vector<16xi32>, vector<16xi1> -> vector<16xi32>
      %max3A_491 = arith.maximumf %max3A, %add3A_484 : vector<16xf32>
      %mul3A_492 = arith.constant 256 : i32
      %mul3A_493 = arith.muli %scan3A_454, %mul3A_492 : i32
      %add3A_494 = arith.constant 32 : i32
      %add3A_495 = arith.addi %mul3A_493, %add3A_494 : i32
      %get3A_496 = arith.index_cast %add3A_495 : i32 to index
      %get3A_497 = tpu.vector_load %arg7[%get3A_496] {strides = array<i32>} : memref<50176xf32, #tpu.memory_space<vmem>>, vector<16xf32>,
      %mul3A_498 = arith.constant 256 : i32
      %mul3A_499 = arith.muli %scan3A_454, %mul3A_498 : i32
      %add3A_500 = arith.constant 32 : i32
      %add3A_501 = arith.addi %mul3A_499, %add3A_500 : i32
      %get3A_502 = arith.index_cast %add3A_501 : i32 to index
      %get3A_503 = tpu.vector_load %arg8[%get3A_502] {strides = array<i32>} : memref<50176xf32, #tpu.memory_space<vmem>>, vector<16xf32>,
      %add3A_504 = arith.addf %get3A_497, %get3A_503 : vector<16xf32>
      %ge3A_505 = arith.cmpf oge, %add3A_504, %min3A_157 : vector<16xf32>
      %all_reduce_population_count3A_506 = tpu.all_reduce %ge3A_505 {dim = 0 : i64, kind = #tpu.reduction_kind<sum>} : vector<16xi1> -> vector<16xi32>
      %convert_element_type3A_507 = arith.extui %ge3A_505 : vector<16xi1> to vector<16xi32>
      %broadcast_in_dim3A_508 = arith.constant true
      %broadcast_in_dim3A_509 = vector.broadcast %broadcast_in_dim3A_508 : i1 to vector<16xi1>
      %masked_cumsum3A_510 = tpu.scan <sum>, %convert_element_type3A_507 masked %broadcast_in_dim3A_509 : vector<16xi32>, vector<16xi1> -> vector<16xi32>
      %max3A_511 = arith.maximumf %max3A_491, %add3A_504 : vector<16xf32>
      %mul3A_512 = arith.constant 256 : i32
      %mul3A_513 = arith.muli %scan3A_454, %mul3A_512 : i32
      %add3A_514 = arith.constant 48 : i32
      %add3A_515 = arith.addi %mul3A_513, %add3A_514 : i32
      %get3A_516 = arith.index_cast %add3A_515 : i32 to index
      %get3A_517 = tpu.vector_load %arg7[%get3A_516] {strides = array<i32>} : memref<50176xf32, #tpu.memory_space<vmem>>, vector<16xf32>,
      %mul3A_518 = arith.constant 256 : i32
      %mul3A_519 = arith.muli %scan3A_454, %mul3A_518 : i32
      %add3A_520 = arith.constant 48 : i32
      %add3A_521 = arith.addi %mul3A_519, %add3A_520 : i32
      %get3A_522 = arith.index_cast %add3A_521 : i32 to index
      %get3A_523 = tpu.vector_load %arg8[%get3A_522] {strides = array<i32>} : memref<50176xf32, #tpu.memory_space<vmem>>, vector<16xf32>,
      %add3A_524 = arith.addf %get3A_517, %get3A_523 : vector<16xf32>
      %ge3A_525 = arith.cmpf oge, %add3A_524, %min3A_157 : vector<16xf32>
      %all_reduce_population_count3A_526 = tpu.all_reduce %ge3A_525 {dim = 0 : i64, kind = #tpu.reduction_kind<sum>} : vector<16xi1> -> vector<16xi32>
      %convert_element_type3A_527 = arith.extui %ge3A_525 : vector<16xi1> to vector<16xi32>
      %broadcast_in_dim3A_528 = arith.constant true
      %broadcast_in_dim3A_529 = vector.broadcast %broadcast_in_dim3A_528 : i1 to vector<16xi1>
      %masked_cumsum3A_530 = tpu.scan <sum>, %convert_element_type3A_527 masked %broadcast_in_dim3A_529 : vector<16xi32>, vector<16xi1> -> vector<16xi32>
      %max3A_531 = arith.maximumf %max3A_511, %add3A_524 : vector<16xf32>
      %mul3A_532 = arith.constant 256 : i32
      %mul3A_533 = arith.muli %scan3A_454, %mul3A_532 : i32
      %add3A_534 = arith.constant 64 : i32
      %add3A_535 = arith.addi %mul3A_533, %add3A_534 : i32
      %get3A_536 = arith.index_cast %add3A_535 : i32 to index
      %get3A_537 = tpu.vector_load %arg7[%get3A_536] {strides = array<i32>} : memref<50176xf32, #tpu.memory_space<vmem>>, vector<16xf32>,
      %mul3A_538 = arith.constant 256 : i32
      %mul3A_539 = arith.muli %scan3A_454, %mul3A_538 : i32
      %add3A_540 = arith.constant 64 : i32
      %add3A_541 = arith.addi %mul3A_539, %add3A_540 : i32
      %get3A_542 = arith.index_cast %add3A_541 : i32 to index
      %get3A_543 = tpu.vector_load %arg8[%get3A_542] {strides = array<i32>} : memref<50176xf32, #tpu.memory_space<vmem>>, vector<16xf32>,
      %add3A_544 = arith.addf %get3A_537, %get3A_543 : vector<16xf32>
      %ge3A_545 = arith.cmpf oge, %add3A_544, %min3A_157 : vector<16xf32>
      %all_reduce_population_count3A_546 = tpu.all_reduce %ge3A_545 {dim = 0 : i64, kind = #tpu.reduction_kind<sum>} : vector<16xi1> -> vector<16xi32>
      %convert_element_type3A_547 = arith.extui %ge3A_545 : vector<16xi1> to vector<16xi32>
      %broadcast_in_dim3A_548 = arith.constant true
      %broadcast_in_dim3A_549 = vector.broadcast %broadcast_in_dim3A_548 : i1 to vector<16xi1>
      %masked_cumsum3A_550 = tpu.scan <sum>, %convert_element_type3A_547 masked %broadcast_in_dim3A_549 : vector<16xi32>, vector<16xi1> -> vector<16xi32>
      %max3A_551 = arith.maximumf %max3A_531, %add3A_544 : vector<16xf32>
      %mul3A_552 = arith.constant 256 : i32
      %mul3A_553 = arith.muli %scan3A_454, %mul3A_552 : i32
      %add3A_554 = arith.constant 80 : i32
      %add3A_555 = arith.addi %mul3A_553, %add3A_554 : i32
      %get3A_556 = arith.index_cast %add3A_555 : i32 to index
      %get3A_557 = tpu.vector_load %arg7[%get3A_556] {strides = array<i32>} : memref<50176xf32, #tpu.memory_space<vmem>>, vector<16xf32>,
      %mul3A_558 = arith.constant 256 : i32
      %mul3A_559 = arith.muli %scan3A_454, %mul3A_558 : i32
      %add3A_560 = arith.constant 80 : i32
      %add3A_561 = arith.addi %mul3A_559, %add3A_560 : i32
      %get3A_562 = arith.index_cast %add3A_561 : i32 to index
      %get3A_563 = tpu.vector_load %arg8[%get3A_562] {strides = array<i32>} : memref<50176xf32, #tpu.memory_space<vmem>>, vector<16xf32>,
      %add3A_564 = arith.addf %get3A_557, %get3A_563 : vector<16xf32>
      %ge3A_565 = arith.cmpf oge, %add3A_564, %min3A_157 : vector<16xf32>
      %all_reduce_population_count3A_566 = tpu.all_reduce %ge3A_565 {dim = 0 : i64, kind = #tpu.reduction_kind<sum>} : vector<16xi1> -> vector<16xi32>
      %convert_element_type3A_567 = arith.extui %ge3A_565 : vector<16xi1> to vector<16xi32>
      %broadcast_in_dim3A_568 = arith.constant true
      %broadcast_in_dim3A_569 = vector.broadcast %broadcast_in_dim3A_568 : i1 to vector<16xi1>
      %masked_cumsum3A_570 = tpu.scan <sum>, %convert_element_type3A_567 masked %broadcast_in_dim3A_569 : vector<16xi32>, vector<16xi1> -> vector<16xi32>
      %max3A_571 = arith.maximumf %max3A_551, %add3A_564 : vector<16xf32>
      %mul3A_572 = arith.constant 256 : i32
      %mul3A_573 = arith.muli %scan3A_454, %mul3A_572 : i32
      %add3A_574 = arith.constant 96 : i32
      %add3A_575 = arith.addi %mul3A_573, %add3A_574 : i32
      %get3A_576 = arith.index_cast %add3A_575 : i32 to index
      %get3A_577 = tpu.vector_load %arg7[%get3A_576] {strides = array<i32>} : memref<50176xf32, #tpu.memory_space<vmem>>, vector<16xf32>,
      %mul3A_578 = arith.constant 256 : i32
      %mul3A_579 = arith.muli %scan3A_454, %mul3A_578 : i32
      %add3A_580 = arith.constant 96 : i32
      %add3A_581 = arith.addi %mul3A_579, %add3A_580 : i32
      %get3A_582 = arith.index_cast %add3A_581 : i32 to index
      %get3A_583 = tpu.vector_load %arg8[%get3A_582] {strides = array<i32>} : memref<50176xf32, #tpu.memory_space<vmem>>, vector<16xf32>,
      %add3A_584 = arith.addf %get3A_577, %get3A_583 : vector<16xf32>
      %ge3A_585 = arith.cmpf oge, %add3A_584, %min3A_157 : vector<16xf32>
      %all_reduce_population_count3A_586 = tpu.all_reduce %ge3A_585 {dim = 0 : i64, kind = #tpu.reduction_kind<sum>} : vector<16xi1> -> vector<16xi32>
      %convert_element_type3A_587 = arith.extui %ge3A_585 : vector<16xi1> to vector<16xi32>
      %broadcast_in_dim3A_588 = arith.constant true
      %broadcast_in_dim3A_589 = vector.broadcast %broadcast_in_dim3A_588 : i1 to vector<16xi1>
      %masked_cumsum3A_590 = tpu.scan <sum>, %convert_element_type3A_587 masked %broadcast_in_dim3A_589 : vector<16xi32>, vector<16xi1> -> vector<16xi32>
      %max3A_591 = arith.maximumf %max3A_571, %add3A_584 : vector<16xf32>
      %mul3A_592 = arith.constant 256 : i32
      %mul3A_593 = arith.muli %scan3A_454, %mul3A_592 : i32
      %add3A_594 = arith.constant 112 : i32
      %add3A_595 = arith.addi %mul3A_593, %add3A_594 : i32
      %get3A_596 = arith.index_cast %add3A_595 : i32 to index
      %get3A_597 = tpu.vector_load %arg7[%get3A_596] {strides = array<i32>} : memref<50176xf32, #tpu.memory_space<vmem>>, vector<16xf32>,
      %mul3A_598 = arith.constant 256 : i32
      %mul3A_599 = arith.muli %scan3A_454, %mul3A_598 : i32
      %add3A_600 = arith.constant 112 : i32
      %add3A_601 = arith.addi %mul3A_599, %add3A_600 : i32
      %get3A_602 = arith.index_cast %add3A_601 : i32 to index
      %get3A_603 = tpu.vector_load %arg8[%get3A_602] {strides = array<i32>} : memref<50176xf32, #tpu.memory_space<vmem>>, vector<16xf32>,
      %add3A_604 = arith.addf %get3A_597, %get3A_603 : vector<16xf32>
      %ge3A_605 = arith.cmpf oge, %add3A_604, %min3A_157 : vector<16xf32>
      %all_reduce_population_count3A_606 = tpu.all_reduce %ge3A_605 {dim = 0 : i64, kind = #tpu.reduction_kind<sum>} : vector<16xi1> -> vector<16xi32>
      %convert_element_type3A_607 = arith.extui %ge3A_605 : vector<16xi1> to vector<16xi32>
      %broadcast_in_dim3A_608 = arith.constant true
      %broadcast_in_dim3A_609 = vector.broadcast %broadcast_in_dim3A_608 : i1 to vector<16xi1>
      %masked_cumsum3A_610 = tpu.scan <sum>, %convert_element_type3A_607 masked %broadcast_in_dim3A_609 : vector<16xi32>, vector<16xi1> -> vector<16xi32>
      %max3A_611 = arith.maximumf %max3A_591, %add3A_604 : vector<16xf32>
      %mul3A_612 = arith.constant 256 : i32
      %mul3A_613 = arith.muli %scan3A_454, %mul3A_612 : i32
      %add3A_614 = arith.constant 128 : i32
      %add3A_615 = arith.addi %mul3A_613, %add3A_614 : i32
      %get3A_616 = arith.index_cast %add3A_615 : i32 to index
      %get3A_617 = tpu.vector_load %arg7[%get3A_616] {strides = array<i32>} : memref<50176xf32, #tpu.memory_space<vmem>>, vector<16xf32>,
      %mul3A_618 = arith.constant 256 : i32
      %mul3A_619 = arith.muli %scan3A_454, %mul3A_618 : i32
      %add3A_620 = arith.constant 128 : i32
      %add3A_621 = arith.addi %mul3A_619, %add3A_620 : i32
      %get3A_622 = arith.index_cast %add3A_621 : i32 to index
      %get3A_623 = tpu.vector_load %arg8[%get3A_622] {strides = array<i32>} : memref<50176xf32, #tpu.memory_space<vmem>>, vector<16xf32>,
      %add3A_624 = arith.addf %get3A_617, %get3A_623 : vector<16xf32>
      %ge3A_625 = arith.cmpf oge, %add3A_624, %min3A_157 : vector<16xf32>
      %all_reduce_population_count3A_626 = tpu.all_reduce %ge3A_625 {dim = 0 : i64, kind = #tpu.reduction_kind<sum>} : vector<16xi1> -> vector<16xi32>
      %convert_element_type3A_627 = arith.extui %ge3A_625 : vector<16xi1> to vector<16xi32>
      %broadcast_in_dim3A_628 = arith.constant true
      %broadcast_in_dim3A_629 = vector.broadcast %broadcast_in_dim3A_628 : i1 to vector<16xi1>
      %masked_cumsum3A_630 = tpu.scan <sum>, %convert_element_type3A_627 masked %broadcast_in_dim3A_629 : vector<16xi32>, vector<16xi1> -> vector<16xi32>
      %max3A_631 = arith.maximumf %max3A_611, %add3A_624 : vector<16xf32>
      %mul3A_632 = arith.constant 256 : i32
      %mul3A_633 = arith.muli %scan3A_454, %mul3A_632 : i32
      %add3A_634 = arith.constant 144 : i32
      %add3A_635 = arith.addi %mul3A_633, %add3A_634 : i32
      %get3A_636 = arith.index_cast %add3A_635 : i32 to index
      %get3A_637 = tpu.vector_load %arg7[%get3A_636] {strides = array<i32>} : memref<50176xf32, #tpu.memory_space<vmem>>, vector<16xf32>,
      %mul3A_638 = arith.constant 256 : i32
      %mul3A_639 = arith.muli %scan3A_454, %mul3A_638 : i32
      %add3A_640 = arith.constant 144 : i32
      %add3A_641 = arith.addi %mul3A_639, %add3A_640 : i32
      %get3A_642 = arith.index_cast %add3A_641 : i32 to index
      %get3A_643 = tpu.vector_load %arg8[%get3A_642] {strides = array<i32>} : memref<50176xf32, #tpu.memory_space<vmem>>, vector<16xf32>,
      %add3A_644 = arith.addf %get3A_637, %get3A_643 : vector<16xf32>
      %ge3A_645 = arith.cmpf oge, %add3A_644, %min3A_157 : vector<16xf32>
      %all_reduce_population_count3A_646 = tpu.all_reduce %ge3A_645 {dim = 0 : i64, kind = #tpu.reduction_kind<sum>} : vector<16xi1> -> vector<16xi32>
      %convert_element_type3A_647 = arith.extui %ge3A_645 : vector<16xi1> to vector<16xi32>
      %broadcast_in_dim3A_648 = arith.constant true
      %broadcast_in_dim3A_649 = vector.broadcast %broadcast_in_dim3A_648 : i1 to vector<16xi1>
      %masked_cumsum3A_650 = tpu.scan <sum>, %convert_element_type3A_647 masked %broadcast_in_dim3A_649 : vector<16xi32>, vector<16xi1> -> vector<16xi32>
      %max3A_651 = arith.maximumf %max3A_631, %add3A_644 : vector<16xf32>
      %mul3A_652 = arith.constant 256 : i32
      %mul3A_653 = arith.muli %scan3A_454, %mul3A_652 : i32
      %add3A_654 = arith.constant 160 : i32
      %add3A_655 = arith.addi %mul3A_653, %add3A_654 : i32
      %get3A_656 = arith.index_cast %add3A_655 : i32 to index
      %get3A_657 = tpu.vector_load %arg7[%get3A_656] {strides = array<i32>} : memref<50176xf32, #tpu.memory_space<vmem>>, vector<16xf32>,
      %mul3A_658 = arith.constant 256 : i32
      %mul3A_659 = arith.muli %scan3A_454, %mul3A_658 : i32
      %add3A_660 = arith.constant 160 : i32
      %add3A_661 = arith.addi %mul3A_659, %add3A_660 : i32
      %get3A_662 = arith.index_cast %add3A_661 : i32 to index
      %get3A_663 = tpu.vector_load %arg8[%get3A_662] {strides = array<i32>} : memref<50176xf32, #tpu.memory_space<vmem>>, vector<16xf32>,
      %add3A_664 = arith.addf %get3A_657, %get3A_663 : vector<16xf32>
      %ge3A_665 = arith.cmpf oge, %add3A_664, %min3A_157 : vector<16xf32>
      %all_reduce_population_count3A_666 = tpu.all_reduce %ge3A_665 {dim = 0 : i64, kind = #tpu.reduction_kind<sum>} : vector<16xi1> -> vector<16xi32>
      %convert_element_type3A_667 = arith.extui %ge3A_665 : vector<16xi1> to vector<16xi32>
      %broadcast_in_dim3A_668 = arith.constant true
      %broadcast_in_dim3A_669 = vector.broadcast %broadcast_in_dim3A_668 : i1 to vector<16xi1>
      %masked_cumsum3A_670 = tpu.scan <sum>, %convert_element_type3A_667 masked %broadcast_in_dim3A_669 : vector<16xi32>, vector<16xi1> -> vector<16xi32>
      %max3A_671 = arith.maximumf %max3A_651, %add3A_664 : vector<16xf32>
      %mul3A_672 = arith.constant 256 : i32
      %mul3A_673 = arith.muli %scan3A_454, %mul3A_672 : i32
      %add3A_674 = arith.constant 176 : i32
      %add3A_675 = arith.addi %mul3A_673, %add3A_674 : i32
      %get3A_676 = arith.index_cast %add3A_675 : i32 to index
      %get3A_677 = tpu.vector_load %arg7[%get3A_676] {strides = array<i32>} : memref<50176xf32, #tpu.memory_space<vmem>>, vector<16xf32>,
      %mul3A_678 = arith.constant 256 : i32
      %mul3A_679 = arith.muli %scan3A_454, %mul3A_678 : i32
      %add3A_680 = arith.constant 176 : i32
      %add3A_681 = arith.addi %mul3A_679, %add3A_680 : i32
      %get3A_682 = arith.index_cast %add3A_681 : i32 to index
      %get3A_683 = tpu.vector_load %arg8[%get3A_682] {strides = array<i32>} : memref<50176xf32, #tpu.memory_space<vmem>>, vector<16xf32>,
      %add3A_684 = arith.addf %get3A_677, %get3A_683 : vector<16xf32>
      %ge3A_685 = arith.cmpf oge, %add3A_684, %min3A_157 : vector<16xf32>
      %all_reduce_population_count3A_686 = tpu.all_reduce %ge3A_685 {dim = 0 : i64, kind = #tpu.reduction_kind<sum>} : vector<16xi1> -> vector<16xi32>
      %convert_element_type3A_687 = arith.extui %ge3A_685 : vector<16xi1> to vector<16xi32>
      %broadcast_in_dim3A_688 = arith.constant true
      %broadcast_in_dim3A_689 = vector.broadcast %broadcast_in_dim3A_688 : i1 to vector<16xi1>
      %masked_cumsum3A_690 = tpu.scan <sum>, %convert_element_type3A_687 masked %broadcast_in_dim3A_689 : vector<16xi32>, vector<16xi1> -> vector<16xi32>
      %max3A_691 = arith.maximumf %max3A_671, %add3A_684 : vector<16xf32>
      %mul3A_692 = arith.constant 256 : i32
      %mul3A_693 = arith.muli %scan3A_454, %mul3A_692 : i32
      %add3A_694 = arith.constant 192 : i32
      %add3A_695 = arith.addi %mul3A_693, %add3A_694 : i32
      %get3A_696 = arith.index_cast %add3A_695 : i32 to index
      %get3A_697 = tpu.vector_load %arg7[%get3A_696] {strides = array<i32>} : memref<50176xf32, #tpu.memory_space<vmem>>, vector<16xf32>,
      %mul3A_698 = arith.constant 256 : i32
      %mul3A_699 = arith.muli %scan3A_454, %mul3A_698 : i32
      %add3A_700 = arith.constant 192 : i32
      %add3A_701 = arith.addi %mul3A_699, %add3A_700 : i32
      %get3A_702 = arith.index_cast %add3A_701 : i32 to index
      %get3A_703 = tpu.vector_load %arg8[%get3A_702] {strides = array<i32>} : memref<50176xf32, #tpu.memory_space<vmem>>, vector<16xf32>,
      %add3A_704 = arith.addf %get3A_697, %get3A_703 : vector<16xf32>
      %ge3A_705 = arith.cmpf oge, %add3A_704, %min3A_157 : vector<16xf32>
      %all_reduce_population_count3A_706 = tpu.all_reduce %ge3A_705 {dim = 0 : i64, kind = #tpu.reduction_kind<sum>} : vector<16xi1> -> vector<16xi32>
      %convert_element_type3A_707 = arith.extui %ge3A_705 : vector<16xi1> to vector<16xi32>
      %broadcast_in_dim3A_708 = arith.constant true
      %broadcast_in_dim3A_709 = vector.broadcast %broadcast_in_dim3A_708 : i1 to vector<16xi1>
      %masked_cumsum3A_710 = tpu.scan <sum>, %convert_element_type3A_707 masked %broadcast_in_dim3A_709 : vector<16xi32>, vector<16xi1> -> vector<16xi32>
      %max3A_711 = arith.maximumf %max3A_691, %add3A_704 : vector<16xf32>
      %mul3A_712 = arith.constant 256 : i32
      %mul3A_713 = arith.muli %scan3A_454, %mul3A_712 : i32
      %add3A_714 = arith.constant 208 : i32
      %add3A_715 = arith.addi %mul3A_713, %add3A_714 : i32
      %get3A_716 = arith.index_cast %add3A_715 : i32 to index
      %get3A_717 = tpu.vector_load %arg7[%get3A_716] {strides = array<i32>} : memref<50176xf32, #tpu.memory_space<vmem>>, vector<16xf32>,
      %mul3A_718 = arith.constant 256 : i32
      %mul3A_719 = arith.muli %scan3A_454, %mul3A_718 : i32
      %add3A_720 = arith.constant 208 : i32
      %add3A_721 = arith.addi %mul3A_719, %add3A_720 : i32
      %get3A_722 = arith.index_cast %add3A_721 : i32 to index
      %get3A_723 = tpu.vector_load %arg8[%get3A_722] {strides = array<i32>} : memref<50176xf32, #tpu.memory_space<vmem>>, vector<16xf32>,
      %add3A_724 = arith.addf %get3A_717, %get3A_723 : vector<16xf32>
      %ge3A_725 = arith.cmpf oge, %add3A_724, %min3A_157 : vector<16xf32>
      %all_reduce_population_count3A_726 = tpu.all_reduce %ge3A_725 {dim = 0 : i64, kind = #tpu.reduction_kind<sum>} : vector<16xi1> -> vector<16xi32>
      %convert_element_type3A_727 = arith.extui %ge3A_725 : vector<16xi1> to vector<16xi32>
      %broadcast_in_dim3A_728 = arith.constant true
      %broadcast_in_dim3A_729 = vector.broadcast %broadcast_in_dim3A_728 : i1 to vector<16xi1>
      %masked_cumsum3A_730 = tpu.scan <sum>, %convert_element_type3A_727 masked %broadcast_in_dim3A_729 : vector<16xi32>, vector<16xi1> -> vector<16xi32>
      %max3A_731 = arith.maximumf %max3A_711, %add3A_724 : vector<16xf32>
      %mul3A_732 = arith.constant 256 : i32
      %mul3A_733 = arith.muli %scan3A_454, %mul3A_732 : i32
      %add3A_734 = arith.constant 224 : i32
      %add3A_735 = arith.addi %mul3A_733, %add3A_734 : i32
      %get3A_736 = arith.index_cast %add3A_735 : i32 to index
      %get3A_737 = tpu.vector_load %arg7[%get3A_736] {strides = array<i32>} : memref<50176xf32, #tpu.memory_space<vmem>>, vector<16xf32>,
      %mul3A_738 = arith.constant 256 : i32
      %mul3A_739 = arith.muli %scan3A_454, %mul3A_738 : i32
      %add3A_740 = arith.constant 224 : i32
      %add3A_741 = arith.addi %mul3A_739, %add3A_740 : i32
      %get3A_742 = arith.index_cast %add3A_741 : i32 to index
      %get3A_743 = tpu.vector_load %arg8[%get3A_742] {strides = array<i32>} : memref<50176xf32, #tpu.memory_space<vmem>>, vector<16xf32>,
      %add3A_744 = arith.addf %get3A_737, %get3A_743 : vector<16xf32>
      %ge3A_745 = arith.cmpf oge, %add3A_744, %min3A_157 : vector<16xf32>
      %all_reduce_population_count3A_746 = tpu.all_reduce %ge3A_745 {dim = 0 : i64, kind = #tpu.reduction_kind<sum>} : vector<16xi1> -> vector<16xi32>
      %convert_element_type3A_747 = arith.extui %ge3A_745 : vector<16xi1> to vector<16xi32>
      %broadcast_in_dim3A_748 = arith.constant true
      %broadcast_in_dim3A_749 = vector.broadcast %broadcast_in_dim3A_748 : i1 to vector<16xi1>
      %masked_cumsum3A_750 = tpu.scan <sum>, %convert_element_type3A_747 masked %broadcast_in_dim3A_749 : vector<16xi32>, vector<16xi1> -> vector<16xi32>
      %max3A_751 = arith.maximumf %max3A_731, %add3A_744 : vector<16xf32>
      %mul3A_752 = arith.constant 256 : i32
      %mul3A_753 = arith.muli %scan3A_454, %mul3A_752 : i32
      %add3A_754 = arith.constant 240 : i32
      %add3A_755 = arith.addi %mul3A_753, %add3A_754 : i32
      %get3A_756 = arith.index_cast %add3A_755 : i32 to index
      %get3A_757 = tpu.vector_load %arg7[%get3A_756] {strides = array<i32>} : memref<50176xf32, #tpu.memory_space<vmem>>, vector<16xf32>,
      %mul3A_758 = arith.constant 256 : i32
      %mul3A_759 = arith.muli %scan3A_454, %mul3A_758 : i32
      %add3A_760 = arith.constant 240 : i32
      %add3A_761 = arith.addi %mul3A_759, %add3A_760 : i32
      %get3A_762 = arith.index_cast %add3A_761 : i32 to index
      %get3A_763 = tpu.vector_load %arg8[%get3A_762] {strides = array<i32>} : memref<50176xf32, #tpu.memory_space<vmem>>, vector<16xf32>,
      %add3A_764 = arith.addf %get3A_757, %get3A_763 : vector<16xf32>
      %ge3A_765 = arith.cmpf oge, %add3A_764, %min3A_157 : vector<16xf32>
      %all_reduce_population_count3A_766 = tpu.all_reduce %ge3A_765 {dim = 0 : i64, kind = #tpu.reduction_kind<sum>} : vector<16xi1> -> vector<16xi32>
      %convert_element_type3A_767 = arith.extui %ge3A_765 : vector<16xi1> to vector<16xi32>
      %broadcast_in_dim3A_768 = arith.constant true
      %broadcast_in_dim3A_769 = vector.broadcast %broadcast_in_dim3A_768 : i1 to vector<16xi1>
      %masked_cumsum3A_770 = tpu.scan <sum>, %convert_element_type3A_767 masked %broadcast_in_dim3A_769 : vector<16xi32>, vector<16xi1> -> vector<16xi32>
      %max3A_771 = arith.maximumf %max3A_751, %add3A_764 : vector<16xf32>
      %add3A_772 = arith.addi %scan3A_456, %all_reduce_population_count3A : vector<16xi32>
      %add3A_773 = arith.addi %add3A_772, %all_reduce_population_count3A_486 : vector<16xi32>
      %add3A_774 = arith.addi %add3A_773, %all_reduce_population_count3A_506 : vector<16xi32>
      %add3A_775 = arith.addi %add3A_774, %all_reduce_population_count3A_526 : vector<16xi32>
      %add3A_776 = arith.addi %add3A_775, %all_reduce_population_count3A_546 : vector<16xi32>
      %add3A_777 = arith.addi %add3A_776, %all_reduce_population_count3A_566 : vector<16xi32>
      %add3A_778 = arith.addi %add3A_777, %all_reduce_population_count3A_586 : vector<16xi32>
      %add3A_779 = arith.addi %add3A_778, %all_reduce_population_count3A_606 : vector<16xi32>
      %add3A_780 = arith.addi %add3A_779, %all_reduce_population_count3A_626 : vector<16xi32>
      %add3A_781 = arith.addi %add3A_780, %all_reduce_population_count3A_646 : vector<16xi32>
      %add3A_782 = arith.addi %add3A_781, %all_reduce_population_count3A_666 : vector<16xi32>
      %add3A_783 = arith.addi %add3A_782, %all_reduce_population_count3A_686 : vector<16xi32>
      %add3A_784 = arith.addi %add3A_783, %all_reduce_population_count3A_706 : vector<16xi32>
      %add3A_785 = arith.addi %add3A_784, %all_reduce_population_count3A_726 : vector<16xi32>
      %add3A_786 = arith.addi %add3A_785, %all_reduce_population_count3A_746 : vector<16xi32>
      %add3A_787 = arith.addi %scan3A_456, %masked_cumsum3A : vector<16xi32>
      %min3A_788 = arith.constant 2063 : i32
      %min3A_789 = vector.broadcast %min3A_788 : i32 to vector<16xi32>
      %min3A_790 = arith.minsi %add3A_787, %min3A_789 : vector<16xi32>
      %mul3A_791 = arith.constant 256 : i32
      %mul3A_792 = arith.muli %scan3A_454, %mul3A_791 : i32
      %add3A_793 = arith.constant 0 : i32
      %add3A_794 = arith.addi %mul3A_792, %add3A_793 : i32
      %add3A_795 = vector.broadcast %add3A_794 : i32 to vector<16xi32>
      %add3A_796 = arith.addi %add3A_795, %iota3A : vector<16xi32>
      tpu.vector_store_idx %arg12[%min3A_790], %add3A_796 masked %ge3A : memref<2064xi32, #tpu.memory_space<vmem>>[vector<16xi32>], vector<16xi32>, vector<16xi1>
      %add3A_797 = arith.addi %add3A_772, %masked_cumsum3A_490 : vector<16xi32>
      %min3A_798 = arith.constant 2063 : i32
      %min3A_799 = vector.broadcast %min3A_798 : i32 to vector<16xi32>
      %min3A_800 = arith.minsi %add3A_797, %min3A_799 : vector<16xi32>
      %mul3A_801 = arith.constant 256 : i32
      %mul3A_802 = arith.muli %scan3A_454, %mul3A_801 : i32
      %add3A_803 = arith.constant 16 : i32
      %add3A_804 = arith.addi %mul3A_802, %add3A_803 : i32
      %add3A_805 = vector.broadcast %add3A_804 : i32 to vector<16xi32>
      %add3A_806 = arith.addi %add3A_805, %iota3A : vector<16xi32>
      tpu.vector_store_idx %arg12[%min3A_800], %add3A_806 masked %ge3A_485 : memref<2064xi32, #tpu.memory_space<vmem>>[vector<16xi32>], vector<16xi32>, vector<16xi1>
      %add3A_807 = arith.addi %add3A_773, %masked_cumsum3A_510 : vector<16xi32>
      %min3A_808 = arith.constant 2063 : i32
      %min3A_809 = vector.broadcast %min3A_808 : i32 to vector<16xi32>
      %min3A_810 = arith.minsi %add3A_807, %min3A_809 : vector<16xi32>
      %mul3A_811 = arith.constant 256 : i32
      %mul3A_812 = arith.muli %scan3A_454, %mul3A_811 : i32
      %add3A_813 = arith.constant 32 : i32
      %add3A_814 = arith.addi %mul3A_812, %add3A_813 : i32
      %add3A_815 = vector.broadcast %add3A_814 : i32 to vector<16xi32>
      %add3A_816 = arith.addi %add3A_815, %iota3A : vector<16xi32>
      tpu.vector_store_idx %arg12[%min3A_810], %add3A_816 masked %ge3A_505 : memref<2064xi32, #tpu.memory_space<vmem>>[vector<16xi32>], vector<16xi32>, vector<16xi1>
      %add3A_817 = arith.addi %add3A_774, %masked_cumsum3A_530 : vector<16xi32>
      %min3A_818 = arith.constant 2063 : i32
      %min3A_819 = vector.broadcast %min3A_818 : i32 to vector<16xi32>
      %min3A_820 = arith.minsi %add3A_817, %min3A_819 : vector<16xi32>
      %mul3A_821 = arith.constant 256 : i32
      %mul3A_822 = arith.muli %scan3A_454, %mul3A_821 : i32
      %add3A_823 = arith.constant 48 : i32
      %add3A_824 = arith.addi %mul3A_822, %add3A_823 : i32
      %add3A_825 = vector.broadcast %add3A_824 : i32 to vector<16xi32>
      %add3A_826 = arith.addi %add3A_825, %iota3A : vector<16xi32>
      tpu.vector_store_idx %arg12[%min3A_820], %add3A_826 masked %ge3A_525 : memref<2064xi32, #tpu.memory_space<vmem>>[vector<16xi32>], vector<16xi32>, vector<16xi1>
      %add3A_827 = arith.addi %add3A_775, %masked_cumsum3A_550 : vector<16xi32>
      %min3A_828 = arith.constant 2063 : i32
      %min3A_829 = vector.broadcast %min3A_828 : i32 to vector<16xi32>
      %min3A_830 = arith.minsi %add3A_827, %min3A_829 : vector<16xi32>
      %mul3A_831 = arith.constant 256 : i32
      %mul3A_832 = arith.muli %scan3A_454, %mul3A_831 : i32
      %add3A_833 = arith.constant 64 : i32
      %add3A_834 = arith.addi %mul3A_832, %add3A_833 : i32
      %add3A_835 = vector.broadcast %add3A_834 : i32 to vector<16xi32>
      %add3A_836 = arith.addi %add3A_835, %iota3A : vector<16xi32>
      tpu.vector_store_idx %arg12[%min3A_830], %add3A_836 masked %ge3A_545 : memref<2064xi32, #tpu.memory_space<vmem>>[vector<16xi32>], vector<16xi32>, vector<16xi1>
      %add3A_837 = arith.addi %add3A_776, %masked_cumsum3A_570 : vector<16xi32>
      %min3A_838 = arith.constant 2063 : i32
      %min3A_839 = vector.broadcast %min3A_838 : i32 to vector<16xi32>
      %min3A_840 = arith.minsi %add3A_837, %min3A_839 : vector<16xi32>
      %mul3A_841 = arith.constant 256 : i32
      %mul3A_842 = arith.muli %scan3A_454, %mul3A_841 : i32
      %add3A_843 = arith.constant 80 : i32
      %add3A_844 = arith.addi %mul3A_842, %add3A_843 : i32
      %add3A_845 = vector.broadcast %add3A_844 : i32 to vector<16xi32>
      %add3A_846 = arith.addi %add3A_845, %iota3A : vector<16xi32>
      tpu.vector_store_idx %arg12[%min3A_840], %add3A_846 masked %ge3A_565 : memref<2064xi32, #tpu.memory_space<vmem>>[vector<16xi32>], vector<16xi32>, vector<16xi1>
      %add3A_847 = arith.addi %add3A_777, %masked_cumsum3A_590 : vector<16xi32>
      %min3A_848 = arith.constant 2063 : i32
      %min3A_849 = vector.broadcast %min3A_848 : i32 to vector<16xi32>
      %min3A_850 = arith.minsi %add3A_847, %min3A_849 : vector<16xi32>
      %mul3A_851 = arith.constant 256 : i32
      %mul3A_852 = arith.muli %scan3A_454, %mul3A_851 : i32
      %add3A_853 = arith.constant 96 : i32
      %add3A_854 = arith.addi %mul3A_852, %add3A_853 : i32
      %add3A_855 = vector.broadcast %add3A_854 : i32 to vector<16xi32>
      %add3A_856 = arith.addi %add3A_855, %iota3A : vector<16xi32>
      tpu.vector_store_idx %arg12[%min3A_850], %add3A_856 masked %ge3A_585 : memref<2064xi32, #tpu.memory_space<vmem>>[vector<16xi32>], vector<16xi32>, vector<16xi1>
      %add3A_857 = arith.addi %add3A_778, %masked_cumsum3A_610 : vector<16xi32>
      %min3A_858 = arith.constant 2063 : i32
      %min3A_859 = vector.broadcast %min3A_858 : i32 to vector<16xi32>
      %min3A_860 = arith.minsi %add3A_857, %min3A_859 : vector<16xi32>
      %mul3A_861 = arith.constant 256 : i32
      %mul3A_862 = arith.muli %scan3A_454, %mul3A_861 : i32
      %add3A_863 = arith.constant 112 : i32
      %add3A_864 = arith.addi %mul3A_862, %add3A_863 : i32
      %add3A_865 = vector.broadcast %add3A_864 : i32 to vector<16xi32>
      %add3A_866 = arith.addi %add3A_865, %iota3A : vector<16xi32>
      tpu.vector_store_idx %arg12[%min3A_860], %add3A_866 masked %ge3A_605 : memref<2064xi32, #tpu.memory_space<vmem>>[vector<16xi32>], vector<16xi32>, vector<16xi1>
      %add3A_867 = arith.addi %add3A_779, %masked_cumsum3A_630 : vector<16xi32>
      %min3A_868 = arith.constant 2063 : i32
      %min3A_869 = vector.broadcast %min3A_868 : i32 to vector<16xi32>
      %min3A_870 = arith.minsi %add3A_867, %min3A_869 : vector<16xi32>
      %mul3A_871 = arith.constant 256 : i32
      %mul3A_872 = arith.muli %scan3A_454, %mul3A_871 : i32
      %add3A_873 = arith.constant 128 : i32
      %add3A_874 = arith.addi %mul3A_872, %add3A_873 : i32
      %add3A_875 = vector.broadcast %add3A_874 : i32 to vector<16xi32>
      %add3A_876 = arith.addi %add3A_875, %iota3A : vector<16xi32>
      tpu.vector_store_idx %arg12[%min3A_870], %add3A_876 masked %ge3A_625 : memref<2064xi32, #tpu.memory_space<vmem>>[vector<16xi32>], vector<16xi32>, vector<16xi1>
      %add3A_877 = arith.addi %add3A_780, %masked_cumsum3A_650 : vector<16xi32>
      %min3A_878 = arith.constant 2063 : i32
      %min3A_879 = vector.broadcast %min3A_878 : i32 to vector<16xi32>
      %min3A_880 = arith.minsi %add3A_877, %min3A_879 : vector<16xi32>
      %mul3A_881 = arith.constant 256 : i32
      %mul3A_882 = arith.muli %scan3A_454, %mul3A_881 : i32
      %add3A_883 = arith.constant 144 : i32
      %add3A_884 = arith.addi %mul3A_882, %add3A_883 : i32
      %add3A_885 = vector.broadcast %add3A_884 : i32 to vector<16xi32>
      %add3A_886 = arith.addi %add3A_885, %iota3A : vector<16xi32>
      tpu.vector_store_idx %arg12[%min3A_880], %add3A_886 masked %ge3A_645 : memref<2064xi32, #tpu.memory_space<vmem>>[vector<16xi32>], vector<16xi32>, vector<16xi1>
      %add3A_887 = arith.addi %add3A_781, %masked_cumsum3A_670 : vector<16xi32>
      %min3A_888 = arith.constant 2063 : i32
      %min3A_889 = vector.broadcast %min3A_888 : i32 to vector<16xi32>
      %min3A_890 = arith.minsi %add3A_887, %min3A_889 : vector<16xi32>
      %mul3A_891 = arith.constant 256 : i32
      %mul3A_892 = arith.muli %scan3A_454, %mul3A_891 : i32
      %add3A_893 = arith.constant 160 : i32
      %add3A_894 = arith.addi %mul3A_892, %add3A_893 : i32
      %add3A_895 = vector.broadcast %add3A_894 : i32 to vector<16xi32>
      %add3A_896 = arith.addi %add3A_895, %iota3A : vector<16xi32>
      tpu.vector_store_idx %arg12[%min3A_890], %add3A_896 masked %ge3A_665 : memref<2064xi32, #tpu.memory_space<vmem>>[vector<16xi32>], vector<16xi32>, vector<16xi1>
      %add3A_897 = arith.addi %add3A_782, %masked_cumsum3A_690 : vector<16xi32>
      %min3A_898 = arith.constant 2063 : i32
      %min3A_899 = vector.broadcast %min3A_898 : i32 to vector<16xi32>
      %min3A_900 = arith.minsi %add3A_897, %min3A_899 : vector<16xi32>
      %mul3A_901 = arith.constant 256 : i32
      %mul3A_902 = arith.muli %scan3A_454, %mul3A_901 : i32
      %add3A_903 = arith.constant 176 : i32
      %add3A_904 = arith.addi %mul3A_902, %add3A_903 : i32
      %add3A_905 = vector.broadcast %add3A_904 : i32 to vector<16xi32>
      %add3A_906 = arith.addi %add3A_905, %iota3A : vector<16xi32>
      tpu.vector_store_idx %arg12[%min3A_900], %add3A_906 masked %ge3A_685 : memref<2064xi32, #tpu.memory_space<vmem>>[vector<16xi32>], vector<16xi32>, vector<16xi1>
      %add3A_907 = arith.addi %add3A_783, %masked_cumsum3A_710 : vector<16xi32>
      %min3A_908 = arith.constant 2063 : i32
      %min3A_909 = vector.broadcast %min3A_908 : i32 to vector<16xi32>
      %min3A_910 = arith.minsi %add3A_907, %min3A_909 : vector<16xi32>
      %mul3A_911 = arith.constant 256 : i32
      %mul3A_912 = arith.muli %scan3A_454, %mul3A_911 : i32
      %add3A_913 = arith.constant 192 : i32
      %add3A_914 = arith.addi %mul3A_912, %add3A_913 : i32
      %add3A_915 = vector.broadcast %add3A_914 : i32 to vector<16xi32>
      %add3A_916 = arith.addi %add3A_915, %iota3A : vector<16xi32>
      tpu.vector_store_idx %arg12[%min3A_910], %add3A_916 masked %ge3A_705 : memref<2064xi32, #tpu.memory_space<vmem>>[vector<16xi32>], vector<16xi32>, vector<16xi1>
      %add3A_917 = arith.addi %add3A_784, %masked_cumsum3A_730 : vector<16xi32>
      %min3A_918 = arith.constant 2063 : i32
      %min3A_919 = vector.broadcast %min3A_918 : i32 to vector<16xi32>
      %min3A_920 = arith.minsi %add3A_917, %min3A_919 : vector<16xi32>
      %mul3A_921 = arith.constant 256 : i32
      %mul3A_922 = arith.muli %scan3A_454, %mul3A_921 : i32
      %add3A_923 = arith.constant 208 : i32
      %add3A_924 = arith.addi %mul3A_922, %add3A_923 : i32
      %add3A_925 = vector.broadcast %add3A_924 : i32 to vector<16xi32>
      %add3A_926 = arith.addi %add3A_925, %iota3A : vector<16xi32>
      tpu.vector_store_idx %arg12[%min3A_920], %add3A_926 masked %ge3A_725 : memref<2064xi32, #tpu.memory_space<vmem>>[vector<16xi32>], vector<16xi32>, vector<16xi1>
      %add3A_927 = arith.addi %add3A_785, %masked_cumsum3A_750 : vector<16xi32>
      %min3A_928 = arith.constant 2063 : i32
      %min3A_929 = vector.broadcast %min3A_928 : i32 to vector<16xi32>
      %min3A_930 = arith.minsi %add3A_927, %min3A_929 : vector<16xi32>
      %mul3A_931 = arith.constant 256 : i32
      %mul3A_932 = arith.muli %scan3A_454, %mul3A_931 : i32
      %add3A_933 = arith.constant 224 : i32
      %add3A_934 = arith.addi %mul3A_932, %add3A_933 : i32
      %add3A_935 = vector.broadcast %add3A_934 : i32 to vector<16xi32>
      %add3A_936 = arith.addi %add3A_935, %iota3A : vector<16xi32>
      tpu.vector_store_idx %arg12[%min3A_930], %add3A_936 masked %ge3A_745 : memref<2064xi32, #tpu.memory_space<vmem>>[vector<16xi32>], vector<16xi32>, vector<16xi1>
      %add3A_937 = arith.addi %add3A_786, %masked_cumsum3A_770 : vector<16xi32>
      %min3A_938 = arith.constant 2063 : i32
      %min3A_939 = vector.broadcast %min3A_938 : i32 to vector<16xi32>
      %min3A_940 = arith.minsi %add3A_937, %min3A_939 : vector<16xi32>
      %mul3A_941 = arith.constant 256 : i32
      %mul3A_942 = arith.muli %scan3A_454, %mul3A_941 : i32
      %add3A_943 = arith.constant 240 : i32
      %add3A_944 = arith.addi %mul3A_942, %add3A_943 : i32
      %add3A_945 = vector.broadcast %add3A_944 : i32 to vector<16xi32>
      %add3A_946 = arith.addi %add3A_945, %iota3A : vector<16xi32>
      tpu.vector_store_idx %arg12[%min3A_940], %add3A_946 masked %ge3A_765 : memref<2064xi32, #tpu.memory_space<vmem>>[vector<16xi32>], vector<16xi32>, vector<16xi1>
      %add3A_947 = arith.addi %add3A_786, %all_reduce_population_count3A_766 : vector<16xi32>
      scf.yield %max3A_771, %add3A_947 : vector<16xf32>, vector<16xi32>
    }
    %scan3A_163 = arith.constant 49 : i32
    %eq3A_164 = arith.constant 0 : i32
    %eq3A_165 = arith.cmpi eq, %select_n3A_30, %eq3A_164 : i32
    %convert_element_type3A_166 = arith.extui %eq3A_165 : i1 to i32
    %cond3A_167 = arith.constant 0 : i32
    %cond3A_168 = arith.cmpi ne, %convert_element_type3A_166, %cond3A_167 : i32
    scf.if %cond3A_168 {
      %dma_start3A_454 = arith.constant 0 : i32
      %dma_start3A_455 = arith.constant 25088 : i32
      %dma_start3A_456 = tpu.memref_slice %arg7[%dma_start3A_455] : memref<50176xf32, #tpu.memory_space<vmem>> -> memref<12544xf32, #tpu.memory_space<vmem>>
      %dma_start3A_457 = arith.constant 25088 : i32
      %dma_start3A_458 = tpu.memref_slice %arg2[%select_n3A, %dma_start3A_454, %dma_start3A_457] : memref<16x1x100000xf32, #tpu.memory_space<hbm>> -> memref<1x1x12544xf32, #tpu.memory_space<hbm>>
      %dma_start3A_459 = tpu.memref_squeeze %dma_start3A_458 : memref<1x1x12544xf32, #tpu.memory_space<hbm>> -> memref<12544xf32, #tpu.memory_space<hbm>>
      %dma_start3A_460 = arith.constant 25088 : i32
      %dma_start3A_461 = tpu.memref_slice %arg7[%dma_start3A_460] : memref<50176xf32, #tpu.memory_space<vmem>> -> memref<12544xf32, #tpu.memory_space<vmem>>
      %dma_start3A_462 = arith.constant 25088 : i32
      %dma_start3A_463 = tpu.memref_slice %arg2[%select_n3A, %dma_start3A_454, %dma_start3A_462] : memref<16x1x100000xf32, #tpu.memory_space<hbm>> -> memref<1x1x12544xf32, #tpu.memory_space<hbm>>
      %dma_start3A_464 = tpu.memref_squeeze %dma_start3A_463 : memref<1x1x12544xf32, #tpu.memory_space<hbm>> -> memref<12544xf32, #tpu.memory_space<hbm>>
      tpu.enqueue_dma source(%dma_start3A_464 : memref<12544xf32, #tpu.memory_space<hbm>>) target(%dma_start3A_461 : memref<12544xf32, #tpu.memory_space<vmem>>) target_semaphore(%arg15 : memref<!tpu.dma_semaphore, #tpu.memory_space<semaphore_mem>>)
      %dma_start3A_465 = arith.constant 0 : i32
      %dma_start3A_466 = arith.constant 25088 : i32
      %dma_start3A_467 = tpu.memref_slice %arg8[%dma_start3A_466] : memref<50176xf32, #tpu.memory_space<vmem>> -> memref<12544xf32, #tpu.memory_space<vmem>>
      %dma_start3A_468 = arith.constant 25088 : i32
      %dma_start3A_469 = tpu.memref_slice %arg3[%select_n3A, %dma_start3A_465, %dma_start3A_468] : memref<16x1x100000xf32, #tpu.memory_space<hbm>> -> memref<1x1x12544xf32, #tpu.memory_space<hbm>>
      %dma_start3A_470 = tpu.memref_squeeze %dma_start3A_469 : memref<1x1x12544xf32, #tpu.memory_space<hbm>> -> memref<12544xf32, #tpu.memory_space<hbm>>
      %dma_start3A_471 = arith.constant 25088 : i32
      %dma_start3A_472 = tpu.memref_slice %arg8[%dma_start3A_471] : memref<50176xf32, #tpu.memory_space<vmem>> -> memref<12544xf32, #tpu.memory_space<vmem>>
      %dma_start3A_473 = arith.constant 25088 : i32
      %dma_start3A_474 = tpu.memref_slice %arg3[%select_n3A, %dma_start3A_465, %dma_start3A_473] : memref<16x1x100000xf32, #tpu.memory_space<hbm>> -> memref<1x1x12544xf32, #tpu.memory_space<hbm>>
      %dma_start3A_475 = tpu.memref_squeeze %dma_start3A_474 : memref<1x1x12544xf32, #tpu.memory_space<hbm>> -> memref<12544xf32, #tpu.memory_space<hbm>>
      tpu.enqueue_dma source(%dma_start3A_475 : memref<12544xf32, #tpu.memory_space<hbm>>) target(%dma_start3A_472 : memref<12544xf32, #tpu.memory_space<vmem>>) target_semaphore(%arg19 : memref<!tpu.dma_semaphore, #tpu.memory_space<semaphore_mem>>)
    } else {
    }
    %eq3A_169 = arith.constant 1 : i32
    %eq3A_170 = arith.cmpi eq, %select_n3A_30, %eq3A_169 : i32
    %convert_element_type3A_171 = arith.extui %eq3A_170 : i1 to i32
    %cond3A_172 = arith.constant 0 : i32
    %cond3A_173 = arith.cmpi ne, %convert_element_type3A_171, %cond3A_172 : i32
    scf.if %cond3A_173 {
      %dma_start3A_454 = arith.constant 0 : i32
      %dma_start3A_455 = arith.constant 25088 : i32
      %dma_start3A_456 = tpu.memref_slice %arg7[%dma_start3A_455] : memref<50176xf32, #tpu.memory_space<vmem>> -> memref<12544xf32, #tpu.memory_space<vmem>>
      %dma_start3A_457 = arith.constant 75136 : i32
      %dma_start3A_458 = tpu.memref_slice %arg2[%select_n3A, %dma_start3A_454, %dma_start3A_457] : memref<16x1x100000xf32, #tpu.memory_space<hbm>> -> memref<1x1x12544xf32, #tpu.memory_space<hbm>>
      %dma_start3A_459 = tpu.memref_squeeze %dma_start3A_458 : memref<1x1x12544xf32, #tpu.memory_space<hbm>> -> memref<12544xf32, #tpu.memory_space<hbm>>
      %dma_start3A_460 = arith.constant 25088 : i32
      %dma_start3A_461 = tpu.memref_slice %arg7[%dma_start3A_460] : memref<50176xf32, #tpu.memory_space<vmem>> -> memref<12544xf32, #tpu.memory_space<vmem>>
      %dma_start3A_462 = arith.constant 75136 : i32
      %dma_start3A_463 = tpu.memref_slice %arg2[%select_n3A, %dma_start3A_454, %dma_start3A_462] : memref<16x1x100000xf32, #tpu.memory_space<hbm>> -> memref<1x1x12544xf32, #tpu.memory_space<hbm>>
      %dma_start3A_464 = tpu.memref_squeeze %dma_start3A_463 : memref<1x1x12544xf32, #tpu.memory_space<hbm>> -> memref<12544xf32, #tpu.memory_space<hbm>>
      tpu.enqueue_dma source(%dma_start3A_464 : memref<12544xf32, #tpu.memory_space<hbm>>) target(%dma_start3A_461 : memref<12544xf32, #tpu.memory_space<vmem>>) target_semaphore(%arg15 : memref<!tpu.dma_semaphore, #tpu.memory_space<semaphore_mem>>)
      %dma_start3A_465 = arith.constant 0 : i32
      %dma_start3A_466 = arith.constant 25088 : i32
      %dma_start3A_467 = tpu.memref_slice %arg8[%dma_start3A_466] : memref<50176xf32, #tpu.memory_space<vmem>> -> memref<12544xf32, #tpu.memory_space<vmem>>
      %dma_start3A_468 = arith.constant 75136 : i32
      %dma_start3A_469 = tpu.memref_slice %arg3[%select_n3A, %dma_start3A_465, %dma_start3A_468] : memref<16x1x100000xf32, #tpu.memory_space<hbm>> -> memref<1x1x12544xf32, #tpu.memory_space<hbm>>
      %dma_start3A_470 = tpu.memref_squeeze %dma_start3A_469 : memref<1x1x12544xf32, #tpu.memory_space<hbm>> -> memref<12544xf32, #tpu.memory_space<hbm>>
      %dma_start3A_471 = arith.constant 25088 : i32
      %dma_start3A_472 = tpu.memref_slice %arg8[%dma_start3A_471] : memref<50176xf32, #tpu.memory_space<vmem>> -> memref<12544xf32, #tpu.memory_space<vmem>>
      %dma_start3A_473 = arith.constant 75136 : i32
      %dma_start3A_474 = tpu.memref_slice %arg3[%select_n3A, %dma_start3A_465, %dma_start3A_473] : memref<16x1x100000xf32, #tpu.memory_space<hbm>> -> memref<1x1x12544xf32, #tpu.memory_space<hbm>>
      %dma_start3A_475 = tpu.memref_squeeze %dma_start3A_474 : memref<1x1x12544xf32, #tpu.memory_space<hbm>> -> memref<12544xf32, #tpu.memory_space<hbm>>
      tpu.enqueue_dma source(%dma_start3A_475 : memref<12544xf32, #tpu.memory_space<hbm>>) target(%dma_start3A_472 : memref<12544xf32, #tpu.memory_space<vmem>>) target_semaphore(%arg19 : memref<!tpu.dma_semaphore, #tpu.memory_space<semaphore_mem>>)
    } else {
    }
    %eq3A_174 = arith.constant 0 : i32
    %eq3A_175 = arith.cmpi eq, %select_n3A_30, %eq3A_174 : i32
    %convert_element_type3A_176 = arith.extui %eq3A_175 : i1 to i32
    %cond3A_177 = arith.constant 0 : i32
    %cond3A_178 = arith.cmpi ne, %convert_element_type3A_176, %cond3A_177 : i32
    scf.if %cond3A_178 {
      %dma_wait3A_454 = arith.constant 0 : i32
      %dma_wait3A_455 = arith.constant 12544 : i32
      %dma_wait3A_456 = tpu.memref_slice %arg7[%dma_wait3A_455] : memref<50176xf32, #tpu.memory_space<vmem>> -> memref<12544xf32, #tpu.memory_space<vmem>>
      %dma_wait3A_457 = arith.constant 12544 : i32
      %dma_wait3A_458 = tpu.memref_slice %arg2[%select_n3A, %dma_wait3A_454, %dma_wait3A_457] : memref<16x1x100000xf32, #tpu.memory_space<hbm>> -> memref<1x1x12544xf32, #tpu.memory_space<hbm>>
      %dma_wait3A_459 = tpu.memref_squeeze %dma_wait3A_458 : memref<1x1x12544xf32, #tpu.memory_space<hbm>> -> memref<12544xf32, #tpu.memory_space<hbm>>
      %dma_wait3A_460 = arith.constant 12544 : i32
      %dma_wait3A_461 = tpu.memref_slice %arg7[%dma_wait3A_460] : memref<50176xf32, #tpu.memory_space<vmem>> -> memref<12544xf32, #tpu.memory_space<vmem>>
      %dma_wait3A_462 = arith.constant 12544 : i32
      %dma_wait3A_463 = tpu.memref_slice %arg2[%select_n3A, %dma_wait3A_454, %dma_wait3A_462] : memref<16x1x100000xf32, #tpu.memory_space<hbm>> -> memref<1x1x12544xf32, #tpu.memory_space<hbm>>
      %dma_wait3A_464 = tpu.memref_squeeze %dma_wait3A_463 : memref<1x1x12544xf32, #tpu.memory_space<hbm>> -> memref<12544xf32, #tpu.memory_space<hbm>>
      tpu.wait_dma2 semaphore(%arg14 : memref<!tpu.dma_semaphore, #tpu.memory_space<semaphore_mem>>) src(%dma_wait3A_464 : memref<12544xf32, #tpu.memory_space<hbm>>) dst(%dma_wait3A_461 : memref<12544xf32, #tpu.memory_space<vmem>>)
      %dma_wait3A_465 = arith.constant 0 : i32
      %dma_wait3A_466 = arith.constant 12544 : i32
      %dma_wait3A_467 = tpu.memref_slice %arg8[%dma_wait3A_466] : memref<50176xf32, #tpu.memory_space<vmem>> -> memref<12544xf32, #tpu.memory_space<vmem>>
      %dma_wait3A_468 = arith.constant 12544 : i32
      %dma_wait3A_469 = tpu.memref_slice %arg3[%select_n3A, %dma_wait3A_465, %dma_wait3A_468] : memref<16x1x100000xf32, #tpu.memory_space<hbm>> -> memref<1x1x12544xf32, #tpu.memory_space<hbm>>
      %dma_wait3A_470 = tpu.memref_squeeze %dma_wait3A_469 : memref<1x1x12544xf32, #tpu.memory_space<hbm>> -> memref<12544xf32, #tpu.memory_space<hbm>>
      %dma_wait3A_471 = arith.constant 12544 : i32
      %dma_wait3A_472 = tpu.memref_slice %arg8[%dma_wait3A_471] : memref<50176xf32, #tpu.memory_space<vmem>> -> memref<12544xf32, #tpu.memory_space<vmem>>
      %dma_wait3A_473 = arith.constant 12544 : i32
      %dma_wait3A_474 = tpu.memref_slice %arg3[%select_n3A, %dma_wait3A_465, %dma_wait3A_473] : memref<16x1x100000xf32, #tpu.memory_space<hbm>> -> memref<1x1x12544xf32, #tpu.memory_space<hbm>>
      %dma_wait3A_475 = tpu.memref_squeeze %dma_wait3A_474 : memref<1x1x12544xf32, #tpu.memory_space<hbm>> -> memref<12544xf32, #tpu.memory_space<hbm>>
      tpu.wait_dma2 semaphore(%arg18 : memref<!tpu.dma_semaphore, #tpu.memory_space<semaphore_mem>>) src(%dma_wait3A_475 : memref<12544xf32, #tpu.memory_space<hbm>>) dst(%dma_wait3A_472 : memref<12544xf32, #tpu.memory_space<vmem>>)
    } else {
    }
    %eq3A_179 = arith.constant 1 : i32
    %eq3A_180 = arith.cmpi eq, %select_n3A_30, %eq3A_179 : i32
    %convert_element_type3A_181 = arith.extui %eq3A_180 : i1 to i32
    %cond3A_182 = arith.constant 0 : i32
    %cond3A_183 = arith.cmpi ne, %convert_element_type3A_181, %cond3A_182 : i32
    scf.if %cond3A_183 {
      %dma_wait3A_454 = arith.constant 0 : i32
      %dma_wait3A_455 = arith.constant 12544 : i32
      %dma_wait3A_456 = tpu.memref_slice %arg7[%dma_wait3A_455] : memref<50176xf32, #tpu.memory_space<vmem>> -> memref<12544xf32, #tpu.memory_space<vmem>>
      %dma_wait3A_457 = arith.constant 62592 : i32
      %dma_wait3A_458 = tpu.memref_slice %arg2[%select_n3A, %dma_wait3A_454, %dma_wait3A_457] : memref<16x1x100000xf32, #tpu.memory_space<hbm>> -> memref<1x1x12544xf32, #tpu.memory_space<hbm>>
      %dma_wait3A_459 = tpu.memref_squeeze %dma_wait3A_458 : memref<1x1x12544xf32, #tpu.memory_space<hbm>> -> memref<12544xf32, #tpu.memory_space<hbm>>
      %dma_wait3A_460 = arith.constant 12544 : i32
      %dma_wait3A_461 = tpu.memref_slice %arg7[%dma_wait3A_460] : memref<50176xf32, #tpu.memory_space<vmem>> -> memref<12544xf32, #tpu.memory_space<vmem>>
      %dma_wait3A_462 = arith.constant 62592 : i32
      %dma_wait3A_463 = tpu.memref_slice %arg2[%select_n3A, %dma_wait3A_454, %dma_wait3A_462] : memref<16x1x100000xf32, #tpu.memory_space<hbm>> -> memref<1x1x12544xf32, #tpu.memory_space<hbm>>
      %dma_wait3A_464 = tpu.memref_squeeze %dma_wait3A_463 : memref<1x1x12544xf32, #tpu.memory_space<hbm>> -> memref<12544xf32, #tpu.memory_space<hbm>>
      tpu.wait_dma2 semaphore(%arg14 : memref<!tpu.dma_semaphore, #tpu.memory_space<semaphore_mem>>) src(%dma_wait3A_464 : memref<12544xf32, #tpu.memory_space<hbm>>) dst(%dma_wait3A_461 : memref<12544xf32, #tpu.memory_space<vmem>>)
      %dma_wait3A_465 = arith.constant 0 : i32
      %dma_wait3A_466 = arith.constant 12544 : i32
      %dma_wait3A_467 = tpu.memref_slice %arg8[%dma_wait3A_466] : memref<50176xf32, #tpu.memory_space<vmem>> -> memref<12544xf32, #tpu.memory_space<vmem>>
      %dma_wait3A_468 = arith.constant 62592 : i32
      %dma_wait3A_469 = tpu.memref_slice %arg3[%select_n3A, %dma_wait3A_465, %dma_wait3A_468] : memref<16x1x100000xf32, #tpu.memory_space<hbm>> -> memref<1x1x12544xf32, #tpu.memory_space<hbm>>
      %dma_wait3A_470 = tpu.memref_squeeze %dma_wait3A_469 : memref<1x1x12544xf32, #tpu.memory_space<hbm>> -> memref<12544xf32, #tpu.memory_space<hbm>>
      %dma_wait3A_471 = arith.constant 12544 : i32
      %dma_wait3A_472 = tpu.memref_slice %arg8[%dma_wait3A_471] : memref<50176xf32, #tpu.memory_space<vmem>> -> memref<12544xf32, #tpu.memory_space<vmem>>
      %dma_wait3A_473 = arith.constant 62592 : i32
      %dma_wait3A_474 = tpu.memref_slice %arg3[%select_n3A, %dma_wait3A_465, %dma_wait3A_473] : memref<16x1x100000xf32, #tpu.memory_space<hbm>> -> memref<1x1x12544xf32, #tpu.memory_space<hbm>>
      %dma_wait3A_475 = tpu.memref_squeeze %dma_wait3A_474 : memref<1x1x12544xf32, #tpu.memory_space<hbm>> -> memref<12544xf32, #tpu.memory_space<hbm>>
      tpu.wait_dma2 semaphore(%arg18 : memref<!tpu.dma_semaphore, #tpu.memory_space<semaphore_mem>>) src(%dma_wait3A_475 : memref<12544xf32, #tpu.memory_space<hbm>>) dst(%dma_wait3A_472 : memref<12544xf32, #tpu.memory_space<vmem>>)
    } else {
    }
    %scan3A_184 = arith.constant 49 : i32
    %scan3A_185 = arith.constant 49 : i32
    %scan3A_186 = arith.addi %scan3A_184, %scan3A_185 : i32
    %scan3A_187 = arith.constant 1 : i32
    %scan3A_188:2 = scf.for %scan3A_454 = %scan3A_184 to %scan3A_186 step %scan3A_187 iter_args(%scan3A_455 = %scan3A_162#0, %scan3A_456 = %scan3A_162#1) -> (vector<16xf32>, vector<16xi32>)  : i32 {
      %mul3A_457 = arith.constant 256 : i32
      %mul3A_458 = arith.muli %scan3A_454, %mul3A_457 : i32
      %add3A_459 = arith.constant 0 : i32
      %add3A_460 = arith.addi %mul3A_458, %add3A_459 : i32
      %get3A = arith.index_cast %add3A_460 : i32 to index
      %get3A_461 = tpu.vector_load %arg7[%get3A] {strides = array<i32>} : memref<50176xf32, #tpu.memory_space<vmem>>, vector<16xf32>,
      %mul3A_462 = arith.constant 256 : i32
      %mul3A_463 = arith.muli %scan3A_454, %mul3A_462 : i32
      %add3A_464 = arith.constant 0 : i32
      %add3A_465 = arith.addi %mul3A_463, %add3A_464 : i32
      %get3A_466 = arith.index_cast %add3A_465 : i32 to index
      %get3A_467 = tpu.vector_load %arg8[%get3A_466] {strides = array<i32>} : memref<50176xf32, #tpu.memory_space<vmem>>, vector<16xf32>,
      %add3A_468 = arith.addf %get3A_461, %get3A_467 : vector<16xf32>
      %ge3A = arith.cmpf oge, %add3A_468, %min3A_157 : vector<16xf32>
      %all_reduce_population_count3A = tpu.all_reduce %ge3A {dim = 0 : i64, kind = #tpu.reduction_kind<sum>} : vector<16xi1> -> vector<16xi32>
      %convert_element_type3A_469 = arith.extui %ge3A : vector<16xi1> to vector<16xi32>
      %broadcast_in_dim3A_470 = arith.constant true
      %broadcast_in_dim3A_471 = vector.broadcast %broadcast_in_dim3A_470 : i1 to vector<16xi1>
      %masked_cumsum3A = tpu.scan <sum>, %convert_element_type3A_469 masked %broadcast_in_dim3A_471 : vector<16xi32>, vector<16xi1> -> vector<16xi32>
      %max3A = arith.maximumf %scan3A_455, %add3A_468 : vector<16xf32>
      %mul3A_472 = arith.constant 256 : i32
      %mul3A_473 = arith.muli %scan3A_454, %mul3A_472 : i32
      %add3A_474 = arith.constant 16 : i32
      %add3A_475 = arith.addi %mul3A_473, %add3A_474 : i32
      %get3A_476 = arith.index_cast %add3A_475 : i32 to index
      %get3A_477 = tpu.vector_load %arg7[%get3A_476] {strides = array<i32>} : memref<50176xf32, #tpu.memory_space<vmem>>, vector<16xf32>,
      %mul3A_478 = arith.constant 256 : i32
      %mul3A_479 = arith.muli %scan3A_454, %mul3A_478 : i32
      %add3A_480 = arith.constant 16 : i32
      %add3A_481 = arith.addi %mul3A_479, %add3A_480 : i32
      %get3A_482 = arith.index_cast %add3A_481 : i32 to index
      %get3A_483 = tpu.vector_load %arg8[%get3A_482] {strides = array<i32>} : memref<50176xf32, #tpu.memory_space<vmem>>, vector<16xf32>,
      %add3A_484 = arith.addf %get3A_477, %get3A_483 : vector<16xf32>
      %ge3A_485 = arith.cmpf oge, %add3A_484, %min3A_157 : vector<16xf32>
      %all_reduce_population_count3A_486 = tpu.all_reduce %ge3A_485 {dim = 0 : i64, kind = #tpu.reduction_kind<sum>} : vector<16xi1> -> vector<16xi32>
      %convert_element_type3A_487 = arith.extui %ge3A_485 : vector<16xi1> to vector<16xi32>
      %broadcast_in_dim3A_488 = arith.constant true
      %broadcast_in_dim3A_489 = vector.broadcast %broadcast_in_dim3A_488 : i1 to vector<16xi1>
      %masked_cumsum3A_490 = tpu.scan <sum>, %convert_element_type3A_487 masked %broadcast_in_dim3A_489 : vector<16xi32>, vector<16xi1> -> vector<16xi32>
      %max3A_491 = arith.maximumf %max3A, %add3A_484 : vector<16xf32>
      %mul3A_492 = arith.constant 256 : i32
      %mul3A_493 = arith.muli %scan3A_454, %mul3A_492 : i32
      %add3A_494 = arith.constant 32 : i32
      %add3A_495 = arith.addi %mul3A_493, %add3A_494 : i32
      %get3A_496 = arith.index_cast %add3A_495 : i32 to index
      %get3A_497 = tpu.vector_load %arg7[%get3A_496] {strides = array<i32>} : memref<50176xf32, #tpu.memory_space<vmem>>, vector<16xf32>,
      %mul3A_498 = arith.constant 256 : i32
      %mul3A_499 = arith.muli %scan3A_454, %mul3A_498 : i32
      %add3A_500 = arith.constant 32 : i32
      %add3A_501 = arith.addi %mul3A_499, %add3A_500 : i32
      %get3A_502 = arith.index_cast %add3A_501 : i32 to index
      %get3A_503 = tpu.vector_load %arg8[%get3A_502] {strides = array<i32>} : memref<50176xf32, #tpu.memory_space<vmem>>, vector<16xf32>,
      %add3A_504 = arith.addf %get3A_497, %get3A_503 : vector<16xf32>
      %ge3A_505 = arith.cmpf oge, %add3A_504, %min3A_157 : vector<16xf32>
      %all_reduce_population_count3A_506 = tpu.all_reduce %ge3A_505 {dim = 0 : i64, kind = #tpu.reduction_kind<sum>} : vector<16xi1> -> vector<16xi32>
      %convert_element_type3A_507 = arith.extui %ge3A_505 : vector<16xi1> to vector<16xi32>
      %broadcast_in_dim3A_508 = arith.constant true
      %broadcast_in_dim3A_509 = vector.broadcast %broadcast_in_dim3A_508 : i1 to vector<16xi1>
      %masked_cumsum3A_510 = tpu.scan <sum>, %convert_element_type3A_507 masked %broadcast_in_dim3A_509 : vector<16xi32>, vector<16xi1> -> vector<16xi32>
      %max3A_511 = arith.maximumf %max3A_491, %add3A_504 : vector<16xf32>
      %mul3A_512 = arith.constant 256 : i32
      %mul3A_513 = arith.muli %scan3A_454, %mul3A_512 : i32
      %add3A_514 = arith.constant 48 : i32
      %add3A_515 = arith.addi %mul3A_513, %add3A_514 : i32
      %get3A_516 = arith.index_cast %add3A_515 : i32 to index
      %get3A_517 = tpu.vector_load %arg7[%get3A_516] {strides = array<i32>} : memref<50176xf32, #tpu.memory_space<vmem>>, vector<16xf32>,
      %mul3A_518 = arith.constant 256 : i32
      %mul3A_519 = arith.muli %scan3A_454, %mul3A_518 : i32
      %add3A_520 = arith.constant 48 : i32
      %add3A_521 = arith.addi %mul3A_519, %add3A_520 : i32
      %get3A_522 = arith.index_cast %add3A_521 : i32 to index
      %get3A_523 = tpu.vector_load %arg8[%get3A_522] {strides = array<i32>} : memref<50176xf32, #tpu.memory_space<vmem>>, vector<16xf32>,
      %add3A_524 = arith.addf %get3A_517, %get3A_523 : vector<16xf32>
      %ge3A_525 = arith.cmpf oge, %add3A_524, %min3A_157 : vector<16xf32>
      %all_reduce_population_count3A_526 = tpu.all_reduce %ge3A_525 {dim = 0 : i64, kind = #tpu.reduction_kind<sum>} : vector<16xi1> -> vector<16xi32>
      %convert_element_type3A_527 = arith.extui %ge3A_525 : vector<16xi1> to vector<16xi32>
      %broadcast_in_dim3A_528 = arith.constant true
      %broadcast_in_dim3A_529 = vector.broadcast %broadcast_in_dim3A_528 : i1 to vector<16xi1>
      %masked_cumsum3A_530 = tpu.scan <sum>, %convert_element_type3A_527 masked %broadcast_in_dim3A_529 : vector<16xi32>, vector<16xi1> -> vector<16xi32>
      %max3A_531 = arith.maximumf %max3A_511, %add3A_524 : vector<16xf32>
      %mul3A_532 = arith.constant 256 : i32
      %mul3A_533 = arith.muli %scan3A_454, %mul3A_532 : i32
      %add3A_534 = arith.constant 64 : i32
      %add3A_535 = arith.addi %mul3A_533, %add3A_534 : i32
      %get3A_536 = arith.index_cast %add3A_535 : i32 to index
      %get3A_537 = tpu.vector_load %arg7[%get3A_536] {strides = array<i32>} : memref<50176xf32, #tpu.memory_space<vmem>>, vector<16xf32>,
      %mul3A_538 = arith.constant 256 : i32
      %mul3A_539 = arith.muli %scan3A_454, %mul3A_538 : i32
      %add3A_540 = arith.constant 64 : i32
      %add3A_541 = arith.addi %mul3A_539, %add3A_540 : i32
      %get3A_542 = arith.index_cast %add3A_541 : i32 to index
      %get3A_543 = tpu.vector_load %arg8[%get3A_542] {strides = array<i32>} : memref<50176xf32, #tpu.memory_space<vmem>>, vector<16xf32>,
      %add3A_544 = arith.addf %get3A_537, %get3A_543 : vector<16xf32>
      %ge3A_545 = arith.cmpf oge, %add3A_544, %min3A_157 : vector<16xf32>
      %all_reduce_population_count3A_546 = tpu.all_reduce %ge3A_545 {dim = 0 : i64, kind = #tpu.reduction_kind<sum>} : vector<16xi1> -> vector<16xi32>
      %convert_element_type3A_547 = arith.extui %ge3A_545 : vector<16xi1> to vector<16xi32>
      %broadcast_in_dim3A_548 = arith.constant true
      %broadcast_in_dim3A_549 = vector.broadcast %broadcast_in_dim3A_548 : i1 to vector<16xi1>
      %masked_cumsum3A_550 = tpu.scan <sum>, %convert_element_type3A_547 masked %broadcast_in_dim3A_549 : vector<16xi32>, vector<16xi1> -> vector<16xi32>
      %max3A_551 = arith.maximumf %max3A_531, %add3A_544 : vector<16xf32>
      %mul3A_552 = arith.constant 256 : i32
      %mul3A_553 = arith.muli %scan3A_454, %mul3A_552 : i32
      %add3A_554 = arith.constant 80 : i32
      %add3A_555 = arith.addi %mul3A_553, %add3A_554 : i32
      %get3A_556 = arith.index_cast %add3A_555 : i32 to index
      %get3A_557 = tpu.vector_load %arg7[%get3A_556] {strides = array<i32>} : memref<50176xf32, #tpu.memory_space<vmem>>, vector<16xf32>,
      %mul3A_558 = arith.constant 256 : i32
      %mul3A_559 = arith.muli %scan3A_454, %mul3A_558 : i32
      %add3A_560 = arith.constant 80 : i32
      %add3A_561 = arith.addi %mul3A_559, %add3A_560 : i32
      %get3A_562 = arith.index_cast %add3A_561 : i32 to index
      %get3A_563 = tpu.vector_load %arg8[%get3A_562] {strides = array<i32>} : memref<50176xf32, #tpu.memory_space<vmem>>, vector<16xf32>,
      %add3A_564 = arith.addf %get3A_557, %get3A_563 : vector<16xf32>
      %ge3A_565 = arith.cmpf oge, %add3A_564, %min3A_157 : vector<16xf32>
      %all_reduce_population_count3A_566 = tpu.all_reduce %ge3A_565 {dim = 0 : i64, kind = #tpu.reduction_kind<sum>} : vector<16xi1> -> vector<16xi32>
      %convert_element_type3A_567 = arith.extui %ge3A_565 : vector<16xi1> to vector<16xi32>
      %broadcast_in_dim3A_568 = arith.constant true
      %broadcast_in_dim3A_569 = vector.broadcast %broadcast_in_dim3A_568 : i1 to vector<16xi1>
      %masked_cumsum3A_570 = tpu.scan <sum>, %convert_element_type3A_567 masked %broadcast_in_dim3A_569 : vector<16xi32>, vector<16xi1> -> vector<16xi32>
      %max3A_571 = arith.maximumf %max3A_551, %add3A_564 : vector<16xf32>
      %mul3A_572 = arith.constant 256 : i32
      %mul3A_573 = arith.muli %scan3A_454, %mul3A_572 : i32
      %add3A_574 = arith.constant 96 : i32
      %add3A_575 = arith.addi %mul3A_573, %add3A_574 : i32
      %get3A_576 = arith.index_cast %add3A_575 : i32 to index
      %get3A_577 = tpu.vector_load %arg7[%get3A_576] {strides = array<i32>} : memref<50176xf32, #tpu.memory_space<vmem>>, vector<16xf32>,
      %mul3A_578 = arith.constant 256 : i32
      %mul3A_579 = arith.muli %scan3A_454, %mul3A_578 : i32
      %add3A_580 = arith.constant 96 : i32
      %add3A_581 = arith.addi %mul3A_579, %add3A_580 : i32
      %get3A_582 = arith.index_cast %add3A_581 : i32 to index
      %get3A_583 = tpu.vector_load %arg8[%get3A_582] {strides = array<i32>} : memref<50176xf32, #tpu.memory_space<vmem>>, vector<16xf32>,
      %add3A_584 = arith.addf %get3A_577, %get3A_583 : vector<16xf32>
      %ge3A_585 = arith.cmpf oge, %add3A_584, %min3A_157 : vector<16xf32>
      %all_reduce_population_count3A_586 = tpu.all_reduce %ge3A_585 {dim = 0 : i64, kind = #tpu.reduction_kind<sum>} : vector<16xi1> -> vector<16xi32>
      %convert_element_type3A_587 = arith.extui %ge3A_585 : vector<16xi1> to vector<16xi32>
      %broadcast_in_dim3A_588 = arith.constant true
      %broadcast_in_dim3A_589 = vector.broadcast %broadcast_in_dim3A_588 : i1 to vector<16xi1>
      %masked_cumsum3A_590 = tpu.scan <sum>, %convert_element_type3A_587 masked %broadcast_in_dim3A_589 : vector<16xi32>, vector<16xi1> -> vector<16xi32>
      %max3A_591 = arith.maximumf %max3A_571, %add3A_584 : vector<16xf32>
      %mul3A_592 = arith.constant 256 : i32
      %mul3A_593 = arith.muli %scan3A_454, %mul3A_592 : i32
      %add3A_594 = arith.constant 112 : i32
      %add3A_595 = arith.addi %mul3A_593, %add3A_594 : i32
      %get3A_596 = arith.index_cast %add3A_595 : i32 to index
      %get3A_597 = tpu.vector_load %arg7[%get3A_596] {strides = array<i32>} : memref<50176xf32, #tpu.memory_space<vmem>>, vector<16xf32>,
      %mul3A_598 = arith.constant 256 : i32
      %mul3A_599 = arith.muli %scan3A_454, %mul3A_598 : i32
      %add3A_600 = arith.constant 112 : i32
      %add3A_601 = arith.addi %mul3A_599, %add3A_600 : i32
      %get3A_602 = arith.index_cast %add3A_601 : i32 to index
      %get3A_603 = tpu.vector_load %arg8[%get3A_602] {strides = array<i32>} : memref<50176xf32, #tpu.memory_space<vmem>>, vector<16xf32>,
      %add3A_604 = arith.addf %get3A_597, %get3A_603 : vector<16xf32>
      %ge3A_605 = arith.cmpf oge, %add3A_604, %min3A_157 : vector<16xf32>
      %all_reduce_population_count3A_606 = tpu.all_reduce %ge3A_605 {dim = 0 : i64, kind = #tpu.reduction_kind<sum>} : vector<16xi1> -> vector<16xi32>
      %convert_element_type3A_607 = arith.extui %ge3A_605 : vector<16xi1> to vector<16xi32>
      %broadcast_in_dim3A_608 = arith.constant true
      %broadcast_in_dim3A_609 = vector.broadcast %broadcast_in_dim3A_608 : i1 to vector<16xi1>
      %masked_cumsum3A_610 = tpu.scan <sum>, %convert_element_type3A_607 masked %broadcast_in_dim3A_609 : vector<16xi32>, vector<16xi1> -> vector<16xi32>
      %max3A_611 = arith.maximumf %max3A_591, %add3A_604 : vector<16xf32>
      %mul3A_612 = arith.constant 256 : i32
      %mul3A_613 = arith.muli %scan3A_454, %mul3A_612 : i32
      %add3A_614 = arith.constant 128 : i32
      %add3A_615 = arith.addi %mul3A_613, %add3A_614 : i32
      %get3A_616 = arith.index_cast %add3A_615 : i32 to index
      %get3A_617 = tpu.vector_load %arg7[%get3A_616] {strides = array<i32>} : memref<50176xf32, #tpu.memory_space<vmem>>, vector<16xf32>,
      %mul3A_618 = arith.constant 256 : i32
      %mul3A_619 = arith.muli %scan3A_454, %mul3A_618 : i32
      %add3A_620 = arith.constant 128 : i32
      %add3A_621 = arith.addi %mul3A_619, %add3A_620 : i32
      %get3A_622 = arith.index_cast %add3A_621 : i32 to index
      %get3A_623 = tpu.vector_load %arg8[%get3A_622] {strides = array<i32>} : memref<50176xf32, #tpu.memory_space<vmem>>, vector<16xf32>,
      %add3A_624 = arith.addf %get3A_617, %get3A_623 : vector<16xf32>
      %ge3A_625 = arith.cmpf oge, %add3A_624, %min3A_157 : vector<16xf32>
      %all_reduce_population_count3A_626 = tpu.all_reduce %ge3A_625 {dim = 0 : i64, kind = #tpu.reduction_kind<sum>} : vector<16xi1> -> vector<16xi32>
      %convert_element_type3A_627 = arith.extui %ge3A_625 : vector<16xi1> to vector<16xi32>
      %broadcast_in_dim3A_628 = arith.constant true
      %broadcast_in_dim3A_629 = vector.broadcast %broadcast_in_dim3A_628 : i1 to vector<16xi1>
      %masked_cumsum3A_630 = tpu.scan <sum>, %convert_element_type3A_627 masked %broadcast_in_dim3A_629 : vector<16xi32>, vector<16xi1> -> vector<16xi32>
      %max3A_631 = arith.maximumf %max3A_611, %add3A_624 : vector<16xf32>
      %mul3A_632 = arith.constant 256 : i32
      %mul3A_633 = arith.muli %scan3A_454, %mul3A_632 : i32
      %add3A_634 = arith.constant 144 : i32
      %add3A_635 = arith.addi %mul3A_633, %add3A_634 : i32
      %get3A_636 = arith.index_cast %add3A_635 : i32 to index
      %get3A_637 = tpu.vector_load %arg7[%get3A_636] {strides = array<i32>} : memref<50176xf32, #tpu.memory_space<vmem>>, vector<16xf32>,
      %mul3A_638 = arith.constant 256 : i32
      %mul3A_639 = arith.muli %scan3A_454, %mul3A_638 : i32
      %add3A_640 = arith.constant 144 : i32
      %add3A_641 = arith.addi %mul3A_639, %add3A_640 : i32
      %get3A_642 = arith.index_cast %add3A_641 : i32 to index
      %get3A_643 = tpu.vector_load %arg8[%get3A_642] {strides = array<i32>} : memref<50176xf32, #tpu.memory_space<vmem>>, vector<16xf32>,
      %add3A_644 = arith.addf %get3A_637, %get3A_643 : vector<16xf32>
      %ge3A_645 = arith.cmpf oge, %add3A_644, %min3A_157 : vector<16xf32>
      %all_reduce_population_count3A_646 = tpu.all_reduce %ge3A_645 {dim = 0 : i64, kind = #tpu.reduction_kind<sum>} : vector<16xi1> -> vector<16xi32>
      %convert_element_type3A_647 = arith.extui %ge3A_645 : vector<16xi1> to vector<16xi32>
      %broadcast_in_dim3A_648 = arith.constant true
      %broadcast_in_dim3A_649 = vector.broadcast %broadcast_in_dim3A_648 : i1 to vector<16xi1>
      %masked_cumsum3A_650 = tpu.scan <sum>, %convert_element_type3A_647 masked %broadcast_in_dim3A_649 : vector<16xi32>, vector<16xi1> -> vector<16xi32>
      %max3A_651 = arith.maximumf %max3A_631, %add3A_644 : vector<16xf32>
      %mul3A_652 = arith.constant 256 : i32
      %mul3A_653 = arith.muli %scan3A_454, %mul3A_652 : i32
      %add3A_654 = arith.constant 160 : i32
      %add3A_655 = arith.addi %mul3A_653, %add3A_654 : i32
      %get3A_656 = arith.index_cast %add3A_655 : i32 to index
      %get3A_657 = tpu.vector_load %arg7[%get3A_656] {strides = array<i32>} : memref<50176xf32, #tpu.memory_space<vmem>>, vector<16xf32>,
      %mul3A_658 = arith.constant 256 : i32
      %mul3A_659 = arith.muli %scan3A_454, %mul3A_658 : i32
      %add3A_660 = arith.constant 160 : i32
      %add3A_661 = arith.addi %mul3A_659, %add3A_660 : i32
      %get3A_662 = arith.index_cast %add3A_661 : i32 to index
      %get3A_663 = tpu.vector_load %arg8[%get3A_662] {strides = array<i32>} : memref<50176xf32, #tpu.memory_space<vmem>>, vector<16xf32>,
      %add3A_664 = arith.addf %get3A_657, %get3A_663 : vector<16xf32>
      %ge3A_665 = arith.cmpf oge, %add3A_664, %min3A_157 : vector<16xf32>
      %all_reduce_population_count3A_666 = tpu.all_reduce %ge3A_665 {dim = 0 : i64, kind = #tpu.reduction_kind<sum>} : vector<16xi1> -> vector<16xi32>
      %convert_element_type3A_667 = arith.extui %ge3A_665 : vector<16xi1> to vector<16xi32>
      %broadcast_in_dim3A_668 = arith.constant true
      %broadcast_in_dim3A_669 = vector.broadcast %broadcast_in_dim3A_668 : i1 to vector<16xi1>
      %masked_cumsum3A_670 = tpu.scan <sum>, %convert_element_type3A_667 masked %broadcast_in_dim3A_669 : vector<16xi32>, vector<16xi1> -> vector<16xi32>
      %max3A_671 = arith.maximumf %max3A_651, %add3A_664 : vector<16xf32>
      %mul3A_672 = arith.constant 256 : i32
      %mul3A_673 = arith.muli %scan3A_454, %mul3A_672 : i32
      %add3A_674 = arith.constant 176 : i32
      %add3A_675 = arith.addi %mul3A_673, %add3A_674 : i32
      %get3A_676 = arith.index_cast %add3A_675 : i32 to index
      %get3A_677 = tpu.vector_load %arg7[%get3A_676] {strides = array<i32>} : memref<50176xf32, #tpu.memory_space<vmem>>, vector<16xf32>,
      %mul3A_678 = arith.constant 256 : i32
      %mul3A_679 = arith.muli %scan3A_454, %mul3A_678 : i32
      %add3A_680 = arith.constant 176 : i32
      %add3A_681 = arith.addi %mul3A_679, %add3A_680 : i32
      %get3A_682 = arith.index_cast %add3A_681 : i32 to index
      %get3A_683 = tpu.vector_load %arg8[%get3A_682] {strides = array<i32>} : memref<50176xf32, #tpu.memory_space<vmem>>, vector<16xf32>,
      %add3A_684 = arith.addf %get3A_677, %get3A_683 : vector<16xf32>
      %ge3A_685 = arith.cmpf oge, %add3A_684, %min3A_157 : vector<16xf32>
      %all_reduce_population_count3A_686 = tpu.all_reduce %ge3A_685 {dim = 0 : i64, kind = #tpu.reduction_kind<sum>} : vector<16xi1> -> vector<16xi32>
      %convert_element_type3A_687 = arith.extui %ge3A_685 : vector<16xi1> to vector<16xi32>
      %broadcast_in_dim3A_688 = arith.constant true
      %broadcast_in_dim3A_689 = vector.broadcast %broadcast_in_dim3A_688 : i1 to vector<16xi1>
      %masked_cumsum3A_690 = tpu.scan <sum>, %convert_element_type3A_687 masked %broadcast_in_dim3A_689 : vector<16xi32>, vector<16xi1> -> vector<16xi32>
      %max3A_691 = arith.maximumf %max3A_671, %add3A_684 : vector<16xf32>
      %mul3A_692 = arith.constant 256 : i32
      %mul3A_693 = arith.muli %scan3A_454, %mul3A_692 : i32
      %add3A_694 = arith.constant 192 : i32
      %add3A_695 = arith.addi %mul3A_693, %add3A_694 : i32
      %get3A_696 = arith.index_cast %add3A_695 : i32 to index
      %get3A_697 = tpu.vector_load %arg7[%get3A_696] {strides = array<i32>} : memref<50176xf32, #tpu.memory_space<vmem>>, vector<16xf32>,
      %mul3A_698 = arith.constant 256 : i32
      %mul3A_699 = arith.muli %scan3A_454, %mul3A_698 : i32
      %add3A_700 = arith.constant 192 : i32
      %add3A_701 = arith.addi %mul3A_699, %add3A_700 : i32
      %get3A_702 = arith.index_cast %add3A_701 : i32 to index
      %get3A_703 = tpu.vector_load %arg8[%get3A_702] {strides = array<i32>} : memref<50176xf32, #tpu.memory_space<vmem>>, vector<16xf32>,
      %add3A_704 = arith.addf %get3A_697, %get3A_703 : vector<16xf32>
      %ge3A_705 = arith.cmpf oge, %add3A_704, %min3A_157 : vector<16xf32>
      %all_reduce_population_count3A_706 = tpu.all_reduce %ge3A_705 {dim = 0 : i64, kind = #tpu.reduction_kind<sum>} : vector<16xi1> -> vector<16xi32>
      %convert_element_type3A_707 = arith.extui %ge3A_705 : vector<16xi1> to vector<16xi32>
      %broadcast_in_dim3A_708 = arith.constant true
      %broadcast_in_dim3A_709 = vector.broadcast %broadcast_in_dim3A_708 : i1 to vector<16xi1>
      %masked_cumsum3A_710 = tpu.scan <sum>, %convert_element_type3A_707 masked %broadcast_in_dim3A_709 : vector<16xi32>, vector<16xi1> -> vector<16xi32>
      %max3A_711 = arith.maximumf %max3A_691, %add3A_704 : vector<16xf32>
      %mul3A_712 = arith.constant 256 : i32
      %mul3A_713 = arith.muli %scan3A_454, %mul3A_712 : i32
      %add3A_714 = arith.constant 208 : i32
      %add3A_715 = arith.addi %mul3A_713, %add3A_714 : i32
      %get3A_716 = arith.index_cast %add3A_715 : i32 to index
      %get3A_717 = tpu.vector_load %arg7[%get3A_716] {strides = array<i32>} : memref<50176xf32, #tpu.memory_space<vmem>>, vector<16xf32>,
      %mul3A_718 = arith.constant 256 : i32
      %mul3A_719 = arith.muli %scan3A_454, %mul3A_718 : i32
      %add3A_720 = arith.constant 208 : i32
      %add3A_721 = arith.addi %mul3A_719, %add3A_720 : i32
      %get3A_722 = arith.index_cast %add3A_721 : i32 to index
      %get3A_723 = tpu.vector_load %arg8[%get3A_722] {strides = array<i32>} : memref<50176xf32, #tpu.memory_space<vmem>>, vector<16xf32>,
      %add3A_724 = arith.addf %get3A_717, %get3A_723 : vector<16xf32>
      %ge3A_725 = arith.cmpf oge, %add3A_724, %min3A_157 : vector<16xf32>
      %all_reduce_population_count3A_726 = tpu.all_reduce %ge3A_725 {dim = 0 : i64, kind = #tpu.reduction_kind<sum>} : vector<16xi1> -> vector<16xi32>
      %convert_element_type3A_727 = arith.extui %ge3A_725 : vector<16xi1> to vector<16xi32>
      %broadcast_in_dim3A_728 = arith.constant true
      %broadcast_in_dim3A_729 = vector.broadcast %broadcast_in_dim3A_728 : i1 to vector<16xi1>
      %masked_cumsum3A_730 = tpu.scan <sum>, %convert_element_type3A_727 masked %broadcast_in_dim3A_729 : vector<16xi32>, vector<16xi1> -> vector<16xi32>
      %max3A_731 = arith.maximumf %max3A_711, %add3A_724 : vector<16xf32>
      %mul3A_732 = arith.constant 256 : i32
      %mul3A_733 = arith.muli %scan3A_454, %mul3A_732 : i32
      %add3A_734 = arith.constant 224 : i32
      %add3A_735 = arith.addi %mul3A_733, %add3A_734 : i32
      %get3A_736 = arith.index_cast %add3A_735 : i32 to index
      %get3A_737 = tpu.vector_load %arg7[%get3A_736] {strides = array<i32>} : memref<50176xf32, #tpu.memory_space<vmem>>, vector<16xf32>,
      %mul3A_738 = arith.constant 256 : i32
      %mul3A_739 = arith.muli %scan3A_454, %mul3A_738 : i32
      %add3A_740 = arith.constant 224 : i32
      %add3A_741 = arith.addi %mul3A_739, %add3A_740 : i32
      %get3A_742 = arith.index_cast %add3A_741 : i32 to index
      %get3A_743 = tpu.vector_load %arg8[%get3A_742] {strides = array<i32>} : memref<50176xf32, #tpu.memory_space<vmem>>, vector<16xf32>,
      %add3A_744 = arith.addf %get3A_737, %get3A_743 : vector<16xf32>
      %ge3A_745 = arith.cmpf oge, %add3A_744, %min3A_157 : vector<16xf32>
      %all_reduce_population_count3A_746 = tpu.all_reduce %ge3A_745 {dim = 0 : i64, kind = #tpu.reduction_kind<sum>} : vector<16xi1> -> vector<16xi32>
      %convert_element_type3A_747 = arith.extui %ge3A_745 : vector<16xi1> to vector<16xi32>
      %broadcast_in_dim3A_748 = arith.constant true
      %broadcast_in_dim3A_749 = vector.broadcast %broadcast_in_dim3A_748 : i1 to vector<16xi1>
      %masked_cumsum3A_750 = tpu.scan <sum>, %convert_element_type3A_747 masked %broadcast_in_dim3A_749 : vector<16xi32>, vector<16xi1> -> vector<16xi32>
      %max3A_751 = arith.maximumf %max3A_731, %add3A_744 : vector<16xf32>
      %mul3A_752 = arith.constant 256 : i32
      %mul3A_753 = arith.muli %scan3A_454, %mul3A_752 : i32
      %add3A_754 = arith.constant 240 : i32
      %add3A_755 = arith.addi %mul3A_753, %add3A_754 : i32
      %get3A_756 = arith.index_cast %add3A_755 : i32 to index
      %get3A_757 = tpu.vector_load %arg7[%get3A_756] {strides = array<i32>} : memref<50176xf32, #tpu.memory_space<vmem>>, vector<16xf32>,
      %mul3A_758 = arith.constant 256 : i32
      %mul3A_759 = arith.muli %scan3A_454, %mul3A_758 : i32
      %add3A_760 = arith.constant 240 : i32
      %add3A_761 = arith.addi %mul3A_759, %add3A_760 : i32
      %get3A_762 = arith.index_cast %add3A_761 : i32 to index
      %get3A_763 = tpu.vector_load %arg8[%get3A_762] {strides = array<i32>} : memref<50176xf32, #tpu.memory_space<vmem>>, vector<16xf32>,
      %add3A_764 = arith.addf %get3A_757, %get3A_763 : vector<16xf32>
      %ge3A_765 = arith.cmpf oge, %add3A_764, %min3A_157 : vector<16xf32>
      %all_reduce_population_count3A_766 = tpu.all_reduce %ge3A_765 {dim = 0 : i64, kind = #tpu.reduction_kind<sum>} : vector<16xi1> -> vector<16xi32>
      %convert_element_type3A_767 = arith.extui %ge3A_765 : vector<16xi1> to vector<16xi32>
      %broadcast_in_dim3A_768 = arith.constant true
      %broadcast_in_dim3A_769 = vector.broadcast %broadcast_in_dim3A_768 : i1 to vector<16xi1>
      %masked_cumsum3A_770 = tpu.scan <sum>, %convert_element_type3A_767 masked %broadcast_in_dim3A_769 : vector<16xi32>, vector<16xi1> -> vector<16xi32>
      %max3A_771 = arith.maximumf %max3A_751, %add3A_764 : vector<16xf32>
      %add3A_772 = arith.addi %scan3A_456, %all_reduce_population_count3A : vector<16xi32>
      %add3A_773 = arith.addi %add3A_772, %all_reduce_population_count3A_486 : vector<16xi32>
      %add3A_774 = arith.addi %add3A_773, %all_reduce_population_count3A_506 : vector<16xi32>
      %add3A_775 = arith.addi %add3A_774, %all_reduce_population_count3A_526 : vector<16xi32>
      %add3A_776 = arith.addi %add3A_775, %all_reduce_population_count3A_546 : vector<16xi32>
      %add3A_777 = arith.addi %add3A_776, %all_reduce_population_count3A_566 : vector<16xi32>
      %add3A_778 = arith.addi %add3A_777, %all_reduce_population_count3A_586 : vector<16xi32>
      %add3A_779 = arith.addi %add3A_778, %all_reduce_population_count3A_606 : vector<16xi32>
      %add3A_780 = arith.addi %add3A_779, %all_reduce_population_count3A_626 : vector<16xi32>
      %add3A_781 = arith.addi %add3A_780, %all_reduce_population_count3A_646 : vector<16xi32>
      %add3A_782 = arith.addi %add3A_781, %all_reduce_population_count3A_666 : vector<16xi32>
      %add3A_783 = arith.addi %add3A_782, %all_reduce_population_count3A_686 : vector<16xi32>
      %add3A_784 = arith.addi %add3A_783, %all_reduce_population_count3A_706 : vector<16xi32>
      %add3A_785 = arith.addi %add3A_784, %all_reduce_population_count3A_726 : vector<16xi32>
      %add3A_786 = arith.addi %add3A_785, %all_reduce_population_count3A_746 : vector<16xi32>
      %add3A_787 = arith.addi %scan3A_456, %masked_cumsum3A : vector<16xi32>
      %min3A_788 = arith.constant 2063 : i32
      %min3A_789 = vector.broadcast %min3A_788 : i32 to vector<16xi32>
      %min3A_790 = arith.minsi %add3A_787, %min3A_789 : vector<16xi32>
      %mul3A_791 = arith.constant 256 : i32
      %mul3A_792 = arith.muli %scan3A_454, %mul3A_791 : i32
      %add3A_793 = arith.constant 0 : i32
      %add3A_794 = arith.addi %mul3A_792, %add3A_793 : i32
      %add3A_795 = vector.broadcast %add3A_794 : i32 to vector<16xi32>
      %add3A_796 = arith.addi %add3A_795, %iota3A : vector<16xi32>
      tpu.vector_store_idx %arg12[%min3A_790], %add3A_796 masked %ge3A : memref<2064xi32, #tpu.memory_space<vmem>>[vector<16xi32>], vector<16xi32>, vector<16xi1>
      %add3A_797 = arith.addi %add3A_772, %masked_cumsum3A_490 : vector<16xi32>
      %min3A_798 = arith.constant 2063 : i32
      %min3A_799 = vector.broadcast %min3A_798 : i32 to vector<16xi32>
      %min3A_800 = arith.minsi %add3A_797, %min3A_799 : vector<16xi32>
      %mul3A_801 = arith.constant 256 : i32
      %mul3A_802 = arith.muli %scan3A_454, %mul3A_801 : i32
      %add3A_803 = arith.constant 16 : i32
      %add3A_804 = arith.addi %mul3A_802, %add3A_803 : i32
      %add3A_805 = vector.broadcast %add3A_804 : i32 to vector<16xi32>
      %add3A_806 = arith.addi %add3A_805, %iota3A : vector<16xi32>
      tpu.vector_store_idx %arg12[%min3A_800], %add3A_806 masked %ge3A_485 : memref<2064xi32, #tpu.memory_space<vmem>>[vector<16xi32>], vector<16xi32>, vector<16xi1>
      %add3A_807 = arith.addi %add3A_773, %masked_cumsum3A_510 : vector<16xi32>
      %min3A_808 = arith.constant 2063 : i32
      %min3A_809 = vector.broadcast %min3A_808 : i32 to vector<16xi32>
      %min3A_810 = arith.minsi %add3A_807, %min3A_809 : vector<16xi32>
      %mul3A_811 = arith.constant 256 : i32
      %mul3A_812 = arith.muli %scan3A_454, %mul3A_811 : i32
      %add3A_813 = arith.constant 32 : i32
      %add3A_814 = arith.addi %mul3A_812, %add3A_813 : i32
      %add3A_815 = vector.broadcast %add3A_814 : i32 to vector<16xi32>
      %add3A_816 = arith.addi %add3A_815, %iota3A : vector<16xi32>
      tpu.vector_store_idx %arg12[%min3A_810], %add3A_816 masked %ge3A_505 : memref<2064xi32, #tpu.memory_space<vmem>>[vector<16xi32>], vector<16xi32>, vector<16xi1>
      %add3A_817 = arith.addi %add3A_774, %masked_cumsum3A_530 : vector<16xi32>
      %min3A_818 = arith.constant 2063 : i32
      %min3A_819 = vector.broadcast %min3A_818 : i32 to vector<16xi32>
      %min3A_820 = arith.minsi %add3A_817, %min3A_819 : vector<16xi32>
      %mul3A_821 = arith.constant 256 : i32
      %mul3A_822 = arith.muli %scan3A_454, %mul3A_821 : i32
      %add3A_823 = arith.constant 48 : i32
      %add3A_824 = arith.addi %mul3A_822, %add3A_823 : i32
      %add3A_825 = vector.broadcast %add3A_824 : i32 to vector<16xi32>
      %add3A_826 = arith.addi %add3A_825, %iota3A : vector<16xi32>
      tpu.vector_store_idx %arg12[%min3A_820], %add3A_826 masked %ge3A_525 : memref<2064xi32, #tpu.memory_space<vmem>>[vector<16xi32>], vector<16xi32>, vector<16xi1>
      %add3A_827 = arith.addi %add3A_775, %masked_cumsum3A_550 : vector<16xi32>
      %min3A_828 = arith.constant 2063 : i32
      %min3A_829 = vector.broadcast %min3A_828 : i32 to vector<16xi32>
      %min3A_830 = arith.minsi %add3A_827, %min3A_829 : vector<16xi32>
      %mul3A_831 = arith.constant 256 : i32
      %mul3A_832 = arith.muli %scan3A_454, %mul3A_831 : i32
      %add3A_833 = arith.constant 64 : i32
      %add3A_834 = arith.addi %mul3A_832, %add3A_833 : i32
      %add3A_835 = vector.broadcast %add3A_834 : i32 to vector<16xi32>
      %add3A_836 = arith.addi %add3A_835, %iota3A : vector<16xi32>
      tpu.vector_store_idx %arg12[%min3A_830], %add3A_836 masked %ge3A_545 : memref<2064xi32, #tpu.memory_space<vmem>>[vector<16xi32>], vector<16xi32>, vector<16xi1>
      %add3A_837 = arith.addi %add3A_776, %masked_cumsum3A_570 : vector<16xi32>
      %min3A_838 = arith.constant 2063 : i32
      %min3A_839 = vector.broadcast %min3A_838 : i32 to vector<16xi32>
      %min3A_840 = arith.minsi %add3A_837, %min3A_839 : vector<16xi32>
      %mul3A_841 = arith.constant 256 : i32
      %mul3A_842 = arith.muli %scan3A_454, %mul3A_841 : i32
      %add3A_843 = arith.constant 80 : i32
      %add3A_844 = arith.addi %mul3A_842, %add3A_843 : i32
      %add3A_845 = vector.broadcast %add3A_844 : i32 to vector<16xi32>
      %add3A_846 = arith.addi %add3A_845, %iota3A : vector<16xi32>
      tpu.vector_store_idx %arg12[%min3A_840], %add3A_846 masked %ge3A_565 : memref<2064xi32, #tpu.memory_space<vmem>>[vector<16xi32>], vector<16xi32>, vector<16xi1>
      %add3A_847 = arith.addi %add3A_777, %masked_cumsum3A_590 : vector<16xi32>
      %min3A_848 = arith.constant 2063 : i32
      %min3A_849 = vector.broadcast %min3A_848 : i32 to vector<16xi32>
      %min3A_850 = arith.minsi %add3A_847, %min3A_849 : vector<16xi32>
      %mul3A_851 = arith.constant 256 : i32
      %mul3A_852 = arith.muli %scan3A_454, %mul3A_851 : i32
      %add3A_853 = arith.constant 96 : i32
      %add3A_854 = arith.addi %mul3A_852, %add3A_853 : i32
      %add3A_855 = vector.broadcast %add3A_854 : i32 to vector<16xi32>
      %add3A_856 = arith.addi %add3A_855, %iota3A : vector<16xi32>
      tpu.vector_store_idx %arg12[%min3A_850], %add3A_856 masked %ge3A_585 : memref<2064xi32, #tpu.memory_space<vmem>>[vector<16xi32>], vector<16xi32>, vector<16xi1>
      %add3A_857 = arith.addi %add3A_778, %masked_cumsum3A_610 : vector<16xi32>
      %min3A_858 = arith.constant 2063 : i32
      %min3A_859 = vector.broadcast %min3A_858 : i32 to vector<16xi32>
      %min3A_860 = arith.minsi %add3A_857, %min3A_859 : vector<16xi32>
      %mul3A_861 = arith.constant 256 : i32
      %mul3A_862 = arith.muli %scan3A_454, %mul3A_861 : i32
      %add3A_863 = arith.constant 112 : i32
      %add3A_864 = arith.addi %mul3A_862, %add3A_863 : i32
      %add3A_865 = vector.broadcast %add3A_864 : i32 to vector<16xi32>
      %add3A_866 = arith.addi %add3A_865, %iota3A : vector<16xi32>
      tpu.vector_store_idx %arg12[%min3A_860], %add3A_866 masked %ge3A_605 : memref<2064xi32, #tpu.memory_space<vmem>>[vector<16xi32>], vector<16xi32>, vector<16xi1>
      %add3A_867 = arith.addi %add3A_779, %masked_cumsum3A_630 : vector<16xi32>
      %min3A_868 = arith.constant 2063 : i32
      %min3A_869 = vector.broadcast %min3A_868 : i32 to vector<16xi32>
      %min3A_870 = arith.minsi %add3A_867, %min3A_869 : vector<16xi32>
      %mul3A_871 = arith.constant 256 : i32
      %mul3A_872 = arith.muli %scan3A_454, %mul3A_871 : i32
      %add3A_873 = arith.constant 128 : i32
      %add3A_874 = arith.addi %mul3A_872, %add3A_873 : i32
      %add3A_875 = vector.broadcast %add3A_874 : i32 to vector<16xi32>
      %add3A_876 = arith.addi %add3A_875, %iota3A : vector<16xi32>
      tpu.vector_store_idx %arg12[%min3A_870], %add3A_876 masked %ge3A_625 : memref<2064xi32, #tpu.memory_space<vmem>>[vector<16xi32>], vector<16xi32>, vector<16xi1>
      %add3A_877 = arith.addi %add3A_780, %masked_cumsum3A_650 : vector<16xi32>
      %min3A_878 = arith.constant 2063 : i32
      %min3A_879 = vector.broadcast %min3A_878 : i32 to vector<16xi32>
      %min3A_880 = arith.minsi %add3A_877, %min3A_879 : vector<16xi32>
      %mul3A_881 = arith.constant 256 : i32
      %mul3A_882 = arith.muli %scan3A_454, %mul3A_881 : i32
      %add3A_883 = arith.constant 144 : i32
      %add3A_884 = arith.addi %mul3A_882, %add3A_883 : i32
      %add3A_885 = vector.broadcast %add3A_884 : i32 to vector<16xi32>
      %add3A_886 = arith.addi %add3A_885, %iota3A : vector<16xi32>
      tpu.vector_store_idx %arg12[%min3A_880], %add3A_886 masked %ge3A_645 : memref<2064xi32, #tpu.memory_space<vmem>>[vector<16xi32>], vector<16xi32>, vector<16xi1>
      %add3A_887 = arith.addi %add3A_781, %masked_cumsum3A_670 : vector<16xi32>
      %min3A_888 = arith.constant 2063 : i32
      %min3A_889 = vector.broadcast %min3A_888 : i32 to vector<16xi32>
      %min3A_890 = arith.minsi %add3A_887, %min3A_889 : vector<16xi32>
      %mul3A_891 = arith.constant 256 : i32
      %mul3A_892 = arith.muli %scan3A_454, %mul3A_891 : i32
      %add3A_893 = arith.constant 160 : i32
      %add3A_894 = arith.addi %mul3A_892, %add3A_893 : i32
      %add3A_895 = vector.broadcast %add3A_894 : i32 to vector<16xi32>
      %add3A_896 = arith.addi %add3A_895, %iota3A : vector<16xi32>
      tpu.vector_store_idx %arg12[%min3A_890], %add3A_896 masked %ge3A_665 : memref<2064xi32, #tpu.memory_space<vmem>>[vector<16xi32>], vector<16xi32>, vector<16xi1>
      %add3A_897 = arith.addi %add3A_782, %masked_cumsum3A_690 : vector<16xi32>
      %min3A_898 = arith.constant 2063 : i32
      %min3A_899 = vector.broadcast %min3A_898 : i32 to vector<16xi32>
      %min3A_900 = arith.minsi %add3A_897, %min3A_899 : vector<16xi32>
      %mul3A_901 = arith.constant 256 : i32
      %mul3A_902 = arith.muli %scan3A_454, %mul3A_901 : i32
      %add3A_903 = arith.constant 176 : i32
      %add3A_904 = arith.addi %mul3A_902, %add3A_903 : i32
      %add3A_905 = vector.broadcast %add3A_904 : i32 to vector<16xi32>
      %add3A_906 = arith.addi %add3A_905, %iota3A : vector<16xi32>
      tpu.vector_store_idx %arg12[%min3A_900], %add3A_906 masked %ge3A_685 : memref<2064xi32, #tpu.memory_space<vmem>>[vector<16xi32>], vector<16xi32>, vector<16xi1>
      %add3A_907 = arith.addi %add3A_783, %masked_cumsum3A_710 : vector<16xi32>
      %min3A_908 = arith.constant 2063 : i32
      %min3A_909 = vector.broadcast %min3A_908 : i32 to vector<16xi32>
      %min3A_910 = arith.minsi %add3A_907, %min3A_909 : vector<16xi32>
      %mul3A_911 = arith.constant 256 : i32
      %mul3A_912 = arith.muli %scan3A_454, %mul3A_911 : i32
      %add3A_913 = arith.constant 192 : i32
      %add3A_914 = arith.addi %mul3A_912, %add3A_913 : i32
      %add3A_915 = vector.broadcast %add3A_914 : i32 to vector<16xi32>
      %add3A_916 = arith.addi %add3A_915, %iota3A : vector<16xi32>
      tpu.vector_store_idx %arg12[%min3A_910], %add3A_916 masked %ge3A_705 : memref<2064xi32, #tpu.memory_space<vmem>>[vector<16xi32>], vector<16xi32>, vector<16xi1>
      %add3A_917 = arith.addi %add3A_784, %masked_cumsum3A_730 : vector<16xi32>
      %min3A_918 = arith.constant 2063 : i32
      %min3A_919 = vector.broadcast %min3A_918 : i32 to vector<16xi32>
      %min3A_920 = arith.minsi %add3A_917, %min3A_919 : vector<16xi32>
      %mul3A_921 = arith.constant 256 : i32
      %mul3A_922 = arith.muli %scan3A_454, %mul3A_921 : i32
      %add3A_923 = arith.constant 208 : i32
      %add3A_924 = arith.addi %mul3A_922, %add3A_923 : i32
      %add3A_925 = vector.broadcast %add3A_924 : i32 to vector<16xi32>
      %add3A_926 = arith.addi %add3A_925, %iota3A : vector<16xi32>
      tpu.vector_store_idx %arg12[%min3A_920], %add3A_926 masked %ge3A_725 : memref<2064xi32, #tpu.memory_space<vmem>>[vector<16xi32>], vector<16xi32>, vector<16xi1>
      %add3A_927 = arith.addi %add3A_785, %masked_cumsum3A_750 : vector<16xi32>
      %min3A_928 = arith.constant 2063 : i32
      %min3A_929 = vector.broadcast %min3A_928 : i32 to vector<16xi32>
      %min3A_930 = arith.minsi %add3A_927, %min3A_929 : vector<16xi32>
      %mul3A_931 = arith.constant 256 : i32
      %mul3A_932 = arith.muli %scan3A_454, %mul3A_931 : i32
      %add3A_933 = arith.constant 224 : i32
      %add3A_934 = arith.addi %mul3A_932, %add3A_933 : i32
      %add3A_935 = vector.broadcast %add3A_934 : i32 to vector<16xi32>
      %add3A_936 = arith.addi %add3A_935, %iota3A : vector<16xi32>
      tpu.vector_store_idx %arg12[%min3A_930], %add3A_936 masked %ge3A_745 : memref<2064xi32, #tpu.memory_space<vmem>>[vector<16xi32>], vector<16xi32>, vector<16xi1>
      %add3A_937 = arith.addi %add3A_786, %masked_cumsum3A_770 : vector<16xi32>
      %min3A_938 = arith.constant 2063 : i32
      %min3A_939 = vector.broadcast %min3A_938 : i32 to vector<16xi32>
      %min3A_940 = arith.minsi %add3A_937, %min3A_939 : vector<16xi32>
      %mul3A_941 = arith.constant 256 : i32
      %mul3A_942 = arith.muli %scan3A_454, %mul3A_941 : i32
      %add3A_943 = arith.constant 240 : i32
      %add3A_944 = arith.addi %mul3A_942, %add3A_943 : i32
      %add3A_945 = vector.broadcast %add3A_944 : i32 to vector<16xi32>
      %add3A_946 = arith.addi %add3A_945, %iota3A : vector<16xi32>
      tpu.vector_store_idx %arg12[%min3A_940], %add3A_946 masked %ge3A_765 : memref<2064xi32, #tpu.memory_space<vmem>>[vector<16xi32>], vector<16xi32>, vector<16xi1>
      %add3A_947 = arith.addi %add3A_786, %all_reduce_population_count3A_766 : vector<16xi32>
      scf.yield %max3A_771, %add3A_947 : vector<16xf32>, vector<16xi32>
    }
    %scan3A_189 = arith.constant 49 : i32
    %xor3A_190 = arith.constant 8 : i32
    %xor3A_191 = vector.broadcast %xor3A_190 : i32 to vector<16xi32>
    %xor3A_192 = arith.xori %iota3A, %xor3A_191 : vector<16xi32>
    %lt3A_193 = arith.constant 0 : i32
    %lt3A_194 = vector.broadcast %lt3A_193 : i32 to vector<16xi32>
    %lt3A_195 = arith.cmpi slt, %xor3A_192, %lt3A_194 : vector<16xi32>
    %add3A_196 = arith.constant 16 : i32
    %add3A_197 = vector.broadcast %add3A_196 : i32 to vector<16xi32>
    %add3A_198 = arith.addi %xor3A_192, %add3A_197 : vector<16xi32>
    %select_n3A_199 = arith.select %lt3A_195, %add3A_198, %xor3A_192 : vector<16xi1>, vector<16xi32>
    %broadcast_in_dim3A_200 = vector.shape_cast %select_n3A_199 : vector<16xi32> to vector<16x1xi32>
    %gather3A_201 = vector.shape_cast %broadcast_in_dim3A_200 : vector<16x1xi32> to vector<16xi32>
    %gather3A_202 = tpu.dynamic_gather %scan3A_188#0[%gather3A_201] in [0] : vector<16xf32>, vector<16xi32> -> vector<16xf32>
    %min3A_203 = arith.minimumf %scan3A_188#0, %gather3A_202 : vector<16xf32>
    %xor3A_204 = arith.constant 4 : i32
    %xor3A_205 = vector.broadcast %xor3A_204 : i32 to vector<16xi32>
    %xor3A_206 = arith.xori %iota3A, %xor3A_205 : vector<16xi32>
    %lt3A_207 = arith.constant 0 : i32
    %lt3A_208 = vector.broadcast %lt3A_207 : i32 to vector<16xi32>
    %lt3A_209 = arith.cmpi slt, %xor3A_206, %lt3A_208 : vector<16xi32>
    %add3A_210 = arith.constant 16 : i32
    %add3A_211 = vector.broadcast %add3A_210 : i32 to vector<16xi32>
    %add3A_212 = arith.addi %xor3A_206, %add3A_211 : vector<16xi32>
    %select_n3A_213 = arith.select %lt3A_209, %add3A_212, %xor3A_206 : vector<16xi1>, vector<16xi32>
    %broadcast_in_dim3A_214 = vector.shape_cast %select_n3A_213 : vector<16xi32> to vector<16x1xi32>
    %gather3A_215 = vector.shape_cast %broadcast_in_dim3A_214 : vector<16x1xi32> to vector<16xi32>
    %gather3A_216 = tpu.dynamic_gather %min3A_203[%gather3A_215] in [0] : vector<16xf32>, vector<16xi32> -> vector<16xf32>
    %min3A_217 = arith.minimumf %min3A_203, %gather3A_216 : vector<16xf32>
    %xor3A_218 = arith.constant 2 : i32
    %xor3A_219 = vector.broadcast %xor3A_218 : i32 to vector<16xi32>
    %xor3A_220 = arith.xori %iota3A, %xor3A_219 : vector<16xi32>
    %lt3A_221 = arith.constant 0 : i32
    %lt3A_222 = vector.broadcast %lt3A_221 : i32 to vector<16xi32>
    %lt3A_223 = arith.cmpi slt, %xor3A_220, %lt3A_222 : vector<16xi32>
    %add3A_224 = arith.constant 16 : i32
    %add3A_225 = vector.broadcast %add3A_224 : i32 to vector<16xi32>
    %add3A_226 = arith.addi %xor3A_220, %add3A_225 : vector<16xi32>
    %select_n3A_227 = arith.select %lt3A_223, %add3A_226, %xor3A_220 : vector<16xi1>, vector<16xi32>
    %broadcast_in_dim3A_228 = vector.shape_cast %select_n3A_227 : vector<16xi32> to vector<16x1xi32>
    %gather3A_229 = vector.shape_cast %broadcast_in_dim3A_228 : vector<16x1xi32> to vector<16xi32>
    %gather3A_230 = tpu.dynamic_gather %min3A_217[%gather3A_229] in [0] : vector<16xf32>, vector<16xi32> -> vector<16xf32>
    %min3A_231 = arith.minimumf %min3A_217, %gather3A_230 : vector<16xf32>
    %xor3A_232 = arith.constant 1 : i32
    %xor3A_233 = vector.broadcast %xor3A_232 : i32 to vector<16xi32>
    %xor3A_234 = arith.xori %iota3A, %xor3A_233 : vector<16xi32>
    %lt3A_235 = arith.constant 0 : i32
    %lt3A_236 = vector.broadcast %lt3A_235 : i32 to vector<16xi32>
    %lt3A_237 = arith.cmpi slt, %xor3A_234, %lt3A_236 : vector<16xi32>
    %add3A_238 = arith.constant 16 : i32
    %add3A_239 = vector.broadcast %add3A_238 : i32 to vector<16xi32>
    %add3A_240 = arith.addi %xor3A_234, %add3A_239 : vector<16xi32>
    %select_n3A_241 = arith.select %lt3A_237, %add3A_240, %xor3A_234 : vector<16xi1>, vector<16xi32>
    %broadcast_in_dim3A_242 = vector.shape_cast %select_n3A_241 : vector<16xi32> to vector<16x1xi32>
    %gather3A_243 = vector.shape_cast %broadcast_in_dim3A_242 : vector<16x1xi32> to vector<16xi32>
    %gather3A_244 = tpu.dynamic_gather %min3A_231[%gather3A_243] in [0] : vector<16xf32>, vector<16xi32> -> vector<16xf32>
    %min3A_245 = arith.minimumf %min3A_231, %gather3A_244 : vector<16xf32>
    %eq3A_246 = arith.constant 0 : i32
    %eq3A_247 = arith.cmpi eq, %select_n3A_30, %eq3A_246 : i32
    %convert_element_type3A_248 = arith.extui %eq3A_247 : i1 to i32
    %cond3A_249 = arith.constant 0 : i32
    %cond3A_250 = arith.cmpi ne, %convert_element_type3A_248, %cond3A_249 : i32
    scf.if %cond3A_250 {
      %dma_start3A_454 = arith.constant 0 : i32
      %dma_start3A_455 = arith.constant 37632 : i32
      %dma_start3A_456 = tpu.memref_slice %arg7[%dma_start3A_455] : memref<50176xf32, #tpu.memory_space<vmem>> -> memref<12416xf32, #tpu.memory_space<vmem>>
      %dma_start3A_457 = arith.constant 37632 : i32
      %dma_start3A_458 = tpu.memref_slice %arg2[%select_n3A, %dma_start3A_454, %dma_start3A_457] : memref<16x1x100000xf32, #tpu.memory_space<hbm>> -> memref<1x1x12416xf32, #tpu.memory_space<hbm>>
      %dma_start3A_459 = tpu.memref_squeeze %dma_start3A_458 : memref<1x1x12416xf32, #tpu.memory_space<hbm>> -> memref<12416xf32, #tpu.memory_space<hbm>>
      %dma_start3A_460 = arith.constant 37632 : i32
      %dma_start3A_461 = tpu.memref_slice %arg7[%dma_start3A_460] : memref<50176xf32, #tpu.memory_space<vmem>> -> memref<12416xf32, #tpu.memory_space<vmem>>
      %dma_start3A_462 = arith.constant 37632 : i32
      %dma_start3A_463 = tpu.memref_slice %arg2[%select_n3A, %dma_start3A_454, %dma_start3A_462] : memref<16x1x100000xf32, #tpu.memory_space<hbm>> -> memref<1x1x12416xf32, #tpu.memory_space<hbm>>
      %dma_start3A_464 = tpu.memref_squeeze %dma_start3A_463 : memref<1x1x12416xf32, #tpu.memory_space<hbm>> -> memref<12416xf32, #tpu.memory_space<hbm>>
      tpu.enqueue_dma source(%dma_start3A_464 : memref<12416xf32, #tpu.memory_space<hbm>>) target(%dma_start3A_461 : memref<12416xf32, #tpu.memory_space<vmem>>) target_semaphore(%arg16 : memref<!tpu.dma_semaphore, #tpu.memory_space<semaphore_mem>>)
      %dma_start3A_465 = arith.constant 0 : i32
      %dma_start3A_466 = arith.constant 37632 : i32
      %dma_start3A_467 = tpu.memref_slice %arg8[%dma_start3A_466] : memref<50176xf32, #tpu.memory_space<vmem>> -> memref<12416xf32, #tpu.memory_space<vmem>>
      %dma_start3A_468 = arith.constant 37632 : i32
      %dma_start3A_469 = tpu.memref_slice %arg3[%select_n3A, %dma_start3A_465, %dma_start3A_468] : memref<16x1x100000xf32, #tpu.memory_space<hbm>> -> memref<1x1x12416xf32, #tpu.memory_space<hbm>>
      %dma_start3A_470 = tpu.memref_squeeze %dma_start3A_469 : memref<1x1x12416xf32, #tpu.memory_space<hbm>> -> memref<12416xf32, #tpu.memory_space<hbm>>
      %dma_start3A_471 = arith.constant 37632 : i32
      %dma_start3A_472 = tpu.memref_slice %arg8[%dma_start3A_471] : memref<50176xf32, #tpu.memory_space<vmem>> -> memref<12416xf32, #tpu.memory_space<vmem>>
      %dma_start3A_473 = arith.constant 37632 : i32
      %dma_start3A_474 = tpu.memref_slice %arg3[%select_n3A, %dma_start3A_465, %dma_start3A_473] : memref<16x1x100000xf32, #tpu.memory_space<hbm>> -> memref<1x1x12416xf32, #tpu.memory_space<hbm>>
      %dma_start3A_475 = tpu.memref_squeeze %dma_start3A_474 : memref<1x1x12416xf32, #tpu.memory_space<hbm>> -> memref<12416xf32, #tpu.memory_space<hbm>>
      tpu.enqueue_dma source(%dma_start3A_475 : memref<12416xf32, #tpu.memory_space<hbm>>) target(%dma_start3A_472 : memref<12416xf32, #tpu.memory_space<vmem>>) target_semaphore(%arg20 : memref<!tpu.dma_semaphore, #tpu.memory_space<semaphore_mem>>)
    } else {
    }
    %eq3A_251 = arith.constant 1 : i32
    %eq3A_252 = arith.cmpi eq, %select_n3A_30, %eq3A_251 : i32
    %convert_element_type3A_253 = arith.extui %eq3A_252 : i1 to i32
    %cond3A_254 = arith.constant 0 : i32
    %cond3A_255 = arith.cmpi ne, %convert_element_type3A_253, %cond3A_254 : i32
    scf.if %cond3A_255 {
      %dma_start3A_454 = arith.constant 0 : i32
      %dma_start3A_455 = arith.constant 37632 : i32
      %dma_start3A_456 = tpu.memref_slice %arg7[%dma_start3A_455] : memref<50176xf32, #tpu.memory_space<vmem>> -> memref<12320xf32, #tpu.memory_space<vmem>>
      %dma_start3A_457 = arith.constant 87680 : i32
      %dma_start3A_458 = tpu.memref_slice %arg2[%select_n3A, %dma_start3A_454, %dma_start3A_457] : memref<16x1x100000xf32, #tpu.memory_space<hbm>> -> memref<1x1x12320xf32, #tpu.memory_space<hbm>>
      %dma_start3A_459 = tpu.memref_squeeze %dma_start3A_458 : memref<1x1x12320xf32, #tpu.memory_space<hbm>> -> memref<12320xf32, #tpu.memory_space<hbm>>
      %dma_start3A_460 = arith.constant 37632 : i32
      %dma_start3A_461 = tpu.memref_slice %arg7[%dma_start3A_460] : memref<50176xf32, #tpu.memory_space<vmem>> -> memref<12320xf32, #tpu.memory_space<vmem>>
      %dma_start3A_462 = arith.constant 87680 : i32
      %dma_start3A_463 = tpu.memref_slice %arg2[%select_n3A, %dma_start3A_454, %dma_start3A_462] : memref<16x1x100000xf32, #tpu.memory_space<hbm>> -> memref<1x1x12320xf32, #tpu.memory_space<hbm>>
      %dma_start3A_464 = tpu.memref_squeeze %dma_start3A_463 : memref<1x1x12320xf32, #tpu.memory_space<hbm>> -> memref<12320xf32, #tpu.memory_space<hbm>>
      tpu.enqueue_dma source(%dma_start3A_464 : memref<12320xf32, #tpu.memory_space<hbm>>) target(%dma_start3A_461 : memref<12320xf32, #tpu.memory_space<vmem>>) target_semaphore(%arg16 : memref<!tpu.dma_semaphore, #tpu.memory_space<semaphore_mem>>)
      %dma_start3A_465 = arith.constant 0 : i32
      %dma_start3A_466 = arith.constant 37632 : i32
      %dma_start3A_467 = tpu.memref_slice %arg8[%dma_start3A_466] : memref<50176xf32, #tpu.memory_space<vmem>> -> memref<12320xf32, #tpu.memory_space<vmem>>
      %dma_start3A_468 = arith.constant 87680 : i32
      %dma_start3A_469 = tpu.memref_slice %arg3[%select_n3A, %dma_start3A_465, %dma_start3A_468] : memref<16x1x100000xf32, #tpu.memory_space<hbm>> -> memref<1x1x12320xf32, #tpu.memory_space<hbm>>
      %dma_start3A_470 = tpu.memref_squeeze %dma_start3A_469 : memref<1x1x12320xf32, #tpu.memory_space<hbm>> -> memref<12320xf32, #tpu.memory_space<hbm>>
      %dma_start3A_471 = arith.constant 37632 : i32
      %dma_start3A_472 = tpu.memref_slice %arg8[%dma_start3A_471] : memref<50176xf32, #tpu.memory_space<vmem>> -> memref<12320xf32, #tpu.memory_space<vmem>>
      %dma_start3A_473 = arith.constant 87680 : i32
      %dma_start3A_474 = tpu.memref_slice %arg3[%select_n3A, %dma_start3A_465, %dma_start3A_473] : memref<16x1x100000xf32, #tpu.memory_space<hbm>> -> memref<1x1x12320xf32, #tpu.memory_space<hbm>>
      %dma_start3A_475 = tpu.memref_squeeze %dma_start3A_474 : memref<1x1x12320xf32, #tpu.memory_space<hbm>> -> memref<12320xf32, #tpu.memory_space<hbm>>
      tpu.enqueue_dma source(%dma_start3A_475 : memref<12320xf32, #tpu.memory_space<hbm>>) target(%dma_start3A_472 : memref<12320xf32, #tpu.memory_space<vmem>>) target_semaphore(%arg20 : memref<!tpu.dma_semaphore, #tpu.memory_space<semaphore_mem>>)
    } else {
    }
    %eq3A_256 = arith.constant 0 : i32
    %eq3A_257 = arith.cmpi eq, %select_n3A_30, %eq3A_256 : i32
    %convert_element_type3A_258 = arith.extui %eq3A_257 : i1 to i32
    %cond3A_259 = arith.constant 0 : i32
    %cond3A_260 = arith.cmpi ne, %convert_element_type3A_258, %cond3A_259 : i32
    scf.if %cond3A_260 {
      %dma_wait3A_454 = arith.constant 0 : i32
      %dma_wait3A_455 = arith.constant 25088 : i32
      %dma_wait3A_456 = tpu.memref_slice %arg7[%dma_wait3A_455] : memref<50176xf32, #tpu.memory_space<vmem>> -> memref<12544xf32, #tpu.memory_space<vmem>>
      %dma_wait3A_457 = arith.constant 25088 : i32
      %dma_wait3A_458 = tpu.memref_slice %arg2[%select_n3A, %dma_wait3A_454, %dma_wait3A_457] : memref<16x1x100000xf32, #tpu.memory_space<hbm>> -> memref<1x1x12544xf32, #tpu.memory_space<hbm>>
      %dma_wait3A_459 = tpu.memref_squeeze %dma_wait3A_458 : memref<1x1x12544xf32, #tpu.memory_space<hbm>> -> memref<12544xf32, #tpu.memory_space<hbm>>
      %dma_wait3A_460 = arith.constant 25088 : i32
      %dma_wait3A_461 = tpu.memref_slice %arg7[%dma_wait3A_460] : memref<50176xf32, #tpu.memory_space<vmem>> -> memref<12544xf32, #tpu.memory_space<vmem>>
      %dma_wait3A_462 = arith.constant 25088 : i32
      %dma_wait3A_463 = tpu.memref_slice %arg2[%select_n3A, %dma_wait3A_454, %dma_wait3A_462] : memref<16x1x100000xf32, #tpu.memory_space<hbm>> -> memref<1x1x12544xf32, #tpu.memory_space<hbm>>
      %dma_wait3A_464 = tpu.memref_squeeze %dma_wait3A_463 : memref<1x1x12544xf32, #tpu.memory_space<hbm>> -> memref<12544xf32, #tpu.memory_space<hbm>>
      tpu.wait_dma2 semaphore(%arg15 : memref<!tpu.dma_semaphore, #tpu.memory_space<semaphore_mem>>) src(%dma_wait3A_464 : memref<12544xf32, #tpu.memory_space<hbm>>) dst(%dma_wait3A_461 : memref<12544xf32, #tpu.memory_space<vmem>>)
      %dma_wait3A_465 = arith.constant 0 : i32
      %dma_wait3A_466 = arith.constant 25088 : i32
      %dma_wait3A_467 = tpu.memref_slice %arg8[%dma_wait3A_466] : memref<50176xf32, #tpu.memory_space<vmem>> -> memref<12544xf32, #tpu.memory_space<vmem>>
      %dma_wait3A_468 = arith.constant 25088 : i32
      %dma_wait3A_469 = tpu.memref_slice %arg3[%select_n3A, %dma_wait3A_465, %dma_wait3A_468] : memref<16x1x100000xf32, #tpu.memory_space<hbm>> -> memref<1x1x12544xf32, #tpu.memory_space<hbm>>
      %dma_wait3A_470 = tpu.memref_squeeze %dma_wait3A_469 : memref<1x1x12544xf32, #tpu.memory_space<hbm>> -> memref<12544xf32, #tpu.memory_space<hbm>>
      %dma_wait3A_471 = arith.constant 25088 : i32
      %dma_wait3A_472 = tpu.memref_slice %arg8[%dma_wait3A_471] : memref<50176xf32, #tpu.memory_space<vmem>> -> memref<12544xf32, #tpu.memory_space<vmem>>
      %dma_wait3A_473 = arith.constant 25088 : i32
      %dma_wait3A_474 = tpu.memref_slice %arg3[%select_n3A, %dma_wait3A_465, %dma_wait3A_473] : memref<16x1x100000xf32, #tpu.memory_space<hbm>> -> memref<1x1x12544xf32, #tpu.memory_space<hbm>>
      %dma_wait3A_475 = tpu.memref_squeeze %dma_wait3A_474 : memref<1x1x12544xf32, #tpu.memory_space<hbm>> -> memref<12544xf32, #tpu.memory_space<hbm>>
      tpu.wait_dma2 semaphore(%arg19 : memref<!tpu.dma_semaphore, #tpu.memory_space<semaphore_mem>>) src(%dma_wait3A_475 : memref<12544xf32, #tpu.memory_space<hbm>>) dst(%dma_wait3A_472 : memref<12544xf32, #tpu.memory_space<vmem>>)
    } else {
    }
    %eq3A_261 = arith.constant 1 : i32
    %eq3A_262 = arith.cmpi eq, %select_n3A_30, %eq3A_261 : i32
    %convert_element_type3A_263 = arith.extui %eq3A_262 : i1 to i32
    %cond3A_264 = arith.constant 0 : i32
    %cond3A_265 = arith.cmpi ne, %convert_element_type3A_263, %cond3A_264 : i32
    scf.if %cond3A_265 {
      %dma_wait3A_454 = arith.constant 0 : i32
      %dma_wait3A_455 = arith.constant 25088 : i32
      %dma_wait3A_456 = tpu.memref_slice %arg7[%dma_wait3A_455] : memref<50176xf32, #tpu.memory_space<vmem>> -> memref<12544xf32, #tpu.memory_space<vmem>>
      %dma_wait3A_457 = arith.constant 75136 : i32
      %dma_wait3A_458 = tpu.memref_slice %arg2[%select_n3A, %dma_wait3A_454, %dma_wait3A_457] : memref<16x1x100000xf32, #tpu.memory_space<hbm>> -> memref<1x1x12544xf32, #tpu.memory_space<hbm>>
      %dma_wait3A_459 = tpu.memref_squeeze %dma_wait3A_458 : memref<1x1x12544xf32, #tpu.memory_space<hbm>> -> memref<12544xf32, #tpu.memory_space<hbm>>
      %dma_wait3A_460 = arith.constant 25088 : i32
      %dma_wait3A_461 = tpu.memref_slice %arg7[%dma_wait3A_460] : memref<50176xf32, #tpu.memory_space<vmem>> -> memref<12544xf32, #tpu.memory_space<vmem>>
      %dma_wait3A_462 = arith.constant 75136 : i32
      %dma_wait3A_463 = tpu.memref_slice %arg2[%select_n3A, %dma_wait3A_454, %dma_wait3A_462] : memref<16x1x100000xf32, #tpu.memory_space<hbm>> -> memref<1x1x12544xf32, #tpu.memory_space<hbm>>
      %dma_wait3A_464 = tpu.memref_squeeze %dma_wait3A_463 : memref<1x1x12544xf32, #tpu.memory_space<hbm>> -> memref<12544xf32, #tpu.memory_space<hbm>>
      tpu.wait_dma2 semaphore(%arg15 : memref<!tpu.dma_semaphore, #tpu.memory_space<semaphore_mem>>) src(%dma_wait3A_464 : memref<12544xf32, #tpu.memory_space<hbm>>) dst(%dma_wait3A_461 : memref<12544xf32, #tpu.memory_space<vmem>>)
      %dma_wait3A_465 = arith.constant 0 : i32
      %dma_wait3A_466 = arith.constant 25088 : i32
      %dma_wait3A_467 = tpu.memref_slice %arg8[%dma_wait3A_466] : memref<50176xf32, #tpu.memory_space<vmem>> -> memref<12544xf32, #tpu.memory_space<vmem>>
      %dma_wait3A_468 = arith.constant 75136 : i32
      %dma_wait3A_469 = tpu.memref_slice %arg3[%select_n3A, %dma_wait3A_465, %dma_wait3A_468] : memref<16x1x100000xf32, #tpu.memory_space<hbm>> -> memref<1x1x12544xf32, #tpu.memory_space<hbm>>
      %dma_wait3A_470 = tpu.memref_squeeze %dma_wait3A_469 : memref<1x1x12544xf32, #tpu.memory_space<hbm>> -> memref<12544xf32, #tpu.memory_space<hbm>>
      %dma_wait3A_471 = arith.constant 25088 : i32
      %dma_wait3A_472 = tpu.memref_slice %arg8[%dma_wait3A_471] : memref<50176xf32, #tpu.memory_space<vmem>> -> memref<12544xf32, #tpu.memory_space<vmem>>
      %dma_wait3A_473 = arith.constant 75136 : i32
      %dma_wait3A_474 = tpu.memref_slice %arg3[%select_n3A, %dma_wait3A_465, %dma_wait3A_473] : memref<16x1x100000xf32, #tpu.memory_space<hbm>> -> memref<1x1x12544xf32, #tpu.memory_space<hbm>>
      %dma_wait3A_475 = tpu.memref_squeeze %dma_wait3A_474 : memref<1x1x12544xf32, #tpu.memory_space<hbm>> -> memref<12544xf32, #tpu.memory_space<hbm>>
      tpu.wait_dma2 semaphore(%arg19 : memref<!tpu.dma_semaphore, #tpu.memory_space<semaphore_mem>>) src(%dma_wait3A_475 : memref<12544xf32, #tpu.memory_space<hbm>>) dst(%dma_wait3A_472 : memref<12544xf32, #tpu.memory_space<vmem>>)
    } else {
    }
    %scan3A_266 = arith.constant 98 : i32
    %scan3A_267 = arith.constant 49 : i32
    %scan3A_268 = arith.addi %scan3A_266, %scan3A_267 : i32
    %scan3A_269 = arith.constant 1 : i32
    %scan3A_270:2 = scf.for %scan3A_454 = %scan3A_266 to %scan3A_268 step %scan3A_269 iter_args(%scan3A_455 = %scan3A_188#0, %scan3A_456 = %scan3A_188#1) -> (vector<16xf32>, vector<16xi32>)  : i32 {
      %mul3A_457 = arith.constant 256 : i32
      %mul3A_458 = arith.muli %scan3A_454, %mul3A_457 : i32
      %add3A_459 = arith.constant 0 : i32
      %add3A_460 = arith.addi %mul3A_458, %add3A_459 : i32
      %get3A = arith.index_cast %add3A_460 : i32 to index
      %get3A_461 = tpu.vector_load %arg7[%get3A] {strides = array<i32>} : memref<50176xf32, #tpu.memory_space<vmem>>, vector<16xf32>,
      %mul3A_462 = arith.constant 256 : i32
      %mul3A_463 = arith.muli %scan3A_454, %mul3A_462 : i32
      %add3A_464 = arith.constant 0 : i32
      %add3A_465 = arith.addi %mul3A_463, %add3A_464 : i32
      %get3A_466 = arith.index_cast %add3A_465 : i32 to index
      %get3A_467 = tpu.vector_load %arg8[%get3A_466] {strides = array<i32>} : memref<50176xf32, #tpu.memory_space<vmem>>, vector<16xf32>,
      %add3A_468 = arith.addf %get3A_461, %get3A_467 : vector<16xf32>
      %ge3A = arith.cmpf oge, %add3A_468, %min3A_245 : vector<16xf32>
      %all_reduce_population_count3A = tpu.all_reduce %ge3A {dim = 0 : i64, kind = #tpu.reduction_kind<sum>} : vector<16xi1> -> vector<16xi32>
      %convert_element_type3A_469 = arith.extui %ge3A : vector<16xi1> to vector<16xi32>
      %broadcast_in_dim3A_470 = arith.constant true
      %broadcast_in_dim3A_471 = vector.broadcast %broadcast_in_dim3A_470 : i1 to vector<16xi1>
      %masked_cumsum3A = tpu.scan <sum>, %convert_element_type3A_469 masked %broadcast_in_dim3A_471 : vector<16xi32>, vector<16xi1> -> vector<16xi32>
      %max3A = arith.maximumf %scan3A_455, %add3A_468 : vector<16xf32>
      %mul3A_472 = arith.constant 256 : i32
      %mul3A_473 = arith.muli %scan3A_454, %mul3A_472 : i32
      %add3A_474 = arith.constant 16 : i32
      %add3A_475 = arith.addi %mul3A_473, %add3A_474 : i32
      %get3A_476 = arith.index_cast %add3A_475 : i32 to index
      %get3A_477 = tpu.vector_load %arg7[%get3A_476] {strides = array<i32>} : memref<50176xf32, #tpu.memory_space<vmem>>, vector<16xf32>,
      %mul3A_478 = arith.constant 256 : i32
      %mul3A_479 = arith.muli %scan3A_454, %mul3A_478 : i32
      %add3A_480 = arith.constant 16 : i32
      %add3A_481 = arith.addi %mul3A_479, %add3A_480 : i32
      %get3A_482 = arith.index_cast %add3A_481 : i32 to index
      %get3A_483 = tpu.vector_load %arg8[%get3A_482] {strides = array<i32>} : memref<50176xf32, #tpu.memory_space<vmem>>, vector<16xf32>,
      %add3A_484 = arith.addf %get3A_477, %get3A_483 : vector<16xf32>
      %ge3A_485 = arith.cmpf oge, %add3A_484, %min3A_245 : vector<16xf32>
      %all_reduce_population_count3A_486 = tpu.all_reduce %ge3A_485 {dim = 0 : i64, kind = #tpu.reduction_kind<sum>} : vector<16xi1> -> vector<16xi32>
      %convert_element_type3A_487 = arith.extui %ge3A_485 : vector<16xi1> to vector<16xi32>
      %broadcast_in_dim3A_488 = arith.constant true
      %broadcast_in_dim3A_489 = vector.broadcast %broadcast_in_dim3A_488 : i1 to vector<16xi1>
      %masked_cumsum3A_490 = tpu.scan <sum>, %convert_element_type3A_487 masked %broadcast_in_dim3A_489 : vector<16xi32>, vector<16xi1> -> vector<16xi32>
      %max3A_491 = arith.maximumf %max3A, %add3A_484 : vector<16xf32>
      %mul3A_492 = arith.constant 256 : i32
      %mul3A_493 = arith.muli %scan3A_454, %mul3A_492 : i32
      %add3A_494 = arith.constant 32 : i32
      %add3A_495 = arith.addi %mul3A_493, %add3A_494 : i32
      %get3A_496 = arith.index_cast %add3A_495 : i32 to index
      %get3A_497 = tpu.vector_load %arg7[%get3A_496] {strides = array<i32>} : memref<50176xf32, #tpu.memory_space<vmem>>, vector<16xf32>,
      %mul3A_498 = arith.constant 256 : i32
      %mul3A_499 = arith.muli %scan3A_454, %mul3A_498 : i32
      %add3A_500 = arith.constant 32 : i32
      %add3A_501 = arith.addi %mul3A_499, %add3A_500 : i32
      %get3A_502 = arith.index_cast %add3A_501 : i32 to index
      %get3A_503 = tpu.vector_load %arg8[%get3A_502] {strides = array<i32>} : memref<50176xf32, #tpu.memory_space<vmem>>, vector<16xf32>,
      %add3A_504 = arith.addf %get3A_497, %get3A_503 : vector<16xf32>
      %ge3A_505 = arith.cmpf oge, %add3A_504, %min3A_245 : vector<16xf32>
      %all_reduce_population_count3A_506 = tpu.all_reduce %ge3A_505 {dim = 0 : i64, kind = #tpu.reduction_kind<sum>} : vector<16xi1> -> vector<16xi32>
      %convert_element_type3A_507 = arith.extui %ge3A_505 : vector<16xi1> to vector<16xi32>
      %broadcast_in_dim3A_508 = arith.constant true
      %broadcast_in_dim3A_509 = vector.broadcast %broadcast_in_dim3A_508 : i1 to vector<16xi1>
      %masked_cumsum3A_510 = tpu.scan <sum>, %convert_element_type3A_507 masked %broadcast_in_dim3A_509 : vector<16xi32>, vector<16xi1> -> vector<16xi32>
      %max3A_511 = arith.maximumf %max3A_491, %add3A_504 : vector<16xf32>
      %mul3A_512 = arith.constant 256 : i32
      %mul3A_513 = arith.muli %scan3A_454, %mul3A_512 : i32
      %add3A_514 = arith.constant 48 : i32
      %add3A_515 = arith.addi %mul3A_513, %add3A_514 : i32
      %get3A_516 = arith.index_cast %add3A_515 : i32 to index
      %get3A_517 = tpu.vector_load %arg7[%get3A_516] {strides = array<i32>} : memref<50176xf32, #tpu.memory_space<vmem>>, vector<16xf32>,
      %mul3A_518 = arith.constant 256 : i32
      %mul3A_519 = arith.muli %scan3A_454, %mul3A_518 : i32
      %add3A_520 = arith.constant 48 : i32
      %add3A_521 = arith.addi %mul3A_519, %add3A_520 : i32
      %get3A_522 = arith.index_cast %add3A_521 : i32 to index
      %get3A_523 = tpu.vector_load %arg8[%get3A_522] {strides = array<i32>} : memref<50176xf32, #tpu.memory_space<vmem>>, vector<16xf32>,
      %add3A_524 = arith.addf %get3A_517, %get3A_523 : vector<16xf32>
      %ge3A_525 = arith.cmpf oge, %add3A_524, %min3A_245 : vector<16xf32>
      %all_reduce_population_count3A_526 = tpu.all_reduce %ge3A_525 {dim = 0 : i64, kind = #tpu.reduction_kind<sum>} : vector<16xi1> -> vector<16xi32>
      %convert_element_type3A_527 = arith.extui %ge3A_525 : vector<16xi1> to vector<16xi32>
      %broadcast_in_dim3A_528 = arith.constant true
      %broadcast_in_dim3A_529 = vector.broadcast %broadcast_in_dim3A_528 : i1 to vector<16xi1>
      %masked_cumsum3A_530 = tpu.scan <sum>, %convert_element_type3A_527 masked %broadcast_in_dim3A_529 : vector<16xi32>, vector<16xi1> -> vector<16xi32>
      %max3A_531 = arith.maximumf %max3A_511, %add3A_524 : vector<16xf32>
      %mul3A_532 = arith.constant 256 : i32
      %mul3A_533 = arith.muli %scan3A_454, %mul3A_532 : i32
      %add3A_534 = arith.constant 64 : i32
      %add3A_535 = arith.addi %mul3A_533, %add3A_534 : i32
      %get3A_536 = arith.index_cast %add3A_535 : i32 to index
      %get3A_537 = tpu.vector_load %arg7[%get3A_536] {strides = array<i32>} : memref<50176xf32, #tpu.memory_space<vmem>>, vector<16xf32>,
      %mul3A_538 = arith.constant 256 : i32
      %mul3A_539 = arith.muli %scan3A_454, %mul3A_538 : i32
      %add3A_540 = arith.constant 64 : i32
      %add3A_541 = arith.addi %mul3A_539, %add3A_540 : i32
      %get3A_542 = arith.index_cast %add3A_541 : i32 to index
      %get3A_543 = tpu.vector_load %arg8[%get3A_542] {strides = array<i32>} : memref<50176xf32, #tpu.memory_space<vmem>>, vector<16xf32>,
      %add3A_544 = arith.addf %get3A_537, %get3A_543 : vector<16xf32>
      %ge3A_545 = arith.cmpf oge, %add3A_544, %min3A_245 : vector<16xf32>
      %all_reduce_population_count3A_546 = tpu.all_reduce %ge3A_545 {dim = 0 : i64, kind = #tpu.reduction_kind<sum>} : vector<16xi1> -> vector<16xi32>
      %convert_element_type3A_547 = arith.extui %ge3A_545 : vector<16xi1> to vector<16xi32>
      %broadcast_in_dim3A_548 = arith.constant true
      %broadcast_in_dim3A_549 = vector.broadcast %broadcast_in_dim3A_548 : i1 to vector<16xi1>
      %masked_cumsum3A_550 = tpu.scan <sum>, %convert_element_type3A_547 masked %broadcast_in_dim3A_549 : vector<16xi32>, vector<16xi1> -> vector<16xi32>
      %max3A_551 = arith.maximumf %max3A_531, %add3A_544 : vector<16xf32>
      %mul3A_552 = arith.constant 256 : i32
      %mul3A_553 = arith.muli %scan3A_454, %mul3A_552 : i32
      %add3A_554 = arith.constant 80 : i32
      %add3A_555 = arith.addi %mul3A_553, %add3A_554 : i32
      %get3A_556 = arith.index_cast %add3A_555 : i32 to index
      %get3A_557 = tpu.vector_load %arg7[%get3A_556] {strides = array<i32>} : memref<50176xf32, #tpu.memory_space<vmem>>, vector<16xf32>,
      %mul3A_558 = arith.constant 256 : i32
      %mul3A_559 = arith.muli %scan3A_454, %mul3A_558 : i32
      %add3A_560 = arith.constant 80 : i32
      %add3A_561 = arith.addi %mul3A_559, %add3A_560 : i32
      %get3A_562 = arith.index_cast %add3A_561 : i32 to index
      %get3A_563 = tpu.vector_load %arg8[%get3A_562] {strides = array<i32>} : memref<50176xf32, #tpu.memory_space<vmem>>, vector<16xf32>,
      %add3A_564 = arith.addf %get3A_557, %get3A_563 : vector<16xf32>
      %ge3A_565 = arith.cmpf oge, %add3A_564, %min3A_245 : vector<16xf32>
      %all_reduce_population_count3A_566 = tpu.all_reduce %ge3A_565 {dim = 0 : i64, kind = #tpu.reduction_kind<sum>} : vector<16xi1> -> vector<16xi32>
      %convert_element_type3A_567 = arith.extui %ge3A_565 : vector<16xi1> to vector<16xi32>
      %broadcast_in_dim3A_568 = arith.constant true
      %broadcast_in_dim3A_569 = vector.broadcast %broadcast_in_dim3A_568 : i1 to vector<16xi1>
      %masked_cumsum3A_570 = tpu.scan <sum>, %convert_element_type3A_567 masked %broadcast_in_dim3A_569 : vector<16xi32>, vector<16xi1> -> vector<16xi32>
      %max3A_571 = arith.maximumf %max3A_551, %add3A_564 : vector<16xf32>
      %mul3A_572 = arith.constant 256 : i32
      %mul3A_573 = arith.muli %scan3A_454, %mul3A_572 : i32
      %add3A_574 = arith.constant 96 : i32
      %add3A_575 = arith.addi %mul3A_573, %add3A_574 : i32
      %get3A_576 = arith.index_cast %add3A_575 : i32 to index
      %get3A_577 = tpu.vector_load %arg7[%get3A_576] {strides = array<i32>} : memref<50176xf32, #tpu.memory_space<vmem>>, vector<16xf32>,
      %mul3A_578 = arith.constant 256 : i32
      %mul3A_579 = arith.muli %scan3A_454, %mul3A_578 : i32
      %add3A_580 = arith.constant 96 : i32
      %add3A_581 = arith.addi %mul3A_579, %add3A_580 : i32
      %get3A_582 = arith.index_cast %add3A_581 : i32 to index
      %get3A_583 = tpu.vector_load %arg8[%get3A_582] {strides = array<i32>} : memref<50176xf32, #tpu.memory_space<vmem>>, vector<16xf32>,
      %add3A_584 = arith.addf %get3A_577, %get3A_583 : vector<16xf32>
      %ge3A_585 = arith.cmpf oge, %add3A_584, %min3A_245 : vector<16xf32>
      %all_reduce_population_count3A_586 = tpu.all_reduce %ge3A_585 {dim = 0 : i64, kind = #tpu.reduction_kind<sum>} : vector<16xi1> -> vector<16xi32>
      %convert_element_type3A_587 = arith.extui %ge3A_585 : vector<16xi1> to vector<16xi32>
      %broadcast_in_dim3A_588 = arith.constant true
      %broadcast_in_dim3A_589 = vector.broadcast %broadcast_in_dim3A_588 : i1 to vector<16xi1>
      %masked_cumsum3A_590 = tpu.scan <sum>, %convert_element_type3A_587 masked %broadcast_in_dim3A_589 : vector<16xi32>, vector<16xi1> -> vector<16xi32>
      %max3A_591 = arith.maximumf %max3A_571, %add3A_584 : vector<16xf32>
      %mul3A_592 = arith.constant 256 : i32
      %mul3A_593 = arith.muli %scan3A_454, %mul3A_592 : i32
      %add3A_594 = arith.constant 112 : i32
      %add3A_595 = arith.addi %mul3A_593, %add3A_594 : i32
      %get3A_596 = arith.index_cast %add3A_595 : i32 to index
      %get3A_597 = tpu.vector_load %arg7[%get3A_596] {strides = array<i32>} : memref<50176xf32, #tpu.memory_space<vmem>>, vector<16xf32>,
      %mul3A_598 = arith.constant 256 : i32
      %mul3A_599 = arith.muli %scan3A_454, %mul3A_598 : i32
      %add3A_600 = arith.constant 112 : i32
      %add3A_601 = arith.addi %mul3A_599, %add3A_600 : i32
      %get3A_602 = arith.index_cast %add3A_601 : i32 to index
      %get3A_603 = tpu.vector_load %arg8[%get3A_602] {strides = array<i32>} : memref<50176xf32, #tpu.memory_space<vmem>>, vector<16xf32>,
      %add3A_604 = arith.addf %get3A_597, %get3A_603 : vector<16xf32>
      %ge3A_605 = arith.cmpf oge, %add3A_604, %min3A_245 : vector<16xf32>
      %all_reduce_population_count3A_606 = tpu.all_reduce %ge3A_605 {dim = 0 : i64, kind = #tpu.reduction_kind<sum>} : vector<16xi1> -> vector<16xi32>
      %convert_element_type3A_607 = arith.extui %ge3A_605 : vector<16xi1> to vector<16xi32>
      %broadcast_in_dim3A_608 = arith.constant true
      %broadcast_in_dim3A_609 = vector.broadcast %broadcast_in_dim3A_608 : i1 to vector<16xi1>
      %masked_cumsum3A_610 = tpu.scan <sum>, %convert_element_type3A_607 masked %broadcast_in_dim3A_609 : vector<16xi32>, vector<16xi1> -> vector<16xi32>
      %max3A_611 = arith.maximumf %max3A_591, %add3A_604 : vector<16xf32>
      %mul3A_612 = arith.constant 256 : i32
      %mul3A_613 = arith.muli %scan3A_454, %mul3A_612 : i32
      %add3A_614 = arith.constant 128 : i32
      %add3A_615 = arith.addi %mul3A_613, %add3A_614 : i32
      %get3A_616 = arith.index_cast %add3A_615 : i32 to index
      %get3A_617 = tpu.vector_load %arg7[%get3A_616] {strides = array<i32>} : memref<50176xf32, #tpu.memory_space<vmem>>, vector<16xf32>,
      %mul3A_618 = arith.constant 256 : i32
      %mul3A_619 = arith.muli %scan3A_454, %mul3A_618 : i32
      %add3A_620 = arith.constant 128 : i32
      %add3A_621 = arith.addi %mul3A_619, %add3A_620 : i32
      %get3A_622 = arith.index_cast %add3A_621 : i32 to index
      %get3A_623 = tpu.vector_load %arg8[%get3A_622] {strides = array<i32>} : memref<50176xf32, #tpu.memory_space<vmem>>, vector<16xf32>,
      %add3A_624 = arith.addf %get3A_617, %get3A_623 : vector<16xf32>
      %ge3A_625 = arith.cmpf oge, %add3A_624, %min3A_245 : vector<16xf32>
      %all_reduce_population_count3A_626 = tpu.all_reduce %ge3A_625 {dim = 0 : i64, kind = #tpu.reduction_kind<sum>} : vector<16xi1> -> vector<16xi32>
      %convert_element_type3A_627 = arith.extui %ge3A_625 : vector<16xi1> to vector<16xi32>
      %broadcast_in_dim3A_628 = arith.constant true
      %broadcast_in_dim3A_629 = vector.broadcast %broadcast_in_dim3A_628 : i1 to vector<16xi1>
      %masked_cumsum3A_630 = tpu.scan <sum>, %convert_element_type3A_627 masked %broadcast_in_dim3A_629 : vector<16xi32>, vector<16xi1> -> vector<16xi32>
      %max3A_631 = arith.maximumf %max3A_611, %add3A_624 : vector<16xf32>
      %mul3A_632 = arith.constant 256 : i32
      %mul3A_633 = arith.muli %scan3A_454, %mul3A_632 : i32
      %add3A_634 = arith.constant 144 : i32
      %add3A_635 = arith.addi %mul3A_633, %add3A_634 : i32
      %get3A_636 = arith.index_cast %add3A_635 : i32 to index
      %get3A_637 = tpu.vector_load %arg7[%get3A_636] {strides = array<i32>} : memref<50176xf32, #tpu.memory_space<vmem>>, vector<16xf32>,
      %mul3A_638 = arith.constant 256 : i32
      %mul3A_639 = arith.muli %scan3A_454, %mul3A_638 : i32
      %add3A_640 = arith.constant 144 : i32
      %add3A_641 = arith.addi %mul3A_639, %add3A_640 : i32
      %get3A_642 = arith.index_cast %add3A_641 : i32 to index
      %get3A_643 = tpu.vector_load %arg8[%get3A_642] {strides = array<i32>} : memref<50176xf32, #tpu.memory_space<vmem>>, vector<16xf32>,
      %add3A_644 = arith.addf %get3A_637, %get3A_643 : vector<16xf32>
      %ge3A_645 = arith.cmpf oge, %add3A_644, %min3A_245 : vector<16xf32>
      %all_reduce_population_count3A_646 = tpu.all_reduce %ge3A_645 {dim = 0 : i64, kind = #tpu.reduction_kind<sum>} : vector<16xi1> -> vector<16xi32>
      %convert_element_type3A_647 = arith.extui %ge3A_645 : vector<16xi1> to vector<16xi32>
      %broadcast_in_dim3A_648 = arith.constant true
      %broadcast_in_dim3A_649 = vector.broadcast %broadcast_in_dim3A_648 : i1 to vector<16xi1>
      %masked_cumsum3A_650 = tpu.scan <sum>, %convert_element_type3A_647 masked %broadcast_in_dim3A_649 : vector<16xi32>, vector<16xi1> -> vector<16xi32>
      %max3A_651 = arith.maximumf %max3A_631, %add3A_644 : vector<16xf32>
      %mul3A_652 = arith.constant 256 : i32
      %mul3A_653 = arith.muli %scan3A_454, %mul3A_652 : i32
      %add3A_654 = arith.constant 160 : i32
      %add3A_655 = arith.addi %mul3A_653, %add3A_654 : i32
      %get3A_656 = arith.index_cast %add3A_655 : i32 to index
      %get3A_657 = tpu.vector_load %arg7[%get3A_656] {strides = array<i32>} : memref<50176xf32, #tpu.memory_space<vmem>>, vector<16xf32>,
      %mul3A_658 = arith.constant 256 : i32
      %mul3A_659 = arith.muli %scan3A_454, %mul3A_658 : i32
      %add3A_660 = arith.constant 160 : i32
      %add3A_661 = arith.addi %mul3A_659, %add3A_660 : i32
      %get3A_662 = arith.index_cast %add3A_661 : i32 to index
      %get3A_663 = tpu.vector_load %arg8[%get3A_662] {strides = array<i32>} : memref<50176xf32, #tpu.memory_space<vmem>>, vector<16xf32>,
      %add3A_664 = arith.addf %get3A_657, %get3A_663 : vector<16xf32>
      %ge3A_665 = arith.cmpf oge, %add3A_664, %min3A_245 : vector<16xf32>
      %all_reduce_population_count3A_666 = tpu.all_reduce %ge3A_665 {dim = 0 : i64, kind = #tpu.reduction_kind<sum>} : vector<16xi1> -> vector<16xi32>
      %convert_element_type3A_667 = arith.extui %ge3A_665 : vector<16xi1> to vector<16xi32>
      %broadcast_in_dim3A_668 = arith.constant true
      %broadcast_in_dim3A_669 = vector.broadcast %broadcast_in_dim3A_668 : i1 to vector<16xi1>
      %masked_cumsum3A_670 = tpu.scan <sum>, %convert_element_type3A_667 masked %broadcast_in_dim3A_669 : vector<16xi32>, vector<16xi1> -> vector<16xi32>
      %max3A_671 = arith.maximumf %max3A_651, %add3A_664 : vector<16xf32>
      %mul3A_672 = arith.constant 256 : i32
      %mul3A_673 = arith.muli %scan3A_454, %mul3A_672 : i32
      %add3A_674 = arith.constant 176 : i32
      %add3A_675 = arith.addi %mul3A_673, %add3A_674 : i32
      %get3A_676 = arith.index_cast %add3A_675 : i32 to index
      %get3A_677 = tpu.vector_load %arg7[%get3A_676] {strides = array<i32>} : memref<50176xf32, #tpu.memory_space<vmem>>, vector<16xf32>,
      %mul3A_678 = arith.constant 256 : i32
      %mul3A_679 = arith.muli %scan3A_454, %mul3A_678 : i32
      %add3A_680 = arith.constant 176 : i32
      %add3A_681 = arith.addi %mul3A_679, %add3A_680 : i32
      %get3A_682 = arith.index_cast %add3A_681 : i32 to index
      %get3A_683 = tpu.vector_load %arg8[%get3A_682] {strides = array<i32>} : memref<50176xf32, #tpu.memory_space<vmem>>, vector<16xf32>,
      %add3A_684 = arith.addf %get3A_677, %get3A_683 : vector<16xf32>
      %ge3A_685 = arith.cmpf oge, %add3A_684, %min3A_245 : vector<16xf32>
      %all_reduce_population_count3A_686 = tpu.all_reduce %ge3A_685 {dim = 0 : i64, kind = #tpu.reduction_kind<sum>} : vector<16xi1> -> vector<16xi32>
      %convert_element_type3A_687 = arith.extui %ge3A_685 : vector<16xi1> to vector<16xi32>
      %broadcast_in_dim3A_688 = arith.constant true
      %broadcast_in_dim3A_689 = vector.broadcast %broadcast_in_dim3A_688 : i1 to vector<16xi1>
      %masked_cumsum3A_690 = tpu.scan <sum>, %convert_element_type3A_687 masked %broadcast_in_dim3A_689 : vector<16xi32>, vector<16xi1> -> vector<16xi32>
      %max3A_691 = arith.maximumf %max3A_671, %add3A_684 : vector<16xf32>
      %mul3A_692 = arith.constant 256 : i32
      %mul3A_693 = arith.muli %scan3A_454, %mul3A_692 : i32
      %add3A_694 = arith.constant 192 : i32
      %add3A_695 = arith.addi %mul3A_693, %add3A_694 : i32
      %get3A_696 = arith.index_cast %add3A_695 : i32 to index
      %get3A_697 = tpu.vector_load %arg7[%get3A_696] {strides = array<i32>} : memref<50176xf32, #tpu.memory_space<vmem>>, vector<16xf32>,
      %mul3A_698 = arith.constant 256 : i32
      %mul3A_699 = arith.muli %scan3A_454, %mul3A_698 : i32
      %add3A_700 = arith.constant 192 : i32
      %add3A_701 = arith.addi %mul3A_699, %add3A_700 : i32
      %get3A_702 = arith.index_cast %add3A_701 : i32 to index
      %get3A_703 = tpu.vector_load %arg8[%get3A_702] {strides = array<i32>} : memref<50176xf32, #tpu.memory_space<vmem>>, vector<16xf32>,
      %add3A_704 = arith.addf %get3A_697, %get3A_703 : vector<16xf32>
      %ge3A_705 = arith.cmpf oge, %add3A_704, %min3A_245 : vector<16xf32>
      %all_reduce_population_count3A_706 = tpu.all_reduce %ge3A_705 {dim = 0 : i64, kind = #tpu.reduction_kind<sum>} : vector<16xi1> -> vector<16xi32>
      %convert_element_type3A_707 = arith.extui %ge3A_705 : vector<16xi1> to vector<16xi32>
      %broadcast_in_dim3A_708 = arith.constant true
      %broadcast_in_dim3A_709 = vector.broadcast %broadcast_in_dim3A_708 : i1 to vector<16xi1>
      %masked_cumsum3A_710 = tpu.scan <sum>, %convert_element_type3A_707 masked %broadcast_in_dim3A_709 : vector<16xi32>, vector<16xi1> -> vector<16xi32>
      %max3A_711 = arith.maximumf %max3A_691, %add3A_704 : vector<16xf32>
      %mul3A_712 = arith.constant 256 : i32
      %mul3A_713 = arith.muli %scan3A_454, %mul3A_712 : i32
      %add3A_714 = arith.constant 208 : i32
      %add3A_715 = arith.addi %mul3A_713, %add3A_714 : i32
      %get3A_716 = arith.index_cast %add3A_715 : i32 to index
      %get3A_717 = tpu.vector_load %arg7[%get3A_716] {strides = array<i32>} : memref<50176xf32, #tpu.memory_space<vmem>>, vector<16xf32>,
      %mul3A_718 = arith.constant 256 : i32
      %mul3A_719 = arith.muli %scan3A_454, %mul3A_718 : i32
      %add3A_720 = arith.constant 208 : i32
      %add3A_721 = arith.addi %mul3A_719, %add3A_720 : i32
      %get3A_722 = arith.index_cast %add3A_721 : i32 to index
      %get3A_723 = tpu.vector_load %arg8[%get3A_722] {strides = array<i32>} : memref<50176xf32, #tpu.memory_space<vmem>>, vector<16xf32>,
      %add3A_724 = arith.addf %get3A_717, %get3A_723 : vector<16xf32>
      %ge3A_725 = arith.cmpf oge, %add3A_724, %min3A_245 : vector<16xf32>
      %all_reduce_population_count3A_726 = tpu.all_reduce %ge3A_725 {dim = 0 : i64, kind = #tpu.reduction_kind<sum>} : vector<16xi1> -> vector<16xi32>
      %convert_element_type3A_727 = arith.extui %ge3A_725 : vector<16xi1> to vector<16xi32>
      %broadcast_in_dim3A_728 = arith.constant true
      %broadcast_in_dim3A_729 = vector.broadcast %broadcast_in_dim3A_728 : i1 to vector<16xi1>
      %masked_cumsum3A_730 = tpu.scan <sum>, %convert_element_type3A_727 masked %broadcast_in_dim3A_729 : vector<16xi32>, vector<16xi1> -> vector<16xi32>
      %max3A_731 = arith.maximumf %max3A_711, %add3A_724 : vector<16xf32>
      %mul3A_732 = arith.constant 256 : i32
      %mul3A_733 = arith.muli %scan3A_454, %mul3A_732 : i32
      %add3A_734 = arith.constant 224 : i32
      %add3A_735 = arith.addi %mul3A_733, %add3A_734 : i32
      %get3A_736 = arith.index_cast %add3A_735 : i32 to index
      %get3A_737 = tpu.vector_load %arg7[%get3A_736] {strides = array<i32>} : memref<50176xf32, #tpu.memory_space<vmem>>, vector<16xf32>,
      %mul3A_738 = arith.constant 256 : i32
      %mul3A_739 = arith.muli %scan3A_454, %mul3A_738 : i32
      %add3A_740 = arith.constant 224 : i32
      %add3A_741 = arith.addi %mul3A_739, %add3A_740 : i32
      %get3A_742 = arith.index_cast %add3A_741 : i32 to index
      %get3A_743 = tpu.vector_load %arg8[%get3A_742] {strides = array<i32>} : memref<50176xf32, #tpu.memory_space<vmem>>, vector<16xf32>,
      %add3A_744 = arith.addf %get3A_737, %get3A_743 : vector<16xf32>
      %ge3A_745 = arith.cmpf oge, %add3A_744, %min3A_245 : vector<16xf32>
      %all_reduce_population_count3A_746 = tpu.all_reduce %ge3A_745 {dim = 0 : i64, kind = #tpu.reduction_kind<sum>} : vector<16xi1> -> vector<16xi32>
      %convert_element_type3A_747 = arith.extui %ge3A_745 : vector<16xi1> to vector<16xi32>
      %broadcast_in_dim3A_748 = arith.constant true
      %broadcast_in_dim3A_749 = vector.broadcast %broadcast_in_dim3A_748 : i1 to vector<16xi1>
      %masked_cumsum3A_750 = tpu.scan <sum>, %convert_element_type3A_747 masked %broadcast_in_dim3A_749 : vector<16xi32>, vector<16xi1> -> vector<16xi32>
      %max3A_751 = arith.maximumf %max3A_731, %add3A_744 : vector<16xf32>
      %mul3A_752 = arith.constant 256 : i32
      %mul3A_753 = arith.muli %scan3A_454, %mul3A_752 : i32
      %add3A_754 = arith.constant 240 : i32
      %add3A_755 = arith.addi %mul3A_753, %add3A_754 : i32
      %get3A_756 = arith.index_cast %add3A_755 : i32 to index
      %get3A_757 = tpu.vector_load %arg7[%get3A_756] {strides = array<i32>} : memref<50176xf32, #tpu.memory_space<vmem>>, vector<16xf32>,
      %mul3A_758 = arith.constant 256 : i32
      %mul3A_759 = arith.muli %scan3A_454, %mul3A_758 : i32
      %add3A_760 = arith.constant 240 : i32
      %add3A_761 = arith.addi %mul3A_759, %add3A_760 : i32
      %get3A_762 = arith.index_cast %add3A_761 : i32 to index
      %get3A_763 = tpu.vector_load %arg8[%get3A_762] {strides = array<i32>} : memref<50176xf32, #tpu.memory_space<vmem>>, vector<16xf32>,
      %add3A_764 = arith.addf %get3A_757, %get3A_763 : vector<16xf32>
      %ge3A_765 = arith.cmpf oge, %add3A_764, %min3A_245 : vector<16xf32>
      %all_reduce_population_count3A_766 = tpu.all_reduce %ge3A_765 {dim = 0 : i64, kind = #tpu.reduction_kind<sum>} : vector<16xi1> -> vector<16xi32>
      %convert_element_type3A_767 = arith.extui %ge3A_765 : vector<16xi1> to vector<16xi32>
      %broadcast_in_dim3A_768 = arith.constant true
      %broadcast_in_dim3A_769 = vector.broadcast %broadcast_in_dim3A_768 : i1 to vector<16xi1>
      %masked_cumsum3A_770 = tpu.scan <sum>, %convert_element_type3A_767 masked %broadcast_in_dim3A_769 : vector<16xi32>, vector<16xi1> -> vector<16xi32>
      %max3A_771 = arith.maximumf %max3A_751, %add3A_764 : vector<16xf32>
      %add3A_772 = arith.addi %scan3A_456, %all_reduce_population_count3A : vector<16xi32>
      %add3A_773 = arith.addi %add3A_772, %all_reduce_population_count3A_486 : vector<16xi32>
      %add3A_774 = arith.addi %add3A_773, %all_reduce_population_count3A_506 : vector<16xi32>
      %add3A_775 = arith.addi %add3A_774, %all_reduce_population_count3A_526 : vector<16xi32>
      %add3A_776 = arith.addi %add3A_775, %all_reduce_population_count3A_546 : vector<16xi32>
      %add3A_777 = arith.addi %add3A_776, %all_reduce_population_count3A_566 : vector<16xi32>
      %add3A_778 = arith.addi %add3A_777, %all_reduce_population_count3A_586 : vector<16xi32>
      %add3A_779 = arith.addi %add3A_778, %all_reduce_population_count3A_606 : vector<16xi32>
      %add3A_780 = arith.addi %add3A_779, %all_reduce_population_count3A_626 : vector<16xi32>
      %add3A_781 = arith.addi %add3A_780, %all_reduce_population_count3A_646 : vector<16xi32>
      %add3A_782 = arith.addi %add3A_781, %all_reduce_population_count3A_666 : vector<16xi32>
      %add3A_783 = arith.addi %add3A_782, %all_reduce_population_count3A_686 : vector<16xi32>
      %add3A_784 = arith.addi %add3A_783, %all_reduce_population_count3A_706 : vector<16xi32>
      %add3A_785 = arith.addi %add3A_784, %all_reduce_population_count3A_726 : vector<16xi32>
      %add3A_786 = arith.addi %add3A_785, %all_reduce_population_count3A_746 : vector<16xi32>
      %add3A_787 = arith.addi %scan3A_456, %masked_cumsum3A : vector<16xi32>
      %min3A_788 = arith.constant 2063 : i32
      %min3A_789 = vector.broadcast %min3A_788 : i32 to vector<16xi32>
      %min3A_790 = arith.minsi %add3A_787, %min3A_789 : vector<16xi32>
      %mul3A_791 = arith.constant 256 : i32
      %mul3A_792 = arith.muli %scan3A_454, %mul3A_791 : i32
      %add3A_793 = arith.constant 0 : i32
      %add3A_794 = arith.addi %mul3A_792, %add3A_793 : i32
      %add3A_795 = vector.broadcast %add3A_794 : i32 to vector<16xi32>
      %add3A_796 = arith.addi %add3A_795, %iota3A : vector<16xi32>
      tpu.vector_store_idx %arg12[%min3A_790], %add3A_796 masked %ge3A : memref<2064xi32, #tpu.memory_space<vmem>>[vector<16xi32>], vector<16xi32>, vector<16xi1>
      %add3A_797 = arith.addi %add3A_772, %masked_cumsum3A_490 : vector<16xi32>
      %min3A_798 = arith.constant 2063 : i32
      %min3A_799 = vector.broadcast %min3A_798 : i32 to vector<16xi32>
      %min3A_800 = arith.minsi %add3A_797, %min3A_799 : vector<16xi32>
      %mul3A_801 = arith.constant 256 : i32
      %mul3A_802 = arith.muli %scan3A_454, %mul3A_801 : i32
      %add3A_803 = arith.constant 16 : i32
      %add3A_804 = arith.addi %mul3A_802, %add3A_803 : i32
      %add3A_805 = vector.broadcast %add3A_804 : i32 to vector<16xi32>
      %add3A_806 = arith.addi %add3A_805, %iota3A : vector<16xi32>
      tpu.vector_store_idx %arg12[%min3A_800], %add3A_806 masked %ge3A_485 : memref<2064xi32, #tpu.memory_space<vmem>>[vector<16xi32>], vector<16xi32>, vector<16xi1>
      %add3A_807 = arith.addi %add3A_773, %masked_cumsum3A_510 : vector<16xi32>
      %min3A_808 = arith.constant 2063 : i32
      %min3A_809 = vector.broadcast %min3A_808 : i32 to vector<16xi32>
      %min3A_810 = arith.minsi %add3A_807, %min3A_809 : vector<16xi32>
      %mul3A_811 = arith.constant 256 : i32
      %mul3A_812 = arith.muli %scan3A_454, %mul3A_811 : i32
      %add3A_813 = arith.constant 32 : i32
      %add3A_814 = arith.addi %mul3A_812, %add3A_813 : i32
      %add3A_815 = vector.broadcast %add3A_814 : i32 to vector<16xi32>
      %add3A_816 = arith.addi %add3A_815, %iota3A : vector<16xi32>
      tpu.vector_store_idx %arg12[%min3A_810], %add3A_816 masked %ge3A_505 : memref<2064xi32, #tpu.memory_space<vmem>>[vector<16xi32>], vector<16xi32>, vector<16xi1>
      %add3A_817 = arith.addi %add3A_774, %masked_cumsum3A_530 : vector<16xi32>
      %min3A_818 = arith.constant 2063 : i32
      %min3A_819 = vector.broadcast %min3A_818 : i32 to vector<16xi32>
      %min3A_820 = arith.minsi %add3A_817, %min3A_819 : vector<16xi32>
      %mul3A_821 = arith.constant 256 : i32
      %mul3A_822 = arith.muli %scan3A_454, %mul3A_821 : i32
      %add3A_823 = arith.constant 48 : i32
      %add3A_824 = arith.addi %mul3A_822, %add3A_823 : i32
      %add3A_825 = vector.broadcast %add3A_824 : i32 to vector<16xi32>
      %add3A_826 = arith.addi %add3A_825, %iota3A : vector<16xi32>
      tpu.vector_store_idx %arg12[%min3A_820], %add3A_826 masked %ge3A_525 : memref<2064xi32, #tpu.memory_space<vmem>>[vector<16xi32>], vector<16xi32>, vector<16xi1>
      %add3A_827 = arith.addi %add3A_775, %masked_cumsum3A_550 : vector<16xi32>
      %min3A_828 = arith.constant 2063 : i32
      %min3A_829 = vector.broadcast %min3A_828 : i32 to vector<16xi32>
      %min3A_830 = arith.minsi %add3A_827, %min3A_829 : vector<16xi32>
      %mul3A_831 = arith.constant 256 : i32
      %mul3A_832 = arith.muli %scan3A_454, %mul3A_831 : i32
      %add3A_833 = arith.constant 64 : i32
      %add3A_834 = arith.addi %mul3A_832, %add3A_833 : i32
      %add3A_835 = vector.broadcast %add3A_834 : i32 to vector<16xi32>
      %add3A_836 = arith.addi %add3A_835, %iota3A : vector<16xi32>
      tpu.vector_store_idx %arg12[%min3A_830], %add3A_836 masked %ge3A_545 : memref<2064xi32, #tpu.memory_space<vmem>>[vector<16xi32>], vector<16xi32>, vector<16xi1>
      %add3A_837 = arith.addi %add3A_776, %masked_cumsum3A_570 : vector<16xi32>
      %min3A_838 = arith.constant 2063 : i32
      %min3A_839 = vector.broadcast %min3A_838 : i32 to vector<16xi32>
      %min3A_840 = arith.minsi %add3A_837, %min3A_839 : vector<16xi32>
      %mul3A_841 = arith.constant 256 : i32
      %mul3A_842 = arith.muli %scan3A_454, %mul3A_841 : i32
      %add3A_843 = arith.constant 80 : i32
      %add3A_844 = arith.addi %mul3A_842, %add3A_843 : i32
      %add3A_845 = vector.broadcast %add3A_844 : i32 to vector<16xi32>
      %add3A_846 = arith.addi %add3A_845, %iota3A : vector<16xi32>
      tpu.vector_store_idx %arg12[%min3A_840], %add3A_846 masked %ge3A_565 : memref<2064xi32, #tpu.memory_space<vmem>>[vector<16xi32>], vector<16xi32>, vector<16xi1>
      %add3A_847 = arith.addi %add3A_777, %masked_cumsum3A_590 : vector<16xi32>
      %min3A_848 = arith.constant 2063 : i32
      %min3A_849 = vector.broadcast %min3A_848 : i32 to vector<16xi32>
      %min3A_850 = arith.minsi %add3A_847, %min3A_849 : vector<16xi32>
      %mul3A_851 = arith.constant 256 : i32
      %mul3A_852 = arith.muli %scan3A_454, %mul3A_851 : i32
      %add3A_853 = arith.constant 96 : i32
      %add3A_854 = arith.addi %mul3A_852, %add3A_853 : i32
      %add3A_855 = vector.broadcast %add3A_854 : i32 to vector<16xi32>
      %add3A_856 = arith.addi %add3A_855, %iota3A : vector<16xi32>
      tpu.vector_store_idx %arg12[%min3A_850], %add3A_856 masked %ge3A_585 : memref<2064xi32, #tpu.memory_space<vmem>>[vector<16xi32>], vector<16xi32>, vector<16xi1>
      %add3A_857 = arith.addi %add3A_778, %masked_cumsum3A_610 : vector<16xi32>
      %min3A_858 = arith.constant 2063 : i32
      %min3A_859 = vector.broadcast %min3A_858 : i32 to vector<16xi32>
      %min3A_860 = arith.minsi %add3A_857, %min3A_859 : vector<16xi32>
      %mul3A_861 = arith.constant 256 : i32
      %mul3A_862 = arith.muli %scan3A_454, %mul3A_861 : i32
      %add3A_863 = arith.constant 112 : i32
      %add3A_864 = arith.addi %mul3A_862, %add3A_863 : i32
      %add3A_865 = vector.broadcast %add3A_864 : i32 to vector<16xi32>
      %add3A_866 = arith.addi %add3A_865, %iota3A : vector<16xi32>
      tpu.vector_store_idx %arg12[%min3A_860], %add3A_866 masked %ge3A_605 : memref<2064xi32, #tpu.memory_space<vmem>>[vector<16xi32>], vector<16xi32>, vector<16xi1>
      %add3A_867 = arith.addi %add3A_779, %masked_cumsum3A_630 : vector<16xi32>
      %min3A_868 = arith.constant 2063 : i32
      %min3A_869 = vector.broadcast %min3A_868 : i32 to vector<16xi32>
      %min3A_870 = arith.minsi %add3A_867, %min3A_869 : vector<16xi32>
      %mul3A_871 = arith.constant 256 : i32
      %mul3A_872 = arith.muli %scan3A_454, %mul3A_871 : i32
      %add3A_873 = arith.constant 128 : i32
      %add3A_874 = arith.addi %mul3A_872, %add3A_873 : i32
      %add3A_875 = vector.broadcast %add3A_874 : i32 to vector<16xi32>
      %add3A_876 = arith.addi %add3A_875, %iota3A : vector<16xi32>
      tpu.vector_store_idx %arg12[%min3A_870], %add3A_876 masked %ge3A_625 : memref<2064xi32, #tpu.memory_space<vmem>>[vector<16xi32>], vector<16xi32>, vector<16xi1>
      %add3A_877 = arith.addi %add3A_780, %masked_cumsum3A_650 : vector<16xi32>
      %min3A_878 = arith.constant 2063 : i32
      %min3A_879 = vector.broadcast %min3A_878 : i32 to vector<16xi32>
      %min3A_880 = arith.minsi %add3A_877, %min3A_879 : vector<16xi32>
      %mul3A_881 = arith.constant 256 : i32
      %mul3A_882 = arith.muli %scan3A_454, %mul3A_881 : i32
      %add3A_883 = arith.constant 144 : i32
      %add3A_884 = arith.addi %mul3A_882, %add3A_883 : i32
      %add3A_885 = vector.broadcast %add3A_884 : i32 to vector<16xi32>
      %add3A_886 = arith.addi %add3A_885, %iota3A : vector<16xi32>
      tpu.vector_store_idx %arg12[%min3A_880], %add3A_886 masked %ge3A_645 : memref<2064xi32, #tpu.memory_space<vmem>>[vector<16xi32>], vector<16xi32>, vector<16xi1>
      %add3A_887 = arith.addi %add3A_781, %masked_cumsum3A_670 : vector<16xi32>
      %min3A_888 = arith.constant 2063 : i32
      %min3A_889 = vector.broadcast %min3A_888 : i32 to vector<16xi32>
      %min3A_890 = arith.minsi %add3A_887, %min3A_889 : vector<16xi32>
      %mul3A_891 = arith.constant 256 : i32
      %mul3A_892 = arith.muli %scan3A_454, %mul3A_891 : i32
      %add3A_893 = arith.constant 160 : i32
      %add3A_894 = arith.addi %mul3A_892, %add3A_893 : i32
      %add3A_895 = vector.broadcast %add3A_894 : i32 to vector<16xi32>
      %add3A_896 = arith.addi %add3A_895, %iota3A : vector<16xi32>
      tpu.vector_store_idx %arg12[%min3A_890], %add3A_896 masked %ge3A_665 : memref<2064xi32, #tpu.memory_space<vmem>>[vector<16xi32>], vector<16xi32>, vector<16xi1>
      %add3A_897 = arith.addi %add3A_782, %masked_cumsum3A_690 : vector<16xi32>
      %min3A_898 = arith.constant 2063 : i32
      %min3A_899 = vector.broadcast %min3A_898 : i32 to vector<16xi32>
      %min3A_900 = arith.minsi %add3A_897, %min3A_899 : vector<16xi32>
      %mul3A_901 = arith.constant 256 : i32
      %mul3A_902 = arith.muli %scan3A_454, %mul3A_901 : i32
      %add3A_903 = arith.constant 176 : i32
      %add3A_904 = arith.addi %mul3A_902, %add3A_903 : i32
      %add3A_905 = vector.broadcast %add3A_904 : i32 to vector<16xi32>
      %add3A_906 = arith.addi %add3A_905, %iota3A : vector<16xi32>
      tpu.vector_store_idx %arg12[%min3A_900], %add3A_906 masked %ge3A_685 : memref<2064xi32, #tpu.memory_space<vmem>>[vector<16xi32>], vector<16xi32>, vector<16xi1>
      %add3A_907 = arith.addi %add3A_783, %masked_cumsum3A_710 : vector<16xi32>
      %min3A_908 = arith.constant 2063 : i32
      %min3A_909 = vector.broadcast %min3A_908 : i32 to vector<16xi32>
      %min3A_910 = arith.minsi %add3A_907, %min3A_909 : vector<16xi32>
      %mul3A_911 = arith.constant 256 : i32
      %mul3A_912 = arith.muli %scan3A_454, %mul3A_911 : i32
      %add3A_913 = arith.constant 192 : i32
      %add3A_914 = arith.addi %mul3A_912, %add3A_913 : i32
      %add3A_915 = vector.broadcast %add3A_914 : i32 to vector<16xi32>
      %add3A_916 = arith.addi %add3A_915, %iota3A : vector<16xi32>
      tpu.vector_store_idx %arg12[%min3A_910], %add3A_916 masked %ge3A_705 : memref<2064xi32, #tpu.memory_space<vmem>>[vector<16xi32>], vector<16xi32>, vector<16xi1>
      %add3A_917 = arith.addi %add3A_784, %masked_cumsum3A_730 : vector<16xi32>
      %min3A_918 = arith.constant 2063 : i32
      %min3A_919 = vector.broadcast %min3A_918 : i32 to vector<16xi32>
      %min3A_920 = arith.minsi %add3A_917, %min3A_919 : vector<16xi32>
      %mul3A_921 = arith.constant 256 : i32
      %mul3A_922 = arith.muli %scan3A_454, %mul3A_921 : i32
      %add3A_923 = arith.constant 208 : i32
      %add3A_924 = arith.addi %mul3A_922, %add3A_923 : i32
      %add3A_925 = vector.broadcast %add3A_924 : i32 to vector<16xi32>
      %add3A_926 = arith.addi %add3A_925, %iota3A : vector<16xi32>
      tpu.vector_store_idx %arg12[%min3A_920], %add3A_926 masked %ge3A_725 : memref<2064xi32, #tpu.memory_space<vmem>>[vector<16xi32>], vector<16xi32>, vector<16xi1>
      %add3A_927 = arith.addi %add3A_785, %masked_cumsum3A_750 : vector<16xi32>
      %min3A_928 = arith.constant 2063 : i32
      %min3A_929 = vector.broadcast %min3A_928 : i32 to vector<16xi32>
      %min3A_930 = arith.minsi %add3A_927, %min3A_929 : vector<16xi32>
      %mul3A_931 = arith.constant 256 : i32
      %mul3A_932 = arith.muli %scan3A_454, %mul3A_931 : i32
      %add3A_933 = arith.constant 224 : i32
      %add3A_934 = arith.addi %mul3A_932, %add3A_933 : i32
      %add3A_935 = vector.broadcast %add3A_934 : i32 to vector<16xi32>
      %add3A_936 = arith.addi %add3A_935, %iota3A : vector<16xi32>
      tpu.vector_store_idx %arg12[%min3A_930], %add3A_936 masked %ge3A_745 : memref<2064xi32, #tpu.memory_space<vmem>>[vector<16xi32>], vector<16xi32>, vector<16xi1>
      %add3A_937 = arith.addi %add3A_786, %masked_cumsum3A_770 : vector<16xi32>
      %min3A_938 = arith.constant 2063 : i32
      %min3A_939 = vector.broadcast %min3A_938 : i32 to vector<16xi32>
      %min3A_940 = arith.minsi %add3A_937, %min3A_939 : vector<16xi32>
      %mul3A_941 = arith.constant 256 : i32
      %mul3A_942 = arith.muli %scan3A_454, %mul3A_941 : i32
      %add3A_943 = arith.constant 240 : i32
      %add3A_944 = arith.addi %mul3A_942, %add3A_943 : i32
      %add3A_945 = vector.broadcast %add3A_944 : i32 to vector<16xi32>
      %add3A_946 = arith.addi %add3A_945, %iota3A : vector<16xi32>
      tpu.vector_store_idx %arg12[%min3A_940], %add3A_946 masked %ge3A_765 : memref<2064xi32, #tpu.memory_space<vmem>>[vector<16xi32>], vector<16xi32>, vector<16xi1>
      %add3A_947 = arith.addi %add3A_786, %all_reduce_population_count3A_766 : vector<16xi32>
      scf.yield %max3A_771, %add3A_947 : vector<16xf32>, vector<16xi32>
    }
    %scan3A_271 = arith.constant 49 : i32
    %xor3A_272 = arith.constant 8 : i32
    %xor3A_273 = vector.broadcast %xor3A_272 : i32 to vector<16xi32>
    %xor3A_274 = arith.xori %iota3A, %xor3A_273 : vector<16xi32>
    %lt3A_275 = arith.constant 0 : i32
    %lt3A_276 = vector.broadcast %lt3A_275 : i32 to vector<16xi32>
    %lt3A_277 = arith.cmpi slt, %xor3A_274, %lt3A_276 : vector<16xi32>
    %add3A_278 = arith.constant 16 : i32
    %add3A_279 = vector.broadcast %add3A_278 : i32 to vector<16xi32>
    %add3A_280 = arith.addi %xor3A_274, %add3A_279 : vector<16xi32>
    %select_n3A_281 = arith.select %lt3A_277, %add3A_280, %xor3A_274 : vector<16xi1>, vector<16xi32>
    %broadcast_in_dim3A_282 = vector.shape_cast %select_n3A_281 : vector<16xi32> to vector<16x1xi32>
    %gather3A_283 = vector.shape_cast %broadcast_in_dim3A_282 : vector<16x1xi32> to vector<16xi32>
    %gather3A_284 = tpu.dynamic_gather %scan3A_270#0[%gather3A_283] in [0] : vector<16xf32>, vector<16xi32> -> vector<16xf32>
    %min3A_285 = arith.minimumf %scan3A_270#0, %gather3A_284 : vector<16xf32>
    %xor3A_286 = arith.constant 4 : i32
    %xor3A_287 = vector.broadcast %xor3A_286 : i32 to vector<16xi32>
    %xor3A_288 = arith.xori %iota3A, %xor3A_287 : vector<16xi32>
    %lt3A_289 = arith.constant 0 : i32
    %lt3A_290 = vector.broadcast %lt3A_289 : i32 to vector<16xi32>
    %lt3A_291 = arith.cmpi slt, %xor3A_288, %lt3A_290 : vector<16xi32>
    %add3A_292 = arith.constant 16 : i32
    %add3A_293 = vector.broadcast %add3A_292 : i32 to vector<16xi32>
    %add3A_294 = arith.addi %xor3A_288, %add3A_293 : vector<16xi32>
    %select_n3A_295 = arith.select %lt3A_291, %add3A_294, %xor3A_288 : vector<16xi1>, vector<16xi32>
    %broadcast_in_dim3A_296 = vector.shape_cast %select_n3A_295 : vector<16xi32> to vector<16x1xi32>
    %gather3A_297 = vector.shape_cast %broadcast_in_dim3A_296 : vector<16x1xi32> to vector<16xi32>
    %gather3A_298 = tpu.dynamic_gather %min3A_285[%gather3A_297] in [0] : vector<16xf32>, vector<16xi32> -> vector<16xf32>
    %min3A_299 = arith.minimumf %min3A_285, %gather3A_298 : vector<16xf32>
    %xor3A_300 = arith.constant 2 : i32
    %xor3A_301 = vector.broadcast %xor3A_300 : i32 to vector<16xi32>
    %xor3A_302 = arith.xori %iota3A, %xor3A_301 : vector<16xi32>
    %lt3A_303 = arith.constant 0 : i32
    %lt3A_304 = vector.broadcast %lt3A_303 : i32 to vector<16xi32>
    %lt3A_305 = arith.cmpi slt, %xor3A_302, %lt3A_304 : vector<16xi32>
    %add3A_306 = arith.constant 16 : i32
    %add3A_307 = vector.broadcast %add3A_306 : i32 to vector<16xi32>
    %add3A_308 = arith.addi %xor3A_302, %add3A_307 : vector<16xi32>
    %select_n3A_309 = arith.select %lt3A_305, %add3A_308, %xor3A_302 : vector<16xi1>, vector<16xi32>
    %broadcast_in_dim3A_310 = vector.shape_cast %select_n3A_309 : vector<16xi32> to vector<16x1xi32>
    %gather3A_311 = vector.shape_cast %broadcast_in_dim3A_310 : vector<16x1xi32> to vector<16xi32>
    %gather3A_312 = tpu.dynamic_gather %min3A_299[%gather3A_311] in [0] : vector<16xf32>, vector<16xi32> -> vector<16xf32>
    %min3A_313 = arith.minimumf %min3A_299, %gather3A_312 : vector<16xf32>
    %xor3A_314 = arith.constant 1 : i32
    %xor3A_315 = vector.broadcast %xor3A_314 : i32 to vector<16xi32>
    %xor3A_316 = arith.xori %iota3A, %xor3A_315 : vector<16xi32>
    %lt3A_317 = arith.constant 0 : i32
    %lt3A_318 = vector.broadcast %lt3A_317 : i32 to vector<16xi32>
    %lt3A_319 = arith.cmpi slt, %xor3A_316, %lt3A_318 : vector<16xi32>
    %add3A_320 = arith.constant 16 : i32
    %add3A_321 = vector.broadcast %add3A_320 : i32 to vector<16xi32>
    %add3A_322 = arith.addi %xor3A_316, %add3A_321 : vector<16xi32>
    %select_n3A_323 = arith.select %lt3A_319, %add3A_322, %xor3A_316 : vector<16xi1>, vector<16xi32>
    %broadcast_in_dim3A_324 = vector.shape_cast %select_n3A_323 : vector<16xi32> to vector<16x1xi32>
    %gather3A_325 = vector.shape_cast %broadcast_in_dim3A_324 : vector<16x1xi32> to vector<16xi32>
    %gather3A_326 = tpu.dynamic_gather %min3A_313[%gather3A_325] in [0] : vector<16xf32>, vector<16xi32> -> vector<16xf32>
    %min3A_327 = arith.minimumf %min3A_313, %gather3A_326 : vector<16xf32>
    %eq3A_328 = arith.constant 0 : i32
    %eq3A_329 = arith.cmpi eq, %select_n3A_30, %eq3A_328 : i32
    %convert_element_type3A_330 = arith.extui %eq3A_329 : i1 to i32
    %cond3A_331 = arith.constant 0 : i32
    %cond3A_332 = arith.cmpi ne, %convert_element_type3A_330, %cond3A_331 : i32
    scf.if %cond3A_332 {
      %dma_wait3A_454 = arith.constant 0 : i32
      %dma_wait3A_455 = arith.constant 37632 : i32
      %dma_wait3A_456 = tpu.memref_slice %arg7[%dma_wait3A_455] : memref<50176xf32, #tpu.memory_space<vmem>> -> memref<12416xf32, #tpu.memory_space<vmem>>
      %dma_wait3A_457 = arith.constant 37632 : i32
      %dma_wait3A_458 = tpu.memref_slice %arg2[%select_n3A, %dma_wait3A_454, %dma_wait3A_457] : memref<16x1x100000xf32, #tpu.memory_space<hbm>> -> memref<1x1x12416xf32, #tpu.memory_space<hbm>>
      %dma_wait3A_459 = tpu.memref_squeeze %dma_wait3A_458 : memref<1x1x12416xf32, #tpu.memory_space<hbm>> -> memref<12416xf32, #tpu.memory_space<hbm>>
      %dma_wait3A_460 = arith.constant 37632 : i32
      %dma_wait3A_461 = tpu.memref_slice %arg7[%dma_wait3A_460] : memref<50176xf32, #tpu.memory_space<vmem>> -> memref<12416xf32, #tpu.memory_space<vmem>>
      %dma_wait3A_462 = arith.constant 37632 : i32
      %dma_wait3A_463 = tpu.memref_slice %arg2[%select_n3A, %dma_wait3A_454, %dma_wait3A_462] : memref<16x1x100000xf32, #tpu.memory_space<hbm>> -> memref<1x1x12416xf32, #tpu.memory_space<hbm>>
      %dma_wait3A_464 = tpu.memref_squeeze %dma_wait3A_463 : memref<1x1x12416xf32, #tpu.memory_space<hbm>> -> memref<12416xf32, #tpu.memory_space<hbm>>
      tpu.wait_dma2 semaphore(%arg16 : memref<!tpu.dma_semaphore, #tpu.memory_space<semaphore_mem>>) src(%dma_wait3A_464 : memref<12416xf32, #tpu.memory_space<hbm>>) dst(%dma_wait3A_461 : memref<12416xf32, #tpu.memory_space<vmem>>)
      %dma_wait3A_465 = arith.constant 0 : i32
      %dma_wait3A_466 = arith.constant 37632 : i32
      %dma_wait3A_467 = tpu.memref_slice %arg8[%dma_wait3A_466] : memref<50176xf32, #tpu.memory_space<vmem>> -> memref<12416xf32, #tpu.memory_space<vmem>>
      %dma_wait3A_468 = arith.constant 37632 : i32
      %dma_wait3A_469 = tpu.memref_slice %arg3[%select_n3A, %dma_wait3A_465, %dma_wait3A_468] : memref<16x1x100000xf32, #tpu.memory_space<hbm>> -> memref<1x1x12416xf32, #tpu.memory_space<hbm>>
      %dma_wait3A_470 = tpu.memref_squeeze %dma_wait3A_469 : memref<1x1x12416xf32, #tpu.memory_space<hbm>> -> memref<12416xf32, #tpu.memory_space<hbm>>
      %dma_wait3A_471 = arith.constant 37632 : i32
      %dma_wait3A_472 = tpu.memref_slice %arg8[%dma_wait3A_471] : memref<50176xf32, #tpu.memory_space<vmem>> -> memref<12416xf32, #tpu.memory_space<vmem>>
      %dma_wait3A_473 = arith.constant 37632 : i32
      %dma_wait3A_474 = tpu.memref_slice %arg3[%select_n3A, %dma_wait3A_465, %dma_wait3A_473] : memref<16x1x100000xf32, #tpu.memory_space<hbm>> -> memref<1x1x12416xf32, #tpu.memory_space<hbm>>
      %dma_wait3A_475 = tpu.memref_squeeze %dma_wait3A_474 : memref<1x1x12416xf32, #tpu.memory_space<hbm>> -> memref<12416xf32, #tpu.memory_space<hbm>>
      tpu.wait_dma2 semaphore(%arg20 : memref<!tpu.dma_semaphore, #tpu.memory_space<semaphore_mem>>) src(%dma_wait3A_475 : memref<12416xf32, #tpu.memory_space<hbm>>) dst(%dma_wait3A_472 : memref<12416xf32, #tpu.memory_space<vmem>>)
    } else {
    }
    %eq3A_333 = arith.constant 1 : i32
    %eq3A_334 = arith.cmpi eq, %select_n3A_30, %eq3A_333 : i32
    %convert_element_type3A_335 = arith.extui %eq3A_334 : i1 to i32
    %cond3A_336 = arith.constant 0 : i32
    %cond3A_337 = arith.cmpi ne, %convert_element_type3A_335, %cond3A_336 : i32
    scf.if %cond3A_337 {
      %dma_wait3A_454 = arith.constant 0 : i32
      %dma_wait3A_455 = arith.constant 37632 : i32
      %dma_wait3A_456 = tpu.memref_slice %arg7[%dma_wait3A_455] : memref<50176xf32, #tpu.memory_space<vmem>> -> memref<12320xf32, #tpu.memory_space<vmem>>
      %dma_wait3A_457 = arith.constant 87680 : i32
      %dma_wait3A_458 = tpu.memref_slice %arg2[%select_n3A, %dma_wait3A_454, %dma_wait3A_457] : memref<16x1x100000xf32, #tpu.memory_space<hbm>> -> memref<1x1x12320xf32, #tpu.memory_space<hbm>>
      %dma_wait3A_459 = tpu.memref_squeeze %dma_wait3A_458 : memref<1x1x12320xf32, #tpu.memory_space<hbm>> -> memref<12320xf32, #tpu.memory_space<hbm>>
      %dma_wait3A_460 = arith.constant 37632 : i32
      %dma_wait3A_461 = tpu.memref_slice %arg7[%dma_wait3A_460] : memref<50176xf32, #tpu.memory_space<vmem>> -> memref<12320xf32, #tpu.memory_space<vmem>>
      %dma_wait3A_462 = arith.constant 87680 : i32
      %dma_wait3A_463 = tpu.memref_slice %arg2[%select_n3A, %dma_wait3A_454, %dma_wait3A_462] : memref<16x1x100000xf32, #tpu.memory_space<hbm>> -> memref<1x1x12320xf32, #tpu.memory_space<hbm>>
      %dma_wait3A_464 = tpu.memref_squeeze %dma_wait3A_463 : memref<1x1x12320xf32, #tpu.memory_space<hbm>> -> memref<12320xf32, #tpu.memory_space<hbm>>
      tpu.wait_dma2 semaphore(%arg16 : memref<!tpu.dma_semaphore, #tpu.memory_space<semaphore_mem>>) src(%dma_wait3A_464 : memref<12320xf32, #tpu.memory_space<hbm>>) dst(%dma_wait3A_461 : memref<12320xf32, #tpu.memory_space<vmem>>)
      %dma_wait3A_465 = arith.constant 0 : i32
      %dma_wait3A_466 = arith.constant 37632 : i32
      %dma_wait3A_467 = tpu.memref_slice %arg8[%dma_wait3A_466] : memref<50176xf32, #tpu.memory_space<vmem>> -> memref<12320xf32, #tpu.memory_space<vmem>>
      %dma_wait3A_468 = arith.constant 87680 : i32
      %dma_wait3A_469 = tpu.memref_slice %arg3[%select_n3A, %dma_wait3A_465, %dma_wait3A_468] : memref<16x1x100000xf32, #tpu.memory_space<hbm>> -> memref<1x1x12320xf32, #tpu.memory_space<hbm>>
      %dma_wait3A_470 = tpu.memref_squeeze %dma_wait3A_469 : memref<1x1x12320xf32, #tpu.memory_space<hbm>> -> memref<12320xf32, #tpu.memory_space<hbm>>
      %dma_wait3A_471 = arith.constant 37632 : i32
      %dma_wait3A_472 = tpu.memref_slice %arg8[%dma_wait3A_471] : memref<50176xf32, #tpu.memory_space<vmem>> -> memref<12320xf32, #tpu.memory_space<vmem>>
      %dma_wait3A_473 = arith.constant 87680 : i32
      %dma_wait3A_474 = tpu.memref_slice %arg3[%select_n3A, %dma_wait3A_465, %dma_wait3A_473] : memref<16x1x100000xf32, #tpu.memory_space<hbm>> -> memref<1x1x12320xf32, #tpu.memory_space<hbm>>
      %dma_wait3A_475 = tpu.memref_squeeze %dma_wait3A_474 : memref<1x1x12320xf32, #tpu.memory_space<hbm>> -> memref<12320xf32, #tpu.memory_space<hbm>>
      tpu.wait_dma2 semaphore(%arg20 : memref<!tpu.dma_semaphore, #tpu.memory_space<semaphore_mem>>) src(%dma_wait3A_475 : memref<12320xf32, #tpu.memory_space<hbm>>) dst(%dma_wait3A_472 : memref<12320xf32, #tpu.memory_space<vmem>>)
    } else {
    }
    %scan3A_338 = arith.constant 147 : i32
    %scan3A_339 = arith.constant 49 : i32
    %scan3A_340 = arith.addi %scan3A_338, %scan3A_339 : i32
    %scan3A_341 = arith.constant 1 : i32
    %scan3A_342:2 = scf.for %scan3A_454 = %scan3A_338 to %scan3A_340 step %scan3A_341 iter_args(%scan3A_455 = %scan3A_270#0, %scan3A_456 = %scan3A_270#1) -> (vector<16xf32>, vector<16xi32>)  : i32 {
      %mul3A_457 = arith.constant 256 : i32
      %mul3A_458 = arith.muli %scan3A_454, %mul3A_457 : i32
      %add3A_459 = arith.constant 0 : i32
      %add3A_460 = arith.addi %mul3A_458, %add3A_459 : i32
      %get3A = arith.index_cast %add3A_460 : i32 to index
      %get3A_461 = tpu.vector_load %arg7[%get3A] {strides = array<i32>} : memref<50176xf32, #tpu.memory_space<vmem>>, vector<16xf32>,
      %mul3A_462 = arith.constant 256 : i32
      %mul3A_463 = arith.muli %scan3A_454, %mul3A_462 : i32
      %add3A_464 = arith.constant 0 : i32
      %add3A_465 = arith.addi %mul3A_463, %add3A_464 : i32
      %get3A_466 = arith.index_cast %add3A_465 : i32 to index
      %get3A_467 = tpu.vector_load %arg8[%get3A_466] {strides = array<i32>} : memref<50176xf32, #tpu.memory_space<vmem>>, vector<16xf32>,
      %add3A_468 = arith.addf %get3A_461, %get3A_467 : vector<16xf32>
      %ge3A = arith.cmpf oge, %add3A_468, %min3A_327 : vector<16xf32>
      %all_reduce_population_count3A = tpu.all_reduce %ge3A {dim = 0 : i64, kind = #tpu.reduction_kind<sum>} : vector<16xi1> -> vector<16xi32>
      %convert_element_type3A_469 = arith.extui %ge3A : vector<16xi1> to vector<16xi32>
      %broadcast_in_dim3A_470 = arith.constant true
      %broadcast_in_dim3A_471 = vector.broadcast %broadcast_in_dim3A_470 : i1 to vector<16xi1>
      %masked_cumsum3A = tpu.scan <sum>, %convert_element_type3A_469 masked %broadcast_in_dim3A_471 : vector<16xi32>, vector<16xi1> -> vector<16xi32>
      %max3A = arith.maximumf %scan3A_455, %add3A_468 : vector<16xf32>
      %mul3A_472 = arith.constant 256 : i32
      %mul3A_473 = arith.muli %scan3A_454, %mul3A_472 : i32
      %add3A_474 = arith.constant 16 : i32
      %add3A_475 = arith.addi %mul3A_473, %add3A_474 : i32
      %get3A_476 = arith.index_cast %add3A_475 : i32 to index
      %get3A_477 = tpu.vector_load %arg7[%get3A_476] {strides = array<i32>} : memref<50176xf32, #tpu.memory_space<vmem>>, vector<16xf32>,
      %mul3A_478 = arith.constant 256 : i32
      %mul3A_479 = arith.muli %scan3A_454, %mul3A_478 : i32
      %add3A_480 = arith.constant 16 : i32
      %add3A_481 = arith.addi %mul3A_479, %add3A_480 : i32
      %get3A_482 = arith.index_cast %add3A_481 : i32 to index
      %get3A_483 = tpu.vector_load %arg8[%get3A_482] {strides = array<i32>} : memref<50176xf32, #tpu.memory_space<vmem>>, vector<16xf32>,
      %add3A_484 = arith.addf %get3A_477, %get3A_483 : vector<16xf32>
      %ge3A_485 = arith.cmpf oge, %add3A_484, %min3A_327 : vector<16xf32>
      %all_reduce_population_count3A_486 = tpu.all_reduce %ge3A_485 {dim = 0 : i64, kind = #tpu.reduction_kind<sum>} : vector<16xi1> -> vector<16xi32>
      %convert_element_type3A_487 = arith.extui %ge3A_485 : vector<16xi1> to vector<16xi32>
      %broadcast_in_dim3A_488 = arith.constant true
      %broadcast_in_dim3A_489 = vector.broadcast %broadcast_in_dim3A_488 : i1 to vector<16xi1>
      %masked_cumsum3A_490 = tpu.scan <sum>, %convert_element_type3A_487 masked %broadcast_in_dim3A_489 : vector<16xi32>, vector<16xi1> -> vector<16xi32>
      %max3A_491 = arith.maximumf %max3A, %add3A_484 : vector<16xf32>
      %mul3A_492 = arith.constant 256 : i32
      %mul3A_493 = arith.muli %scan3A_454, %mul3A_492 : i32
      %add3A_494 = arith.constant 32 : i32
      %add3A_495 = arith.addi %mul3A_493, %add3A_494 : i32
      %get3A_496 = arith.index_cast %add3A_495 : i32 to index
      %get3A_497 = tpu.vector_load %arg7[%get3A_496] {strides = array<i32>} : memref<50176xf32, #tpu.memory_space<vmem>>, vector<16xf32>,
      %mul3A_498 = arith.constant 256 : i32
      %mul3A_499 = arith.muli %scan3A_454, %mul3A_498 : i32
      %add3A_500 = arith.constant 32 : i32
      %add3A_501 = arith.addi %mul3A_499, %add3A_500 : i32
      %get3A_502 = arith.index_cast %add3A_501 : i32 to index
      %get3A_503 = tpu.vector_load %arg8[%get3A_502] {strides = array<i32>} : memref<50176xf32, #tpu.memory_space<vmem>>, vector<16xf32>,
      %add3A_504 = arith.addf %get3A_497, %get3A_503 : vector<16xf32>
      %ge3A_505 = arith.cmpf oge, %add3A_504, %min3A_327 : vector<16xf32>
      %all_reduce_population_count3A_506 = tpu.all_reduce %ge3A_505 {dim = 0 : i64, kind = #tpu.reduction_kind<sum>} : vector<16xi1> -> vector<16xi32>
      %convert_element_type3A_507 = arith.extui %ge3A_505 : vector<16xi1> to vector<16xi32>
      %broadcast_in_dim3A_508 = arith.constant true
      %broadcast_in_dim3A_509 = vector.broadcast %broadcast_in_dim3A_508 : i1 to vector<16xi1>
      %masked_cumsum3A_510 = tpu.scan <sum>, %convert_element_type3A_507 masked %broadcast_in_dim3A_509 : vector<16xi32>, vector<16xi1> -> vector<16xi32>
      %max3A_511 = arith.maximumf %max3A_491, %add3A_504 : vector<16xf32>
      %mul3A_512 = arith.constant 256 : i32
      %mul3A_513 = arith.muli %scan3A_454, %mul3A_512 : i32
      %add3A_514 = arith.constant 48 : i32
      %add3A_515 = arith.addi %mul3A_513, %add3A_514 : i32
      %get3A_516 = arith.index_cast %add3A_515 : i32 to index
      %get3A_517 = tpu.vector_load %arg7[%get3A_516] {strides = array<i32>} : memref<50176xf32, #tpu.memory_space<vmem>>, vector<16xf32>,
      %mul3A_518 = arith.constant 256 : i32
      %mul3A_519 = arith.muli %scan3A_454, %mul3A_518 : i32
      %add3A_520 = arith.constant 48 : i32
      %add3A_521 = arith.addi %mul3A_519, %add3A_520 : i32
      %get3A_522 = arith.index_cast %add3A_521 : i32 to index
      %get3A_523 = tpu.vector_load %arg8[%get3A_522] {strides = array<i32>} : memref<50176xf32, #tpu.memory_space<vmem>>, vector<16xf32>,
      %add3A_524 = arith.addf %get3A_517, %get3A_523 : vector<16xf32>
      %ge3A_525 = arith.cmpf oge, %add3A_524, %min3A_327 : vector<16xf32>
      %all_reduce_population_count3A_526 = tpu.all_reduce %ge3A_525 {dim = 0 : i64, kind = #tpu.reduction_kind<sum>} : vector<16xi1> -> vector<16xi32>
      %convert_element_type3A_527 = arith.extui %ge3A_525 : vector<16xi1> to vector<16xi32>
      %broadcast_in_dim3A_528 = arith.constant true
      %broadcast_in_dim3A_529 = vector.broadcast %broadcast_in_dim3A_528 : i1 to vector<16xi1>
      %masked_cumsum3A_530 = tpu.scan <sum>, %convert_element_type3A_527 masked %broadcast_in_dim3A_529 : vector<16xi32>, vector<16xi1> -> vector<16xi32>
      %max3A_531 = arith.maximumf %max3A_511, %add3A_524 : vector<16xf32>
      %mul3A_532 = arith.constant 256 : i32
      %mul3A_533 = arith.muli %scan3A_454, %mul3A_532 : i32
      %add3A_534 = arith.constant 64 : i32
      %add3A_535 = arith.addi %mul3A_533, %add3A_534 : i32
      %get3A_536 = arith.index_cast %add3A_535 : i32 to index
      %get3A_537 = tpu.vector_load %arg7[%get3A_536] {strides = array<i32>} : memref<50176xf32, #tpu.memory_space<vmem>>, vector<16xf32>,
      %mul3A_538 = arith.constant 256 : i32
      %mul3A_539 = arith.muli %scan3A_454, %mul3A_538 : i32
      %add3A_540 = arith.constant 64 : i32
      %add3A_541 = arith.addi %mul3A_539, %add3A_540 : i32
      %get3A_542 = arith.index_cast %add3A_541 : i32 to index
      %get3A_543 = tpu.vector_load %arg8[%get3A_542] {strides = array<i32>} : memref<50176xf32, #tpu.memory_space<vmem>>, vector<16xf32>,
      %add3A_544 = arith.addf %get3A_537, %get3A_543 : vector<16xf32>
      %ge3A_545 = arith.cmpf oge, %add3A_544, %min3A_327 : vector<16xf32>
      %all_reduce_population_count3A_546 = tpu.all_reduce %ge3A_545 {dim = 0 : i64, kind = #tpu.reduction_kind<sum>} : vector<16xi1> -> vector<16xi32>
      %convert_element_type3A_547 = arith.extui %ge3A_545 : vector<16xi1> to vector<16xi32>
      %broadcast_in_dim3A_548 = arith.constant true
      %broadcast_in_dim3A_549 = vector.broadcast %broadcast_in_dim3A_548 : i1 to vector<16xi1>
      %masked_cumsum3A_550 = tpu.scan <sum>, %convert_element_type3A_547 masked %broadcast_in_dim3A_549 : vector<16xi32>, vector<16xi1> -> vector<16xi32>
      %max3A_551 = arith.maximumf %max3A_531, %add3A_544 : vector<16xf32>
      %mul3A_552 = arith.constant 256 : i32
      %mul3A_553 = arith.muli %scan3A_454, %mul3A_552 : i32
      %add3A_554 = arith.constant 80 : i32
      %add3A_555 = arith.addi %mul3A_553, %add3A_554 : i32
      %get3A_556 = arith.index_cast %add3A_555 : i32 to index
      %get3A_557 = tpu.vector_load %arg7[%get3A_556] {strides = array<i32>} : memref<50176xf32, #tpu.memory_space<vmem>>, vector<16xf32>,
      %mul3A_558 = arith.constant 256 : i32
      %mul3A_559 = arith.muli %scan3A_454, %mul3A_558 : i32
      %add3A_560 = arith.constant 80 : i32
      %add3A_561 = arith.addi %mul3A_559, %add3A_560 : i32
      %get3A_562 = arith.index_cast %add3A_561 : i32 to index
      %get3A_563 = tpu.vector_load %arg8[%get3A_562] {strides = array<i32>} : memref<50176xf32, #tpu.memory_space<vmem>>, vector<16xf32>,
      %add3A_564 = arith.addf %get3A_557, %get3A_563 : vector<16xf32>
      %ge3A_565 = arith.cmpf oge, %add3A_564, %min3A_327 : vector<16xf32>
      %all_reduce_population_count3A_566 = tpu.all_reduce %ge3A_565 {dim = 0 : i64, kind = #tpu.reduction_kind<sum>} : vector<16xi1> -> vector<16xi32>
      %convert_element_type3A_567 = arith.extui %ge3A_565 : vector<16xi1> to vector<16xi32>
      %broadcast_in_dim3A_568 = arith.constant true
      %broadcast_in_dim3A_569 = vector.broadcast %broadcast_in_dim3A_568 : i1 to vector<16xi1>
      %masked_cumsum3A_570 = tpu.scan <sum>, %convert_element_type3A_567 masked %broadcast_in_dim3A_569 : vector<16xi32>, vector<16xi1> -> vector<16xi32>
      %max3A_571 = arith.maximumf %max3A_551, %add3A_564 : vector<16xf32>
      %mul3A_572 = arith.constant 256 : i32
      %mul3A_573 = arith.muli %scan3A_454, %mul3A_572 : i32
      %add3A_574 = arith.constant 96 : i32
      %add3A_575 = arith.addi %mul3A_573, %add3A_574 : i32
      %get3A_576 = arith.index_cast %add3A_575 : i32 to index
      %get3A_577 = tpu.vector_load %arg7[%get3A_576] {strides = array<i32>} : memref<50176xf32, #tpu.memory_space<vmem>>, vector<16xf32>,
      %mul3A_578 = arith.constant 256 : i32
      %mul3A_579 = arith.muli %scan3A_454, %mul3A_578 : i32
      %add3A_580 = arith.constant 96 : i32
      %add3A_581 = arith.addi %mul3A_579, %add3A_580 : i32
      %get3A_582 = arith.index_cast %add3A_581 : i32 to index
      %get3A_583 = tpu.vector_load %arg8[%get3A_582] {strides = array<i32>} : memref<50176xf32, #tpu.memory_space<vmem>>, vector<16xf32>,
      %add3A_584 = arith.addf %get3A_577, %get3A_583 : vector<16xf32>
      %ge3A_585 = arith.cmpf oge, %add3A_584, %min3A_327 : vector<16xf32>
      %all_reduce_population_count3A_586 = tpu.all_reduce %ge3A_585 {dim = 0 : i64, kind = #tpu.reduction_kind<sum>} : vector<16xi1> -> vector<16xi32>
      %convert_element_type3A_587 = arith.extui %ge3A_585 : vector<16xi1> to vector<16xi32>
      %broadcast_in_dim3A_588 = arith.constant true
      %broadcast_in_dim3A_589 = vector.broadcast %broadcast_in_dim3A_588 : i1 to vector<16xi1>
      %masked_cumsum3A_590 = tpu.scan <sum>, %convert_element_type3A_587 masked %broadcast_in_dim3A_589 : vector<16xi32>, vector<16xi1> -> vector<16xi32>
      %max3A_591 = arith.maximumf %max3A_571, %add3A_584 : vector<16xf32>
      %mul3A_592 = arith.constant 256 : i32
      %mul3A_593 = arith.muli %scan3A_454, %mul3A_592 : i32
      %add3A_594 = arith.constant 112 : i32
      %add3A_595 = arith.addi %mul3A_593, %add3A_594 : i32
      %get3A_596 = arith.index_cast %add3A_595 : i32 to index
      %get3A_597 = tpu.vector_load %arg7[%get3A_596] {strides = array<i32>} : memref<50176xf32, #tpu.memory_space<vmem>>, vector<16xf32>,
      %mul3A_598 = arith.constant 256 : i32
      %mul3A_599 = arith.muli %scan3A_454, %mul3A_598 : i32
      %add3A_600 = arith.constant 112 : i32
      %add3A_601 = arith.addi %mul3A_599, %add3A_600 : i32
      %get3A_602 = arith.index_cast %add3A_601 : i32 to index
      %get3A_603 = tpu.vector_load %arg8[%get3A_602] {strides = array<i32>} : memref<50176xf32, #tpu.memory_space<vmem>>, vector<16xf32>,
      %add3A_604 = arith.addf %get3A_597, %get3A_603 : vector<16xf32>
      %ge3A_605 = arith.cmpf oge, %add3A_604, %min3A_327 : vector<16xf32>
      %all_reduce_population_count3A_606 = tpu.all_reduce %ge3A_605 {dim = 0 : i64, kind = #tpu.reduction_kind<sum>} : vector<16xi1> -> vector<16xi32>
      %convert_element_type3A_607 = arith.extui %ge3A_605 : vector<16xi1> to vector<16xi32>
      %broadcast_in_dim3A_608 = arith.constant true
      %broadcast_in_dim3A_609 = vector.broadcast %broadcast_in_dim3A_608 : i1 to vector<16xi1>
      %masked_cumsum3A_610 = tpu.scan <sum>, %convert_element_type3A_607 masked %broadcast_in_dim3A_609 : vector<16xi32>, vector<16xi1> -> vector<16xi32>
      %max3A_611 = arith.maximumf %max3A_591, %add3A_604 : vector<16xf32>
      %mul3A_612 = arith.constant 256 : i32
      %mul3A_613 = arith.muli %scan3A_454, %mul3A_612 : i32
      %add3A_614 = arith.constant 128 : i32
      %add3A_615 = arith.addi %mul3A_613, %add3A_614 : i32
      %get3A_616 = arith.index_cast %add3A_615 : i32 to index
      %get3A_617 = tpu.vector_load %arg7[%get3A_616] {strides = array<i32>} : memref<50176xf32, #tpu.memory_space<vmem>>, vector<16xf32>,
      %mul3A_618 = arith.constant 256 : i32
      %mul3A_619 = arith.muli %scan3A_454, %mul3A_618 : i32
      %add3A_620 = arith.constant 128 : i32
      %add3A_621 = arith.addi %mul3A_619, %add3A_620 : i32
      %get3A_622 = arith.index_cast %add3A_621 : i32 to index
      %get3A_623 = tpu.vector_load %arg8[%get3A_622] {strides = array<i32>} : memref<50176xf32, #tpu.memory_space<vmem>>, vector<16xf32>,
      %add3A_624 = arith.addf %get3A_617, %get3A_623 : vector<16xf32>
      %ge3A_625 = arith.cmpf oge, %add3A_624, %min3A_327 : vector<16xf32>
      %all_reduce_population_count3A_626 = tpu.all_reduce %ge3A_625 {dim = 0 : i64, kind = #tpu.reduction_kind<sum>} : vector<16xi1> -> vector<16xi32>
      %convert_element_type3A_627 = arith.extui %ge3A_625 : vector<16xi1> to vector<16xi32>
      %broadcast_in_dim3A_628 = arith.constant true
      %broadcast_in_dim3A_629 = vector.broadcast %broadcast_in_dim3A_628 : i1 to vector<16xi1>
      %masked_cumsum3A_630 = tpu.scan <sum>, %convert_element_type3A_627 masked %broadcast_in_dim3A_629 : vector<16xi32>, vector<16xi1> -> vector<16xi32>
      %max3A_631 = arith.maximumf %max3A_611, %add3A_624 : vector<16xf32>
      %mul3A_632 = arith.constant 256 : i32
      %mul3A_633 = arith.muli %scan3A_454, %mul3A_632 : i32
      %add3A_634 = arith.constant 144 : i32
      %add3A_635 = arith.addi %mul3A_633, %add3A_634 : i32
      %get3A_636 = arith.index_cast %add3A_635 : i32 to index
      %get3A_637 = tpu.vector_load %arg7[%get3A_636] {strides = array<i32>} : memref<50176xf32, #tpu.memory_space<vmem>>, vector<16xf32>,
      %mul3A_638 = arith.constant 256 : i32
      %mul3A_639 = arith.muli %scan3A_454, %mul3A_638 : i32
      %add3A_640 = arith.constant 144 : i32
      %add3A_641 = arith.addi %mul3A_639, %add3A_640 : i32
      %get3A_642 = arith.index_cast %add3A_641 : i32 to index
      %get3A_643 = tpu.vector_load %arg8[%get3A_642] {strides = array<i32>} : memref<50176xf32, #tpu.memory_space<vmem>>, vector<16xf32>,
      %add3A_644 = arith.addf %get3A_637, %get3A_643 : vector<16xf32>
      %ge3A_645 = arith.cmpf oge, %add3A_644, %min3A_327 : vector<16xf32>
      %all_reduce_population_count3A_646 = tpu.all_reduce %ge3A_645 {dim = 0 : i64, kind = #tpu.reduction_kind<sum>} : vector<16xi1> -> vector<16xi32>
      %convert_element_type3A_647 = arith.extui %ge3A_645 : vector<16xi1> to vector<16xi32>
      %broadcast_in_dim3A_648 = arith.constant true
      %broadcast_in_dim3A_649 = vector.broadcast %broadcast_in_dim3A_648 : i1 to vector<16xi1>
      %masked_cumsum3A_650 = tpu.scan <sum>, %convert_element_type3A_647 masked %broadcast_in_dim3A_649 : vector<16xi32>, vector<16xi1> -> vector<16xi32>
      %max3A_651 = arith.maximumf %max3A_631, %add3A_644 : vector<16xf32>
      %mul3A_652 = arith.constant 256 : i32
      %mul3A_653 = arith.muli %scan3A_454, %mul3A_652 : i32
      %add3A_654 = arith.constant 160 : i32
      %add3A_655 = arith.addi %mul3A_653, %add3A_654 : i32
      %get3A_656 = arith.index_cast %add3A_655 : i32 to index
      %get3A_657 = tpu.vector_load %arg7[%get3A_656] {strides = array<i32>} : memref<50176xf32, #tpu.memory_space<vmem>>, vector<16xf32>,
      %mul3A_658 = arith.constant 256 : i32
      %mul3A_659 = arith.muli %scan3A_454, %mul3A_658 : i32
      %add3A_660 = arith.constant 160 : i32
      %add3A_661 = arith.addi %mul3A_659, %add3A_660 : i32
      %get3A_662 = arith.index_cast %add3A_661 : i32 to index
      %get3A_663 = tpu.vector_load %arg8[%get3A_662] {strides = array<i32>} : memref<50176xf32, #tpu.memory_space<vmem>>, vector<16xf32>,
      %add3A_664 = arith.addf %get3A_657, %get3A_663 : vector<16xf32>
      %ge3A_665 = arith.cmpf oge, %add3A_664, %min3A_327 : vector<16xf32>
      %all_reduce_population_count3A_666 = tpu.all_reduce %ge3A_665 {dim = 0 : i64, kind = #tpu.reduction_kind<sum>} : vector<16xi1> -> vector<16xi32>
      %convert_element_type3A_667 = arith.extui %ge3A_665 : vector<16xi1> to vector<16xi32>
      %broadcast_in_dim3A_668 = arith.constant true
      %broadcast_in_dim3A_669 = vector.broadcast %broadcast_in_dim3A_668 : i1 to vector<16xi1>
      %masked_cumsum3A_670 = tpu.scan <sum>, %convert_element_type3A_667 masked %broadcast_in_dim3A_669 : vector<16xi32>, vector<16xi1> -> vector<16xi32>
      %max3A_671 = arith.maximumf %max3A_651, %add3A_664 : vector<16xf32>
      %mul3A_672 = arith.constant 256 : i32
      %mul3A_673 = arith.muli %scan3A_454, %mul3A_672 : i32
      %add3A_674 = arith.constant 176 : i32
      %add3A_675 = arith.addi %mul3A_673, %add3A_674 : i32
      %get3A_676 = arith.index_cast %add3A_675 : i32 to index
      %get3A_677 = tpu.vector_load %arg7[%get3A_676] {strides = array<i32>} : memref<50176xf32, #tpu.memory_space<vmem>>, vector<16xf32>,
      %mul3A_678 = arith.constant 256 : i32
      %mul3A_679 = arith.muli %scan3A_454, %mul3A_678 : i32
      %add3A_680 = arith.constant 176 : i32
      %add3A_681 = arith.addi %mul3A_679, %add3A_680 : i32
      %get3A_682 = arith.index_cast %add3A_681 : i32 to index
      %get3A_683 = tpu.vector_load %arg8[%get3A_682] {strides = array<i32>} : memref<50176xf32, #tpu.memory_space<vmem>>, vector<16xf32>,
      %add3A_684 = arith.addf %get3A_677, %get3A_683 : vector<16xf32>
      %ge3A_685 = arith.cmpf oge, %add3A_684, %min3A_327 : vector<16xf32>
      %all_reduce_population_count3A_686 = tpu.all_reduce %ge3A_685 {dim = 0 : i64, kind = #tpu.reduction_kind<sum>} : vector<16xi1> -> vector<16xi32>
      %convert_element_type3A_687 = arith.extui %ge3A_685 : vector<16xi1> to vector<16xi32>
      %broadcast_in_dim3A_688 = arith.constant true
      %broadcast_in_dim3A_689 = vector.broadcast %broadcast_in_dim3A_688 : i1 to vector<16xi1>
      %masked_cumsum3A_690 = tpu.scan <sum>, %convert_element_type3A_687 masked %broadcast_in_dim3A_689 : vector<16xi32>, vector<16xi1> -> vector<16xi32>
      %max3A_691 = arith.maximumf %max3A_671, %add3A_684 : vector<16xf32>
      %mul3A_692 = arith.constant 256 : i32
      %mul3A_693 = arith.muli %scan3A_454, %mul3A_692 : i32
      %add3A_694 = arith.constant 192 : i32
      %add3A_695 = arith.addi %mul3A_693, %add3A_694 : i32
      %get3A_696 = arith.index_cast %add3A_695 : i32 to index
      %get3A_697 = tpu.vector_load %arg7[%get3A_696] {strides = array<i32>} : memref<50176xf32, #tpu.memory_space<vmem>>, vector<16xf32>,
      %mul3A_698 = arith.constant 256 : i32
      %mul3A_699 = arith.muli %scan3A_454, %mul3A_698 : i32
      %add3A_700 = arith.constant 192 : i32
      %add3A_701 = arith.addi %mul3A_699, %add3A_700 : i32
      %get3A_702 = arith.index_cast %add3A_701 : i32 to index
      %get3A_703 = tpu.vector_load %arg8[%get3A_702] {strides = array<i32>} : memref<50176xf32, #tpu.memory_space<vmem>>, vector<16xf32>,
      %add3A_704 = arith.addf %get3A_697, %get3A_703 : vector<16xf32>
      %ge3A_705 = arith.cmpf oge, %add3A_704, %min3A_327 : vector<16xf32>
      %all_reduce_population_count3A_706 = tpu.all_reduce %ge3A_705 {dim = 0 : i64, kind = #tpu.reduction_kind<sum>} : vector<16xi1> -> vector<16xi32>
      %convert_element_type3A_707 = arith.extui %ge3A_705 : vector<16xi1> to vector<16xi32>
      %broadcast_in_dim3A_708 = arith.constant true
      %broadcast_in_dim3A_709 = vector.broadcast %broadcast_in_dim3A_708 : i1 to vector<16xi1>
      %masked_cumsum3A_710 = tpu.scan <sum>, %convert_element_type3A_707 masked %broadcast_in_dim3A_709 : vector<16xi32>, vector<16xi1> -> vector<16xi32>
      %max3A_711 = arith.maximumf %max3A_691, %add3A_704 : vector<16xf32>
      %mul3A_712 = arith.constant 256 : i32
      %mul3A_713 = arith.muli %scan3A_454, %mul3A_712 : i32
      %add3A_714 = arith.constant 208 : i32
      %add3A_715 = arith.addi %mul3A_713, %add3A_714 : i32
      %get3A_716 = arith.index_cast %add3A_715 : i32 to index
      %get3A_717 = tpu.vector_load %arg7[%get3A_716] {strides = array<i32>} : memref<50176xf32, #tpu.memory_space<vmem>>, vector<16xf32>,
      %mul3A_718 = arith.constant 256 : i32
      %mul3A_719 = arith.muli %scan3A_454, %mul3A_718 : i32
      %add3A_720 = arith.constant 208 : i32
      %add3A_721 = arith.addi %mul3A_719, %add3A_720 : i32
      %get3A_722 = arith.index_cast %add3A_721 : i32 to index
      %get3A_723 = tpu.vector_load %arg8[%get3A_722] {strides = array<i32>} : memref<50176xf32, #tpu.memory_space<vmem>>, vector<16xf32>,
      %add3A_724 = arith.addf %get3A_717, %get3A_723 : vector<16xf32>
      %ge3A_725 = arith.cmpf oge, %add3A_724, %min3A_327 : vector<16xf32>
      %all_reduce_population_count3A_726 = tpu.all_reduce %ge3A_725 {dim = 0 : i64, kind = #tpu.reduction_kind<sum>} : vector<16xi1> -> vector<16xi32>
      %convert_element_type3A_727 = arith.extui %ge3A_725 : vector<16xi1> to vector<16xi32>
      %broadcast_in_dim3A_728 = arith.constant true
      %broadcast_in_dim3A_729 = vector.broadcast %broadcast_in_dim3A_728 : i1 to vector<16xi1>
      %masked_cumsum3A_730 = tpu.scan <sum>, %convert_element_type3A_727 masked %broadcast_in_dim3A_729 : vector<16xi32>, vector<16xi1> -> vector<16xi32>
      %max3A_731 = arith.maximumf %max3A_711, %add3A_724 : vector<16xf32>
      %mul3A_732 = arith.constant 256 : i32
      %mul3A_733 = arith.muli %scan3A_454, %mul3A_732 : i32
      %add3A_734 = arith.constant 224 : i32
      %add3A_735 = arith.addi %mul3A_733, %add3A_734 : i32
      %get3A_736 = arith.index_cast %add3A_735 : i32 to index
      %get3A_737 = tpu.vector_load %arg7[%get3A_736] {strides = array<i32>} : memref<50176xf32, #tpu.memory_space<vmem>>, vector<16xf32>,
      %mul3A_738 = arith.constant 256 : i32
      %mul3A_739 = arith.muli %scan3A_454, %mul3A_738 : i32
      %add3A_740 = arith.constant 224 : i32
      %add3A_741 = arith.addi %mul3A_739, %add3A_740 : i32
      %get3A_742 = arith.index_cast %add3A_741 : i32 to index
      %get3A_743 = tpu.vector_load %arg8[%get3A_742] {strides = array<i32>} : memref<50176xf32, #tpu.memory_space<vmem>>, vector<16xf32>,
      %add3A_744 = arith.addf %get3A_737, %get3A_743 : vector<16xf32>
      %ge3A_745 = arith.cmpf oge, %add3A_744, %min3A_327 : vector<16xf32>
      %all_reduce_population_count3A_746 = tpu.all_reduce %ge3A_745 {dim = 0 : i64, kind = #tpu.reduction_kind<sum>} : vector<16xi1> -> vector<16xi32>
      %convert_element_type3A_747 = arith.extui %ge3A_745 : vector<16xi1> to vector<16xi32>
      %broadcast_in_dim3A_748 = arith.constant true
      %broadcast_in_dim3A_749 = vector.broadcast %broadcast_in_dim3A_748 : i1 to vector<16xi1>
      %masked_cumsum3A_750 = tpu.scan <sum>, %convert_element_type3A_747 masked %broadcast_in_dim3A_749 : vector<16xi32>, vector<16xi1> -> vector<16xi32>
      %max3A_751 = arith.maximumf %max3A_731, %add3A_744 : vector<16xf32>
      %mul3A_752 = arith.constant 256 : i32
      %mul3A_753 = arith.muli %scan3A_454, %mul3A_752 : i32
      %add3A_754 = arith.constant 240 : i32
      %add3A_755 = arith.addi %mul3A_753, %add3A_754 : i32
      %get3A_756 = arith.index_cast %add3A_755 : i32 to index
      %get3A_757 = tpu.vector_load %arg7[%get3A_756] {strides = array<i32>} : memref<50176xf32, #tpu.memory_space<vmem>>, vector<16xf32>,
      %mul3A_758 = arith.constant 256 : i32
      %mul3A_759 = arith.muli %scan3A_454, %mul3A_758 : i32
      %add3A_760 = arith.constant 240 : i32
      %add3A_761 = arith.addi %mul3A_759, %add3A_760 : i32
      %get3A_762 = arith.index_cast %add3A_761 : i32 to index
      %get3A_763 = tpu.vector_load %arg8[%get3A_762] {strides = array<i32>} : memref<50176xf32, #tpu.memory_space<vmem>>, vector<16xf32>,
      %add3A_764 = arith.addf %get3A_757, %get3A_763 : vector<16xf32>
      %ge3A_765 = arith.cmpf oge, %add3A_764, %min3A_327 : vector<16xf32>
      %all_reduce_population_count3A_766 = tpu.all_reduce %ge3A_765 {dim = 0 : i64, kind = #tpu.reduction_kind<sum>} : vector<16xi1> -> vector<16xi32>
      %convert_element_type3A_767 = arith.extui %ge3A_765 : vector<16xi1> to vector<16xi32>
      %broadcast_in_dim3A_768 = arith.constant true
      %broadcast_in_dim3A_769 = vector.broadcast %broadcast_in_dim3A_768 : i1 to vector<16xi1>
      %masked_cumsum3A_770 = tpu.scan <sum>, %convert_element_type3A_767 masked %broadcast_in_dim3A_769 : vector<16xi32>, vector<16xi1> -> vector<16xi32>
      %max3A_771 = arith.maximumf %max3A_751, %add3A_764 : vector<16xf32>
      %add3A_772 = arith.addi %scan3A_456, %all_reduce_population_count3A : vector<16xi32>
      %add3A_773 = arith.addi %add3A_772, %all_reduce_population_count3A_486 : vector<16xi32>
      %add3A_774 = arith.addi %add3A_773, %all_reduce_population_count3A_506 : vector<16xi32>
      %add3A_775 = arith.addi %add3A_774, %all_reduce_population_count3A_526 : vector<16xi32>
      %add3A_776 = arith.addi %add3A_775, %all_reduce_population_count3A_546 : vector<16xi32>
      %add3A_777 = arith.addi %add3A_776, %all_reduce_population_count3A_566 : vector<16xi32>
      %add3A_778 = arith.addi %add3A_777, %all_reduce_population_count3A_586 : vector<16xi32>
      %add3A_779 = arith.addi %add3A_778, %all_reduce_population_count3A_606 : vector<16xi32>
      %add3A_780 = arith.addi %add3A_779, %all_reduce_population_count3A_626 : vector<16xi32>
      %add3A_781 = arith.addi %add3A_780, %all_reduce_population_count3A_646 : vector<16xi32>
      %add3A_782 = arith.addi %add3A_781, %all_reduce_population_count3A_666 : vector<16xi32>
      %add3A_783 = arith.addi %add3A_782, %all_reduce_population_count3A_686 : vector<16xi32>
      %add3A_784 = arith.addi %add3A_783, %all_reduce_population_count3A_706 : vector<16xi32>
      %add3A_785 = arith.addi %add3A_784, %all_reduce_population_count3A_726 : vector<16xi32>
      %add3A_786 = arith.addi %add3A_785, %all_reduce_population_count3A_746 : vector<16xi32>
      %add3A_787 = arith.addi %scan3A_456, %masked_cumsum3A : vector<16xi32>
      %min3A_788 = arith.constant 2063 : i32
      %min3A_789 = vector.broadcast %min3A_788 : i32 to vector<16xi32>
      %min3A_790 = arith.minsi %add3A_787, %min3A_789 : vector<16xi32>
      %mul3A_791 = arith.constant 256 : i32
      %mul3A_792 = arith.muli %scan3A_454, %mul3A_791 : i32
      %add3A_793 = arith.constant 0 : i32
      %add3A_794 = arith.addi %mul3A_792, %add3A_793 : i32
      %add3A_795 = vector.broadcast %add3A_794 : i32 to vector<16xi32>
      %add3A_796 = arith.addi %add3A_795, %iota3A : vector<16xi32>
      tpu.vector_store_idx %arg12[%min3A_790], %add3A_796 masked %ge3A : memref<2064xi32, #tpu.memory_space<vmem>>[vector<16xi32>], vector<16xi32>, vector<16xi1>
      %add3A_797 = arith.addi %add3A_772, %masked_cumsum3A_490 : vector<16xi32>
      %min3A_798 = arith.constant 2063 : i32
      %min3A_799 = vector.broadcast %min3A_798 : i32 to vector<16xi32>
      %min3A_800 = arith.minsi %add3A_797, %min3A_799 : vector<16xi32>
      %mul3A_801 = arith.constant 256 : i32
      %mul3A_802 = arith.muli %scan3A_454, %mul3A_801 : i32
      %add3A_803 = arith.constant 16 : i32
      %add3A_804 = arith.addi %mul3A_802, %add3A_803 : i32
      %add3A_805 = vector.broadcast %add3A_804 : i32 to vector<16xi32>
      %add3A_806 = arith.addi %add3A_805, %iota3A : vector<16xi32>
      tpu.vector_store_idx %arg12[%min3A_800], %add3A_806 masked %ge3A_485 : memref<2064xi32, #tpu.memory_space<vmem>>[vector<16xi32>], vector<16xi32>, vector<16xi1>
      %add3A_807 = arith.addi %add3A_773, %masked_cumsum3A_510 : vector<16xi32>
      %min3A_808 = arith.constant 2063 : i32
      %min3A_809 = vector.broadcast %min3A_808 : i32 to vector<16xi32>
      %min3A_810 = arith.minsi %add3A_807, %min3A_809 : vector<16xi32>
      %mul3A_811 = arith.constant 256 : i32
      %mul3A_812 = arith.muli %scan3A_454, %mul3A_811 : i32
      %add3A_813 = arith.constant 32 : i32
      %add3A_814 = arith.addi %mul3A_812, %add3A_813 : i32
      %add3A_815 = vector.broadcast %add3A_814 : i32 to vector<16xi32>
      %add3A_816 = arith.addi %add3A_815, %iota3A : vector<16xi32>
      tpu.vector_store_idx %arg12[%min3A_810], %add3A_816 masked %ge3A_505 : memref<2064xi32, #tpu.memory_space<vmem>>[vector<16xi32>], vector<16xi32>, vector<16xi1>
      %add3A_817 = arith.addi %add3A_774, %masked_cumsum3A_530 : vector<16xi32>
      %min3A_818 = arith.constant 2063 : i32
      %min3A_819 = vector.broadcast %min3A_818 : i32 to vector<16xi32>
      %min3A_820 = arith.minsi %add3A_817, %min3A_819 : vector<16xi32>
      %mul3A_821 = arith.constant 256 : i32
      %mul3A_822 = arith.muli %scan3A_454, %mul3A_821 : i32
      %add3A_823 = arith.constant 48 : i32
      %add3A_824 = arith.addi %mul3A_822, %add3A_823 : i32
      %add3A_825 = vector.broadcast %add3A_824 : i32 to vector<16xi32>
      %add3A_826 = arith.addi %add3A_825, %iota3A : vector<16xi32>
      tpu.vector_store_idx %arg12[%min3A_820], %add3A_826 masked %ge3A_525 : memref<2064xi32, #tpu.memory_space<vmem>>[vector<16xi32>], vector<16xi32>, vector<16xi1>
      %add3A_827 = arith.addi %add3A_775, %masked_cumsum3A_550 : vector<16xi32>
      %min3A_828 = arith.constant 2063 : i32
      %min3A_829 = vector.broadcast %min3A_828 : i32 to vector<16xi32>
      %min3A_830 = arith.minsi %add3A_827, %min3A_829 : vector<16xi32>
      %mul3A_831 = arith.constant 256 : i32
      %mul3A_832 = arith.muli %scan3A_454, %mul3A_831 : i32
      %add3A_833 = arith.constant 64 : i32
      %add3A_834 = arith.addi %mul3A_832, %add3A_833 : i32
      %add3A_835 = vector.broadcast %add3A_834 : i32 to vector<16xi32>
      %add3A_836 = arith.addi %add3A_835, %iota3A : vector<16xi32>
      tpu.vector_store_idx %arg12[%min3A_830], %add3A_836 masked %ge3A_545 : memref<2064xi32, #tpu.memory_space<vmem>>[vector<16xi32>], vector<16xi32>, vector<16xi1>
      %add3A_837 = arith.addi %add3A_776, %masked_cumsum3A_570 : vector<16xi32>
      %min3A_838 = arith.constant 2063 : i32
      %min3A_839 = vector.broadcast %min3A_838 : i32 to vector<16xi32>
      %min3A_840 = arith.minsi %add3A_837, %min3A_839 : vector<16xi32>
      %mul3A_841 = arith.constant 256 : i32
      %mul3A_842 = arith.muli %scan3A_454, %mul3A_841 : i32
      %add3A_843 = arith.constant 80 : i32
      %add3A_844 = arith.addi %mul3A_842, %add3A_843 : i32
      %add3A_845 = vector.broadcast %add3A_844 : i32 to vector<16xi32>
      %add3A_846 = arith.addi %add3A_845, %iota3A : vector<16xi32>
      tpu.vector_store_idx %arg12[%min3A_840], %add3A_846 masked %ge3A_565 : memref<2064xi32, #tpu.memory_space<vmem>>[vector<16xi32>], vector<16xi32>, vector<16xi1>
      %add3A_847 = arith.addi %add3A_777, %masked_cumsum3A_590 : vector<16xi32>
      %min3A_848 = arith.constant 2063 : i32
      %min3A_849 = vector.broadcast %min3A_848 : i32 to vector<16xi32>
      %min3A_850 = arith.minsi %add3A_847, %min3A_849 : vector<16xi32>
      %mul3A_851 = arith.constant 256 : i32
      %mul3A_852 = arith.muli %scan3A_454, %mul3A_851 : i32
      %add3A_853 = arith.constant 96 : i32
      %add3A_854 = arith.addi %mul3A_852, %add3A_853 : i32
      %add3A_855 = vector.broadcast %add3A_854 : i32 to vector<16xi32>
      %add3A_856 = arith.addi %add3A_855, %iota3A : vector<16xi32>
      tpu.vector_store_idx %arg12[%min3A_850], %add3A_856 masked %ge3A_585 : memref<2064xi32, #tpu.memory_space<vmem>>[vector<16xi32>], vector<16xi32>, vector<16xi1>
      %add3A_857 = arith.addi %add3A_778, %masked_cumsum3A_610 : vector<16xi32>
      %min3A_858 = arith.constant 2063 : i32
      %min3A_859 = vector.broadcast %min3A_858 : i32 to vector<16xi32>
      %min3A_860 = arith.minsi %add3A_857, %min3A_859 : vector<16xi32>
      %mul3A_861 = arith.constant 256 : i32
      %mul3A_862 = arith.muli %scan3A_454, %mul3A_861 : i32
      %add3A_863 = arith.constant 112 : i32
      %add3A_864 = arith.addi %mul3A_862, %add3A_863 : i32
      %add3A_865 = vector.broadcast %add3A_864 : i32 to vector<16xi32>
      %add3A_866 = arith.addi %add3A_865, %iota3A : vector<16xi32>
      tpu.vector_store_idx %arg12[%min3A_860], %add3A_866 masked %ge3A_605 : memref<2064xi32, #tpu.memory_space<vmem>>[vector<16xi32>], vector<16xi32>, vector<16xi1>
      %add3A_867 = arith.addi %add3A_779, %masked_cumsum3A_630 : vector<16xi32>
      %min3A_868 = arith.constant 2063 : i32
      %min3A_869 = vector.broadcast %min3A_868 : i32 to vector<16xi32>
      %min3A_870 = arith.minsi %add3A_867, %min3A_869 : vector<16xi32>
      %mul3A_871 = arith.constant 256 : i32
      %mul3A_872 = arith.muli %scan3A_454, %mul3A_871 : i32
      %add3A_873 = arith.constant 128 : i32
      %add3A_874 = arith.addi %mul3A_872, %add3A_873 : i32
      %add3A_875 = vector.broadcast %add3A_874 : i32 to vector<16xi32>
      %add3A_876 = arith.addi %add3A_875, %iota3A : vector<16xi32>
      tpu.vector_store_idx %arg12[%min3A_870], %add3A_876 masked %ge3A_625 : memref<2064xi32, #tpu.memory_space<vmem>>[vector<16xi32>], vector<16xi32>, vector<16xi1>
      %add3A_877 = arith.addi %add3A_780, %masked_cumsum3A_650 : vector<16xi32>
      %min3A_878 = arith.constant 2063 : i32
      %min3A_879 = vector.broadcast %min3A_878 : i32 to vector<16xi32>
      %min3A_880 = arith.minsi %add3A_877, %min3A_879 : vector<16xi32>
      %mul3A_881 = arith.constant 256 : i32
      %mul3A_882 = arith.muli %scan3A_454, %mul3A_881 : i32
      %add3A_883 = arith.constant 144 : i32
      %add3A_884 = arith.addi %mul3A_882, %add3A_883 : i32
      %add3A_885 = vector.broadcast %add3A_884 : i32 to vector<16xi32>
      %add3A_886 = arith.addi %add3A_885, %iota3A : vector<16xi32>
      tpu.vector_store_idx %arg12[%min3A_880], %add3A_886 masked %ge3A_645 : memref<2064xi32, #tpu.memory_space<vmem>>[vector<16xi32>], vector<16xi32>, vector<16xi1>
      %add3A_887 = arith.addi %add3A_781, %masked_cumsum3A_670 : vector<16xi32>
      %min3A_888 = arith.constant 2063 : i32
      %min3A_889 = vector.broadcast %min3A_888 : i32 to vector<16xi32>
      %min3A_890 = arith.minsi %add3A_887, %min3A_889 : vector<16xi32>
      %mul3A_891 = arith.constant 256 : i32
      %mul3A_892 = arith.muli %scan3A_454, %mul3A_891 : i32
      %add3A_893 = arith.constant 160 : i32
      %add3A_894 = arith.addi %mul3A_892, %add3A_893 : i32
      %add3A_895 = vector.broadcast %add3A_894 : i32 to vector<16xi32>
      %add3A_896 = arith.addi %add3A_895, %iota3A : vector<16xi32>
      tpu.vector_store_idx %arg12[%min3A_890], %add3A_896 masked %ge3A_665 : memref<2064xi32, #tpu.memory_space<vmem>>[vector<16xi32>], vector<16xi32>, vector<16xi1>
      %add3A_897 = arith.addi %add3A_782, %masked_cumsum3A_690 : vector<16xi32>
      %min3A_898 = arith.constant 2063 : i32
      %min3A_899 = vector.broadcast %min3A_898 : i32 to vector<16xi32>
      %min3A_900 = arith.minsi %add3A_897, %min3A_899 : vector<16xi32>
      %mul3A_901 = arith.constant 256 : i32
      %mul3A_902 = arith.muli %scan3A_454, %mul3A_901 : i32
      %add3A_903 = arith.constant 176 : i32
      %add3A_904 = arith.addi %mul3A_902, %add3A_903 : i32
      %add3A_905 = vector.broadcast %add3A_904 : i32 to vector<16xi32>
      %add3A_906 = arith.addi %add3A_905, %iota3A : vector<16xi32>
      tpu.vector_store_idx %arg12[%min3A_900], %add3A_906 masked %ge3A_685 : memref<2064xi32, #tpu.memory_space<vmem>>[vector<16xi32>], vector<16xi32>, vector<16xi1>
      %add3A_907 = arith.addi %add3A_783, %masked_cumsum3A_710 : vector<16xi32>
      %min3A_908 = arith.constant 2063 : i32
      %min3A_909 = vector.broadcast %min3A_908 : i32 to vector<16xi32>
      %min3A_910 = arith.minsi %add3A_907, %min3A_909 : vector<16xi32>
      %mul3A_911 = arith.constant 256 : i32
      %mul3A_912 = arith.muli %scan3A_454, %mul3A_911 : i32
      %add3A_913 = arith.constant 192 : i32
      %add3A_914 = arith.addi %mul3A_912, %add3A_913 : i32
      %add3A_915 = vector.broadcast %add3A_914 : i32 to vector<16xi32>
      %add3A_916 = arith.addi %add3A_915, %iota3A : vector<16xi32>
      tpu.vector_store_idx %arg12[%min3A_910], %add3A_916 masked %ge3A_705 : memref<2064xi32, #tpu.memory_space<vmem>>[vector<16xi32>], vector<16xi32>, vector<16xi1>
      %add3A_917 = arith.addi %add3A_784, %masked_cumsum3A_730 : vector<16xi32>
      %min3A_918 = arith.constant 2063 : i32
      %min3A_919 = vector.broadcast %min3A_918 : i32 to vector<16xi32>
      %min3A_920 = arith.minsi %add3A_917, %min3A_919 : vector<16xi32>
      %mul3A_921 = arith.constant 256 : i32
      %mul3A_922 = arith.muli %scan3A_454, %mul3A_921 : i32
      %add3A_923 = arith.constant 208 : i32
      %add3A_924 = arith.addi %mul3A_922, %add3A_923 : i32
      %add3A_925 = vector.broadcast %add3A_924 : i32 to vector<16xi32>
      %add3A_926 = arith.addi %add3A_925, %iota3A : vector<16xi32>
      tpu.vector_store_idx %arg12[%min3A_920], %add3A_926 masked %ge3A_725 : memref<2064xi32, #tpu.memory_space<vmem>>[vector<16xi32>], vector<16xi32>, vector<16xi1>
      %add3A_927 = arith.addi %add3A_785, %masked_cumsum3A_750 : vector<16xi32>
      %min3A_928 = arith.constant 2063 : i32
      %min3A_929 = vector.broadcast %min3A_928 : i32 to vector<16xi32>
      %min3A_930 = arith.minsi %add3A_927, %min3A_929 : vector<16xi32>
      %mul3A_931 = arith.constant 256 : i32
      %mul3A_932 = arith.muli %scan3A_454, %mul3A_931 : i32
      %add3A_933 = arith.constant 224 : i32
      %add3A_934 = arith.addi %mul3A_932, %add3A_933 : i32
      %add3A_935 = vector.broadcast %add3A_934 : i32 to vector<16xi32>
      %add3A_936 = arith.addi %add3A_935, %iota3A : vector<16xi32>
      tpu.vector_store_idx %arg12[%min3A_930], %add3A_936 masked %ge3A_745 : memref<2064xi32, #tpu.memory_space<vmem>>[vector<16xi32>], vector<16xi32>, vector<16xi1>
      %add3A_937 = arith.addi %add3A_786, %masked_cumsum3A_770 : vector<16xi32>
      %min3A_938 = arith.constant 2063 : i32
      %min3A_939 = vector.broadcast %min3A_938 : i32 to vector<16xi32>
      %min3A_940 = arith.minsi %add3A_937, %min3A_939 : vector<16xi32>
      %mul3A_941 = arith.constant 256 : i32
      %mul3A_942 = arith.muli %scan3A_454, %mul3A_941 : i32
      %add3A_943 = arith.constant 240 : i32
      %add3A_944 = arith.addi %mul3A_942, %add3A_943 : i32
      %add3A_945 = vector.broadcast %add3A_944 : i32 to vector<16xi32>
      %add3A_946 = arith.addi %add3A_945, %iota3A : vector<16xi32>
      tpu.vector_store_idx %arg12[%min3A_940], %add3A_946 masked %ge3A_765 : memref<2064xi32, #tpu.memory_space<vmem>>[vector<16xi32>], vector<16xi32>, vector<16xi1>
      %add3A_947 = arith.addi %add3A_786, %all_reduce_population_count3A_766 : vector<16xi32>
      scf.yield %max3A_771, %add3A_947 : vector<16xf32>, vector<16xi32>
    }
    %scan3A_343 = arith.constant 49 : i32
    %xor3A_344 = arith.constant 8 : i32
    %xor3A_345 = vector.broadcast %xor3A_344 : i32 to vector<16xi32>
    %xor3A_346 = arith.xori %iota3A, %xor3A_345 : vector<16xi32>
    %lt3A_347 = arith.constant 0 : i32
    %lt3A_348 = vector.broadcast %lt3A_347 : i32 to vector<16xi32>
    %lt3A_349 = arith.cmpi slt, %xor3A_346, %lt3A_348 : vector<16xi32>
    %add3A_350 = arith.constant 16 : i32
    %add3A_351 = vector.broadcast %add3A_350 : i32 to vector<16xi32>
    %add3A_352 = arith.addi %xor3A_346, %add3A_351 : vector<16xi32>
    %select_n3A_353 = arith.select %lt3A_349, %add3A_352, %xor3A_346 : vector<16xi1>, vector<16xi32>
    %broadcast_in_dim3A_354 = vector.shape_cast %select_n3A_353 : vector<16xi32> to vector<16x1xi32>
    %gather3A_355 = vector.shape_cast %broadcast_in_dim3A_354 : vector<16x1xi32> to vector<16xi32>
    %gather3A_356 = tpu.dynamic_gather %scan3A_342#0[%gather3A_355] in [0] : vector<16xf32>, vector<16xi32> -> vector<16xf32>
    %min3A_357 = arith.minimumf %scan3A_342#0, %gather3A_356 : vector<16xf32>
    %xor3A_358 = arith.constant 4 : i32
    %xor3A_359 = vector.broadcast %xor3A_358 : i32 to vector<16xi32>
    %xor3A_360 = arith.xori %iota3A, %xor3A_359 : vector<16xi32>
    %lt3A_361 = arith.constant 0 : i32
    %lt3A_362 = vector.broadcast %lt3A_361 : i32 to vector<16xi32>
    %lt3A_363 = arith.cmpi slt, %xor3A_360, %lt3A_362 : vector<16xi32>
    %add3A_364 = arith.constant 16 : i32
    %add3A_365 = vector.broadcast %add3A_364 : i32 to vector<16xi32>
    %add3A_366 = arith.addi %xor3A_360, %add3A_365 : vector<16xi32>
    %select_n3A_367 = arith.select %lt3A_363, %add3A_366, %xor3A_360 : vector<16xi1>, vector<16xi32>
    %broadcast_in_dim3A_368 = vector.shape_cast %select_n3A_367 : vector<16xi32> to vector<16x1xi32>
    %gather3A_369 = vector.shape_cast %broadcast_in_dim3A_368 : vector<16x1xi32> to vector<16xi32>
    %gather3A_370 = tpu.dynamic_gather %min3A_357[%gather3A_369] in [0] : vector<16xf32>, vector<16xi32> -> vector<16xf32>
    %min3A_371 = arith.minimumf %min3A_357, %gather3A_370 : vector<16xf32>
    %xor3A_372 = arith.constant 2 : i32
    %xor3A_373 = vector.broadcast %xor3A_372 : i32 to vector<16xi32>
    %xor3A_374 = arith.xori %iota3A, %xor3A_373 : vector<16xi32>
    %lt3A_375 = arith.constant 0 : i32
    %lt3A_376 = vector.broadcast %lt3A_375 : i32 to vector<16xi32>
    %lt3A_377 = arith.cmpi slt, %xor3A_374, %lt3A_376 : vector<16xi32>
    %add3A_378 = arith.constant 16 : i32
    %add3A_379 = vector.broadcast %add3A_378 : i32 to vector<16xi32>
    %add3A_380 = arith.addi %xor3A_374, %add3A_379 : vector<16xi32>
    %select_n3A_381 = arith.select %lt3A_377, %add3A_380, %xor3A_374 : vector<16xi1>, vector<16xi32>
    %broadcast_in_dim3A_382 = vector.shape_cast %select_n3A_381 : vector<16xi32> to vector<16x1xi32>
    %gather3A_383 = vector.shape_cast %broadcast_in_dim3A_382 : vector<16x1xi32> to vector<16xi32>
    %gather3A_384 = tpu.dynamic_gather %min3A_371[%gather3A_383] in [0] : vector<16xf32>, vector<16xi32> -> vector<16xf32>
    %min3A_385 = arith.minimumf %min3A_371, %gather3A_384 : vector<16xf32>
    %xor3A_386 = arith.constant 1 : i32
    %xor3A_387 = vector.broadcast %xor3A_386 : i32 to vector<16xi32>
    %xor3A_388 = arith.xori %iota3A, %xor3A_387 : vector<16xi32>
    %lt3A_389 = arith.constant 0 : i32
    %lt3A_390 = vector.broadcast %lt3A_389 : i32 to vector<16xi32>
    %lt3A_391 = arith.cmpi slt, %xor3A_388, %lt3A_390 : vector<16xi32>
    %add3A_392 = arith.constant 16 : i32
    %add3A_393 = vector.broadcast %add3A_392 : i32 to vector<16xi32>
    %add3A_394 = arith.addi %xor3A_388, %add3A_393 : vector<16xi32>
    %select_n3A_395 = arith.select %lt3A_391, %add3A_394, %xor3A_388 : vector<16xi1>, vector<16xi32>
    %broadcast_in_dim3A_396 = vector.shape_cast %select_n3A_395 : vector<16xi32> to vector<16x1xi32>
    %gather3A_397 = vector.shape_cast %broadcast_in_dim3A_396 : vector<16x1xi32> to vector<16xi32>
    %gather3A_398 = tpu.dynamic_gather %min3A_385[%gather3A_397] in [0] : vector<16xf32>, vector<16xi32> -> vector<16xf32>
    %min3A_399 = arith.minimumf %min3A_385, %gather3A_398 : vector<16xf32>
    %reduce_max3A = arith.constant true
    %reduce_max3A_400 = vector.broadcast %reduce_max3A : i1 to vector<16xi1>
    %reduce_max3A_401 = arith.constant -2147483648 : i32
    %reduce_max3A_402 = vector.broadcast %reduce_max3A_401 : i32 to vector<16xi32>
    %reduce_max3A_403 = arith.xori %scan3A_342#1, %reduce_max3A_402 : vector<16xi32>
    %reduce_max3A_404 = tpu.scan <max>, %reduce_max3A_403 masked %reduce_max3A_400 : vector<16xi32>, vector<16xi1> -> vector<16xi32>
    %reduce_max3A_405 = arith.xori %reduce_max3A_404, %reduce_max3A_402 : vector<16xi32>
    %reduce_max3A_406 = vector.extract %reduce_max3A_405[15] : i32 from vector<16xi32>
    %add3A_407 = arith.constant 1 : i32
    %add3A_408 = arith.addi %reduce_max3A_406, %add3A_407 : i32
    %add3A_409 = vector.broadcast %add3A_408 : i32 to vector<16xi32>
    %add3A_410 = arith.addi %add3A_409, %iota3A : vector<16xi32>
    %min3A_411 = arith.constant 2063 : i32
    %min3A_412 = vector.broadcast %min3A_411 : i32 to vector<16xi32>
    %min3A_413 = arith.minsi %add3A_410, %min3A_412 : vector<16xi32>
    %broadcast_in_dim3A_414 = arith.constant 50175 : i32
    %broadcast_in_dim3A_415 = vector.broadcast %broadcast_in_dim3A_414 : i32 to vector<16xi32>
    tpu.vector_store_idx %arg12[%min3A_413], %broadcast_in_dim3A_415 : memref<2064xi32, #tpu.memory_space<vmem>>[vector<16xi32>], vector<16xi32>,
    %broadcast_in_dim3A_416 = arith.constant -1.000000e+30 : f32
    %broadcast_in_dim3A_417 = vector.broadcast %broadcast_in_dim3A_416 : f32 to vector<16xf32>
    %broadcast_in_dim3A_418 = arith.constant 0 : i32
    %broadcast_in_dim3A_419 = vector.broadcast %broadcast_in_dim3A_418 : i32 to vector<16xi32>
    %le3A = arith.constant 2048 : i32
    %le3A_420 = arith.cmpi sle, %add3A_408, %le3A : i32
    %convert_element_type3A_421 = arith.extui %le3A_420 : i1 to i32
    %cond3A_422 = arith.constant 0 : i32
    %cond3A_423 = arith.cmpi ne, %convert_element_type3A_421, %cond3A_422 : i32
    %cond3A_424:2 = scf.if %cond3A_423 -> (vector<16xf32>, vector<16xi32>) {
      %add3A_454 = arith.constant 15 : i32
      %add3A_455 = arith.addi %add3A_408, %add3A_454 : i32
      %jit3A_456 = arith.constant 16 : i32
      %div3A_457 = arith.divsi %add3A_455, %jit3A_456 : i32
      %sign3A_458 = arith.constant 0 : i32
      %sign3A_459 = arith.cmpi sgt, %add3A_455, %sign3A_458 : i32
      %sign3A_460 = arith.extui %sign3A_459 : i1 to i32
      %sign3A_461 = arith.constant 0 : i32
      %sign3A_462 = arith.cmpi slt, %add3A_455, %sign3A_461 : i32
      %sign3A_463 = arith.extui %sign3A_462 : i1 to i32
      %sign3A_464 = arith.subi %sign3A_460, %sign3A_463 : i32
      %sign3A_465 = arith.constant 0 : i32
      %sign3A_466 = arith.cmpi sgt, %jit3A_456, %sign3A_465 : i32
      %sign3A_467 = arith.extui %sign3A_466 : i1 to i32
      %sign3A_468 = arith.constant 0 : i32
      %sign3A_469 = arith.cmpi slt, %jit3A_456, %sign3A_468 : i32
      %sign3A_470 = arith.extui %sign3A_469 : i1 to i32
      %sign3A_471 = arith.subi %sign3A_467, %sign3A_470 : i32
      %ne3A_472 = arith.cmpi ne, %sign3A_464, %sign3A_471 : i32
      %rem3A_473 = arith.remsi %add3A_455, %jit3A_456 : i32
      %ne3A_474 = arith.constant 0 : i32
      %ne3A_475 = arith.cmpi ne, %rem3A_473, %ne3A_474 : i32
      %and3A_476 = arith.andi %ne3A_472, %ne3A_475 : i1
      %sub3A_477 = arith.constant 1 : i32
      %sub3A_478 = arith.subi %div3A_457, %sub3A_477 : i32
      %select_n3A_479 = arith.select %and3A_476, %sub3A_478, %div3A_457 : i32
      %while3A = arith.constant 0 : i32
      %while3A_480 = arith.subi %select_n3A_479, %while3A : i32
      %while3A_481 = arith.addi %while3A, %while3A_480 : i32
      %while3A_482 = arith.constant 1 : i32
      %while3A_483 = arith.divsi %while3A_480, %while3A_482 : i32
      %while3A_484 = arith.muli %while3A_483, %while3A_482 : i32
      %while3A_485 = arith.addi %while3A, %while3A_484 : i32
      %while3A_486 = arith.constant 1 : i32
      %while3A_487:2 = scf.for %while3A_490 = %while3A to %while3A_485 step %while3A_486 iter_args(%while3A_491 = %broadcast_in_dim3A_417, %while3A_492 = %broadcast_in_dim3A_419) -> (vector<16xf32>, vector<16xi32>)  : i32 {
        %mul3A_493 = arith.constant 16 : i32
        %mul3A_494 = arith.muli %while3A_490, %mul3A_493 : i32
        %get3A = arith.index_cast %mul3A_494 : i32 to index
        %get3A_495 = tpu.vector_load %arg12[%get3A] {strides = array<i32>} : memref<2064xi32, #tpu.memory_space<vmem>>, vector<16xi32>,
        %gather3A_496 = tpu.vector_load_idx %arg7[%get3A_495] : memref<50176xf32, #tpu.memory_space<vmem>>[vector<16xi32>], vector<16xf32>,
        %gather3A_497 = tpu.vector_load_idx %arg8[%get3A_495] : memref<50176xf32, #tpu.memory_space<vmem>>[vector<16xi32>], vector<16xf32>,
        %add3A_498 = arith.addf %gather3A_496, %gather3A_497 : vector<16xf32>
        %masked_sort3A = arith.constant dense<true> : vector<16xi1>
        %masked_sort3A_499, %masked_sort3A_500, %masked_sort3A_501 = tpu.sort %add3A_498, %get3A_495 masked %masked_sort3A : (vector<16xf32>, vector<16xi32>, vector<16xi1>) -> (vector<16xi1>, vector<16xf32>, vector<16xi32>)
        %gt3A = arith.cmpf ogt, %masked_sort3A_500, %while3A_491 : vector<16xf32>
        %max3A = arith.maximumf %while3A_491, %masked_sort3A_500 : vector<16xf32>
        %select_n3A_502 = arith.select %gt3A, %masked_sort3A_501, %while3A_492 : vector<16xi1>, vector<16xi32>
        %masked_sort3A_503 = arith.constant dense<true> : vector<16xi1>
        %masked_sort3A_504, %masked_sort3A_505, %masked_sort3A_506 = tpu.sort %max3A, %select_n3A_502 masked %masked_sort3A_503 {descending = true} : (vector<16xf32>, vector<16xi32>, vector<16xi1>) -> (vector<16xi1>, vector<16xf32>, vector<16xi32>)
        scf.yield %masked_sort3A_505, %masked_sort3A_506 : vector<16xf32>, vector<16xi32>
      }
      %while3A_488 = arith.constant 1 : i32
      %while3A_489:2 = scf.for %while3A_490 = %while3A_485 to %while3A_481 step %while3A_488 iter_args(%while3A_491 = %while3A_487#0, %while3A_492 = %while3A_487#1) -> (vector<16xf32>, vector<16xi32>)  : i32 {
        %mul3A_493 = arith.constant 16 : i32
        %mul3A_494 = arith.muli %while3A_490, %mul3A_493 : i32
        %get3A = arith.index_cast %mul3A_494 : i32 to index
        %get3A_495 = tpu.vector_load %arg12[%get3A] {strides = array<i32>} : memref<2064xi32, #tpu.memory_space<vmem>>, vector<16xi32>,
        %gather3A_496 = tpu.vector_load_idx %arg7[%get3A_495] : memref<50176xf32, #tpu.memory_space<vmem>>[vector<16xi32>], vector<16xf32>,
        %gather3A_497 = tpu.vector_load_idx %arg8[%get3A_495] : memref<50176xf32, #tpu.memory_space<vmem>>[vector<16xi32>], vector<16xf32>,
        %add3A_498 = arith.addf %gather3A_496, %gather3A_497 : vector<16xf32>
        %masked_sort3A = arith.constant dense<true> : vector<16xi1>
        %masked_sort3A_499, %masked_sort3A_500, %masked_sort3A_501 = tpu.sort %add3A_498, %get3A_495 masked %masked_sort3A : (vector<16xf32>, vector<16xi32>, vector<16xi1>) -> (vector<16xi1>, vector<16xf32>, vector<16xi32>)
        %gt3A = arith.cmpf ogt, %masked_sort3A_500, %while3A_491 : vector<16xf32>
        %max3A = arith.maximumf %while3A_491, %masked_sort3A_500 : vector<16xf32>
        %select_n3A_502 = arith.select %gt3A, %masked_sort3A_501, %while3A_492 : vector<16xi1>, vector<16xi32>
        %masked_sort3A_503 = arith.constant dense<true> : vector<16xi1>
        %masked_sort3A_504, %masked_sort3A_505, %masked_sort3A_506 = tpu.sort %max3A, %select_n3A_502 masked %masked_sort3A_503 {descending = true} : (vector<16xf32>, vector<16xi32>, vector<16xi1>) -> (vector<16xi1>, vector<16xf32>, vector<16xi32>)
        scf.yield %masked_sort3A_505, %masked_sort3A_506 : vector<16xf32>, vector<16xi32>
      }
      scf.yield %while3A_489#0, %while3A_489#1 : vector<16xf32>, vector<16xi32>
    } else {
      %scan3A_454 = arith.constant 0 : i32
      %scan3A_455 = arith.constant 3136 : i32
      %scan3A_456 = arith.addi %scan3A_454, %scan3A_455 : i32
      %scan3A_457 = arith.constant 1 : i32
      %scan3A_458:2 = scf.for %scan3A_460 = %scan3A_454 to %scan3A_456 step %scan3A_457 iter_args(%scan3A_461 = %broadcast_in_dim3A_417, %scan3A_462 = %broadcast_in_dim3A_419) -> (vector<16xf32>, vector<16xi32>)  : i32 {
        %mul3A_463 = arith.constant 16 : i32
        %mul3A_464 = arith.muli %scan3A_460, %mul3A_463 : i32
        %get3A = arith.index_cast %mul3A_464 : i32 to index
        %get3A_465 = tpu.vector_load %arg7[%get3A] {strides = array<i32>} : memref<50176xf32, #tpu.memory_space<vmem>>, vector<16xf32>,
        %mul3A_466 = arith.constant 16 : i32
        %mul3A_467 = arith.muli %scan3A_460, %mul3A_466 : i32
        %get3A_468 = arith.index_cast %mul3A_467 : i32 to index
        %get3A_469 = tpu.vector_load %arg8[%get3A_468] {strides = array<i32>} : memref<50176xf32, #tpu.memory_space<vmem>>, vector<16xf32>,
        %add3A_470 = arith.addf %get3A_465, %get3A_469 : vector<16xf32>
        %mul3A_471 = arith.constant 16 : i32
        %mul3A_472 = arith.muli %scan3A_460, %mul3A_471 : i32
        %add3A_473 = vector.broadcast %mul3A_472 : i32 to vector<16xi32>
        %add3A_474 = arith.addi %add3A_473, %iota3A : vector<16xi32>
        %masked_sort3A = arith.constant dense<true> : vector<16xi1>
        %masked_sort3A_475, %masked_sort3A_476, %masked_sort3A_477 = tpu.sort %add3A_470, %add3A_474 masked %masked_sort3A : (vector<16xf32>, vector<16xi32>, vector<16xi1>) -> (vector<16xi1>, vector<16xf32>, vector<16xi32>)
        %gt3A = arith.cmpf ogt, %masked_sort3A_476, %scan3A_461 : vector<16xf32>
        %max3A = arith.maximumf %scan3A_461, %masked_sort3A_476 : vector<16xf32>
        %select_n3A_478 = arith.select %gt3A, %masked_sort3A_477, %scan3A_462 : vector<16xi1>, vector<16xi32>
        %masked_sort3A_479 = arith.constant dense<true> : vector<16xi1>
        %masked_sort3A_480, %masked_sort3A_481, %masked_sort3A_482 = tpu.sort %max3A, %select_n3A_478 masked %masked_sort3A_479 {descending = true} : (vector<16xf32>, vector<16xi32>, vector<16xi1>) -> (vector<16xi1>, vector<16xf32>, vector<16xi32>)
        scf.yield %masked_sort3A_481, %masked_sort3A_482 : vector<16xf32>, vector<16xi32>
      }
      %scan3A_459 = arith.constant 3136 : i32
      scf.yield %scan3A_458#0, %scan3A_458#1 : vector<16xf32>, vector<16xi32>
    }
    tpu.wait_dma2 semaphore(%arg21 : memref<!tpu.dma_semaphore, #tpu.memory_space<semaphore_mem>>) src(%arg4 : memref<16xf32, #tpu.memory_space<hbm>>) dst(%arg9 : memref<16xf32, #tpu.memory_space<vmem>>)
    %broadcast_in_dim3A_425 = vector.broadcast %select_n3A : i32 to vector<16xi32>
    %gather3A_426 = tpu.vector_load_idx %arg9[%broadcast_in_dim3A_425] : memref<16xf32, #tpu.memory_space<vmem>>[vector<16xi32>], vector<16xf32>,
    %mul3A_427 = arith.constant 50048 : i32
    %mul3A_428 = arith.muli %select_n3A_30, %mul3A_427 : i32
    %mul3A_429 = arith.constant 5.000000e-01 : f32
    %mul3A_430 = vector.broadcast %mul3A_429 : f32 to vector<16xf32>
    %mul3A_431 = arith.mulf %mul3A_430, %cond3A_424#0 : vector<16xf32>
    %add3A_432 = arith.addf %mul3A_431, %gather3A_426 : vector<16xf32>
    %swap3A_433 = arith.constant 0 : index
    %swap3A_434 = tpu.vector_load %arg10[%swap3A_433] {strides = array<i32>} : memref<16xf32, #tpu.memory_space<vmem>>, vector<16xf32>,
    tpu.vector_store %arg10[%swap3A_433], %add3A_432 {strides = array<i32>} : memref<16xf32, #tpu.memory_space<vmem>>, vector<16xf32>,
    %mul3A_435 = arith.constant 100000 : i32
    %mul3A_436 = arith.muli %select_n3A, %mul3A_435 : i32
    %add3A_437 = vector.broadcast %mul3A_428 : i32 to vector<16xi32>
    %add3A_438 = arith.addi %add3A_437, %cond3A_424#1 : vector<16xi32>
    %add3A_439 = vector.broadcast %mul3A_436 : i32 to vector<16xi32>
    %add3A_440 = arith.addi %add3A_439, %add3A_438 : vector<16xi32>
    %convert_element_type3A_441 = arith.sitofp %add3A_440 : vector<16xi32> to vector<16xf32>
    %swap3A_442 = arith.constant 0 : index
    %swap3A_443 = tpu.vector_load %arg11[%swap3A_442] {strides = array<i32>} : memref<16xf32, #tpu.memory_space<vmem>>, vector<16xf32>,
    tpu.vector_store %arg11[%swap3A_442], %convert_element_type3A_441 {strides = array<i32>} : memref<16xf32, #tpu.memory_space<vmem>>, vector<16xf32>,
    %mul3A_444 = arith.constant 16 : i32
    %mul3A_445 = arith.muli %add3A, %mul3A_444 : i32
    %mul3A_446 = arith.constant 16 : i32
    %mul3A_447 = arith.muli %add3A, %mul3A_446 : i32
    %dma_start3A = tpu.memref_slice %arg5[%mul3A_445] : memref<512xf32, #tpu.memory_space<hbm>> -> memref<16xf32, #tpu.memory_space<hbm>>
    %dma_start3A_448 = tpu.memref_slice %arg5[%mul3A_445] : memref<512xf32, #tpu.memory_space<hbm>> -> memref<16xf32, #tpu.memory_space<hbm>>
    tpu.enqueue_dma source(%arg10 : memref<16xf32, #tpu.memory_space<vmem>>) target(%dma_start3A_448 : memref<16xf32, #tpu.memory_space<hbm>>) target_semaphore(%arg13 : memref<!tpu.dma_semaphore, #tpu.memory_space<semaphore_mem>>)
    %dma_start3A_449 = tpu.memref_slice %arg6[%mul3A_447] : memref<512xf32, #tpu.memory_space<hbm>> -> memref<16xf32, #tpu.memory_space<hbm>>
    %dma_start3A_450 = tpu.memref_slice %arg6[%mul3A_447] : memref<512xf32, #tpu.memory_space<hbm>> -> memref<16xf32, #tpu.memory_space<hbm>>
    tpu.enqueue_dma source(%arg11 : memref<16xf32, #tpu.memory_space<vmem>>) target(%dma_start3A_450 : memref<16xf32, #tpu.memory_space<hbm>>) target_semaphore(%arg17 : memref<!tpu.dma_semaphore, #tpu.memory_space<semaphore_mem>>)
    %dma_wait3A = tpu.memref_slice %arg5[%mul3A_445] : memref<512xf32, #tpu.memory_space<hbm>> -> memref<16xf32, #tpu.memory_space<hbm>>
    %dma_wait3A_451 = tpu.memref_slice %arg5[%mul3A_445] : memref<512xf32, #tpu.memory_space<hbm>> -> memref<16xf32, #tpu.memory_space<hbm>>
    tpu.wait_dma2 semaphore(%arg13 : memref<!tpu.dma_semaphore, #tpu.memory_space<semaphore_mem>>) src(%arg10 : memref<16xf32, #tpu.memory_space<vmem>>) dst(%dma_wait3A_451 : memref<16xf32, #tpu.memory_space<hbm>>)
    %dma_wait3A_452 = tpu.memref_slice %arg6[%mul3A_447] : memref<512xf32, #tpu.memory_space<hbm>> -> memref<16xf32, #tpu.memory_space<hbm>>
    %dma_wait3A_453 = tpu.memref_slice %arg6[%mul3A_447] : memref<512xf32, #tpu.memory_space<hbm>> -> memref<16xf32, #tpu.memory_space<hbm>>
    tpu.wait_dma2 semaphore(%arg17 : memref<!tpu.dma_semaphore, #tpu.memory_space<semaphore_mem>>) src(%arg11 : memref<16xf32, #tpu.memory_space<vmem>>) dst(%dma_wait3A_453 : memref<16xf32, #tpu.memory_space<hbm>>)
    return
  }
}

module attributes {stable_mosaic.version = 14 : i64} {
  func.func @topk_select(%arg0: memref<1x512xf32, #tpu.memory_space<vmem>>, %arg1: memref<1x512xf32, #tpu.memory_space<vmem>>, %arg2: memref<1x16xf32, #tpu.memory_space<vmem>>, %arg3: memref<1x16xi32, #tpu.memory_space<vmem>>, %arg4: memref<1x16xi32, #tpu.memory_space<vmem>>, %arg5: memref<16x200xf32, #tpu.memory_space<vmem>>) attributes {dimension_semantics = [], scalar_prefetch = 0 : i64, scratch_operands = 0 : i64, tpu.core_type = #tpu.core_type<tc>} {
    %get3A = arith.constant 0 : index
    %get3A_0 = arith.constant 0 : index
    %get3A_1 = vector.load %arg0[%get3A, %get3A_0] : memref<1x512xf32, #tpu.memory_space<vmem>>, vector<1x512xf32>
    %get3A_2 = arith.constant 0 : index
    %get3A_3 = arith.constant 0 : index
    %get3A_4 = vector.load %arg1[%get3A_2, %get3A_3] : memref<1x512xf32, #tpu.memory_space<vmem>>, vector<1x512xf32>
    %transpose3A = tpu.transpose %get3A_1, [1, 0] : vector<1x512xf32> -> vector<512x1xf32>
    %transpose3A_5 = tpu.transpose %get3A_4, [1, 0] : vector<1x512xf32> -> vector<512x1xf32>
    %gt3A = vector.broadcast %get3A_1 : vector<1x512xf32> to vector<512x512xf32>
    %gt3A_6 = vector.broadcast %transpose3A : vector<512x1xf32> to vector<512x512xf32>
    %gt3A_7 = arith.cmpf ogt, %gt3A, %gt3A_6 : vector<512x512xf32>
    %eq3A = vector.broadcast %get3A_1 : vector<1x512xf32> to vector<512x512xf32>
    %eq3A_8 = vector.broadcast %transpose3A : vector<512x1xf32> to vector<512x512xf32>
    %eq3A_9 = arith.cmpf oeq, %eq3A, %eq3A_8 : vector<512x512xf32>
    %lt3A = vector.broadcast %get3A_4 : vector<1x512xf32> to vector<512x512xf32>
    %lt3A_10 = vector.broadcast %transpose3A_5 : vector<512x1xf32> to vector<512x512xf32>
    %lt3A_11 = arith.cmpf olt, %lt3A, %lt3A_10 : vector<512x512xf32>
    %and3A = arith.andi %eq3A_9, %lt3A_11 : vector<512x512xi1>
    %or3A = arith.ori %gt3A_7, %and3A : vector<512x512xi1>
    %convert_element_type3A = arith.extui %or3A : vector<512x512xi1> to vector<512x512xi32>
    %convert_element_type3A_12 = arith.sitofp %convert_element_type3A : vector<512x512xi32> to vector<512x512xf32>
    %reduce_sum3A = arith.constant dense<0.000000e+00> : vector<512xf32>
    %reduce_sum3A_13 = vector.multi_reduction <add>, %convert_element_type3A_12, %reduce_sum3A [1] : vector<512x512xf32> to vector<512xf32>
    %broadcast_in_dim3A = vector.shape_cast %reduce_sum3A_13 : vector<512xf32> to vector<512x1xf32>
    %iota3A = tpu.iota {dimensions = array<i32: 1>} : vector<512x16xi32>
    %convert_element_type3A_14 = arith.sitofp %iota3A : vector<512x16xi32> to vector<512x16xf32>
    %eq3A_15 = vector.broadcast %broadcast_in_dim3A : vector<512x1xf32> to vector<512x16xf32>
    %eq3A_16 = arith.cmpf oeq, %eq3A_15, %convert_element_type3A_14 : vector<512x16xf32>
    %convert_element_type3A_17 = arith.extui %eq3A_16 : vector<512x16xi1> to vector<512x16xi32>
    %convert_element_type3A_18 = arith.sitofp %convert_element_type3A_17 : vector<512x16xi32> to vector<512x16xf32>
    %mul3A = vector.broadcast %transpose3A : vector<512x1xf32> to vector<512x16xf32>
    %mul3A_19 = arith.mulf %mul3A, %convert_element_type3A_18 : vector<512x16xf32>
    %reduce_sum3A_20 = arith.constant dense<0.000000e+00> : vector<16xf32>
    %reduce_sum3A_21 = vector.multi_reduction <add>, %mul3A_19, %reduce_sum3A_20 [0] : vector<512x16xf32> to vector<16xf32>
    %broadcast_in_dim3A_22 = vector.shape_cast %reduce_sum3A_21 : vector<16xf32> to vector<1x16xf32>
    %mul3A_23 = vector.broadcast %transpose3A_5 : vector<512x1xf32> to vector<512x16xf32>
    %mul3A_24 = arith.mulf %mul3A_23, %convert_element_type3A_18 : vector<512x16xf32>
    %reduce_sum3A_25 = arith.constant dense<0.000000e+00> : vector<16xf32>
    %reduce_sum3A_26 = vector.multi_reduction <add>, %mul3A_24, %reduce_sum3A_25 [0] : vector<512x16xf32> to vector<16xf32>
    %broadcast_in_dim3A_27 = vector.shape_cast %reduce_sum3A_26 : vector<16xf32> to vector<1x16xf32>
    %add3A = arith.constant 5.000000e-01 : f32
    %add3A_28 = vector.broadcast %add3A : f32 to vector<1x16xf32>
    %add3A_29 = arith.addf %broadcast_in_dim3A_27, %add3A_28 : vector<1x16xf32>
    %mul3A_30 = arith.constant 9.99999974E-6 : f32
    %mul3A_31 = vector.broadcast %mul3A_30 : f32 to vector<1x16xf32>
    %mul3A_32 = arith.mulf %add3A_29, %mul3A_31 : vector<1x16xf32>
    %floor3A = math.floor %mul3A_32 : vector<1x16xf32>
    %mul3A_33 = arith.constant 1.000000e+05 : f32
    %mul3A_34 = vector.broadcast %mul3A_33 : f32 to vector<1x16xf32>
    %mul3A_35 = arith.mulf %floor3A, %mul3A_34 : vector<1x16xf32>
    %sub3A = arith.subf %broadcast_in_dim3A_27, %mul3A_35 : vector<1x16xf32>
    %swap3A = arith.constant 0 : index
    %swap3A_36 = arith.constant 0 : index
    %swap3A_37 = vector.load %arg2[%swap3A, %swap3A_36] : memref<1x16xf32, #tpu.memory_space<vmem>>, vector<1x16xf32>
    tpu.vector_store %arg2[%swap3A, %swap3A_36], %broadcast_in_dim3A_22 {strides = array<i32>} : memref<1x16xf32, #tpu.memory_space<vmem>>, vector<1x16xf32>,
    %convert_element_type3A_38 = arith.fptosi %sub3A : vector<1x16xf32> to vector<1x16xi32>
    %swap3A_39 = arith.constant 0 : index
    %swap3A_40 = arith.constant 0 : index
    %swap3A_41 = vector.load %arg3[%swap3A_39, %swap3A_40] : memref<1x16xi32, #tpu.memory_space<vmem>>, vector<1x16xi32>
    tpu.vector_store %arg3[%swap3A_39, %swap3A_40], %convert_element_type3A_38 {strides = array<i32>} : memref<1x16xi32, #tpu.memory_space<vmem>>, vector<1x16xi32>,
    %convert_element_type3A_42 = arith.fptosi %floor3A : vector<1x16xf32> to vector<1x16xi32>
    %swap3A_43 = arith.constant 0 : index
    %swap3A_44 = arith.constant 0 : index
    %swap3A_45 = vector.load %arg4[%swap3A_43, %swap3A_44] : memref<1x16xi32, #tpu.memory_space<vmem>>, vector<1x16xi32>
    tpu.vector_store %arg4[%swap3A_43, %swap3A_44], %convert_element_type3A_42 {strides = array<i32>} : memref<1x16xi32, #tpu.memory_space<vmem>>, vector<1x16xi32>,
    %broadcast_in_dim3A_46 = arith.constant 0.000000e+00 : f32
    %broadcast_in_dim3A_47 = vector.broadcast %broadcast_in_dim3A_46 : f32 to vector<16x200xf32>
    %swap3A_48 = arith.constant 0 : index
    %swap3A_49 = arith.constant 0 : index
    %swap3A_50 = vector.load %arg5[%swap3A_48, %swap3A_49] : memref<16x200xf32, #tpu.memory_space<vmem>>, vector<16x200xf32>
    tpu.vector_store %arg5[%swap3A_48, %swap3A_49], %broadcast_in_dim3A_47 {strides = array<i32>} : memref<16x200xf32, #tpu.memory_space<vmem>>, vector<16x200xf32>,
    return
  }
}

</mosaic_0001>

<sc_bundles>
// kernel: topk_scan.3.cloned.1.call-start
scs
__scs_entry_jumppad:
0x0: {  	(pc) =	sbr.rel $0x88, $3  }
0x1: {  	(tag) =	ssettag $0x0;
	lr =	simm.s32 $0x1  }
0x2: {  	[smem:$0x3F9E] =	sst lr;
	_ =	strace $0xD0000000  }
0x3: {  	_ = 	snop  }
0x4: {  	_ = 	snop  }
0x5: {  	_ = 	snop  }
0x6: {  	_ = 	snop  }
0x7: {  	_ = 	snop  }
__scs_overlays_trampoline_lowered:
0x8: {  	[smem:$0x3FAD] =	sst s0  }
0x9: {  	[smem:$0x3FAE] =	sst s1  }
0xa: {  	[smem:$0x3FAF] =	sst s2  }
0xb: {  	[smem:$0x3FB0] =	sst s3  }
0xc: {  	[smem:$0x3FB1] =	sst s4  }
0xd: {  	[smem:$0x3FB2] =	sst s5  }
0xe: {  	[smem:$0x3FB3] =	sst s6  }
0xf: {  	[smem:$0x3FB4] =	sst s7  }
0x10: {  	[smem:$0x3FB5] =	sst s8  }
0x11: {  	[smem:$0x3FB6] =	sst s9;
	s0 =	simm.s32 @!p0 $0x0  }
0x12: {  	s1 =	sld [smem:$0x3F9C];
	s0 =	simm.s32 @p0 $0x1  }
0x13: {  	[smem:$0x3FB7] =	sst s0;
	s0 =	simm.s32 @!p1 $0x0  }
0x14: {  	s2 =	sld [smem:$0x3F9B];
	s0 =	simm.s32 @p1 $0x1  }
0x15: {  	[smem:$0x3FB8] =	sst s0;
	s0 =	simm.s32 @!p2 $0x0  }
0x16: {  	s3 =	sld [smem:$0x3FDB];
	s0 =	simm.s32 @p2 $0x1  }
0x17: {  	s4 =	simm.s32 $0x1BF5;
	[smem:$0x3FBA] =	sst s0  }
0x18: {  	s0 =	sld [smem:$0x3F9D];
	_ =	swait.ge [sflag:s4], $0x0  }
0x19: {  	s7 =	sld [smem:$0x3F9E]  }
0x1a: {  	s8 =	sadd.s32 $0xFFFFE003, lr  }
0x1b: {  	s9 =	sadd.s32 $0xFFFFFEF7, lr;
	s5 =	simm.s32 $0xFFFFFFFF;
	p2 =	slt.u32 s8, $0xFFFFF086  }
0x1c: {  	p1 =	slt.u32 s9, $0xF7A;
	s5 =	simm.s32 @!p2 $0x0  }
0x1d: {  	s5 =	simm.s32 @p1 $0x1;
	p0 =	seq.s32 s7, s2  }
0x1e: {  	s7 =	smul.u32 @!p0 $0xF7A, s2;
	p2 =	seq.s32 @!p0 s5, $0x0  }
0x1f: {  	s9 =	smul.u32 $0xF7A, s1;
	s8 =	simm.s32 @!p0 $0x1BF5;
	p2 =	por !p2, p0  }
0x20: {  	[sflag:s8] =	ssyncset.s32 @!p0 $0xFFFFF086;
	s6 =	sadd.s32 @!p0 s3, s7;
	s7 =	simm.s32 @!p0 $0x108  }
0x21: {  	s3 =	sadd.s32 s3, s9;
	s6 =	sadd.s32 @!p0 $0x88, s6;
	s7 =	simm.s32 @p2 $0x1082  }
0x22: {  	[simem:s7], [sflag:s8] =	dma.local @!p0 [hbm:s6], $0xF7A  }
0x23: {  	s9 =	sor.u32 $0xD0000000, s2;
	s6 =	simm.s32 $0x108;
	_ =	swait.ge @!p0 [sflag:s8], $0x0  }
0x24: {  	s3 =	sadd.s32 $0x88, s3;
	s6 =	simm.s32 @!p1 $0x1082;
	[sflag:s4] =	ssyncset.s32 $0xFFFFF086  }
0x25: {  	[simem:s6], [sflag:s4] =	dma.local [hbm:s3], $0xF7A  }
0x26: {  	[smem:$0x3F9E] =	sst s1;
	(tag) =	ssettag s2;
	_ =	strace s9  }
0x27: {  	s1 =	sld [smem:$0x3FAE]  }
0x28: {  	s2 =	sld [smem:$0x3FAF]  }
0x29: {  	s4 =	sld [smem:$0x3FB1]  }
0x2a: {  	p0 =	seq.s32 s5, $0x0;
	s5 =	sld [smem:$0x3FB2]  }
0x2b: {  	s6 =	sld [smem:$0x3FB3]  }
0x2c: {  	s7 =	sld [smem:$0x3FB4]  }
0x2d: {  	s3 =	simm.s32 $0x108;
	s8 =	sld [smem:$0x3FB5]  }
0x2e: {  	s3 =	simm.s32 @!p0 $0x1082;
	s9 =	sld [smem:$0x3FB6]  }
0x2f: {  	lr =	sadd.s32 s0, s3;
	s0 =	sld [smem:$0x3FAD]  }
0x30: {  	s3 =	sld [smem:$0x3FB0]  }
0x31: {  	[smem:$0x3FB9] =	sst s10  }
0x32: {  	s10 =	sld [smem:$0x3FB7];
	_ =	sdelay $0x3  }
0x33: {  	p0 =	seq.s32 s10, $0x1;
	s10 =	sld [smem:$0x3FB9];
	_ =	sdelay $0x3  }
0x34: {  	[smem:$0x3FB9] =	sst s10  }
0x35: {  	s10 =	sld [smem:$0x3FB8];
	_ =	sdelay $0x3  }
0x36: {  	p1 =	seq.s32 s10, $0x1;
	s10 =	sld [smem:$0x3FB9];
	_ =	sdelay $0x3  }
0x37: {  	[smem:$0x3FB9] =	sst s10  }
0x38: {  	s10 =	sld [smem:$0x3FBA]  }
0x39: {  	_ = 	snop;
	(pc) =	sbr.ind lr, $3  }
0x3a: {  	_ = 	snop  }
0x3b: {  	_ = 	snop  }
0x3c: {  	p2 =	seq.s32 s10, $0x1;
	s10 =	sld [smem:$0x3FB9]  }
0x3d: {  	_ =	shalt  }
0x3e: {  	_ =	shalt  }
0x3f: {  	_ =	shalt  }
0x40: {  	_ =	shalt  }
0x41: {  	_ =	shalt  }
0x42: {  	_ =	shalt  }
0x43: {  	_ =	shalt  }
0x44: {  	_ =	shalt  }
0x45: {  	_ =	shalt  }
0x46: {  	_ =	shalt  }
0x47: {  	_ =	shalt  }
0x48: {  	_ =	shalt  }
0x49: {  	_ =	shalt  }
0x4a: {  	_ =	shalt  }
0x4b: {  	_ =	shalt  }
0x4c: {  	_ =	shalt  }
0x4d: {  	_ =	shalt  }
0x4e: {  	_ =	shalt  }
0x4f: {  	_ =	shalt  }
0x50: {  	_ =	shalt  }
0x51: {  	_ =	shalt  }
0x52: {  	_ =	shalt  }
0x53: {  	_ =	shalt  }
0x54: {  	_ =	shalt  }
0x55: {  	_ =	shalt  }
0x56: {  	_ =	shalt  }
0x57: {  	_ =	shalt  }
0x58: {  	_ =	shalt  }
0x59: {  	_ =	shalt  }
0x5a: {  	_ =	shalt  }
0x5b: {  	_ =	shalt  }
0x5c: {  	_ =	shalt  }
0x5d: {  	_ =	shalt  }
0x5e: {  	_ =	shalt  }
0x5f: {  	_ =	shalt  }
0x60: {  	_ =	shalt  }
0x61: {  	_ =	shalt  }
0x62: {  	_ =	shalt  }
0x63: {  	_ =	shalt  }
0x64: {  	_ =	shalt  }
0x65: {  	_ =	shalt  }
0x66: {  	_ =	shalt  }
0x67: {  	_ =	shalt  }
0x68: {  	_ =	shalt  }
0x69: {  	_ =	shalt  }
0x6a: {  	_ =	shalt  }
0x6b: {  	_ =	shalt  }
0x6c: {  	_ =	shalt  }
0x6d: {  	_ =	shalt  }
0x6e: {  	_ =	shalt  }
0x6f: {  	_ =	shalt  }
0x70: {  	_ =	shalt  }
0x71: {  	_ =	shalt  }
0x72: {  	_ =	shalt  }
0x73: {  	_ =	shalt  }
0x74: {  	_ =	shalt  }
0x75: {  	_ =	shalt  }
0x76: {  	_ =	shalt  }
0x77: {  	_ =	shalt  }
0x78: {  	_ =	shalt  }
0x79: {  	_ =	shalt  }
0x7a: {  	_ =	shalt  }
0x7b: {  	_ =	shalt  }
0x7c: {  	_ =	shalt  }
0x7d: {  	_ =	shalt  }
0x7e: {  	_ =	shalt  }
0x7f: {  	_ =	shalt  }
0x80: {  	_ =	shalt  }
0x81: {  	_ =	shalt  }
0x82: {  	_ =	shalt  }
0x83: {  	_ =	shalt  }
0x84: {  	_ =	shalt  }
0x85: {  	_ =	shalt  }
0x86: {  	_ =	shalt  }
0x87: {  	_ =	shalt  }
.Lfunc_end0:
.L_simem_size_0:
called_computation_lowered:
.L_overlay_start_0:
0x88: {  	s2 =	sld [smem:$0x3FD9]  }
0x89: {  	s3 =	sld [smem:$0x3FFE];
	_ =	sdelay $0x1  }
0x8a: {  	s1 =	srdreg.scid  }
0x8b: {  	s0 =	sand.u32 $0x1, s1  }
0x8c: {  	s14 =	sshll.u32 s0, $0xA;
	s2 =	sadd.s32 s3, s2  }
0x8d: {  	s2 =	sadd.s32 s2, s14  }
0x8e: {  	[smem:$0x3FC5] =	sst s2  }
0x8f: {  	_ = 	snop  }
0x90: {  	s2 =	sld [smem:$0x3FD0]  }
0x91: {  	s15 =	sld [smem:$0x3FC9]  }
0x92: {  	s4 =	sld [smem:$0x3FC8]  }
0x93: {  	s6 =	simm.s32 $0xA;
	s7 =	simm.s32 $0x10;
	s5 =	sld [smem:$0x3FC7]  }
0x94: {  	[smem:s7], [sflag:s6] =	dma.local [hbm:s2], $0x1  }
0x95: {  	_ =	swait.eq [sflag:s6], $0x1  }
0x96: {  	[sflag:s6] =	ssyncset.done $0x0  }
0x97: {  	[sflag:s6] =	ssyncadd.s32 $0xFFFFFFFF  }
0x98: {  	s16 =	sld [smem:$0x13];
	(tm) =	ssettm $0x1  }
0x99: {  	s17 =	sld [smem:$0x3FFB];
	_ =	sdelay $0x3  }
0x9a: {  	_ =	strace s17  }
0x9b: {  	s6 =	sld [smem:$0x3FFC];
	_ =	sdelay $0x3  }
0x9c: {  	_ =	strace s6  }
0x9d: {  	s6 =	sld [smem:$0x3FFD];
	_ =	sdelay $0x3  }
0x9e: {  	_ =	strace s6  }
0x9f: {  	_ =	strace $0x8FFFFFFF  }
0xa0: {  	s18 =	sld [smem:$0x3FDB];
	_ =	sdelay $0x1  }
0xa1: {  	s19 =	simm.s32 $_scs_section_size  }
0xa2: {  	s8 =	simm.s32 $_size__tile_overlayer_lowered;
	s9 =	simm.s32 $_tile_overlayer_lowered  }
0xa3: {  	s22 =	simm.s32 $0x1BFF;
	s21 =	sshll.u32 s9, $0x1;
	s6 =	sadd.s32 s19, s18  }
0xa4: {  	s10 =	simm.s32 $0x0;
	s20 =	sshll.u32 s8, $0x1;
	s8 =	sadd.s32 s21, s6  }
0xa5: {  	[timem:s10], [sflag:s22] =	dma.local [hbm:s8], s20  }
0xa6: {  	_ =	swait.ge [sflag:s22], s20  }
0xa7: {  	s7 =	ssub.s32 $0x0, s20;
	[sflag:s22] =	ssyncset.done $0x0  }
0xa8: {  	[sflag:s22] =	ssyncadd.s32 s7;
	_ =	sdelay $0x1  }
0xa9: {  	s23 =	simm.s32 $0x1B8B  }
0xaa: {  	_ =	swait.ge [sflag:s23], $0x1  }
0xab: {  	[sflag:s23] =	ssyncset.done $0x0  }
0xac: {  	s25 =	simm.s32 $0x1B8E;
	s24 =	sld [smem:$0x3FFE];
	[sflag:s23] =	ssyncadd.s32 $0xFFFFFFFF  }
0xad: {  	s26 =	simm.s32 $execute0_lowered;
	[smem:$0x3FD2] =	sst s25  }
0xae: {  	s8 =	sshll.u32 s26, $0x1;
	_ =	strace $0x80000046;
	[dreg:$0x1] =	wrdreg $0xFFFFFFFF  }
0xaf: {  	s28 =	simm.s32 $_size_execute0_lowered;
	s6 =	sadd.s32 s6, s8;
	[dreg:$0x0] =	wrdreg $0x0  }
0xb0: {  	s8 =	sshll.u32 s28, $0x1;
	[dreg:$0x2] =	wrdreg s6  }
0xb1: {  	[dreg:$0x3] =	wrdreg s8  }
0xb2: {  	[dreg:$0x4] =	wrdreg $0xC0  }
0xb3: {  	_ =	task [dreg:s10], $0x5FFFF  }
0xb4: {  	[dreg:$0x1] =	wrdreg $0xFFFFFFFF  }
0xb5: {  	[dreg:$0x0] =	wrdreg $0x60  }
0xb6: {  	[dreg:$0x2] =	wrdreg s15  }
0xb7: {  	[dreg:$0x3] =	wrdreg s4  }
0xb8: {  	[dreg:$0x4] =	wrdreg s5  }
0xb9: {  	[dreg:$0x5] =	wrdreg s16  }
0xba: {  	[dreg:$0x6] =	wrdreg s24  }
0xbb: {  	[dreg:$0x7] =	wrdreg $0x9  }
0xbc: {  	_ =	task.clear_ibuf [dreg:s10], $0x8FFFF;
	_ =	strace $0x90000046  }
0xbd: {  	s29 =	simm.s32 $0x9;
	_ =	strace $0x80000048  }
0xbe: {  	_ =	swait.ge [sflag:s29], $0x1  }
0xbf: {  	[sflag:s29] =	ssyncadd.s32 $0xFFFFFFFF  }
0xc0: {  	_ =	strace $0x90000048  }
0xc1: {  	_ =	sfence  }
0xc2: {  	s30 =	sld [smem:$0x0];
	_ =	sdelay $0x2  }
0xc3: {  	s31 =	sshll.u32 s1, $0xD;
	s1 =	sshrl.u32 s1, $0x2  }
0xc4: {  	s3 =	sand.u32 $0x4000, s31;
	s1 =	sadd.s32 s1, s30  }
0xc5: {  	s0 =	sor.u32 s3, s0;
	s1 =	sshll.u32 s1, $0x11  }
0xc6: {  	s0 =	sor.u32 s1, s0  }
0xc7: {  	s0 =	sadd.s32 $0x8F2B, s0  }
0xc8: {  	[sflag:s0] =	ssyncadd.remote.s32 $0x1  }
0xc9: {  	_ =	sfence.sel $0xFFFF  }
0xca: {  	[dreg:$0x0] =	wrdreg $0xFFFFFFFF;
	(pc) =	sbr.abs _section_cstart, $3  }
0xcb: {  	[dreg:$0x1] =	wrdreg $0xFFFFFFFF  }
0xcc: {  	_ =	task.clear_ibuf [dreg:s10], $0x2FFFF;
	_ =	strace $0x9FFFFFFF  }
0xcd: {  	(tm) =	ssettm $0x7FFFFFFF  }
tec
execute0_lowered:
.L_overlay_start_1:
0x0: {  	(tag) =	ssettag $0x1  }
0x1: {  	s17 =	rddreg [dreg:$0x0]  }
0x2: {  	s1 =	rddreg [dreg:$0x1]  }
0x3: {  	s0 =	srdreg.scid;
	s3 =	rddreg [dreg:$0x3]  }
0x4: {  	s7 =	stileid.u32;
	s5 =	rddreg [dreg:$0x4];
	s6 =	simm.s32 $0x1  }
0x5: {  	s4 =	simm.s32 $0x0;
	s0 =	sand.u32 $0x1, s0;
	s2 =	sshll.u32 s7, $0x1  }
0x6: {  	[smem:$0x7FF] =	sst s4;
	s2 =	sor.u32 s0, s2;
	p1 =	seq.s32 s0, $0x1  }
0x7: {  	s19 =	ssub.s32 $0x2, s0;
	_ =	strace $0x80000047;
	s15 =	smul.u32 $0xC380, s0  }
0x8: {  	p0 =	seq.s32 s2, $0x0;
	s2 =	sshll.u32 s2, $0x1;
	s20 =	sshrl.u32 s19, $0x1  }
0x9: {  	p0 =	por !p0, !p1;
	s9 =	sadd.s32 s2, s5;
	s5 =	simm.s32 $0x1  }
0xa: {  	s2 =	sadd.s32 s3, s2;
	p1 =	sne.s32 s0, $0x0;
	p0 =	por !p0, !p0  }
0xb: {  	s3 =	simm.s32 $0x9;
	s24 =	sadd.s32 $0xE00, s9;
	s6 =	simm.s32 @!p0 $0x0  }
0xc: {  	[dreg:$0xc] =	wrdreg s2;
	p0 =	seq.s32 s0, $0x0;
	s6 =	ssub.s32 s7, s6  }
0xd: {  	[dreg:$0xb] =	wrdreg s24;
	s7 =	ssub.s32 s19, s20;
	s8 =	smul.u32 $0x18700, s6  }
0xe: {  	s24 =	simm.s32 $0x5;
	s11 =	smul.u32 $0x30E0, s6;
	s26 =	smax.u32 s7, $0x1  }
0xf: {  	s21 =	smul.u32 $0x186A0, s6;
	[dreg:$0xd] =	wrdreg s26;
	s10 =	sadd.s32 $0xC380, s8  }
0x10: {  	v0 =	vimm.s32 $0xFEDCBA98;
	s12 =	sadd.s32 $0x3100, s8;
	s13 =	sadd.s32 $0x15680, s8;
	s14 =	sshrl.u32 s8, $0x3  }
0x11: {  	v1 =	vimm.s32 $0x76543210;
	v4 =	vimm.s32 $0x32107654;
	s18 =	sshrl.u32 s10, $0x3;
	s10 =	sadd.s32 $0xF480, s8;
	s13 =	sshrl.u32 s13, $0x3  }
0x12: {  	v5 =	vimm.s32 $0xDCFE98BA;
	v6 =	vimm.s32 $0x54761032;
	s14 =	sadd.s32 $0x1260, s14;
	s16 =	sadd.s32 s17, s13;
	s13 =	sadd.s32 s1, s13  }
0x13: {  	v7 =	vimm.s32 $0xEFCDAB89;
	v8 =	vimm.s32 $0x67452301;
	v0 =	vunpack.c.l.s4.s8 v0;
	s22 =	sadd.s32 s17, s14;
	s14 =	sadd.s32 s1, s14;
	[dreg:$0x7] =	wrdreg s16  }
0x14: {  	v1 =	vunpack.c.l.s4.s8 v1;
	v4 =	vunpack.c.l.s4.s8 v4;
	v5 =	vunpack.c.l.s4.s8 v5;
	s10 =	smov.u32 @p0 s12;
	[dreg:$0x8] =	wrdreg s13;
	s13 =	simm.s32 $0x6200  }
0x15: {  	v6 =	vunpack.c.l.s4.s8 v6;
	v7 =	vunpack.c.l.s4.s8 v7;
	v8 =	vunpack.c.l.s4.s8 v8;
	s18 =	smov.u32 @p0 s11;
	[dreg:$0x9] =	wrdreg s22;
	s13 =	simm.s32 @!p0 $0x12580  }
0x16: {  	v2 =	vunpack.c.0.s8.s32 v0;
	v3 =	vunpack.c.0.s8.s32 v1;
	v1 =	vimm.s32 $0xBA98FEDC;
	[dreg:$0xa] =	wrdreg s14;
	s30 =	sshrl.u32 s10, $0x3;
	s25 =	sadd.s32 s13, s8  }
0x17: {  	v4 =	vunpack.c.0.s8.s32 v4;
	v5 =	vunpack.c.0.s8.s32 v5;
	v1 =	vunpack.c.l.s4.s8 v1;
	[dreg:$0x6] =	wrdreg s18;
	s31 =	sadd.s32 s1, s30;
	s28 =	sshrl.u32 s25, $0x3  }
.Ltmp0:
0x18: {  	v6 =	vunpack.c.0.s8.s32 v6;
	v7 =	vunpack.c.0.s8.s32 v7;
	v8 =	vunpack.c.0.s8.s32 v8;
	[dreg:$0x10] =	wrdreg s31;
	s29 =	sadd.s32 s17, s28;
	(pc) =	sbr.rel .LBB2_1-.Ltmp0, $4  }
0x19: {  	v2 =	vand.u32 $0xF, v2;
	v9 =	vunpack.c.0.s8.s32 v1;
	v0 =	vmov s6;
	s6 =	simm.s32 $0x18800;
	s2 =	sadd.s32 s1, s28;
	[dreg:$0xe] =	wrdreg s29  }
0x1a: {  	v5 =	vcombine.low v6, v5;
	v6 =	vcombine.low v8, v7;
	v7 =	vimm.s32 $0x0;
	s23 =	sadd.s32 s15, s21;
	s1 =	sadd.s32 s1, s18;
	[dreg:$0xf] =	wrdreg s2  }
0x1b: {  	v8 =	vlaneseq.u32;
	v2 =	vcombine.low v2, v3;
	v3 =	vcombine.low v4, v9;
	s21 =	simm.s32 $0xC400;
	s2 =	sadd.s32 s17, s30;
	[dreg:$0x12] =	wrdreg s1  }
0x1c: {  	v4 =	vimm.f32 $-1.000000020e+30;
	v9 =	vimm.s32 $0xC3FF;
	v1 =	vmov s23;
	s12 =	simm.s32 $0x0;
	s25 =	simm.s32 $0x18980;
	[dreg:$0x11] =	wrdreg s2  }
.LBB2_16:
0x1d: {  	s6 =	simm.s32 $0x18800  }
.LBB2_24:
0x1e: {  	_ = 	snop  }
0x1f: {  	_ =	swait.ge [sflag:s3], $0x80  }
0x20: {  	[sflag:s3] =	ssyncset.done $0x0  }
0x21: {  	[sflag:s3] =	ssyncadd.s32 $0xFFFFFF80  }
0x22: {  	v12 =	vld.idx.msk [tilespmem:v0+s6+$0x0], $0xffff;
	_ =	sdelay $0x2  }
0x23: {  	v11 =	vmul.f32 $5.000000000e-01, v11;
	v10 =	vadd.s32 v1, v10  }
0x24: {  	v10 =	vcvt.s32.f32 v10  }
0x25: {  	v11 =	vadd.f32 v12, v11  }
0x26: {  	[tilespmem:$0x18900] =	vst v10  }
0x27: {  	s1 =	simm.s32 $0x18880;
	s0 =	rddreg [dreg:$0xc];
	[tilespmem:$0x18880] =	vst v11  }
0x28: {  	[hbm4b:s0+s4] =	stream.linear.scatter [tilespmem:s1], [sflag:$0x1], $0x10, $0x38;
	[tilespmem:$0x19200] =	vst v63  }
0x29: {  	s30 =	simm.s32 $0x18900;
	s29 =	rddreg [dreg:$0xb]  }
0x2a: {  	[hbm4b:s29+s4] =	stream.linear.scatter [tilespmem:s30], [sflag:$0x5], $0x10, $0x38;
	[tilespmem:$0x19200] =	vst v63  }
0x2b: {  	_ =	swait.ge [sflag:s5], $0x10  }
0x2c: {  	[sflag:s5] =	ssyncset.done $0x0  }
0x2d: {  	[sflag:s5] =	ssyncadd.s32 $0xFFFFFFF0  }
0x2e: {  	_ =	swait.ge [sflag:s24], $0x10  }
0x2f: {  	s12 =	sadd.s32 $0x1, s12;
	s31 =	rddreg [dreg:$0xd]  }
0x30: {  	p2 =	sne.s32 s12, s31  }
.Ltmp1:
0x31: {  	_ = 	snop;
	(pc) =	sbr.rel @!p2 .LBB2_25-.Ltmp1, $3  }
0x32: {  	_ =	sdelay $0x1  }
0x33: {  	[sflag:s24] =	ssyncset.done $0x0  }
0x34: {  	[sflag:s24] =	ssyncadd.s32 $0xFFFFFFF0  }
.LBB2_1:
0x35: {  	s0 =	rddreg [dreg:$0x2]  }
0x36: {  	[tilespmem:s6], [sflag:$0x9] =	stream.linear.gather [hbm4b:s0+s4], $0x80, $0x38;
	[tilespmem:$0x19200] =	vst v63  }
0x37: {  	[tilespmem:$0xC380] =	vst v4  }
0x38: {  	[tilespmem:$0x18780] =	vst v4  }
0x39: {  	[tilespmem:$0xC390] =	vst v4  }
0x3a: {  	[tilespmem:$0x18790] =	vst v4  }
0x3b: {  	[tilespmem:$0xC3A0] =	vst v4  }
0x3c: {  	[tilespmem:$0x187A0] =	vst v4  }
0x3d: {  	[tilespmem:$0xC3B0] =	vst v4  }
0x3e: {  	[tilespmem:$0x187B0] =	vst v4  }
0x3f: {  	[tilespmem:$0xC3C0] =	vst v4  }
0x40: {  	[tilespmem:$0x187C0] =	vst v4  }
0x41: {  	[tilespmem:$0xC3D0] =	vst v4  }
0x42: {  	[tilespmem:$0x187D0] =	vst v4  }
0x43: {  	[tilespmem:$0xC3E0] =	vst v4  }
0x44: {  	[tilespmem:$0x187E0] =	vst v4  }
0x45: {  	[tilespmem:$0xC3F0] =	vst v4  }
0x46: {  	v10 =	vimm.f32 @!p0 $-1.000000020e+30;
	[tilespmem:$0x187F0] =	vst v4  }
0x47: {  	[tilespmem:$0xC320] =	vst @!p0 v10  }
0x48: {  	[tilespmem:$0x18720] =	vst @!p0 v10  }
0x49: {  	[tilespmem:$0xC330] =	vst @!p0 v10  }
0x4a: {  	[tilespmem:$0x18730] =	vst @!p0 v10  }
0x4b: {  	[tilespmem:$0xC340] =	vst @!p0 v10  }
0x4c: {  	[tilespmem:$0x18740] =	vst @!p0 v10  }
0x4d: {  	[tilespmem:$0xC350] =	vst @!p0 v10  }
0x4e: {  	[tilespmem:$0x18750] =	vst @!p0 v10  }
0x4f: {  	[tilespmem:$0xC360] =	vst @!p0 v10  }
0x50: {  	s23 =	rddreg [dreg:$0x0];
	[tilespmem:$0x18760] =	vst @!p0 v10  }
0x51: {  	s1 =	rddreg [dreg:$0x6];
	[tilespmem:$0xC370] =	vst @!p0 v10  }
0x52: {  	s0 =	sadd.s32 s23, s1;
	[tilespmem:$0x18770] =	vst @!p0 v10  }
0x53: {  	[tilespmem:s4], [sflag:$0x1] =	stream.linear.gather [hbm4b:s0+s4], $0x3100, $0x38;
	[tilespmem:$0x19200] =	vst v63  }
0x54: {  	s26 =	rddreg [dreg:$0x12]  }
0x55: {  	[tilespmem:s21], [sflag:$0x5] =	stream.linear.gather [hbm4b:s26+s4], $0x3100, $0x38;
	[tilespmem:$0x19200] =	vst v63  }
0x56: {  	s28 =	rddreg [dreg:$0x11];
	s29 =	simm.s32 $0x3100  }
0x57: {  	[tilespmem:s29], [sflag:$0x2] =	stream.linear.gather [hbm4b:s28+s4], $0x3100, $0x38;
	[tilespmem:$0x19200] =	vst v63  }
0x58: {  	s30 =	rddreg [dreg:$0x10];
	s31 =	simm.s32 $0xF500  }
0x59: {  	[tilespmem:s31], [sflag:$0x6] =	stream.linear.gather [hbm4b:s30+s4], $0x3100, $0x38;
	[tilespmem:$0x19200] =	vst v63  }
0x5a: {  	_ =	swait.ge [sflag:s5], $0x3100  }
0x5b: {  	[sflag:s5] =	ssyncset.done $0x0  }
0x5c: {  	[sflag:s5] =	ssyncadd.s32 $0xFFFFCF00  }
0x5d: {  	_ =	swait.ge [sflag:s24], $0x3100  }
0x5e: {  	[sflag:s24] =	ssyncset.done $0x0  }
0x5f: {  	s0 =	simm.s32 $0x0;
	[sflag:s24] =	ssyncadd.s32 $0xFFFFCF00  }
0x60: {  	v10 =	vld [tilespmem:s0+$0xF0]  }
0x61: {  	v12 =	vld [tilespmem:s0+$0xE0]  }
0x62: {  	v11 =	vld [tilespmem:s0+$0xD0]  }
0x63: {  	v13 =	vld [tilespmem:s0+$0xC0]  }
0x64: {  	v14 =	vld [tilespmem:s0+$0xB0]  }
0x65: {  	v15 =	vld [tilespmem:s0+$0xA0]  }
0x66: {  	v16 =	vld [tilespmem:s0+$0x90]  }
0x67: {  	v17 =	vld [tilespmem:s0+$0x80]  }
0x68: {  	v18 =	vld [tilespmem:s0+$0x70]  }
0x69: {  	v19 =	vld [tilespmem:s0+$0x60]  }
0x6a: {  	v20 =	vld [tilespmem:s0+$0x50]  }
0x6b: {  	v21 =	vld [tilespmem:s0+$0x40]  }
0x6c: {  	v22 =	vld [tilespmem:s0+$0x30]  }
0x6d: {  	v24 =	vld [tilespmem:s0+$0x20]  }
0x6e: {  	v25 =	vld [tilespmem:s0+$0x10]  }
0x6f: {  	v23 =	vimm.f32 $-1.000000020e+30;
	s1 =	simm.s32 $0x400;
	v26 =	vld [tilespmem:s0+$0x0]  }
.LBB2_2:
0x70: {  	p2 =	sne.s32 s1, $0xC000;
	v27 =	vld [tilespmem:s0+$0xC400]  }
0x71: {  	v28 =	vld [tilespmem:s0+$0xC410]  }
0x72: {  	v29 =	vld [tilespmem:s0+$0xC420]  }
0x73: {  	v30 =	vld [tilespmem:s0+$0xC430]  }
0x74: {  	v31 =	vld [tilespmem:s0+$0xC440]  }
0x75: {  	v26 =	vadd.f32 v27, v26;
	v27 =	vld [tilespmem:s0+$0xC450]  }
0x76: {  	v25 =	vadd.f32 v28, v25;
	v28 =	vld [tilespmem:s0+$0xC460]  }
0x77: {  	v23 =	vmax.f32 v23, v26;
	v24 =	vadd.f32 v29, v24;
	v26 =	vld [tilespmem:s0+$0xC470]  }
0x78: {  	v23 =	vmax.f32 v23, v25;
	v22 =	vadd.f32 v30, v22;
	v25 =	vld [tilespmem:s0+$0xC480]  }
0x79: {  	v23 =	vmax.f32 v23, v24;
	v21 =	vadd.f32 v31, v21;
	v24 =	vld [tilespmem:s0+$0xC490]  }
0x7a: {  	v22 =	vmax.f32 v23, v22;
	v20 =	vadd.f32 v27, v20;
	v23 =	vld [tilespmem:s0+$0xC4A0]  }
0x7b: {  	v21 =	vmax.f32 v22, v21;
	v19 =	vadd.f32 v28, v19;
	v22 =	vld [tilespmem:s0+$0xC4B0]  }
0x7c: {  	v20 =	vmax.f32 v21, v20;
	v18 =	vadd.f32 v26, v18;
	v21 =	vld [tilespmem:s0+$0xC4C0]  }
0x7d: {  	v19 =	vmax.f32 v20, v19;
	v17 =	vadd.f32 v25, v17;
	v20 =	vld [tilespmem:s0+$0xC4D0]  }
0x7e: {  	v18 =	vmax.f32 v19, v18;
	v16 =	vadd.f32 v24, v16;
	v19 =	vld [tilespmem:s0+$0xC4E0]  }
0x7f: {  	v17 =	vmax.f32 v18, v17;
	v15 =	vadd.f32 v23, v15;
	v18 =	vld [tilespmem:s0+$0xC4F0];
	s0 =	sshra.s32 s1, $0x2  }
0x80: {  	v23 =	vld [tilespmem:s0+$0xF0];
	v16 =	vmax.f32 v17, v16;
	v14 =	vadd.f32 v22, v14  }
0x81: {  	v17 =	vld [tilespmem:s0+$0xE0];
	v15 =	vmax.f32 v16, v15;
	v16 =	vadd.f32 v21, v13  }
0x82: {  	v14 =	vmax.f32 v15, v14;
	v15 =	vadd.f32 v20, v11;
	v11 =	vld [tilespmem:s0+$0xD0]  }
0x83: {  	v13 =	vld [tilespmem:s0+$0xC0];
	v16 =	vmax.f32 v14, v16;
	v20 =	vadd.f32 v19, v12  }
0x84: {  	v14 =	vld [tilespmem:s0+$0xB0];
	v16 =	vmax.f32 v16, v15;
	v18 =	vadd.f32 v18, v10  }
0x85: {  	v15 =	vld [tilespmem:s0+$0xA0];
	v19 =	vmax.f32 v16, v20;
	v10 =	vmov v23  }
0x86: {  	v16 =	vld [tilespmem:s0+$0x90];
	v23 =	vmax.f32 v19, v18;
	v12 =	vmov v17  }
0x87: {  	v17 =	vld [tilespmem:s0+$0x80]  }
0x88: {  	v18 =	vld [tilespmem:s0+$0x70]  }
0x89: {  	v19 =	vld [tilespmem:s0+$0x60]  }
0x8a: {  	v20 =	vld [tilespmem:s0+$0x50]  }
.Ltmp2:
0x8b: {  	v21 =	vld [tilespmem:s0+$0x40];
	(pc) =	sbr.rel @p2 .LBB2_2-.Ltmp2, $4  }
0x8c: {  	v22 =	vld [tilespmem:s0+$0x30]  }
0x8d: {  	v24 =	vld [tilespmem:s0+$0x20]  }
0x8e: {  	v25 =	vld [tilespmem:s0+$0x10]  }
0x8f: {  	s1 =	sadd.s32 $0x400, s1;
	v26 =	vld [tilespmem:s0+$0x0]  }
0x90: {  	v27 =	vld [tilespmem:s0+$0xC400]  }
0x91: {  	v28 =	vld [tilespmem:s0+$0xC410]  }
0x92: {  	v29 =	vld [tilespmem:s0+$0xC420]  }
0x93: {  	v30 =	vld [tilespmem:s0+$0xC430]  }
0x94: {  	v31 =	vld [tilespmem:s0+$0xC440]  }
0x95: {  	v26 =	vadd.f32 v27, v26;
	v27 =	vld [tilespmem:s0+$0xC450]  }
0x96: {  	v25 =	vadd.f32 v28, v25;
	v28 =	vld [tilespmem:s0+$0xC460]  }
0x97: {  	v24 =	vadd.f32 v29, v24;
	v23 =	vmax.f32 v23, v26;
	v26 =	vld [tilespmem:s0+$0xC470]  }
0x98: {  	v22 =	vadd.f32 v30, v22;
	v23 =	vmax.f32 v23, v25;
	v25 =	vld [tilespmem:s0+$0xC480]  }
0x99: {  	v21 =	vadd.f32 v31, v21;
	v23 =	vmax.f32 v23, v24;
	v24 =	vld [tilespmem:s0+$0xC490]  }
0x9a: {  	v22 =	vmax.f32 v23, v22;
	v20 =	vadd.f32 v27, v20;
	v23 =	vld [tilespmem:s0+$0xC4A0]  }
0x9b: {  	v19 =	vadd.f32 v28, v19;
	v21 =	vmax.f32 v22, v21;
	v22 =	vld [tilespmem:s0+$0xC4B0]  }
0x9c: {  	v20 =	vmax.f32 v21, v20;
	v18 =	vadd.f32 v26, v18;
	v21 =	vld [tilespmem:s0+$0xC4C0]  }
0x9d: {  	v19 =	vmax.f32 v20, v19;
	v17 =	vadd.f32 v25, v17;
	v20 =	vld [tilespmem:s0+$0xC4D0]  }
0x9e: {  	v18 =	vmax.f32 v19, v18;
	v16 =	vadd.f32 v24, v16;
	v19 =	vld [tilespmem:s0+$0xC4E0]  }
0x9f: {  	v17 =	vmax.f32 v18, v17;
	v15 =	vadd.f32 v23, v15;
	v18 =	vld [tilespmem:s0+$0xC4F0]  }
0xa0: {  	v16 =	vmax.f32 v17, v16;
	v14 =	vadd.f32 v22, v14  }
0xa1: {  	v15 =	vmax.f32 v16, v15;
	v13 =	vadd.f32 v21, v13  }
0xa2: {  	v14 =	vmax.f32 v15, v14;
	v11 =	vadd.f32 v20, v11  }
0xa3: {  	s23 =	simm.s32 $0x80;
	v13 =	vmax.f32 v14, v13;
	v12 =	vadd.f32 v19, v12  }
0xa4: {  	s22 =	simm.s32 $0xC480;
	v17 =	vld [tilespmem:s23+$0xFFFFFF90];
	v11 =	vmax.f32 v13, v11;
	v10 =	vadd.f32 v18, v10  }
0xa5: {  	v21 =	vld [tilespmem:s22+$0xFFFFFF80];
	v11 =	vmax.f32 v11, v12  }
0xa6: {  	v15 =	vld [tilespmem:s22+$0xFFFFFFA0];
	v11 =	vmax.f32 v11, v10  }
0xa7: {  	v14 =	vld [tilespmem:s23+$0xFFFFFFA0];
	v10 =	vperm.xlane v11, v2  }
0xa8: {  	v18 =	vld [tilespmem:s22+$0xFFFFFF90]  }
0xa9: {  	v20 =	vld [tilespmem:s22+$0xFFFFFFC0];
	v10 =	vmin.f32 v11, v10  }
0xaa: {  	v13 =	vld [tilespmem:s23+$0xFFFFFFB0];
	v16 =	vperm.xlane v10, v3  }
0xab: {  	v12 =	vld [tilespmem:s22+$0xFFFFFFB0]  }
0xac: {  	v14 =	vadd.f32 v15, v14;
	v15 =	vld [tilespmem:s23+$0xFFFFFFD0];
	v10 =	vmin.f32 v10, v16  }
0xad: {  	v17 =	vadd.f32 v18, v17;
	v18 =	vld [tilespmem:s22+$0xFFFFFFD0];
	v19 =	vperm.xlane v10, v5  }
0xae: {  	v16 =	vld [tilespmem:s23+$0xFFFFFFC0]  }
0xaf: {  	v10 =	vmin.f32 v10, v19;
	v19 =	vld [tilespmem:s23+$0xFFFFFF80]  }
0xb0: {  	v22 =	vperm.xlane v10, v6;
	_ =	sdelay $0x1  }
0xb1: {  	v12 =	vadd.f32 v12, v13;
	v15 =	vadd.f32 v18, v15;
	v10 =	vmin.f32 v10, v22  }
0xb2: {  	v23 =	vld [tilespmem:s22+$0x10];
	v13 =	vadd.f32 v20, v16;
	v22 =	vimm.s32 $0xFFFFFFFF;
	vm6 =	vge.f32 v14, v10  }
0xb3: {  	v16 =	vld [tilespmem:s23+$0x10];
	vm7 =	vge.f32 v17, v10;
	v19 =	vadd.f32 v21, v19;
	v21 =	vsel vm6, $0x1, v7  }
0xb4: {  	vm8 =	vge.f32 v12, v10;
	vm9 =	vge.f32 v13, v10;
	vm1 =	vge.f32 v15, v10;
	(xrf0) =	vadd.scan.msk.s32 $0xffff, v21  }
0xb5: {  	v20 =	vmpcnt.ones.xlane vm6;
	v25 =	vmpcnt.ones.xlane vm8;
	vm10 =	vge.f32 v19, v10  }
0xb6: {  	v18 =	vld [tilespmem:s22+$0xFFFFFFE0];
	v27 =	vmpcnt.ones.xlane vm7;
	v11 =	vmax.f32 v11, v19;
	v24 =	vmpcnt.ones.xlane vm10  }
0xb7: {  	v19 =	vsel vm7, $0x1, v7;
	v26 =	vsel vm10, $0x1, v7;
	v11 =	vmax.f32 v11, v17;
	v17 =	vld [tilespmem:s23+$0xFFFFFFE0]  }
0xb8: {  	v21 =	vld [tilespmem:s22+$0xFFFFFFF0];
	v16 =	vadd.f32 v23, v16;
	v11 =	vmax.f32 v11, v14;
	(xrf0) =	vadd.scan.msk.s32 $0xffff, v26;
	v14 =	vadd.s32 v22, v24  }
0xb9: {  	v23 =	vld [tilespmem:s23+$0xFFFFFFF0];
	v26 =	vsel vm9, $0x1, v7;
	v11 =	vmax.f32 v11, v12;
	(xrf0) =	vadd.scan.msk.s32 $0xffff, v19;
	v24 =	vadd.s32 v14, v27  }
0xba: {  	v12 =	vmpcnt.ones.xlane vm9;
	v11 =	vmax.f32 v11, v13;
	v13 =	vadd.s32 v24, v20;
	v19, _, _ =	vpop (xrf0)  }
0xbb: {  	v11 =	vmax.f32 v11, v15;
	v20 =	vsel vm8, $0x1, v7;
	v19 =	vadd.s32 v24, v19  }
0xbc: {  	v15 =	vadd.s32 v13, v25;
	v17 =	vadd.f32 v18, v17;
	(xrf0) =	vadd.scan.msk.s32 $0xffff, v20;
	vm0 =	vlt.s32 v19, $0x80F  }
0xbd: {  	v24 =	vsel vm1, $0x1, v7;
	v25 =	vld [tilespmem:s23+$0x20];
	v20 =	vadd.s32 v15, v12;
	v27 =	vnsel vm0, $0x80F, v19  }
0xbe: {  	v18 =	vld [tilespmem:s23+$0x0];
	v19 =	vadd.f32 v21, v23;
	vm0 =	vge.f32 v16, v10;
	v12, _, _ =	vpop (xrf0);
	(xrf0) =	vadd.scan.msk.s32 $0xffff, v26;
	vm2 =	vge.f32 v17, v10  }
0xbf: {  	v11 =	vmax.f32 v11, v17;
	v17 =	vld [tilespmem:s22+$0x0];
	v23 =	vmpcnt.ones.xlane vm1;
	v12 =	vadd.s32 v22, v12;
	v21, _, _ =	vpop (xrf0)  }
0xc0: {  	(xrf0) =	vadd.scan.msk.s32 $0xffff, v24;
	v22 =	vld [tilespmem:s22+$0x20];
	v24 =	vsel vm0, $0x1, v7;
	vm3 =	vlt.s32 v12, $0x80F;
	v21 =	vadd.s32 v14, v21  }
0xc1: {  	v14 =	vmpcnt.ones.xlane vm0;
	v32 =	vmax.f32 v11, v19;
	vm4 =	vlt.s32 v21, $0x80F  }
0xc2: {  	v33 =	vld [tilespmem:s22+$0x40];
	v28 =	vnsel vm3, $0x80F, v12;
	vm3 =	vge.f32 v19, v10;
	v30 =	vnsel vm4, $0x80F, v21;
	v11, _, _ =	vpop (xrf0)  }
0xc3: {  	v26 =	vld [tilespmem:s23+$0x30];
	v31 =	vmpcnt.ones.xlane vm3;
	v12 =	vsel vm3, $0x1, v7;
	v13 =	vadd.s32 v13, v11  }
0xc4: {  	v19 =	vld [tilespmem:s22+$0x30];
	v21 =	vsel vm2, $0x1, v7;
	v17 =	vadd.f32 v17, v18;
	v18, _, _ =	vpop (xrf0);
	vm4 =	vlt.s32 v13, $0x80F  }
0xc5: {  	v34 =	vld [tilespmem:s23+$0x50];
	(xrf0) =	vadd.scan.msk.s32 $0xffff, v12;
	v11 =	vadd.f32 v22, v25;
	v12 =	vadd.s32 v15, v18;
	v35 =	vnsel vm4, $0x80F, v13  }
0xc6: {  	v36 =	vld [tilespmem:s22+$0x70];
	v15, _, _ =	vpop (xrf0);
	vm5 =	vge.f32 v17, v10;
	v17 =	vmax.f32 v32, v17;
	vm4 =	vlt.s32 v12, $0x80F  }
0xc7: {  	v22 =	vld [tilespmem:s23+$0x40];
	(xrf0) =	vadd.scan.msk.s32 $0xffff, v21;
	v13 =	vadd.s32 v20, v15;
	v15 =	vmpcnt.ones.xlane vm2;
	v20 =	vadd.s32 v20, v23  }
0xc8: {  	v29 =	vld [tilespmem:s22+$0x50];
	v25 =	vmpcnt.ones.xlane vm5;
	v16 =	vmax.f32 v17, v16;
	v37 =	vnsel vm4, $0x80F, v12  }
0xc9: {  	s28 =	simm.s32 $0x0;
	v21 =	vld [tilespmem:s22+$0x60];
	(xrf0) =	vadd.scan.msk.s32 $0xffff, v24;
	v12 =	vadd.f32 v19, v26;
	vm11 =	vlt.s32 v13, $0x80F;
	vm4 =	vge.f32 v11, v10  }
0xca: {  	s1 =	simm.s32 $0x10;
	v23 =	vld [tilespmem:s23+$0x60];
	v38 =	vadd.s32 v20, v15;
	v18 =	vnsel vm11, $0x80F, v13;
	v15 =	vor.u32 s28, v8  }
0xcb: {  	s29 =	simm.s32 $0x20;
	v26 =	vld [tilespmem:s23+$0x70];
	v19 =	vmpcnt.ones.xlane vm4;
	v13 =	vsel vm4, $0x1, v7;
	[tilespmem:v28+s25+$0x0] =	vst.idx.msk vm10, v15;
	v15 =	vor.u32 s1, v8  }
0xcc: {  	v39, _, _ =	vpop (xrf0);
	v24 =	vadd.s32 v38, v31;
	v31 =	vor.u32 s29, v8;
	v17 =	vadd.f32 v33, v22  }
0xcd: {  	s30 =	simm.s32 $0x30;
	v28, _, _ =	vpop (xrf0);
	(xrf0) =	vadd.scan.msk.s32 $0xffff, v13;
	v25 =	vadd.s32 v24, v25;
	[tilespmem:v30+s25+$0x0] =	vst.idx.msk vm7, v15;
	v30 =	vsel vm5, $0x1, v7  }
0xce: {  	s31 =	simm.s32 $0x40;
	vm7 =	vge.f32 v12, v10;
	v20 =	vadd.s32 v20, v28;
	v28 =	vor.u32 s30, v8  }
0xcf: {  	[tilespmem:v27+s25+$0x0] =	vst.idx.msk vm6, v31;
	v27 =	vor.u32 s31, v8;
	v31 =	vsel vm7, $0x1, v7;
	v15, _, _ =	vpop (xrf0);
	vm6 =	vlt.s32 v20, $0x80F  }
0xd0: {  	(xrf0) =	vadd.scan.msk.s32 $0xffff, v30;
	v13 =	vadd.f32 v36, v26;
	v26 =	vadd.s32 v25, v15;
	v15 =	vadd.f32 v29, v34  }
0xd1: {  	[tilespmem:v35+s25+$0x0] =	vst.idx.msk vm8, v28;
	v22 =	vnsel vm6, $0x80F, v20;
	vm6 =	vge.f32 v17, v10;
	v29 =	vadd.s32 v38, v39  }
0xd2: {  	[tilespmem:v37+s25+$0x0] =	vst.idx.msk vm9, v27;
	vm10 =	vlt.s32 v26, $0x80F;
	v30 =	vsel vm6, $0x1, v7;
	vm8 =	vge.f32 v15, v10  }
0xd3: {  	s2 =	simm.s32 $0x50;
	s0 =	simm.s32 $0xF0;
	s1 =	simm.s32 $0x1F0;
	v20 =	vnsel vm10, $0x80F, v26;
	v26 =	vmpcnt.ones.xlane vm7;
	v27, _, _ =	vpop (xrf0);
	v28 =	vsel vm8, $0x1, v7;
	(xrf0) =	vadd.scan.msk.s32 $0xffff, v31  }
.LBB2_4:
0xd4: {  	p2 =	sne.s32 s1, $0x30F0;
	vm9 =	vge.f32 v13, v10;
	v31 =	vor.u32 s2, v8;
	vm10 =	vlt.s32 v29, $0x80F;
	s22 =	sadd.s32 $0x100, s22;
	s23 =	sadd.s32 $0x100, s23;
	(xrf0) =	vadd.scan.msk.s32 $0xffff, v30  }
0xd5: {  	v30 =	vmpcnt.ones.xlane vm6;
	s2 =	smov.u32 s1;
	s1 =	sadd.s32 $0x100, s1;
	v32 =	vmpcnt.ones.xlane vm9;
	[tilespmem:v18+s25+$0x0] =	vst.idx.msk vm1, v31;
	v18 =	vnsel vm10, $0x80F, v29  }
0xd6: {  	s6 =	sadd.s32 $0xFFFFFF70, s0;
	v21 =	vadd.f32 v21, v23;
	v14 =	vadd.s32 v25, v14;
	v23 =	vsel vm9, $0x1, v7;
	v25, _, _ =	vpop (xrf0);
	(xrf0) =	vadd.scan.msk.s32 $0xffff, v28  }
0xd7: {  	v28 =	vmpcnt.ones.xlane vm8;
	v24 =	vadd.s32 v24, v25;
	v25 =	vadd.s32 v14, v27;
	(xrf0) =	vadd.scan.msk.s32 $0xffff, v23  }
0xd8: {  	s7 =	sadd.s32 $0xFFFFFF80, s0;
	vm1 =	vge.f32 v21, v10;
	v14 =	vadd.s32 v14, v19;
	vm10 =	vlt.s32 v24, $0x80F  }
0xd9: {  	v29 =	vor.u32 s6, v8;
	v19 =	vsel vm1, $0x1, v7;
	v24 =	vnsel vm10, $0x80F, v24;
	v27, _, _ =	vpop (xrf0)  }
0xda: {  	v26 =	vadd.s32 v14, v26;
	[tilespmem:v22+s25+$0x0] =	vst.idx.msk vm2, v29;
	v29 =	vor.u32 s7, v8;
	v14 =	vadd.s32 v14, v27;
	v23, _, _ =	vpop (xrf0)  }
0xdb: {  	vm2 =	vlt.s32 v25, $0x80F;
	[tilespmem:v18+s25+$0x0] =	vst.idx.msk vm3, v29;
	vm3 =	vlt.s32 v14, $0x80F;
	v18 =	vadd.s32 v26, v23  }
0xdc: {  	v11 =	vmax.f32 v16, v11;
	s6 =	sadd.s32 $0xFFFFFF90, s0;
	v16 =	vnsel vm2, $0x80F, v25;
	v14 =	vnsel vm3, $0x80F, v14;
	v22, _, _ =	vpop (xrf0);
	(xrf0) =	vadd.scan.msk.s32 $0xffff, v19  }
0xdd: {  	v11 =	vmax.f32 v11, v12;
	v12 =	vmpcnt.ones.xlane vm1;
	s7 =	sadd.s32 $0xFFFFFFA0, s0;
	v19 =	vor.u32 s6, v8;
	v23, _, _ =	vpop (xrf0)  }
0xde: {  	v11 =	vmax.f32 v11, v17;
	v17 =	vor.u32 s7, v8;
	vm2 =	vlt.s32 v18, $0x80F;
	[tilespmem:v24+s25+$0x0] =	vst.idx.msk vm5, v19  }
0xdf: {  	v19 =	vadd.s32 v26, v30;
	[tilespmem:v20+s25+$0x0] =	vst.idx.msk vm0, v17;
	v17 =	vnsel vm2, $0x80F, v18  }
0xe0: {  	v11 =	vmax.f32 v11, v15;
	s6 =	sadd.s32 $0xFFFFFFB0, s0;
	v15 =	vadd.s32 v19, v28;
	v18 =	vadd.s32 v19, v22  }
0xe1: {  	s7 =	sadd.s32 $0xFFFFFFC0, s0;
	v20 =	vor.u32 s6, v8;
	v12 =	vadd.s32 v15, v12;
	vm0 =	vlt.s32 v18, $0x80F  }
0xe2: {  	v11 =	vmax.f32 v11, v21;
	[tilespmem:v16+s25+$0x0] =	vst.idx.msk vm4, v20;
	v16 =	vnsel vm0, $0x80F, v18;
	v18 =	vadd.s32 v12, v23;
	v19, _, _ =	vpop (xrf0)  }
0xe3: {  	v11 =	vmax.f32 v11, v13;
	v13 =	vadd.s32 v15, v19;
	vm0 =	vlt.s32 v18, $0x80F  }
0xe4: {  	s6 =	sadd.s32 $0xFFFFFFD0, s0;
	v15 =	vor.u32 s7, v8;
	vm2 =	vlt.s32 v13, $0x80F;
	v18 =	vnsel vm0, $0x80F, v18  }
0xe5: {  	v12 =	vadd.s32 v12, v32;
	s7 =	sadd.s32 $0xFFFFFFE0, s0;
	[tilespmem:v14+s25+$0x0] =	vst.idx.msk vm7, v15;
	v14 =	vor.u32 s6, v8;
	v13 =	vnsel vm2, $0x80F, v13  }
0xe6: {  	[tilespmem:v17+s25+$0x0] =	vst.idx.msk vm6, v14;
	v14 =	vor.u32 s7, v8  }
0xe7: {  	[tilespmem:v16+s25+$0x0] =	vst.idx.msk vm8, v14  }
0xe8: {  	s6 =	sadd.s32 $0xFFFFFFF0, s0  }
0xe9: {  	v14 =	vor.u32 s6, v8  }
0xea: {  	[tilespmem:v13+s25+$0x0] =	vst.idx.msk vm1, v14;
	v13 =	vor.u32 s0, v8;
	s0 =	smov.u32 s2  }
0xeb: {  	[tilespmem:v18+s25+$0x0] =	vst.idx.msk vm9, v13;
	_ =	sdelay $0x1  }
0xec: {  	v13 =	vld [tilespmem:s22+$0xFFFFFFB0]  }
0xed: {  	v14 =	vld [tilespmem:s23+$0xFFFFFFB0]  }
0xee: {  	v15 =	vld [tilespmem:s23+$0xFFFFFFA0]  }
0xef: {  	v16 =	vld [tilespmem:s22+$0xFFFFFFA0]  }
0xf0: {  	v17 =	vld [tilespmem:s23+$0xFFFFFF90]  }
0xf1: {  	v18 =	vld [tilespmem:s22+$0xFFFFFF90]  }
0xf2: {  	v19 =	vld [tilespmem:s23+$0xFFFFFFC0]  }
0xf3: {  	v20 =	vld [tilespmem:s22+$0xFFFFFFC0]  }
0xf4: {  	v21 =	vld [tilespmem:s22+$0xFFFFFF80]  }
0xf5: {  	v22 =	vld [tilespmem:s23+$0xFFFFFF80]  }
0xf6: {  	v17 =	vadd.f32 v18, v17  }
0xf7: {  	v15 =	vadd.f32 v16, v15;
	v16 =	vld [tilespmem:s23+$0xFFFFFFD0]  }
0xf8: {  	v13 =	vadd.f32 v13, v14;
	v14 =	vadd.f32 v20, v19;
	v18 =	vld [tilespmem:s22+$0xFFFFFFD0]  }
0xf9: {  	vm6 =	vge.f32 v15, v10;
	v19 =	vld [tilespmem:s23+$0x10]  }
0xfa: {  	v20 =	vadd.f32 v21, v22;
	v21 =	vmpcnt.ones.xlane vm6;
	v22 =	vsel vm6, $0x1, v7;
	v23 =	vld [tilespmem:s22+$0x10]  }
0xfb: {  	vm8 =	vge.f32 v13, v10;
	vm7 =	vge.f32 v17, v10;
	vm9 =	vge.f32 v14, v10;
	v24 =	vld [tilespmem:s22+$0xFFFFFFF0];
	(xrf0) =	vadd.scan.msk.s32 $0xffff, v22  }
0xfc: {  	vm10 =	vge.f32 v20, v10;
	v11 =	vmax.f32 v11, v20;
	v20 =	vsel vm7, $0x1, v7;
	v22 =	vld [tilespmem:s22+$0xFFFFFFE0]  }
0xfd: {  	v26 =	vmpcnt.ones.xlane vm8;
	v25 =	vmpcnt.ones.xlane vm10;
	v16 =	vadd.f32 v18, v16;
	v18 =	vld [tilespmem:s23+$0xFFFFFFE0]  }
0xfe: {  	v28 =	vmpcnt.ones.xlane vm7;
	v27 =	vsel vm10, $0x1, v7;
	v11 =	vmax.f32 v11, v17;
	v17 =	vld [tilespmem:s23+$0xFFFFFFF0]  }
0xff: {  	v11 =	vmax.f32 v11, v15;
	v15 =	vadd.f32 v23, v19;
	v19 =	vadd.s32 v12, v25;
	(xrf0) =	vadd.scan.msk.s32 $0xffff, v27  }
0x100: {  	v11 =	vmax.f32 v11, v13;
	v13 =	vmpcnt.ones.xlane vm9;
	v23 =	vld [tilespmem:s23+$0x20];
	v25 =	vadd.s32 v19, v28;
	(xrf0) =	vadd.scan.msk.s32 $0xffff, v20  }
0x101: {  	vm1 =	vge.f32 v16, v10;
	v11 =	vmax.f32 v11, v14;
	v20 =	vadd.s32 v25, v21;
	v14, _, _ =	vpop (xrf0)  }
0x102: {  	v11 =	vmax.f32 v11, v16;
	v16 =	vadd.s32 v20, v26;
	v14 =	vadd.s32 v25, v14  }
0x103: {  	v21 =	vsel vm8, $0x1, v7;
	v25 =	vsel vm1, $0x1, v7;
	v26 =	vld [tilespmem:s22+$0x20];
	vm0 =	vlt.s32 v14, $0x80F  }
0x104: {  	v27 =	vsel vm9, $0x1, v7;
	v18 =	vadd.f32 v22, v18;
	v22 =	vld [tilespmem:s23+$0x0];
	v28 =	vnsel vm0, $0x80F, v14;
	(xrf0) =	vadd.scan.msk.s32 $0xffff, v21  }
0x105: {  	v17 =	vadd.f32 v24, v17;
	v13 =	vadd.s32 v16, v13;
	vm0 =	vge.f32 v15, v10;
	v14, _, _ =	vpop (xrf0);
	(xrf0) =	vadd.scan.msk.s32 $0xffff, v27  }
0x106: {  	vm2 =	vge.f32 v18, v10;
	v11 =	vmax.f32 v11, v18;
	v18 =	vld [tilespmem:s22+$0x0];
	v12 =	vadd.s32 v12, v14;
	v14, _, _ =	vpop (xrf0);
	(xrf0) =	vadd.scan.msk.s32 $0xffff, v25  }
0x107: {  	v21 =	vmpcnt.ones.xlane vm1;
	vm3 =	vlt.s32 v12, $0x80F;
	v19 =	vadd.s32 v19, v14  }
0x108: {  	v24 =	vsel vm0, $0x1, v7;
	v25 =	vld [tilespmem:s23+$0x30];
	v27 =	vnsel vm3, $0x80F, v12;
	vm4 =	vlt.s32 v19, $0x80F  }
0x109: {  	v14 =	vmpcnt.ones.xlane vm0;
	vm3 =	vge.f32 v17, v10;
	v29 =	vld [tilespmem:s22+$0x50];
	v30 =	vnsel vm4, $0x80F, v19  }
0x10a: {  	v17 =	vmax.f32 v11, v17;
	v31 =	vmpcnt.ones.xlane vm3;
	v12 =	vsel vm3, $0x1, v7;
	v19 =	vld [tilespmem:s22+$0x30];
	v11, _, _ =	vpop (xrf0)  }
0x10b: {  	v32 =	vsel vm2, $0x1, v7;
	v22 =	vadd.f32 v18, v22;
	v33 =	vld [tilespmem:s22+$0x40];
	v18 =	vadd.s32 v20, v11;
	v20, _, _ =	vpop (xrf0);
	(xrf0) =	vadd.scan.msk.s32 $0xffff, v12  }
0x10c: {  	v11 =	vadd.f32 v26, v23;
	v26 =	vld [tilespmem:s23+$0x40];
	vm4 =	vlt.s32 v18, $0x80F;
	v12 =	vadd.s32 v16, v20;
	v16, _, _ =	vpop (xrf0);
	(xrf0) =	vadd.scan.msk.s32 $0xffff, v32  }
0x10d: {  	v20 =	vld [tilespmem:s23+$0x50];
	v32 =	vnsel vm4, $0x80F, v18;
	vm4 =	vlt.s32 v12, $0x80F;
	v16 =	vadd.s32 v13, v16  }
0x10e: {  	v18 =	vmpcnt.ones.xlane vm2;
	vm5 =	vge.f32 v22, v10;
	v34 =	vld [tilespmem:s22+$0x70];
	v35 =	vnsel vm4, $0x80F, v12;
	(xrf0) =	vadd.scan.msk.s32 $0xffff, v24  }
0x10f: {  	v13 =	vadd.s32 v13, v21;
	vm11 =	vlt.s32 v16, $0x80F;
	v12 =	vadd.f32 v19, v25;
	v36 =	vld [tilespmem:s23+$0x70]  }
0x110: {  	s2 =	sadd.s32 $0xFFFFFF10, s0;
	vm4 =	vge.f32 v11, v10;
	v37 =	vadd.s32 v13, v18;
	v18 =	vnsel vm11, $0x80F, v16;
	v21 =	vld [tilespmem:s22+$0x60]  }
0x111: {  	s6 =	sadd.s32 $0xFFFFFF20, s0;
	v24 =	vor.u32 s2, v8;
	v19 =	vmpcnt.ones.xlane vm4;
	v16 =	vsel vm4, $0x1, v7;
	v23 =	vld [tilespmem:s23+$0x60];
	v38, _, _ =	vpop (xrf0)  }
0x112: {  	v17 =	vmax.f32 v17, v22;
	v22 =	vor.u32 s6, v8;
	s2 =	sadd.s32 $0xFFFFFF30, s0;
	v25 =	vmpcnt.ones.xlane vm5;
	[tilespmem:v27+s25+$0x0] =	vst.idx.msk vm10, v24;
	v27, _, _ =	vpop (xrf0)  }
0x113: {  	s6 =	sadd.s32 $0xFFFFFF40, s0;
	v24 =	vadd.s32 v37, v31;
	v31 =	vor.u32 s2, v8;
	v27 =	vadd.s32 v13, v27;
	(xrf0) =	vadd.scan.msk.s32 $0xffff, v16  }
0x114: {  	s2 =	sadd.s32 $0xFFFFFF50, s0;
	v16 =	vmax.f32 v17, v15;
	v25 =	vadd.s32 v24, v25;
	[tilespmem:v30+s25+$0x0] =	vst.idx.msk vm7, v22;
	v30 =	vor.u32 s6, v8;
	v15, _, _ =	vpop (xrf0)  }
0x115: {  	v39 =	vsel vm5, $0x1, v7;
	[tilespmem:v28+s25+$0x0] =	vst.idx.msk vm6, v31;
	v28 =	vor.u32 s2, v8;
	vm6 =	vlt.s32 v27, $0x80F  }
.Ltmp3:
0x116: {  	v17 =	vadd.f32 v33, v26;
	v13 =	vadd.f32 v34, v36;
	v26 =	vadd.s32 v25, v15;
	(pc) =	sbr.rel @p2 .LBB2_4-.Ltmp3, $4  }
0x117: {  	v15 =	vadd.f32 v29, v20;
	v22 =	vnsel vm6, $0x80F, v27;
	vm10 =	vlt.s32 v26, $0x80F;
	(xrf0) =	vadd.scan.msk.s32 $0xffff, v39  }
0x118: {  	vm7 =	vge.f32 v12, v10;
	vm6 =	vge.f32 v17, v10;
	v20 =	vnsel vm10, $0x80F, v26;
	[tilespmem:v32+s25+$0x0] =	vst.idx.msk vm8, v30  }
0x119: {  	s2 =	sadd.s32 $0xFFFFFF60, s0;
	v31 =	vsel vm7, $0x1, v7;
	v26 =	vmpcnt.ones.xlane vm7;
	vm8 =	vge.f32 v15, v10;
	[tilespmem:v35+s25+$0x0] =	vst.idx.msk vm9, v28;
	v27, _, _ =	vpop (xrf0)  }
0x11a: {  	v29 =	vadd.s32 v37, v38;
	v30 =	vsel vm6, $0x1, v7;
	v28 =	vsel vm8, $0x1, v7;
	(xrf0) =	vadd.scan.msk.s32 $0xffff, v31  }
0x11b: {  	vm9 =	vge.f32 v13, v10  }
0x11c: {  	vm10 =	vlt.s32 v29, $0x80F;
	(xrf0) =	vadd.scan.msk.s32 $0xffff, v30;
	v21 =	vadd.f32 v21, v23;
	v23 =	vor.u32 s2, v8  }
0x11d: {  	v30 =	vmpcnt.ones.xlane vm6;
	v14 =	vadd.s32 v25, v14;
	v29 =	vnsel vm10, $0x80F, v29  }
0x11e: {  	v31 =	vsel vm9, $0x1, v7;
	v27 =	vadd.s32 v14, v27;
	v25, _, _ =	vpop (xrf0);
	(xrf0) =	vadd.scan.msk.s32 $0xffff, v28;
	vm10 =	vge.f32 v21, v10  }
0x11f: {  	s9 =	sadd.s32 $0xFFFFFF90, s0;
	s10 =	sadd.s32 $0xFFFFFFA0, s0;
	v14 =	vadd.s32 v14, v19;
	v24 =	vadd.s32 v24, v25;
	(xrf0) =	vadd.scan.msk.s32 $0xffff, v31;
	v25 =	vsel vm10, $0x1, v7  }
0x120: {  	v34 =	vor.u32 s9, v8;
	[tilespmem:v18+s25+$0x0] =	vst.idx.msk vm1, v23;
	v23 =	vor.u32 s10, v8;
	(xrf0) =	vadd.scan.msk.s32 $0xffff, v25  }
0x121: {  	s8 =	sadd.s32 $0xFFFFFF80, s0;
	v28 =	vmpcnt.ones.xlane vm8;
	v26 =	vadd.s32 v14, v26;
	vm11 =	vlt.s32 v24, $0x80F;
	v19, _, _ =	vpop (xrf0)  }
0x122: {  	v31 =	vor.u32 s8, v8;
	v24 =	vnsel vm11, $0x80F, v24;
	v14 =	vadd.s32 v14, v19;
	v19, _, _ =	vpop (xrf0)  }
0x123: {  	vm11 =	vlt.s32 v27, $0x80F;
	v19 =	vadd.s32 v26, v19;
	v26 =	vadd.s32 v26, v30  }
0x124: {  	s1 =	sadd.s32 $0xFFFFFF70, s0;
	v33 =	vmpcnt.ones.xlane vm10;
	v27 =	vnsel vm11, $0x80F, v27;
	vm11 =	vlt.s32 v14, $0x80F;
	v32, _, _ =	vpop (xrf0)  }
0x125: {  	v25 =	vor.u32 s1, v8;
	v14 =	vnsel vm11, $0x80F, v14;
	vm1 =	vlt.s32 v19, $0x80F;
	v18, _, _ =	vpop (xrf0)  }
0x126: {  	[tilespmem:v22+s25+$0x0] =	vst.idx.msk vm2, v25;
	v22 =	vadd.s32 v26, v28;
	v19 =	vnsel vm1, $0x80F, v19;
	v25 =	vadd.s32 v26, v32;
	v26, _, _ =	vpop (xrf0)  }
0x127: {  	[tilespmem:v29+s25+$0x0] =	vst.idx.msk vm3, v31;
	v28 =	vadd.s32 v22, v33;
	vm1 =	vlt.s32 v25, $0x80F;
	v22 =	vadd.s32 v22, v26  }
0x128: {  	s11 =	sadd.s32 $0xFFFFFFB0, s0;
	[tilespmem:v24+s25+$0x0] =	vst.idx.msk vm5, v34;
	v18 =	vadd.s32 v28, v18;
	v24 =	vnsel vm1, $0x80F, v25;
	vm1 =	vlt.s32 v22, $0x80F  }
0x129: {  	s13 =	sadd.s32 $0xFFFFFFC0, s0;
	[tilespmem:v20+s25+$0x0] =	vst.idx.msk vm0, v23;
	v20 =	vor.u32 s11, v8;
	vm0 =	vlt.s32 v18, $0x80F;
	v22 =	vnsel vm1, $0x80F, v22  }
0x12a: {  	s14 =	sadd.s32 $0xFFFFFFD0, s0;
	[tilespmem:v27+s25+$0x0] =	vst.idx.msk vm4, v20;
	v20 =	vor.u32 s13, v8;
	v18 =	vnsel vm0, $0x80F, v18  }
0x12b: {  	s15 =	sadd.s32 $0xFFFFFFE0, s0;
	[tilespmem:v14+s25+$0x0] =	vst.idx.msk vm7, v20;
	v14 =	vor.u32 s14, v8  }
0x12c: {  	s16 =	sadd.s32 $0xFFFFFFF0, s0;
	[tilespmem:v19+s25+$0x0] =	vst.idx.msk vm6, v14;
	v14 =	vor.u32 s15, v8  }
0x12d: {  	[tilespmem:v24+s25+$0x0] =	vst.idx.msk vm8, v14;
	v14 =	vor.u32 s16, v8  }
0x12e: {  	[tilespmem:v22+s25+$0x0] =	vst.idx.msk vm10, v14;
	v14 =	vor.u32 s0, v8  }
0x12f: {  	s17 =	simm.s32 $0x6200;
	s18 =	rddreg [dreg:$0xe];
	[tilespmem:v18+s25+$0x0] =	vst.idx.msk vm9, v14  }
0x130: {  	[tilespmem:s17], [sflag:$0x3] =	stream.linear.gather [hbm4b:s18+s4], $0x3100, $0x38;
	[tilespmem:$0x19200] =	vst v63  }
0x131: {  	s19 =	rddreg [dreg:$0xf];
	s20 =	simm.s32 $0x12600;
	s22 =	simm.s32 $0x2  }
0x132: {  	[tilespmem:s20], [sflag:$0x7] =	stream.linear.gather [hbm4b:s19+s4], $0x3100, $0x38;
	[tilespmem:$0x19200] =	vst v63  }
0x133: {  	_ =	swait.ge [sflag:s22], $0x3100  }
0x134: {  	[sflag:s22] =	ssyncset.done $0x0  }
0x135: {  	s23 =	simm.s32 $0x6;
	[sflag:s22] =	ssyncadd.s32 $0xFFFFCF00  }
0x136: {  	_ =	swait.ge [sflag:s23], $0x3100  }
0x137: {  	[sflag:s23] =	ssyncset.done $0x0  }
0x138: {  	s22 =	simm.s32 $0xF5F0;
	[sflag:s23] =	ssyncadd.s32 $0xFFFFCF00  }
0x139: {  	s23 =	simm.s32 $0x31F0;
	v14 =	vld [tilespmem:s22+$0xFFFFFF40]  }
0x13a: {  	v18 =	vld [tilespmem:s23+$0xFFFFFF40]  }
0x13b: {  	v19 =	vld [tilespmem:s23+$0xFFFFFF30]  }
0x13c: {  	v20 =	vld [tilespmem:s22+$0xFFFFFF30]  }
0x13d: {  	v22 =	vld [tilespmem:s23+$0xFFFFFF20]  }
0x13e: {  	v23 =	vld [tilespmem:s22+$0xFFFFFF20]  }
0x13f: {  	v11 =	vmax.f32 v16, v11;
	v24 =	vld [tilespmem:s23+$0xFFFFFF50]  }
0x140: {  	v11 =	vmax.f32 v11, v12;
	v12 =	vld [tilespmem:s22+$0xFFFFFF10]  }
0x141: {  	v11 =	vmax.f32 v11, v17;
	v17 =	vld [tilespmem:s23+$0xFFFFFF10]  }
0x142: {  	v16 =	vld [tilespmem:s22+$0xFFFFFF50]  }
0x143: {  	v11 =	vmax.f32 v11, v15  }
0x144: {  	v11 =	vmax.f32 v11, v21;
	v21 =	vld [tilespmem:s22+$0xFFFFFF60]  }
0x145: {  	v25 =	vmpcnt.ones.xlane vm9;
	v15 =	vadd.f32 v20, v19;
	v19 =	vld [tilespmem:s23+$0xFFFFFF60];
	v20 =	vadd.f32 v23, v22  }
0x146: {  	v14 =	vadd.f32 v14, v18;
	v18 =	vld [tilespmem:s23+$0xFFFFFFA0];
	v12 =	vadd.f32 v12, v17  }
0x147: {  	v11 =	vmax.f32 v11, v13;
	v13 =	vadd.s32 v28, v25;
	v16 =	vadd.f32 v16, v24;
	v23 =	vld [tilespmem:s22+$0xFFFFFFA0]  }
0x148: {  	vm6 =	vge.f32 v15, v10;
	vm7 =	vge.f32 v20, v10;
	v11 =	vmax.f32 v11, v12  }
0x149: {  	vm8 =	vge.f32 v14, v10;
	v22 =	vsel vm6, $0x1, v7;
	v11 =	vmax.f32 v11, v20;
	v20 =	vld [tilespmem:s23+$0xFFFFFF70]  }
0x14a: {  	vm9 =	vge.f32 v16, v10;
	vm10 =	vge.f32 v12, v10;
	v17 =	vmpcnt.ones.xlane vm6;
	(xrf0) =	vadd.scan.msk.s32 $0xffff, v22;
	v22 =	vld [tilespmem:s22+$0xFFFFFF80]  }
0x14b: {  	v12 =	vsel vm7, $0x1, v7;
	v24 =	vmpcnt.ones.xlane vm10;
	v19 =	vadd.f32 v21, v19;
	v21 =	vld [tilespmem:s22+$0xFFFFFF70]  }
0x14c: {  	v26 =	vsel vm10, $0x1, v7;
	v11 =	vmax.f32 v11, v15;
	v15 =	vadd.f32 v23, v18;
	v23 =	vld [tilespmem:s23+$0xFFFFFF80]  }
0x14d: {  	v25 =	vmpcnt.ones.xlane vm8;
	v27 =	vmpcnt.ones.xlane vm7;
	v18 =	vadd.s32 v13, v24;
	(xrf0) =	vadd.scan.msk.s32 $0xffff, v26  }
0x14e: {  	v11 =	vmax.f32 v11, v14;
	v14 =	vmpcnt.ones.xlane vm9;
	v26 =	vsel vm9, $0x1, v7;
	(xrf0) =	vadd.scan.msk.s32 $0xffff, v12  }
0x14f: {  	v24 =	vadd.s32 v18, v27;
	v11 =	vmax.f32 v11, v16;
	vm1 =	vge.f32 v19, v10  }
0x150: {  	v12 =	vadd.s32 v24, v17;
	v11 =	vmax.f32 v11, v19;
	v19 =	vsel vm8, $0x1, v7  }
0x151: {  	v31 =	vld [tilespmem:s22+$0xFFFFFFC0];
	v17 =	vadd.s32 v12, v25;
	v16, _, _ =	vpop (xrf0);
	v20 =	vadd.f32 v21, v20;
	(xrf0) =	vadd.scan.msk.s32 $0xffff, v19;
	v19 =	vadd.f32 v22, v23  }
0x152: {  	v25 =	vld [tilespmem:s23+$0xFFFFFFB0];
	v21 =	vadd.s32 v17, v14;
	v23 =	vmpcnt.ones.xlane vm1;
	v16 =	vadd.s32 v24, v16  }
0x153: {  	v14, _, _ =	vpop (xrf0);
	(xrf0) =	vadd.scan.msk.s32 $0xffff, v26;
	vm0 =	vlt.s32 v16, $0x80F;
	vm2 =	vge.f32 v20, v10;
	v11 =	vmax.f32 v11, v20;
	v20 =	vld [tilespmem:s22+$0xFFFFFF90]  }
0x154: {  	v24 =	vsel vm1, $0x1, v7;
	v13 =	vadd.s32 v13, v14;
	v14, _, _ =	vpop (xrf0);
	v27 =	vnsel vm0, $0x80F, v16;
	v16 =	vld [tilespmem:s23+$0xFFFFFF90]  }
0x155: {  	v22 =	vld [tilespmem:s22+$0xFFFFFFB0];
	(xrf0) =	vadd.scan.msk.s32 $0xffff, v24;
	vm0 =	vge.f32 v15, v10;
	vm3 =	vlt.s32 v13, $0x80F;
	v18 =	vadd.s32 v18, v14  }
0x156: {  	v26 =	vld [tilespmem:s23+$0xFFFFFFC0];
	v58 =	vsel vm2, $0x1, v7;
	v24 =	vsel vm0, $0x1, v7;
	v13 =	vnsel vm3, $0x80F, v13  }
0x157: {  	vm4 =	vlt.s32 v18, $0x80F;
	vm3 =	vge.f32 v19, v10;
	v14 =	vmpcnt.ones.xlane vm0  }
0x158: {  	v28 =	vld [tilespmem:s22+$0xFFFFFFE0];
	v19 =	vmax.f32 v11, v19;
	v29 =	vnsel vm4, $0x80F, v18;
	v18 =	vsel vm3, $0x1, v7;
	v11, _, _ =	vpop (xrf0)  }
0x159: {  	v59 =	vld [tilespmem:s22+$0xFFFFFFD0];
	v30 =	vmpcnt.ones.xlane vm3;
	v12 =	vadd.s32 v12, v11;
	v16 =	vadd.f32 v20, v16;
	v20, _, _ =	vpop (xrf0)  }
0x15a: {  	v60 =	vld [tilespmem:s23+$0xFFFFFFE0];
	(xrf0) =	vadd.scan.msk.s32 $0xffff, v18;
	v11 =	vadd.f32 v22, v25;
	vm4 =	vlt.s32 v12, $0x80F;
	v17 =	vadd.s32 v17, v20  }
0x15b: {  	s26 =	simm.s32 $0x3100;
	v35 =	vld [tilespmem:s22+$0x0];
	(xrf0) =	vadd.scan.msk.s32 $0xffff, v58;
	v18, _, _ =	vpop (xrf0);
	v61 =	vnsel vm4, $0x80F, v12;
	v20 =	vmpcnt.ones.xlane vm2;
	v12 =	vadd.f32 v31, v26  }
0x15c: {  	v22 =	vld [tilespmem:s23+$0xFFFFFFD0];
	(xrf0) =	vadd.scan.msk.s32 $0xffff, v24;
	v24 =	vor.u32 s26, v8;
	vm4 =	vlt.s32 v17, $0x80F;
	v18 =	vadd.s32 v21, v18  }
0x15d: {  	v26 =	vld [tilespmem:s23+$0x0];
	vm5 =	vge.f32 v16, v10;
	v16 =	vmax.f32 v19, v16;
	v36 =	vnsel vm4, $0x80F, v17  }
0x15e: {  	s28 =	simm.s32 $0x3110;
	v17 =	vadd.s32 v21, v23;
	vm11 =	vlt.s32 v18, $0x80F;
	vm4 =	vge.f32 v11, v10;
	v21 =	vld [tilespmem:s22+$0xFFFFFFF0]  }
0x15f: {  	v23 =	vld [tilespmem:s23+$0xFFFFFFF0];
	v38 =	vmpcnt.ones.xlane vm5;
	[tilespmem:v13+s25+$0x0] =	vst.idx.msk vm10, v24;
	v13 =	vor.u32 s28, v8;
	v16 =	vmax.f32 v16, v15  }
0x160: {  	s30 =	simm.s32 $0x3130;
	v62 =	vsel vm5, $0x1, v7;
	v31 =	vadd.s32 v17, v20;
	v18 =	vnsel vm11, $0x80F, v18  }
0x161: {  	s29 =	simm.s32 $0x3120;
	v20 =	vmpcnt.ones.xlane vm4;
	v25 =	vsel vm4, $0x1, v7;
	v37, _, _ =	vpop (xrf0);
	[tilespmem:v29+s25+$0x0] =	vst.idx.msk vm7, v13;
	v29 =	vor.u32 s30, v8  }
0x162: {  	s31 =	simm.s32 $0x3140;
	vm7 =	vge.f32 v12, v10;
	v24 =	vadd.s32 v31, v30;
	v30 =	vor.u32 s29, v8;
	v19, _, _ =	vpop (xrf0);
	(xrf0) =	vadd.scan.msk.s32 $0xffff, v25  }
0x163: {  	v63 =	vsel vm7, $0x1, v7;
	v25 =	vadd.s32 v24, v38;
	[tilespmem:v27+s25+$0x0] =	vst.idx.msk vm6, v30;
	v27 =	vor.u32 s31, v8  }
0x164: {  	v13 =	vadd.f32 v35, v26;
	v19 =	vadd.s32 v17, v19;
	v15, _, _ =	vpop (xrf0);
	v17 =	vadd.f32 v59, v22  }
0x165: {  	(xrf0) =	vadd.scan.msk.s32 $0xffff, v62;
	vm6 =	vlt.s32 v19, $0x80F;
	v26 =	vadd.s32 v25, v15;
	v15 =	vadd.f32 v28, v60  }
0x166: {  	[tilespmem:v61+s25+$0x0] =	vst.idx.msk vm8, v29;
	v29 =	vadd.s32 v31, v37;
	v22 =	vnsel vm6, $0x80F, v19;
	vm10 =	vlt.s32 v26, $0x80F  }
0x167: {  	[tilespmem:v36+s25+$0x0] =	vst.idx.msk vm9, v27;
	vm6 =	vge.f32 v17, v10;
	v19 =	vnsel vm10, $0x80F, v26;
	vm8 =	vge.f32 v15, v10  }
0x168: {  	s2 =	simm.s32 $0x3150;
	s1 =	simm.s32 $0x32F0;
	s0 =	simm.s32 $0x31F0;
	v26 =	vmpcnt.ones.xlane vm7;
	v30 =	vsel vm6, $0x1, v7;
	v28 =	vsel vm8, $0x1, v7;
	v27, _, _ =	vpop (xrf0);
	(xrf0) =	vadd.scan.msk.s32 $0xffff, v63  }
.LBB2_6:
0x169: {  	p2 =	sne.s32 s1, $0x61F0;
	vm9 =	vge.f32 v13, v10;
	v31 =	vor.u32 s2, v8;
	vm10 =	vlt.s32 v29, $0x80F;
	s22 =	sadd.s32 $0x100, s22;
	s23 =	sadd.s32 $0x100, s23;
	(xrf0) =	vadd.scan.msk.s32 $0xffff, v30  }
0x16a: {  	v30 =	vmpcnt.ones.xlane vm6;
	s2 =	smov.u32 s1;
	s1 =	sadd.s32 $0x100, s1;
	v32 =	vmpcnt.ones.xlane vm9;
	[tilespmem:v18+s25+$0x0] =	vst.idx.msk vm1, v31;
	v18 =	vnsel vm10, $0x80F, v29  }
0x16b: {  	s6 =	sadd.s32 $0xFFFFFF70, s0;
	v21 =	vadd.f32 v21, v23;
	v14 =	vadd.s32 v25, v14;
	v23 =	vsel vm9, $0x1, v7;
	v25, _, _ =	vpop (xrf0);
	(xrf0) =	vadd.scan.msk.s32 $0xffff, v28  }
0x16c: {  	v28 =	vmpcnt.ones.xlane vm8;
	v24 =	vadd.s32 v24, v25;
	v25 =	vadd.s32 v14, v27;
	(xrf0) =	vadd.scan.msk.s32 $0xffff, v23  }
0x16d: {  	s7 =	sadd.s32 $0xFFFFFF80, s0;
	vm1 =	vge.f32 v21, v10;
	v14 =	vadd.s32 v14, v20;
	vm10 =	vlt.s32 v24, $0x80F  }
0x16e: {  	v29 =	vor.u32 s6, v8;
	v20 =	vsel vm1, $0x1, v7;
	v24 =	vnsel vm10, $0x80F, v24;
	v27, _, _ =	vpop (xrf0)  }
0x16f: {  	v26 =	vadd.s32 v14, v26;
	[tilespmem:v22+s25+$0x0] =	vst.idx.msk vm2, v29;
	v29 =	vor.u32 s7, v8;
	v14 =	vadd.s32 v14, v27;
	v23, _, _ =	vpop (xrf0)  }
0x170: {  	vm2 =	vlt.s32 v25, $0x80F;
	[tilespmem:v18+s25+$0x0] =	vst.idx.msk vm3, v29;
	vm3 =	vlt.s32 v14, $0x80F;
	v18 =	vadd.s32 v26, v23  }
0x171: {  	v11 =	vmax.f32 v16, v11;
	s6 =	sadd.s32 $0xFFFFFF90, s0;
	v16 =	vnsel vm2, $0x80F, v25;
	v14 =	vnsel vm3, $0x80F, v14;
	v22, _, _ =	vpop (xrf0);
	(xrf0) =	vadd.scan.msk.s32 $0xffff, v20  }
0x172: {  	v11 =	vmax.f32 v11, v12;
	v12 =	vmpcnt.ones.xlane vm1;
	s7 =	sadd.s32 $0xFFFFFFA0, s0;
	v20 =	vor.u32 s6, v8;
	v23, _, _ =	vpop (xrf0)  }
0x173: {  	v11 =	vmax.f32 v11, v17;
	v17 =	vor.u32 s7, v8;
	vm2 =	vlt.s32 v18, $0x80F;
	[tilespmem:v24+s25+$0x0] =	vst.idx.msk vm5, v20  }
0x174: {  	v20 =	vadd.s32 v26, v30;
	[tilespmem:v19+s25+$0x0] =	vst.idx.msk vm0, v17;
	v17 =	vnsel vm2, $0x80F, v18  }
0x175: {  	v11 =	vmax.f32 v11, v15;
	s6 =	sadd.s32 $0xFFFFFFB0, s0;
	v15 =	vadd.s32 v20, v28;
	v18 =	vadd.s32 v20, v22  }
0x176: {  	s7 =	sadd.s32 $0xFFFFFFC0, s0;
	v20 =	vor.u32 s6, v8;
	v12 =	vadd.s32 v15, v12;
	vm0 =	vlt.s32 v18, $0x80F  }
0x177: {  	v11 =	vmax.f32 v11, v21;
	[tilespmem:v16+s25+$0x0] =	vst.idx.msk vm4, v20;
	v16 =	vnsel vm0, $0x80F, v18;
	v18 =	vadd.s32 v12, v23;
	v19, _, _ =	vpop (xrf0)  }
0x178: {  	v11 =	vmax.f32 v11, v13;
	v13 =	vadd.s32 v15, v19;
	vm0 =	vlt.s32 v18, $0x80F  }
0x179: {  	s6 =	sadd.s32 $0xFFFFFFD0, s0;
	v15 =	vor.u32 s7, v8;
	vm2 =	vlt.s32 v13, $0x80F;
	v18 =	vnsel vm0, $0x80F, v18  }
0x17a: {  	v12 =	vadd.s32 v12, v32;
	s7 =	sadd.s32 $0xFFFFFFE0, s0;
	[tilespmem:v14+s25+$0x0] =	vst.idx.msk vm7, v15;
	v14 =	vor.u32 s6, v8;
	v13 =	vnsel vm2, $0x80F, v13  }
0x17b: {  	[tilespmem:v17+s25+$0x0] =	vst.idx.msk vm6, v14;
	v14 =	vor.u32 s7, v8  }
0x17c: {  	[tilespmem:v16+s25+$0x0] =	vst.idx.msk vm8, v14  }
0x17d: {  	s6 =	sadd.s32 $0xFFFFFFF0, s0  }
0x17e: {  	v14 =	vor.u32 s6, v8  }
0x17f: {  	[tilespmem:v13+s25+$0x0] =	vst.idx.msk vm1, v14;
	v13 =	vor.u32 s0, v8;
	s0 =	smov.u32 s2  }
0x180: {  	[tilespmem:v18+s25+$0x0] =	vst.idx.msk vm9, v13;
	_ =	sdelay $0x1  }
0x181: {  	v13 =	vld [tilespmem:s22+$0xFFFFFF40]  }
0x182: {  	v14 =	vld [tilespmem:s23+$0xFFFFFF40]  }
0x183: {  	v15 =	vld [tilespmem:s23+$0xFFFFFF30]  }
0x184: {  	v16 =	vld [tilespmem:s22+$0xFFFFFF30]  }
0x185: {  	v17 =	vld [tilespmem:s23+$0xFFFFFF20]  }
0x186: {  	v18 =	vld [tilespmem:s22+$0xFFFFFF20]  }
0x187: {  	v19 =	vld [tilespmem:s23+$0xFFFFFF50]  }
0x188: {  	v20 =	vld [tilespmem:s22+$0xFFFFFF50]  }
0x189: {  	v21 =	vld [tilespmem:s22+$0xFFFFFF10]  }
0x18a: {  	v22 =	vld [tilespmem:s23+$0xFFFFFF10]  }
0x18b: {  	v17 =	vadd.f32 v18, v17  }
0x18c: {  	v15 =	vadd.f32 v16, v15;
	v16 =	vld [tilespmem:s23+$0xFFFFFF60]  }
0x18d: {  	v13 =	vadd.f32 v13, v14;
	v14 =	vadd.f32 v20, v19;
	v18 =	vld [tilespmem:s22+$0xFFFFFF60]  }
0x18e: {  	vm6 =	vge.f32 v15, v10;
	v19 =	vld [tilespmem:s23+$0xFFFFFFA0]  }
0x18f: {  	v20 =	vadd.f32 v21, v22;
	v21 =	vmpcnt.ones.xlane vm6;
	v22 =	vsel vm6, $0x1, v7;
	v23 =	vld [tilespmem:s22+$0xFFFFFFA0]  }
0x190: {  	vm8 =	vge.f32 v13, v10;
	vm7 =	vge.f32 v17, v10;
	vm9 =	vge.f32 v14, v10;
	v24 =	vld [tilespmem:s22+$0xFFFFFF80];
	(xrf0) =	vadd.scan.msk.s32 $0xffff, v22  }
0x191: {  	vm10 =	vge.f32 v20, v10;
	v11 =	vmax.f32 v11, v20;
	v20 =	vsel vm7, $0x1, v7;
	v22 =	vld [tilespmem:s22+$0xFFFFFF70]  }
0x192: {  	v26 =	vmpcnt.ones.xlane vm8;
	v25 =	vmpcnt.ones.xlane vm10;
	v16 =	vadd.f32 v18, v16;
	v18 =	vld [tilespmem:s23+$0xFFFFFF70]  }
0x193: {  	v28 =	vmpcnt.ones.xlane vm7;
	v27 =	vsel vm10, $0x1, v7;
	v11 =	vmax.f32 v11, v17;
	v17 =	vld [tilespmem:s23+$0xFFFFFF80]  }
0x194: {  	v11 =	vmax.f32 v11, v15;
	v15 =	vadd.f32 v23, v19;
	v19 =	vadd.s32 v12, v25;
	(xrf0) =	vadd.scan.msk.s32 $0xffff, v27  }
0x195: {  	v11 =	vmax.f32 v11, v13;
	v13 =	vmpcnt.ones.xlane vm9;
	v23 =	vld [tilespmem:s23+$0xFFFFFFB0];
	v25 =	vadd.s32 v19, v28;
	(xrf0) =	vadd.scan.msk.s32 $0xffff, v20  }
0x196: {  	vm1 =	vge.f32 v16, v10;
	v11 =	vmax.f32 v11, v14;
	v20 =	vadd.s32 v25, v21;
	v14, _, _ =	vpop (xrf0)  }
0x197: {  	v11 =	vmax.f32 v11, v16;
	v16 =	vadd.s32 v20, v26;
	v14 =	vadd.s32 v25, v14  }
0x198: {  	v21 =	vsel vm8, $0x1, v7;
	v25 =	vsel vm1, $0x1, v7;
	v26 =	vld [tilespmem:s22+$0xFFFFFFB0];
	vm0 =	vlt.s32 v14, $0x80F  }
0x199: {  	v27 =	vsel vm9, $0x1, v7;
	v18 =	vadd.f32 v22, v18;
	v22 =	vld [tilespmem:s23+$0xFFFFFF90];
	v28 =	vnsel vm0, $0x80F, v14;
	(xrf0) =	vadd.scan.msk.s32 $0xffff, v21  }
0x19a: {  	v17 =	vadd.f32 v24, v17;
	v13 =	vadd.s32 v16, v13;
	vm0 =	vge.f32 v15, v10;
	v14, _, _ =	vpop (xrf0);
	(xrf0) =	vadd.scan.msk.s32 $0xffff, v27  }
0x19b: {  	vm2 =	vge.f32 v18, v10;
	v11 =	vmax.f32 v11, v18;
	v18 =	vld [tilespmem:s22+$0xFFFFFF90];
	v12 =	vadd.s32 v12, v14;
	v14, _, _ =	vpop (xrf0);
	(xrf0) =	vadd.scan.msk.s32 $0xffff, v25  }
0x19c: {  	v21 =	vmpcnt.ones.xlane vm1;
	vm3 =	vlt.s32 v12, $0x80F;
	v19 =	vadd.s32 v19, v14  }
0x19d: {  	v24 =	vsel vm0, $0x1, v7;
	v25 =	vld [tilespmem:s23+$0xFFFFFFC0];
	v27 =	vnsel vm3, $0x80F, v12;
	vm4 =	vlt.s32 v19, $0x80F  }
0x19e: {  	v14 =	vmpcnt.ones.xlane vm0;
	vm3 =	vge.f32 v17, v10;
	v29 =	vld [tilespmem:s22+$0xFFFFFFE0];
	v19 =	vnsel vm4, $0x80F, v19  }
0x19f: {  	v17 =	vmax.f32 v11, v17;
	v30 =	vmpcnt.ones.xlane vm3;
	v12 =	vsel vm3, $0x1, v7;
	v31 =	vld [tilespmem:s22+$0xFFFFFFC0];
	v11, _, _ =	vpop (xrf0)  }
0x1a0: {  	v32 =	vsel vm2, $0x1, v7;
	v22 =	vadd.f32 v18, v22;
	v33 =	vld [tilespmem:s22+$0xFFFFFFD0];
	v18 =	vadd.s32 v20, v11;
	v20, _, _ =	vpop (xrf0);
	(xrf0) =	vadd.scan.msk.s32 $0xffff, v12  }
0x1a1: {  	v11 =	vadd.f32 v26, v23;
	v26 =	vld [tilespmem:s23+$0xFFFFFFD0];
	vm4 =	vlt.s32 v18, $0x80F;
	v12 =	vadd.s32 v16, v20;
	v16, _, _ =	vpop (xrf0);
	(xrf0) =	vadd.scan.msk.s32 $0xffff, v32  }
0x1a2: {  	v32 =	vld [tilespmem:s23+$0xFFFFFFE0];
	v34 =	vnsel vm4, $0x80F, v18;
	vm4 =	vlt.s32 v12, $0x80F;
	v16 =	vadd.s32 v13, v16  }
0x1a3: {  	v18 =	vmpcnt.ones.xlane vm2;
	vm5 =	vge.f32 v22, v10;
	v35 =	vld [tilespmem:s22+$0x0];
	v36 =	vnsel vm4, $0x80F, v12;
	(xrf0) =	vadd.scan.msk.s32 $0xffff, v24  }
0x1a4: {  	v13 =	vadd.s32 v13, v21;
	vm11 =	vlt.s32 v16, $0x80F;
	v12 =	vadd.f32 v31, v25;
	v31 =	vld [tilespmem:s23+$0x0]  }
0x1a5: {  	s2 =	sadd.s32 $0xFFFFFF10, s0;
	vm4 =	vge.f32 v11, v10;
	v37 =	vadd.s32 v13, v18;
	v18 =	vnsel vm11, $0x80F, v16;
	v21 =	vld [tilespmem:s22+$0xFFFFFFF0]  }
0x1a6: {  	s6 =	sadd.s32 $0xFFFFFF20, s0;
	v24 =	vor.u32 s2, v8;
	v20 =	vmpcnt.ones.xlane vm4;
	v16 =	vsel vm4, $0x1, v7;
	v23 =	vld [tilespmem:s23+$0xFFFFFFF0];
	v38, _, _ =	vpop (xrf0)  }
0x1a7: {  	v17 =	vmax.f32 v17, v22;
	v22 =	vor.u32 s6, v8;
	s2 =	sadd.s32 $0xFFFFFF30, s0;
	v25 =	vmpcnt.ones.xlane vm5;
	[tilespmem:v27+s25+$0x0] =	vst.idx.msk vm10, v24;
	v27, _, _ =	vpop (xrf0)  }
0x1a8: {  	s6 =	sadd.s32 $0xFFFFFF40, s0;
	v24 =	vadd.s32 v37, v30;
	v30 =	vor.u32 s2, v8;
	v27 =	vadd.s32 v13, v27;
	(xrf0) =	vadd.scan.msk.s32 $0xffff, v16  }
0x1a9: {  	s2 =	sadd.s32 $0xFFFFFF50, s0;
	v16 =	vmax.f32 v17, v15;
	v25 =	vadd.s32 v24, v25;
	[tilespmem:v19+s25+$0x0] =	vst.idx.msk vm7, v22;
	v19 =	vor.u32 s6, v8;
	v15, _, _ =	vpop (xrf0)  }
0x1aa: {  	v39 =	vsel vm5, $0x1, v7;
	[tilespmem:v28+s25+$0x0] =	vst.idx.msk vm6, v30;
	v28 =	vor.u32 s2, v8;
	vm6 =	vlt.s32 v27, $0x80F  }
.Ltmp4:
0x1ab: {  	v17 =	vadd.f32 v33, v26;
	v13 =	vadd.f32 v35, v31;
	v26 =	vadd.s32 v25, v15;
	(pc) =	sbr.rel @p2 .LBB2_6-.Ltmp4, $4  }
0x1ac: {  	v15 =	vadd.f32 v29, v32;
	v22 =	vnsel vm6, $0x80F, v27;
	vm10 =	vlt.s32 v26, $0x80F;
	(xrf0) =	vadd.scan.msk.s32 $0xffff, v39  }
0x1ad: {  	vm7 =	vge.f32 v12, v10;
	vm6 =	vge.f32 v17, v10;
	[tilespmem:v34+s25+$0x0] =	vst.idx.msk vm8, v19;
	v19 =	vnsel vm10, $0x80F, v26  }
0x1ae: {  	s2 =	sadd.s32 $0xFFFFFF60, s0;
	v31 =	vsel vm7, $0x1, v7;
	v26 =	vmpcnt.ones.xlane vm7;
	vm8 =	vge.f32 v15, v10;
	[tilespmem:v36+s25+$0x0] =	vst.idx.msk vm9, v28;
	v27, _, _ =	vpop (xrf0)  }
0x1af: {  	v29 =	vadd.s32 v37, v38;
	v30 =	vsel vm6, $0x1, v7;
	v28 =	vsel vm8, $0x1, v7;
	(xrf0) =	vadd.scan.msk.s32 $0xffff, v31  }
0x1b0: {  	vm9 =	vge.f32 v13, v10;
	vm10 =	vlt.s32 v29, $0x80F;
	v21 =	vadd.f32 v21, v23  }
0x1b1: {  	(xrf0) =	vadd.scan.msk.s32 $0xffff, v30;
	v14 =	vadd.s32 v25, v14;
	s7 =	sadd.s32 $0xFFFFFF90, s0;
	v23 =	vnsel vm10, $0x80F, v29;
	v29 =	vsel vm9, $0x1, v7  }
0x1b2: {  	v33 =	vor.u32 s7, v8;
	v25, _, _ =	vpop (xrf0);
	(xrf0) =	vadd.scan.msk.s32 $0xffff, v28;
	vm10 =	vge.f32 v21, v10;
	v10 =	vadd.s32 v14, v20  }
0x1b3: {  	v14 =	vadd.s32 v14, v27;
	v24 =	vadd.s32 v24, v25;
	(xrf0) =	vadd.scan.msk.s32 $0xffff, v29;
	v25 =	vsel vm10, $0x1, v7  }
0x1b4: {  	s1 =	sadd.s32 $0xFFFFFF70, s0;
	v27 =	vmpcnt.ones.xlane vm6;
	v28 =	vmpcnt.ones.xlane vm8;
	vm12 =	vlt.s32 v14, $0x80F;
	(xrf0) =	vadd.scan.msk.s32 $0xffff, v25  }
0x1b5: {  	v29 =	vor.u32 s1, v8;
	v32 =	vmpcnt.ones.xlane vm10;
	vm11 =	vlt.s32 v24, $0x80F  }
0x1b6: {  	s8 =	sadd.s32 $0xFFFFFFA0, s0;
	v14 =	vnsel vm12, $0x80F, v14;
	v25 =	vor.u32 s2, v8;
	v20, _, _ =	vpop (xrf0);
	v24 =	vnsel vm11, $0x80F, v24  }
0x1b7: {  	s6 =	sadd.s32 $0xFFFFFF80, s0;
	[tilespmem:v18+s25+$0x0] =	vst.idx.msk vm1, v25;
	v25 =	vor.u32 s8, v8;
	v20 =	vadd.s32 v10, v20;
	v10 =	vadd.s32 v10, v26;
	v30, _, _ =	vpop (xrf0)  }
0x1b8: {  	v26 =	vor.u32 s6, v8;
	vm13 =	vlt.s32 v20, $0x80F;
	v30 =	vadd.s32 v10, v30;
	v31, _, _ =	vpop (xrf0)  }
0x1b9: {  	v10 =	vadd.s32 v10, v27;
	v20 =	vnsel vm13, $0x80F, v20;
	vm1 =	vlt.s32 v30, $0x80F;
	v18, _, _ =	vpop (xrf0)  }
0x1ba: {  	[tilespmem:v22+s25+$0x0] =	vst.idx.msk vm2, v29;
	v27 =	vadd.s32 v10, v28;
	v22 =	vnsel vm1, $0x80F, v30;
	v10 =	vadd.s32 v10, v31;
	v28, _, _ =	vpop (xrf0)  }
0x1bb: {  	[tilespmem:v23+s25+$0x0] =	vst.idx.msk vm3, v26;
	v23 =	vadd.s32 v27, v32;
	vm1 =	vlt.s32 v10, $0x80F;
	v26 =	vadd.s32 v27, v28  }
0x1bc: {  	s9 =	sadd.s32 $0xFFFFFFB0, s0;
	[tilespmem:v24+s25+$0x0] =	vst.idx.msk vm5, v33;
	v18 =	vadd.s32 v23, v18;
	v10 =	vnsel vm1, $0x80F, v10;
	vm1 =	vlt.s32 v26, $0x80F  }
0x1bd: {  	s10 =	sadd.s32 $0xFFFFFFC0, s0;
	[tilespmem:v19+s25+$0x0] =	vst.idx.msk vm0, v25;
	v19 =	vor.u32 s9, v8;
	vm0 =	vlt.s32 v18, $0x80F;
	v24 =	vnsel vm1, $0x80F, v26  }
0x1be: {  	s11 =	sadd.s32 $0xFFFFFFD0, s0;
	[tilespmem:v14+s25+$0x0] =	vst.idx.msk vm4, v19;
	v14 =	vor.u32 s10, v8;
	v18 =	vnsel vm0, $0x80F, v18  }
0x1bf: {  	s13 =	sadd.s32 $0xFFFFFFE0, s0;
	[tilespmem:v20+s25+$0x0] =	vst.idx.msk vm7, v14;
	v14 =	vor.u32 s11, v8  }
0x1c0: {  	s14 =	sadd.s32 $0xFFFFFFF0, s0;
	[tilespmem:v22+s25+$0x0] =	vst.idx.msk vm6, v14;
	v14 =	vor.u32 s13, v8  }
0x1c1: {  	[tilespmem:v10+s25+$0x0] =	vst.idx.msk vm8, v14;
	v10 =	vor.u32 s14, v8  }
0x1c2: {  	[tilespmem:v24+s25+$0x0] =	vst.idx.msk vm10, v10;
	v10 =	vor.u32 s0, v8  }
0x1c3: {  	s1 =	simm.s32 @p1 $0x9300;
	s2 =	rddreg [dreg:$0x7];
	s0 =	simm.s32 @p1 $0x0;
	[tilespmem:v18+s25+$0x0] =	vst.idx.msk vm9, v10  }
0x1c4: {  	[tilespmem:s1], [sflag:$0x4] =	stream.linear.gather @p1 [hbm4b:s2+s0], $0x3020, $0x38;
	[tilespmem:$0x19200] =	vst v63  }
0x1c5: {  	s1 =	simm.s32 @p1 $0x15700;
	s2 =	rddreg [dreg:$0x8]  }
0x1c6: {  	[tilespmem:s1], [sflag:$0x8] =	stream.linear.gather @p1 [hbm4b:s2+s0], $0x3020, $0x38;
	[tilespmem:$0x19200] =	vst v63  }
0x1c7: {  	s0 =	simm.s32 @!p1 $0x0;
	s1 =	simm.s32 @!p1 $0x9300;
	s2 =	rddreg [dreg:$0x9]  }
0x1c8: {  	[tilespmem:s1], [sflag:$0x4] =	stream.linear.gather @!p1 [hbm4b:s2+s0], $0x3080, $0x38;
	[tilespmem:$0x19200] =	vst v63  }
0x1c9: {  	s15 =	simm.s32 $0x3;
	s1 =	simm.s32 @!p1 $0x15700;
	s2 =	rddreg [dreg:$0xa]  }
0x1ca: {  	[tilespmem:s1], [sflag:$0x8] =	stream.linear.gather @!p1 [hbm4b:s2+s0], $0x3080, $0x38;
	[tilespmem:$0x19200] =	vst v63  }
0x1cb: {  	v10 =	vmax.f32 v16, v11;
	_ =	swait.ge [sflag:s15], $0x3100  }
0x1cc: {  	v10 =	vmax.f32 v10, v12;
	[sflag:s15] =	ssyncset.done $0x0  }
0x1cd: {  	s16 =	simm.s32 $0x7;
	v10 =	vmax.f32 v10, v17;
	[sflag:s15] =	ssyncadd.s32 $0xFFFFCF00  }
0x1ce: {  	v10 =	vmax.f32 v10, v15;
	_ =	swait.ge [sflag:s16], $0x3100  }
0x1cf: {  	v10 =	vmax.f32 v10, v21;
	[sflag:s16] =	ssyncset.done $0x0  }
0x1d0: {  	s17 =	simm.s32 $0x0;
	v19 =	vmax.f32 v10, v13;
	[sflag:s16] =	ssyncadd.s32 $0xFFFFCF00  }
0x1d1: {  	v10 =	vperm.xlane v19, v2;
	v16 =	vld [tilespmem:s17+$0x6250]  }
0x1d2: {  	v12 =	vld [tilespmem:s17+$0x12630]  }
0x1d3: {  	v10 =	vmin.f32 v19, v10;
	v17 =	vld [tilespmem:s17+$0x12650]  }
0x1d4: {  	v11 =	vperm.xlane v10, v3;
	v13 =	vld [tilespmem:s17+$0x6240]  }
0x1d5: {  	v14 =	vld [tilespmem:s17+$0x12640]  }
0x1d6: {  	v10 =	vmin.f32 v10, v11;
	v18 =	vld [tilespmem:s17+$0x6220]  }
0x1d7: {  	v11 =	vperm.xlane v10, v5;
	v20 =	vld [tilespmem:s17+$0x12620]  }
0x1d8: {  	v15 =	vld [tilespmem:s17+$0x6230]  }
0x1d9: {  	v10 =	vmin.f32 v10, v11;
	v21 =	vld [tilespmem:s17+$0x12610];
	v11 =	vmpcnt.ones.xlane vm9  }
0x1da: {  	s30 =	simm.s32 $0x6200;
	s31 =	simm.s32 $0x6210;
	v25 =	vld [tilespmem:s17+$0x6210];
	v22 =	vperm.xlane v10, v6  }
0x1db: {  	s18 =	simm.s32 $0x62B0;
	v62 =	vor.u32 s30, v8;
	v63 =	vor.u32 s31, v8;
	v24 =	vld [tilespmem:s17+$0x6200];
	v23 =	vadd.s32 v23, v11  }
0x1dc: {  	s19 =	simm.s32 $0x6290;
	v11 =	vmin.f32 v10, v22;
	v22 =	vld [tilespmem:s17+$0x12600];
	v10 =	vor.u32 s18, v8;
	v26 =	vadd.f32 v20, v18  }
0x1dd: {  	s20 =	simm.s32 $0x6270;
	s7 =	simm.s32 $0x6280;
	s6 =	simm.s32 $0x62A0;
	v27 =	vadd.f32 v12, v15;
	v29 =	vadd.f32 v14, v13;
	v13 =	vor.u32 s19, v8  }
0x1de: {  	s22 =	simm.s32 $0x6250;
	v12 =	vor.u32 s6, v8;
	v15 =	vor.u32 s20, v8;
	v14 =	vor.u32 s7, v8  }
0x1df: {  	s23 =	simm.s32 $0x6260;
	v30 =	vadd.f32 v17, v16;
	v21 =	vadd.f32 v21, v25;
	v17 =	vor.u32 s22, v8  }
0x1e0: {  	v16 =	vor.u32 s23, v8;
	vm2 =	vge.f32 v26, v11;
	vm0 =	vge.f32 v29, v11  }
0x1e1: {  	vm1 =	vge.f32 v30, v11;
	vm10 =	vge.f32 v21, v11;
	v20 =	vadd.f32 v22, v24;
	v22 =	vld [tilespmem:s17+$0x12660]  }
0x1e2: {  	vm4 =	vge.f32 v27, v11;
	v28 =	vsel vm2, $0x1, v7;
	v18 =	vsel vm0, $0x1, v7;
	v24 =	vld [tilespmem:s17+$0x6260]  }
0x1e3: {  	v57 =	vld [tilespmem:s17+$0x12690];
	v25 =	vsel vm1, $0x1, v7;
	v37 =	vsel vm4, $0x1, v7;
	v39 =	vmpcnt.ones.xlane vm0  }
0x1e4: {  	v34 =	vld [tilespmem:s17+$0x6270];
	v38 =	vmpcnt.ones.xlane vm10;
	(xrf0) =	vadd.scan.msk.s32 $0xffff, v18;
	vm9 =	vge.f32 v20, v11;
	v19 =	vmax.f32 v19, v20  }
0x1e5: {  	v36 =	vld [tilespmem:s17+$0x12680];
	v40 =	vmpcnt.ones.xlane vm2;
	(xrf0) =	vadd.scan.msk.s32 $0xffff, v28;
	v58 =	vsel vm9, $0x1, v7;
	v19 =	vmax.f32 v19, v21  }
0x1e6: {  	s26 =	simm.s32 $0x6240;
	v28 =	vsel vm10, $0x1, v7;
	v59 =	vmpcnt.ones.xlane vm9;
	(xrf0) =	vadd.scan.msk.s32 $0xffff, v58;
	v19 =	vmax.f32 v19, v26;
	v26 =	vld [tilespmem:s17+$0x6280]  }
0x1e7: {  	s28 =	simm.s32 $0x6230;
	v45 =	vmpcnt.ones.xlane vm1;
	v18 =	vor.u32 s26, v8;
	v22 =	vadd.f32 v22, v24;
	v24 =	vld [tilespmem:s17+$0x12670];
	(xrf0) =	vadd.scan.msk.s32 $0xffff, v28  }
0x1e8: {  	s29 =	simm.s32 $0x6220;
	v35 =	vld [tilespmem:s17+$0x6290];
	v20 =	vor.u32 s28, v8;
	v19 =	vmax.f32 v19, v27;
	v27 =	vadd.s32 v23, v59  }
0x1e9: {  	v31 =	vld [tilespmem:s17+$0x126F0];
	v21 =	vor.u32 s29, v8;
	(xrf0) =	vadd.scan.msk.s32 $0xffff, v37;
	v19 =	vmax.f32 v19, v29;
	v38 =	vadd.s32 v27, v38  }
0x1ea: {  	v60 =	vld [tilespmem:s17+$0x62A0];
	v29 =	vmpcnt.ones.xlane vm4;
	v28, _, _ =	vpop (xrf0);
	vm3 =	vge.f32 v22, v11;
	v19 =	vmax.f32 v19, v30  }
0x1eb: {  	v40 =	vadd.s32 v38, v40;
	v41 =	vsel vm3, $0x1, v7;
	v43, _, _ =	vpop (xrf0);
	v19 =	vmax.f32 v19, v22;
	v22 =	vld [tilespmem:s17+$0x126A0]  }
0x1ec: {  	v42 =	vld [tilespmem:s17+$0x62F0];
	v33 =	vadd.s32 v40, v29;
	v26 =	vadd.f32 v36, v26;
	v30, _, _ =	vpop (xrf0);
	v34 =	vadd.f32 v24, v34  }
0x1ed: {  	v44 =	vld [tilespmem:s17+$0x126E0];
	v46 =	vadd.s32 v23, v30;
	v23 =	vadd.f32 v57, v35;
	v24, _, _ =	vpop (xrf0);
	v35 =	vadd.s32 v38, v43  }
0x1ee: {  	v47 =	vld [tilespmem:s17+$0x62E0];
	(xrf0) =	vadd.scan.msk.s32 $0xffff, v25;
	vm7 =	vge.f32 v26, v11;
	vm5 =	vlt.s32 v46, $0x80F;
	v24 =	vadd.s32 v27, v24  }
0x1ef: {  	v25 =	vld [tilespmem:s17+$0x126B0];
	(xrf0) =	vadd.scan.msk.s32 $0xffff, v41;
	v27, _, _ =	vpop (xrf0);
	vm8 =	vge.f32 v34, v11;
	v46 =	vnsel vm5, $0x80F, v46;
	vm6 =	vlt.s32 v24, $0x80F  }
0x1f0: {  	v29 =	vadd.s32 v40, v27;
	v61 =	vnsel vm6, $0x80F, v24;
	v24 =	vadd.f32 v22, v60;
	v22 =	vld [tilespmem:s17+$0x62B0]  }
0x1f1: {  	v32 =	vld [tilespmem:s17+$0x126C0];
	vm5 =	vge.f32 v23, v11;
	v27 =	vmax.f32 v19, v34;
	v19 =	vadd.f32 v31, v42  }
0x1f2: {  	v30 =	vld [tilespmem:s17+$0x126D0];
	v31 =	vmpcnt.ones.xlane vm3;
	v34 =	vmpcnt.ones.xlane vm8;
	v48 =	vsel vm8, $0x1, v7  }
0x1f3: {  	v42 =	vld [tilespmem:s17+$0x62D0];
	v40 =	vadd.s32 v33, v39;
	v37 =	vsel vm5, $0x1, v7;
	vm13 =	vlt.s32 v29, $0x80F  }
0x1f4: {  	s1 =	simm.s32 $0x62F0;
	s2 =	simm.s32 $0x400;
	s0 =	simm.s32 $0x62F0;
	v38 =	vld [tilespmem:s17+$0x62C0];
	v36, _, _ =	vpop (xrf0);
	v41 =	vadd.s32 v40, v45;
	(xrf0) =	vadd.scan.msk.s32 $0xffff, v48;
	vm6 =	vge.f32 v24, v11;
	[tilespmem:v46+s25+$0x0] =	vst.idx.msk vm9, v62  }
0x1f5: {  	s22 =	simm.s32 $0x62C0;
	s23 =	simm.s32 $0x62E0;
	s26 =	simm.s32 $0x62D0;
	v39, _, _ =	vpop (xrf0);
	v43 =	vsel vm6, $0x1, v7;
	[tilespmem:v61+s25+$0x0] =	vst.idx.msk vm10, v63;
	v25 =	vadd.f32 v25, v22;
	v22 =	vadd.f32 v44, v47  }
.LBB2_8:
0x1f6: {  	p2 =	sne.s32 s2, $0xC000  }
0x1f7: {  	v26 =	vmax.f32 v27, v26;
	vm10 =	vlt.s32 v35, $0x80F;
	v27 =	vadd.s32 v33, v28;
	s1 =	sadd.s32 $0x100, s1;
	(xrf0) =	vadd.scan.msk.s32 $0xffff, v43;
	s18 =	smov.u32 s2;
	s2 =	sadd.s32 $0x400, s2  }
0x1f8: {  	s7 =	sadd.s32 $0xFFFFFF30, s1;
	s8 =	sadd.s32 $0xFFFFFF40, s1;
	s16 =	sadd.s32 $0xFFFFFF50, s1;
	v28 =	vadd.f32 v30, v42;
	vm9 =	vge.f32 v22, v11;
	vm11 =	vlt.s32 v27, $0x80F  }
0x1f9: {  	v32 =	vadd.f32 v32, v38;
	s9 =	sadd.s32 $0xFFFFFF60, s1;
	s10 =	sadd.s32 $0xFFFFFF70, s1;
	s11 =	sadd.s32 $0xFFFFFF80, s1;
	v30 =	vmpcnt.ones.xlane vm7;
	v33 =	vnsel vm10, $0x80F, v35  }
0x1fa: {  	v38 =	vadd.s32 v41, v39;
	s13 =	sadd.s32 $0xFFFFFF90, s1;
	s14 =	sadd.s32 $0xFFFFFFA0, s1;
	s15 =	sadd.s32 $0xFFFFFFB0, s1;
	v35 =	vmpcnt.ones.xlane vm5;
	vm10 =	vge.f32 v28, v11  }
0x1fb: {  	v36 =	vadd.s32 v40, v36;
	s17 =	sadd.s32 $0xFFFFFFC0, s1;
	s6 =	sadd.s32 $0xFFFFFFD0, s1;
	s19 =	sadd.s32 $0xFFFFFFE0, s1;
	vm12 =	vge.f32 v25, v11;
	v27 =	vnsel vm11, $0x80F, v27;
	(xrf0) =	vadd.scan.msk.s32 $0xffff, v37  }
0x1fc: {  	v31 =	vadd.s32 v41, v31;
	v29 =	vnsel vm13, $0x80F, v29;
	s20 =	sadd.s32 $0xFFFFFFF0, s1;
	v37 =	vsel vm7, $0x1, v7;
	v39, _, _ =	vpop (xrf0)  }
0x1fd: {  	v23 =	vmax.f32 v26, v23;
	v26 =	vadd.s32 v31, v34;
	v31 =	vadd.s32 v31, v39;
	(xrf0) =	vadd.scan.msk.s32 $0xffff, v37;
	v34, _, _ =	vpop (xrf0)  }
0x1fe: {  	vm13 =	vge.f32 v32, v11;
	vm11 =	vge.f32 v19, v11;
	v37 =	vmpcnt.ones.xlane vm12;
	[tilespmem:v33+s25+$0x0] =	vst.idx.msk vm2, v21  }
0x1ff: {  	v21 =	vsel vm12, $0x1, v7;
	vm2 =	vlt.s32 v36, $0x80F;
	vm14 =	vlt.s32 v31, $0x80F  }
0x200: {  	vm15 =	vlt.s32 v38, $0x80F;
	v39 =	vsel vm11, $0x1, v7;
	v33 =	vsel vm13, $0x1, v7;
	(xrf0) =	vadd.scan.msk.s32 $0xffff, v21  }
0x201: {  	v21 =	vmax.f32 v23, v24;
	v23 =	vsel vm10, $0x1, v7;
	[tilespmem:v29+s25+$0x0] =	vst.idx.msk vm4, v20;
	v20 =	vnsel vm2, $0x80F, v36;
	v24, _, _ =	vpop (xrf0)  }
0x202: {  	v31 =	vnsel vm14, $0x80F, v31;
	v29 =	vmpcnt.ones.xlane vm6;
	v36 =	vadd.s32 v26, v30;
	(xrf0) =	vadd.scan.msk.s32 $0xffff, v23  }
0x203: {  	v23 =	vadd.s32 v36, v35;
	v35 =	vnsel vm15, $0x80F, v38;
	v24 =	vadd.s32 v36, v24;
	v30, _, _ =	vpop (xrf0);
	(xrf0) =	vadd.scan.msk.s32 $0xffff, v33  }
0x204: {  	v36 =	vsel vm9, $0x1, v7;
	v33 =	vmpcnt.ones.xlane vm13;
	[tilespmem:v27+s25+$0x0] =	vst.idx.msk vm0, v18;
	v30 =	vadd.s32 v26, v30  }
0x205: {  	v26 =	vmpcnt.ones.xlane vm10;
	v27 =	vadd.s32 v23, v34;
	vm0 =	vlt.s32 v30, $0x80F;
	(xrf0) =	vadd.scan.msk.s32 $0xffff, v36  }
0x206: {  	v21 =	vmax.f32 v21, v25;
	[tilespmem:v20+s25+$0x0] =	vst.idx.msk vm1, v17;
	v17 =	vnsel vm0, $0x80F, v30;
	vm0 =	vlt.s32 v24, $0x80F;
	v18, _, _ =	vpop (xrf0)  }
0x207: {  	v20 =	vmax.f32 v21, v32;
	v21 =	vnsel vm0, $0x80F, v24;
	vm0 =	vlt.s32 v27, $0x80F;
	(xrf0) =	vadd.scan.msk.s32 $0xffff, v39  }
0x208: {  	v20 =	vmax.f32 v20, v28;
	v24 =	vmpcnt.ones.xlane vm9;
	v28 =	vadd.s32 v23, v29;
	[tilespmem:v35+s25+$0x0] =	vst.idx.msk vm3, v16;
	v16, _, _ =	vpop (xrf0)  }
0x209: {  	v25 =	vadd.s32 v28, v37;
	v18 =	vadd.s32 v28, v18;
	[tilespmem:v31+s25+$0x0] =	vst.idx.msk vm8, v15;
	v15 =	vnsel vm0, $0x80F, v27;
	v23, _, _ =	vpop (xrf0)  }
0x20a: {  	v27 =	vadd.s32 v25, v33;
	vm0 =	vlt.s32 v18, $0x80F;
	v23 =	vadd.s32 v25, v23  }
0x20b: {  	v25 =	vadd.s32 v27, v26;
	[tilespmem:v17+s25+$0x0] =	vst.idx.msk vm7, v14;
	v14 =	vnsel vm0, $0x80F, v18;
	vm0 =	vlt.s32 v23, $0x80F;
	v17, _, _ =	vpop (xrf0)  }
0x20c: {  	v16 =	vadd.s32 v27, v16;
	v18 =	vadd.s32 v25, v24;
	[tilespmem:v21+s25+$0x0] =	vst.idx.msk vm5, v13;
	v13 =	vnsel vm0, $0x80F, v23  }
0x20d: {  	v21 =	vmpcnt.ones.xlane vm11;
	vm0 =	vlt.s32 v16, $0x80F;
	v17 =	vadd.s32 v25, v17;
	v23, _, _ =	vpop (xrf0)  }
0x20e: {  	[tilespmem:v15+s25+$0x0] =	vst.idx.msk vm6, v12;
	v12 =	vnsel vm0, $0x80F, v16;
	vm0 =	vlt.s32 v17, $0x80F;
	v15 =	vadd.s32 v18, v23  }
0x20f: {  	v23 =	vadd.s32 v18, v21;
	v16 =	vnsel vm0, $0x80F, v17;
	vm0 =	vlt.s32 v15, $0x80F  }
0x210: {  	v17 =	vmax.f32 v20, v22;
	[tilespmem:v14+s25+$0x0] =	vst.idx.msk vm12, v10;
	v10 =	vor.u32 s22, v8;
	v14 =	vnsel vm0, $0x80F, v15;
	s22 =	smov.u32 s6  }
0x211: {  	v19 =	vmax.f32 v17, v19;
	[tilespmem:v13+s25+$0x0] =	vst.idx.msk vm13, v10  }
0x212: {  	v10 =	vor.u32 s26, v8;
	s26 =	smov.u32 s19  }
0x213: {  	[tilespmem:v12+s25+$0x0] =	vst.idx.msk vm10, v10;
	v10 =	vor.u32 s23, v8;
	s23 =	smov.u32 s20  }
0x214: {  	[tilespmem:v16+s25+$0x0] =	vst.idx.msk vm9, v10;
	v10 =	vor.u32 s0, v8;
	s0 =	smov.u32 s1  }
0x215: {  	s18 =	sshra.s32 s18, $0x2;
	[tilespmem:v14+s25+$0x0] =	vst.idx.msk vm11, v10  }
0x216: {  	v16 =	vld [tilespmem:s18+$0x6250]  }
0x217: {  	v10 =	vld [tilespmem:s18+$0x12630]  }
0x218: {  	v17 =	vld [tilespmem:s18+$0x12650]  }
0x219: {  	v12 =	vld [tilespmem:s18+$0x6240]  }
0x21a: {  	v13 =	vld [tilespmem:s18+$0x12640]  }
0x21b: {  	v14 =	vld [tilespmem:s18+$0x6230]  }
0x21c: {  	v15 =	vld [tilespmem:s18+$0x6220]  }
0x21d: {  	v18 =	vld [tilespmem:s18+$0x12620]  }
0x21e: {  	v20 =	vld [tilespmem:s18+$0x12610]  }
0x21f: {  	v21 =	vld [tilespmem:s18+$0x6200]  }
0x220: {  	v22 =	vld [tilespmem:s18+$0x6210]  }
0x221: {  	v24 =	vld [tilespmem:s18+$0x12600]  }
0x222: {  	v26 =	vadd.f32 v10, v14;
	v10 =	vor.u32 s17, v8;
	v25 =	vadd.f32 v18, v15  }
0x223: {  	v27 =	vadd.f32 v13, v12;
	v13 =	vor.u32 s14, v8;
	v12 =	vor.u32 s15, v8  }
0x224: {  	v14 =	vor.u32 s13, v8;
	v15 =	vor.u32 s11, v8;
	vm2 =	vge.f32 v25, v11  }
0x225: {  	v29 =	vadd.f32 v17, v16;
	vm0 =	vge.f32 v27, v11;
	v28 =	vsel vm2, $0x1, v7;
	v31 =	vld [tilespmem:s18+$0x126F0]  }
0x226: {  	v18 =	vsel vm0, $0x1, v7;
	v22 =	vadd.f32 v20, v22;
	v21 =	vadd.f32 v24, v21;
	v24 =	vld [tilespmem:s18+$0x12660]  }
0x227: {  	v17 =	vor.u32 s9, v8;
	v16 =	vor.u32 s10, v8;
	vm1 =	vge.f32 v29, v11;
	v30 =	vld [tilespmem:s18+$0x6260];
	(xrf0) =	vadd.scan.msk.s32 $0xffff, v18  }
0x228: {  	v32 =	vsel vm1, $0x1, v7;
	v18 =	vor.u32 s16, v8;
	vm9 =	vge.f32 v21, v11;
	v33 =	vld [tilespmem:s18+$0x12690]  }
0x229: {  	v20 =	vor.u32 s8, v8;
	v19 =	vmax.f32 v19, v21;
	v34 =	vsel vm9, $0x1, v7;
	v35 =	vld [tilespmem:s18+$0x6270];
	(xrf0) =	vadd.scan.msk.s32 $0xffff, v28  }
0x22a: {  	vm10 =	vge.f32 v22, v11;
	v21 =	vor.u32 s7, v8;
	v19 =	vmax.f32 v19, v22;
	v22 =	vld [tilespmem:s18+$0x6290];
	(xrf0) =	vadd.scan.msk.s32 $0xffff, v34  }
0x22b: {  	vm4 =	vge.f32 v26, v11;
	v41 =	vsel vm10, $0x1, v7;
	v34 =	vmpcnt.ones.xlane vm9;
	v36 =	vld [tilespmem:s18+$0x12680]  }
0x22c: {  	v40 =	vmpcnt.ones.xlane vm0;
	v37 =	vsel vm4, $0x1, v7;
	v24 =	vadd.f32 v24, v30;
	v30 =	vld [tilespmem:s18+$0x12670];
	(xrf0) =	vadd.scan.msk.s32 $0xffff, v41  }
0x22d: {  	v42 =	vmpcnt.ones.xlane vm2;
	v38 =	vmpcnt.ones.xlane vm10;
	v19 =	vmax.f32 v19, v25;
	v25 =	vld [tilespmem:s18+$0x6280];
	(xrf0) =	vadd.scan.msk.s32 $0xffff, v37;
	v28, _, _ =	vpop (xrf0)  }
0x22e: {  	v19 =	vmax.f32 v19, v26;
	v26 =	vadd.s32 v23, v34;
	vm3 =	vge.f32 v24, v11;
	v37 =	vld [tilespmem:s18+$0x62A0]  }
0x22f: {  	v19 =	vmax.f32 v19, v27;
	v38 =	vadd.s32 v26, v38;
	v27 =	vsel vm3, $0x1, v7;
	v34 =	vld [tilespmem:s18+$0x62F0];
	v41, _, _ =	vpop (xrf0);
	(xrf0) =	vadd.scan.msk.s32 $0xffff, v32  }
0x230: {  	v19 =	vmax.f32 v19, v29;
	v29 =	vadd.s32 v38, v42;
	v32 =	vmpcnt.ones.xlane vm4;
	v44 =	vld [tilespmem:s18+$0x126E0];
	v39, _, _ =	vpop (xrf0);
	(xrf0) =	vadd.scan.msk.s32 $0xffff, v27  }
0x231: {  	v45 =	vmpcnt.ones.xlane vm1;
	v19 =	vmax.f32 v19, v24;
	v24 =	vld [tilespmem:s18+$0x126A0];
	v27 =	vadd.s32 v23, v39  }
0x232: {  	v42 =	vadd.f32 v30, v35;
	v23 =	vadd.f32 v33, v22;
	v22 =	vld [tilespmem:s18+$0x62E0];
	vm5 =	vlt.s32 v27, $0x80F;
	v35, _, _ =	vpop (xrf0)  }
0x233: {  	v33 =	vadd.s32 v29, v32;
	v30 =	vld [tilespmem:s18+$0x126D0];
	v43 =	vnsel vm5, $0x80F, v27;
	v27 =	vadd.s32 v26, v35;
	v35, _, _ =	vpop (xrf0)  }
0x234: {  	v26 =	vadd.f32 v36, v25;
	v32 =	vld [tilespmem:s18+$0x126C0];
	vm6 =	vlt.s32 v27, $0x80F;
	v29 =	vadd.s32 v29, v35  }
0x235: {  	vm5 =	vge.f32 v23, v11;
	v35 =	vadd.s32 v38, v41;
	v25 =	vld [tilespmem:s18+$0x126B0];
	v46 =	vnsel vm6, $0x80F, v27;
	v36, _, _ =	vpop (xrf0)  }
0x236: {  	v27 =	vmax.f32 v19, v42;
	v19 =	vadd.f32 v31, v34;
	v24 =	vadd.f32 v24, v37;
	v41 =	vld [tilespmem:s18+$0x62B0];
	v39, _, _ =	vpop (xrf0)  }
.Ltmp5:
0x237: {  	s6 =	sadd.s32 $0xFFFFFF10, s1;
	v31 =	vmpcnt.ones.xlane vm3;
	vm7 =	vge.f32 v26, v11;
	v37 =	vsel vm5, $0x1, v7;
	v38 =	vld [tilespmem:s18+$0x62C0];
	(pc) =	sbr.rel @p2 .LBB2_8-.Ltmp5, $4  }
0x238: {  	v47 =	vor.u32 s6, v8;
	s7 =	sadd.s32 $0xFFFFFF20, s1;
	vm8 =	vge.f32 v42, v11;
	vm6 =	vge.f32 v24, v11;
	v42 =	vld [tilespmem:s18+$0x62D0]  }
0x239: {  	v48 =	vsel vm8, $0x1, v7;
	v34 =	vmpcnt.ones.xlane vm8;
	[tilespmem:v43+s25+$0x0] =	vst.idx.msk vm9, v47;
	v47 =	vor.u32 s7, v8  }
0x23a: {  	v40 =	vadd.s32 v33, v40;
	vm13 =	vlt.s32 v29, $0x80F;
	v43 =	vsel vm6, $0x1, v7;
	[tilespmem:v46+s25+$0x0] =	vst.idx.msk vm10, v47  }
0x23b: {  	v22 =	vadd.f32 v44, v22;
	v25 =	vadd.f32 v25, v41;
	v41 =	vadd.s32 v40, v45;
	(xrf0) =	vadd.scan.msk.s32 $0xffff, v48  }
0x23c: {  	vm9 =	vlt.s32 v35, $0x80F;
	v28 =	vadd.s32 v33, v28;
	v50 =	vmpcnt.ones.xlane vm7  }
0x23d: {  	v32 =	vadd.f32 v32, v38;
	v51 =	vmpcnt.ones.xlane vm5;
	v52 =	vsel vm7, $0x1, v7  }
0x23e: {  	v39 =	vadd.s32 v41, v39;
	v36 =	vadd.s32 v40, v36;
	v31 =	vadd.s32 v41, v31  }
0x23f: {  	(xrf0) =	vadd.scan.msk.s32 $0xffff, v43;
	v29 =	vnsel vm13, $0x80F, v29;
	v62 =	vmpcnt.ones.xlane vm6;
	v30 =	vadd.f32 v30, v42  }
0x240: {  	vm10 =	vge.f32 v22, v11;
	vm14 =	vlt.s32 v28, $0x80F;
	v35 =	vnsel vm9, $0x80F, v35;
	(xrf0) =	vadd.scan.msk.s32 $0xffff, v37  }
0x241: {  	vm12 =	vge.f32 v25, v11;
	v34 =	vadd.s32 v31, v34;
	vm9 =	vge.f32 v19, v11  }
0x242: {  	v28 =	vnsel vm14, $0x80F, v28;
	v54 =	vmpcnt.ones.xlane vm12;
	vm13 =	vge.f32 v32, v11  }
0x243: {  	(xrf0) =	vadd.scan.msk.s32 $0xffff, v52;
	vm14 =	vlt.s32 v36, $0x80F;
	v55 =	vsel vm12, $0x1, v7;
	vm11 =	vge.f32 v30, v11  }
0x244: {  	v33 =	vadd.s32 v34, v50;
	v60 =	vsel vm9, $0x1, v7;
	v56 =	vsel vm11, $0x1, v7;
	v53, _, _ =	vpop (xrf0);
	(xrf0) =	vadd.scan.msk.s32 $0xffff, v55  }
0x245: {  	v61 =	vsel vm10, $0x1, v7;
	v36 =	vnsel vm14, $0x80F, v36;
	v58 =	vsel vm13, $0x1, v7;
	v11, _, _ =	vpop (xrf0);
	(xrf0) =	vadd.scan.msk.s32 $0xffff, v56  }
0x246: {  	vm14 =	vlt.s32 v39, $0x80F;
	v38 =	vadd.s32 v33, v51;
	v63 =	vmpcnt.ones.xlane vm13;
	v57, _, _ =	vpop (xrf0);
	(xrf0) =	vadd.scan.msk.s32 $0xffff, v58  }
0x247: {  	v39 =	vnsel vm14, $0x80F, v39;
	v46 =	vadd.s32 v38, v62;
	v31 =	vadd.s32 v31, v53  }
0x248: {  	v37 =	vadd.s32 v46, v54;
	[tilespmem:v35+s25+$0x0] =	vst.idx.msk vm2, v21;
	v21 =	vmpcnt.ones.xlane vm11;
	vm15 =	vlt.s32 v31, $0x80F  }
0x249: {  	v11 =	vadd.s32 v38, v11;
	[tilespmem:v29+s25+$0x0] =	vst.idx.msk vm4, v20;
	v20 =	vmpcnt.ones.xlane vm10;
	v59, _, _ =	vpop (xrf0);
	(xrf0) =	vadd.scan.msk.s32 $0xffff, v61  }
0x24a: {  	v31 =	vnsel vm15, $0x80F, v31;
	v33 =	vadd.s32 v33, v57;
	v34 =	vadd.s32 v34, v59;
	(xrf0) =	vadd.scan.msk.s32 $0xffff, v60;
	v45, _, _ =	vpop (xrf0)  }
0x24b: {  	vm2 =	vlt.s32 v11, $0x80F;
	[tilespmem:v28+s25+$0x0] =	vst.idx.msk vm0, v18;
	v28 =	vadd.s32 v37, v63;
	vm14 =	vlt.s32 v34, $0x80F;
	v29, _, _ =	vpop (xrf0)  }
0x24c: {  	v34 =	vnsel vm14, $0x80F, v34;
	vm14 =	vlt.s32 v33, $0x80F;
	v35 =	vadd.s32 v46, v45;
	v18, _, _ =	vpop (xrf0)  }
0x24d: {  	[tilespmem:v36+s25+$0x0] =	vst.idx.msk vm1, v17;
	v33 =	vnsel vm14, $0x80F, v33;
	vm0 =	vlt.s32 v35, $0x80F;
	v17 =	vadd.s32 v37, v18  }
0x24e: {  	v11 =	vnsel vm2, $0x80F, v11;
	v18 =	vadd.s32 v28, v21;
	v21 =	vnsel vm0, $0x80F, v35  }
0x24f: {  	[tilespmem:v39+s25+$0x0] =	vst.idx.msk vm3, v16;
	v16, _, _ =	vpop (xrf0);
	v28 =	vadd.s32 v28, v29;
	vm0 =	vlt.s32 v17, $0x80F;
	v20 =	vadd.s32 v18, v20  }
0x250: {  	[tilespmem:v31+s25+$0x0] =	vst.idx.msk vm8, v15;
	v16 =	vadd.s32 v18, v16;
	v15 =	vnsel vm0, $0x80F, v17;
	vm0 =	vlt.s32 v28, $0x80F;
	v17, _, _ =	vpop (xrf0)  }
0x251: {  	[tilespmem:v34+s25+$0x0] =	vst.idx.msk vm7, v14;
	v14 =	vnsel vm0, $0x80F, v28;
	vm0 =	vlt.s32 v16, $0x80F;
	v17 =	vadd.s32 v20, v17  }
0x252: {  	[tilespmem:v33+s25+$0x0] =	vst.idx.msk vm5, v13;
	v13 =	vnsel vm0, $0x80F, v16;
	vm0 =	vlt.s32 v17, $0x80F  }
0x253: {  	[tilespmem:v11+s25+$0x0] =	vst.idx.msk vm6, v12;
	v11 =	vnsel vm0, $0x80F, v17  }
0x254: {  	[tilespmem:v21+s25+$0x0] =	vst.idx.msk vm12, v10;
	v10 =	vor.u32 s22, v8  }
0x255: {  	[tilespmem:v15+s25+$0x0] =	vst.idx.msk vm13, v10;
	v10 =	vor.u32 s26, v8  }
0x256: {  	[tilespmem:v14+s25+$0x0] =	vst.idx.msk vm11, v10;
	v10 =	vor.u32 s23, v8  }
0x257: {  	[tilespmem:v13+s25+$0x0] =	vst.idx.msk vm10, v10;
	v10 =	vor.u32 s0, v8  }
0x258: {  	s0 =	simm.s32 @p1 $0x4;
	[tilespmem:v11+s25+$0x0] =	vst.idx.msk vm9, v10  }
0x259: {  	_ =	swait.ge @p1 [sflag:s0], $0x3020  }
0x25a: {  	[sflag:s0] =	ssyncset.done @p1 $0x0  }
0x25b: {  	[sflag:s0] =	ssyncadd.s32 @p1 $0xFFFFCFE0;
	s0 =	simm.s32 @p1 $0x8  }
0x25c: {  	v10 =	vmax.f32 v27, v26;
	_ =	swait.ge @p1 [sflag:s0], $0x3020  }
0x25d: {  	v10 =	vmax.f32 v10, v23;
	[sflag:s0] =	ssyncset.done @p1 $0x0  }
0x25e: {  	v10 =	vmax.f32 v10, v24;
	[sflag:s0] =	ssyncadd.s32 @p1 $0xFFFFCFE0;
	s0 =	simm.s32 @!p1 $0x4  }
0x25f: {  	v10 =	vmax.f32 v10, v25;
	_ =	swait.ge @!p1 [sflag:s0], $0x3080  }
0x260: {  	v10 =	vmax.f32 v10, v32;
	[sflag:s0] =	ssyncset.done @!p1 $0x0  }
0x261: {  	v10 =	vmax.f32 v10, v30;
	[sflag:s0] =	ssyncadd.s32 @!p1 $0xFFFFCF80;
	s0 =	simm.s32 @!p1 $0x8  }
0x262: {  	v10 =	vmax.f32 v10, v22;
	_ =	swait.ge @!p1 [sflag:s0], $0x3080  }
0x263: {  	v10 =	vmax.f32 v10, v19;
	[sflag:s0] =	ssyncset.done @!p1 $0x0  }
0x264: {  	s22 =	simm.s32 $0x0;
	v11 =	vperm.xlane v10, v2;
	[sflag:s0] =	ssyncadd.s32 @!p1 $0xFFFFCF80  }
0x265: {  	v15 =	vld [tilespmem:s22+$0x9340]  }
0x266: {  	v10 =	vmin.f32 v10, v11;
	v16 =	vld [tilespmem:s22+$0x15740]  }
0x267: {  	v11 =	vperm.xlane v10, v3;
	v13 =	vld [tilespmem:s22+$0x9330]  }
0x268: {  	v12 =	vld [tilespmem:s22+$0x9320]  }
0x269: {  	v10 =	vmin.f32 v10, v11;
	v11 =	vld [tilespmem:s22+$0x15720]  }
0x26a: {  	v17 =	vld [tilespmem:s22+$0x15730]  }
0x26b: {  	v18 =	vld [tilespmem:s22+$0x15710]  }
0x26c: {  	v19 =	vmpcnt.ones.xlane vm9;
	v21 =	vld [tilespmem:s22+$0x9300]  }
0x26d: {  	v22 =	vld [tilespmem:s22+$0x9310]  }
0x26e: {  	v20 =	vadd.s32 v20, v19;
	v19 =	vld [tilespmem:s22+$0x15700]  }
0x26f: {  	v24 =	vld [tilespmem:s22+$0x15760];
	v14 =	vperm.xlane v10, v5  }
0x270: {  	v26 =	vld [tilespmem:s22+$0x9360]  }
0x271: {  	v10 =	vmin.f32 v10, v14  }
0x272: {  	s1 =	simm.s32 $0x9390;
	s23 =	simm.s32 $0x9380;
	v14 =	vperm.xlane v10, v6;
	v23 =	vadd.f32 v11, v12  }
0x273: {  	s26 =	simm.s32 $0x9360;
	v25 =	vld [tilespmem:s22+$0x9350];
	v17 =	vadd.f32 v17, v13;
	v11 =	vor.u32 s1, v8;
	v13 =	vor.u32 s23, v8  }
0x274: {  	v27 =	vld [tilespmem:s22+$0x9370];
	v16 =	vadd.f32 v16, v15;
	v18 =	vadd.f32 v18, v22;
	v15 =	vor.u32 s26, v8  }
0x275: {  	s2 =	simm.s32 $0x9370;
	s6 =	simm.s32 $0x93A0;
	v28 =	vld [tilespmem:s22+$0x9380];
	v19 =	vadd.f32 v19, v21;
	v24 =	vadd.f32 v24, v26;
	v12 =	vmin.f32 v10, v14  }
0x276: {  	s28 =	simm.s32 $0x9330;
	v21 =	vld [tilespmem:s22+$0x15770];
	v10 =	vor.u32 s6, v8;
	v14 =	vor.u32 s2, v8;
	vm3 =	vge.f32 v23, v12  }
0x277: {  	v23 =	vld [tilespmem:s22+$0x15750];
	vm2 =	vge.f32 v17, v12;
	vm4 =	vge.f32 v16, v12;
	v16 =	vor.u32 s28, v8  }
0x278: {  	v51 =	vld [tilespmem:s22+$0x93A0];
	vm5 =	vge.f32 v18, v12;
	vm10 =	vge.f32 v19, v12;
	v17 =	vsel vm3, $0x1, v7  }
0x279: {  	v26 =	vld [tilespmem:s22+$0x157F0];
	vm0 =	vge.f32 v24, v12;
	v22 =	vsel vm2, $0x1, v7;
	v18 =	vsel vm4, $0x1, v7;
	(xrf0) =	vadd.scan.msk.s32 $0xffff, v17  }
0x27a: {  	v24 =	vld [tilespmem:s22+$0x93F0];
	v29 =	vsel vm5, $0x1, v7;
	v19 =	vsel vm10, $0x1, v7;
	v30 =	vmpcnt.ones.xlane vm10;
	(xrf0) =	vadd.scan.msk.s32 $0xffff, v22  }
0x27b: {  	v31 =	vmpcnt.ones.xlane vm3;
	v47 =	vmpcnt.ones.xlane vm2;
	v21 =	vadd.f32 v21, v27;
	v27 =	vld [tilespmem:s22+$0x157A0]  }
0x27c: {  	s29 =	simm.s32 $0x9320;
	v49 =	vmpcnt.ones.xlane vm4;
	v22 =	vmpcnt.ones.xlane vm5;
	(xrf0) =	vadd.scan.msk.s32 $0xffff, v18;
	v23 =	vadd.f32 v23, v25;
	v25 =	vld [tilespmem:s22+$0x15780]  }
0x27d: {  	s30 =	simm.s32 $0x9310;
	v50 =	vmpcnt.ones.xlane vm0;
	v17 =	vor.u32 s29, v8;
	(xrf0) =	vadd.scan.msk.s32 $0xffff, v19;
	v19 =	vadd.s32 v20, v30  }
0x27e: {  	v18 =	vor.u32 s30, v8;
	v22 =	vadd.s32 v19, v22;
	vm6 =	vge.f32 v23, v12  }
0x27f: {  	v26 =	vadd.f32 v26, v24;
	v31 =	vadd.s32 v22, v31;
	v30 =	vsel vm6, $0x1, v7;
	v48, _, _ =	vpop (xrf0)  }
0x280: {  	v54 =	vld [tilespmem:s22+$0x15790];
	v27 =	vadd.f32 v27, v51;
	v52, _, _ =	vpop (xrf0);
	(xrf0) =	vadd.scan.msk.s32 $0xffff, v30;
	v30 =	vimm.s32 $0x0;
	v33 =	vadd.s32 v22, v48  }
0x281: {  	s31 =	simm.s32 $0x9300;
	v23 =	vld [tilespmem:s22+$0x9390];
	v25 =	vadd.f32 v25, v28;
	v28 =	vadd.s32 v31, v47;
	v30 =	vsel vm0, $0xFFFFFFFF, v30  }
0x282: {  	vm7 =	vlt.s32 v33, $0x80F;
	vm9 =	vge.f32 v27, v12;
	v27 =	vor.u32 s31, v8  }
0x283: {  	v53 =	vld [tilespmem:s22+$0x157E0];
	v22, _, _ =	vpop (xrf0);
	[tilespmem:$0x1FFE0] =	vst v30;
	v30 =	vsel vm0, $0x1, v7;
	v34 =	vadd.s32 v28, v49;
	vm0 =	vge.f32 v21, v12  }
0x284: {  	v57 =	vld [tilespmem:s22+$0x93D0];
	v21, _, _ =	vpop (xrf0);
	v55 =	vadd.s32 v28, v22;
	v22 =	vadd.s32 v31, v52;
	v62 =	vsel vm9, $0x1, v7  }
0x285: {  	v60 =	vld [tilespmem:s22+$0x157B0];
	v56 =	vmpcnt.ones.xlane vm0;
	v20 =	vadd.s32 v20, v21;
	v21 =	vmpcnt.ones.xlane vm6  }
0x286: {  	v28 =	vld [tilespmem:s22+$0x93E0];
	vm12 =	vlt.s32 v55, $0x80F;
	v23 =	vadd.f32 v54, v23;
	vm1 =	vge.f32 v25, v12  }
0x287: {  	v31 =	vld [tilespmem:s22+$0x157D0];
	vm15 =	vlt.s32 v22, $0x80F;
	vm8 =	vlt.s32 v20, $0x80F;
	v61 =	vsel vm1, $0x1, v7  }
0x288: {  	(xrf0) =	vadd.scan.msk.s32 $0xffff, v30;
	v25 =	vld [tilespmem:s22+$0x93B0];
	v58 =	vnsel vm8, $0x80F, v20;
	v59 =	vadd.s32 v34, v21;
	v21 =	vnsel vm7, $0x80F, v33  }
0x289: {  	vm8 =	vge.f32 v26, v12;
	v26 =	vsel vm0, $0x1, v7;
	vm11 =	vge.f32 v23, v12;
	v20, _, _ =	vpop (xrf0);
	(xrf0) =	vadd.scan.msk.s32 $0xffff, v29  }
0x28a: {  	v23 =	vimm.s32 $0x0;
	v33 =	vmpcnt.ones.xlane vm1;
	v24 =	vadd.s32 v59, v50  }
0x28b: {  	v23 =	vsel vm1, $0xFFFFFFFF, v23;
	v20 =	vadd.s32 v34, v20;
	v29 =	vadd.f32 v53, v28  }
0x28c: {  	v30 =	vadd.f32 v31, v57;
	[tilespmem:$0x1FFF0] =	vst v23;
	v23 =	vnsel vm12, $0x80F, v55;
	vm7 =	vlt.s32 v20, $0x80F  }
0x28d: {  	s7 =	simm.s32 $0x93F0;
	s8 =	simm.s32 $0x400;
	s16 =	simm.s32 $0x9350;
	v32 =	vld [tilespmem:s22+$0x93C0];
	(xrf0) =	vadd.scan.msk.s32 $0xffff, v61;
	v34 =	vadd.f32 v60, v25;
	v20 =	vnsel vm7, $0x80F, v20;
	vm7 =	vmmov vm0  }
0x28e: {  	s0 =	simm.s32 $0x93C0;
	s1 =	simm.s32 $0x9340;
	s26 =	simm.s32 $0x93B0;
	v28 =	vld [tilespmem:s22+$0x157C0];
	v63, _, _ =	vpop (xrf0);
	(xrf0) =	vadd.scan.msk.s32 $0xffff, v26;
	[tilespmem:v58+s25+$0x0] =	vst.idx.msk vm10, v27;
	v27 =	vadd.s32 v24, v56;
	vm10 =	vge.f32 v29, v12  }
0x28f: {  	s23 =	simm.s32 $0x93D0;
	s2 =	simm.s32 $0x93F0;
	s22 =	simm.s32 $0x93E0;
	v29 =	vsel vm8, $0x1, v7;
	v26 =	vadd.s32 v59, v63;
	v25 =	vsel vm10, $0x1, v7;
	v31, _, _ =	vpop (xrf0);
	(xrf0) =	vadd.scan.msk.s32 $0xffff, v62  }
.LBB2_10:
0x290: {  	_ =	sdelay $0x1  }
0x291: {  	v35 =	vimm.s32 $0x0;
	v44 =	vsel vm11, $0x1, v7  }
0x292: {  	v19 =	vadd.s32 v19, v31;
	v36 =	vmpcnt.ones.xlane vm9;
	v35 =	vsel vm9, $0xFFFFFFFF, v35;
	v46, _, _ =	vpop (xrf0);
	(xrf0) =	vadd.scan.msk.s32 $0xffff, v44  }
0x293: {  	vm12 =	vge.f32 v34, v12;
	vm13 =	vge.f32 v30, v12;
	v30 =	vmpcnt.ones.xlane vm11  }
0x294: {  	vm1 =	vlt.s32 v19, $0x80F;
	vm9 =	vmmov vm8;
	v28 =	vadd.f32 v28, v32  }
0x295: {  	vm8 =	vmmov vm7;
	vm7 =	vmmov vm6;
	v34 =	vsel vm12, $0x1, v7  }
0x296: {  	vm6 =	vmmov vm4;
	v19 =	vnsel vm1, $0x80F, v19;
	(xrf0) =	vadd.scan.msk.s32 $0xffff, v34;
	v31, _, _ =	vpop (xrf0);
	vm14 =	vge.f32 v28, v12  }
0x297: {  	vm4 =	vmmov vm2;
	v24 =	vadd.s32 v24, v31;
	v31, _, _ =	vpop (xrf0);
	v47 =	vsel vm14, $0x1, v7;
	(xrf0) =	vadd.scan.msk.s32 $0xffff, v29  }
0x298: {  	v22 =	vnsel vm15, $0x80F, v22;
	v45 =	vadd.s32 v27, v33;
	[tilespmem:$0x1FFD0] =	vst v35;
	v35, _, _ =	vpop (xrf0);
	(xrf0) =	vadd.scan.msk.s32 $0xffff, v47  }
0x299: {  	v30 =	vadd.s32 v45, v30;
	v29 =	vmpcnt.ones.xlane vm12  }
0x29a: {  	v31 =	vadd.s32 v30, v31;
	v30 =	vadd.s32 v30, v36  }
0x29b: {  	v28 =	vsel vm13, $0x1, v7;
	vm1 =	vlt.s32 v24, $0x80F;
	[tilespmem:v19+s25+$0x0] =	vst.idx.msk vm5, v18;
	v29 =	vadd.s32 v30, v29  }
0x29c: {  	[tilespmem:v21+s25+$0x0] =	vst.idx.msk vm3, v17;
	v17 =	vnsel vm1, $0x80F, v24;
	v24 =	vmpcnt.ones.xlane vm14;
	v48, _, _ =	vpop (xrf0);
	(xrf0) =	vadd.scan.msk.s32 $0xffff, v28  }
0x29d: {  	[tilespmem:v22+s25+$0x0] =	vst.idx.msk vm4, v16;
	v16 =	vor.u32 s1, v8;
	v28 =	vmpcnt.ones.xlane vm13;
	(xrf0) =	vadd.scan.msk.s32 $0xffff, v25;
	v25, _, _ =	vpop (xrf0)  }
0x29e: {  	[tilespmem:v23+s25+$0x0] =	vst.idx.msk vm6, v16;
	v24 =	vadd.s32 v29, v24;
	v23, _, _ =	vpop (xrf0)  }
0x29f: {  	v29 =	vadd.s32 v29, v23;
	v23 =	vadd.s32 v24, v28;
	v28 =	vld [tilespmem:$0x1FFE0];
	_ =	sdelay $0x2  }
0x2a0: {  	vm0 =	vlt.s32 v26, $0x80F  }
0x2a1: {  	v26 =	vnsel vm0, $0x80F, v26;
	vm0 =	vlt.s32 v31, $0x80F  }
0x2a2: {  	v22 =	vnsel vm0, $0x80F, v31;
	vm0 =	vnez.u8 v28;
	_ =	sdelay $0x3  }
0x2a3: {  	v16 =	vor.u32 s16, v8  }
0x2a4: {  	[tilespmem:v20+s25+$0x0] =	vst.idx.msk vm7, v16  }
0x2a5: {  	[tilespmem:v26+s25+$0x0] =	vst.idx.msk vm0, v15  }
0x2a6: {  	[tilespmem:v17+s25+$0x0] =	vst.idx.msk vm8, v14;
	v17 =	vld [tilespmem:$0x1FFF0];
	_ =	sdelay $0x3  }
0x2a7: {  	v27 =	vadd.s32 v27, v46  }
0x2a8: {  	vm15 =	vlt.s32 v27, $0x80F;
	v32 =	vadd.s32 v45, v35;
	vm1 =	vnez.u8 v17  }
0x2a9: {  	v19 =	vnsel vm15, $0x80F, v27;
	vm2 =	vlt.s32 v32, $0x80F  }
0x2aa: {  	v18 =	vnsel vm2, $0x80F, v32;
	_ =	sdelay $0x3  }
0x2ab: {  	[tilespmem:v19+s25+$0x0] =	vst.idx.msk vm1, v13  }
0x2ac: {  	[tilespmem:v18+s25+$0x0] =	vst.idx.msk vm11, v11;
	v11 =	vld [tilespmem:$0x1FFD0];
	_ =	sdelay $0x2  }
0x2ad: {  	v33 =	vadd.s32 v30, v48  }
0x2ae: {  	vm2 =	vlt.s32 v33, $0x80F  }
0x2af: {  	v21 =	vnsel vm2, $0x80F, v33;
	v20, _, _ =	vpop (xrf0);
	vm2 =	vnez.u8 v11  }
0x2b0: {  	v30 =	vmpcnt.ones.xlane vm10;
	vm0 =	vlt.s32 v29, $0x80F;
	v15 =	vadd.s32 v24, v20  }
0x2b1: {  	v16, _, _ =	vpop (xrf0);
	v14 =	vnsel vm0, $0x80F, v29;
	vm0 =	vlt.s32 v15, $0x80F  }
0x2b2: {  	v20 =	vadd.s32 v23, v30;
	v13 =	vnsel vm0, $0x80F, v15;
	v15 =	vadd.s32 v23, v16  }
0x2b3: {  	v16 =	vadd.s32 v20, v25;
	vm0 =	vlt.s32 v15, $0x80F  }
0x2b4: {  	vm1 =	vlt.s32 v16, $0x80F;
	v11 =	vnsel vm0, $0x80F, v15  }
0x2b5: {  	v15 =	vnsel vm1, $0x80F, v16;
	[tilespmem:v22+s25+$0x0] =	vst.idx.msk vm2, v10;
	v10 =	vor.u32 s26, v8  }
0x2b6: {  	[tilespmem:v21+s25+$0x0] =	vst.idx.msk vm12, v10;
	v10 =	vor.u32 s0, v8  }
0x2b7: {  	[tilespmem:v14+s25+$0x0] =	vst.idx.msk vm14, v10;
	v10 =	vor.u32 s23, v8  }
0x2b8: {  	[tilespmem:v13+s25+$0x0] =	vst.idx.msk vm13, v10;
	v10 =	vor.u32 s22, v8  }
0x2b9: {  	s14 =	smov.u32 s8;
	[tilespmem:v11+s25+$0x0] =	vst.idx.msk vm10, v10;
	v10 =	vor.u32 s2, v8  }
0x2ba: {  	s14 =	sshra.s32 s14, $0x2;
	[tilespmem:v15+s25+$0x0] =	vst.idx.msk vm9, v10  }
0x2bb: {  	v15 =	vld [tilespmem:s14+$0x9340]  }
0x2bc: {  	v16 =	vld [tilespmem:s14+$0x15740]  }
0x2bd: {  	v10 =	vld [tilespmem:s14+$0x9330]  }
0x2be: {  	v11 =	vld [tilespmem:s14+$0x9320]  }
0x2bf: {  	v13 =	vld [tilespmem:s14+$0x15720]  }
0x2c0: {  	v14 =	vld [tilespmem:s14+$0x15730]  }
0x2c1: {  	v17 =	vld [tilespmem:s14+$0x15710]  }
0x2c2: {  	v18 =	vld [tilespmem:s14+$0x9300]  }
0x2c3: {  	v19 =	vld [tilespmem:s14+$0x9310]  }
0x2c4: {  	v21 =	vld [tilespmem:s14+$0x15700]  }
0x2c5: {  	s7 =	sadd.s32 $0x100, s7;
	v23 =	vld [tilespmem:s14+$0x15760]  }
0x2c6: {  	s31 =	sadd.s32 $0xFFFFFF50, s7;
	v27 =	vmpcnt.ones.xlane vm9;
	v26 =	vld [tilespmem:s14+$0x9360]  }
0x2c7: {  	s1 =	smov.u32 s31;
	s31 =	sadd.s32 $0xFFFFFF10, s7  }
0x2c8: {  	s18 =	sadd.s32 $0xFFFFFFA0, s7;
	s19 =	sadd.s32 $0xFFFFFFB0, s7;
	v41 =	vor.u32 s31, v8;
	v20 =	vadd.s32 v20, v27;
	v13 =	vadd.f32 v13, v11  }
0x2c9: {  	s15 =	sadd.s32 $0xFFFFFF80, s7;
	v22 =	vadd.f32 v14, v10;
	v11 =	vor.u32 s18, v8;
	v10 =	vor.u32 s19, v8  }
0x2ca: {  	s13 =	sadd.s32 $0xFFFFFF70, s7;
	v14 =	vor.u32 s15, v8;
	v16 =	vadd.f32 v16, v15;
	v17 =	vadd.f32 v17, v19  }
0x2cb: {  	s17 =	sadd.s32 $0xFFFFFF90, s7;
	v24 =	vld [tilespmem:s14+$0x15750];
	v15 =	vor.u32 s13, v8;
	v18 =	vadd.f32 v21, v18;
	v23 =	vadd.f32 v23, v26  }
0x2cc: {  	s11 =	sadd.s32 $0xFFFFFF40, s7;
	v26 =	vld [tilespmem:s14+$0x157F0];
	vm3 =	vge.f32 v13, v12;
	v13 =	vor.u32 s17, v8;
	vm2 =	vge.f32 v22, v12  }
0x2cd: {  	s10 =	sadd.s32 $0xFFFFFF30, s7;
	v22 =	vld [tilespmem:s14+$0x9350];
	vm4 =	vge.f32 v16, v12;
	v16 =	vor.u32 s11, v8;
	vm5 =	vge.f32 v17, v12  }
0x2ce: {  	s9 =	sadd.s32 $0xFFFFFF20, s7;
	v17 =	vor.u32 s10, v8;
	vm0 =	vge.f32 v23, v12;
	v23 =	vld [tilespmem:s14+$0x93F0];
	v25 =	vsel vm3, $0x1, v7  }
0x2cf: {  	v21 =	vld [tilespmem:s14+$0x15770];
	vm10 =	vge.f32 v18, v12;
	v18 =	vor.u32 s9, v8;
	v19 =	vsel vm2, $0x1, v7;
	(xrf0) =	vadd.scan.msk.s32 $0xffff, v25  }
0x2d0: {  	v27 =	vmpcnt.ones.xlane vm5;
	v28 =	vsel vm5, $0x1, v7;
	v30 =	vmpcnt.ones.xlane vm10;
	v25 =	vld [tilespmem:s14+$0x9370];
	(xrf0) =	vadd.scan.msk.s32 $0xffff, v19  }
0x2d1: {  	v29 =	vld [tilespmem:s14+$0x9380];
	v31 =	vsel vm10, $0x1, v7;
	v50 =	vmpcnt.ones.xlane vm3;
	v19 =	vsel vm4, $0x1, v7  }
0x2d2: {  	v53 =	vmpcnt.ones.xlane vm4;
	(xrf0) =	vadd.scan.msk.s32 $0xffff, v19;
	v19 =	vadd.s32 v20, v30;
	v49 =	vadd.f32 v24, v22;
	v24 =	vld [tilespmem:s14+$0x15780]  }
0x2d3: {  	v54 =	vmpcnt.ones.xlane vm0;
	(xrf0) =	vadd.scan.msk.s32 $0xffff, v31;
	v27 =	vadd.s32 v19, v27;
	v23 =	vadd.f32 v26, v23  }
0x2d4: {  	v31 =	vmpcnt.ones.xlane vm2;
	v32 =	vadd.s32 v27, v50;
	vm6 =	vge.f32 v49, v12  }
0x2d5: {  	v51 =	vld [tilespmem:s14+$0x9390];
	v39 =	vadd.f32 v21, v25;
	vm8 =	vge.f32 v23, v12;
	v22, _, _ =	vpop (xrf0);
	v30 =	vsel vm6, $0x1, v7  }
0x2d6: {  	v37 =	vld [tilespmem:s14+$0x93A0];
	v23 =	vimm.s32 $0x0;
	v52, _, _ =	vpop (xrf0);
	(xrf0) =	vadd.scan.msk.s32 $0xffff, v30;
	v30 =	vimm.s32 $0x0;
	v27 =	vadd.s32 v27, v22  }
0x2d7: {  	v38 =	vld [tilespmem:s14+$0x15790];
	vm7 =	vge.f32 v39, v12;
	v25 =	vadd.f32 v24, v29;
	v30 =	vsel vm0, $0xFFFFFFFF, v30  }
0x2d8: {  	v24 =	vld [tilespmem:s14+$0x157A0];
	v29 =	vadd.s32 v32, v31;
	v22, _, _ =	vpop (xrf0);
	v39 =	vmpcnt.ones.xlane vm7;
	[tilespmem:$0x1FFE0] =	vst v30;
	v30 =	vsel vm0, $0x1, v7  }
0x2d9: {  	v35 =	vadd.s32 v29, v53;
	vm0 =	vlt.s32 v27, $0x80F;
	v29 =	vadd.s32 v29, v22;
	v21, _, _ =	vpop (xrf0)  }
0x2da: {  	v55 =	vld [tilespmem:s14+$0x157D0];
	v22 =	vadd.s32 v32, v52;
	v40 =	vadd.s32 v20, v21;
	v21 =	vmpcnt.ones.xlane vm6  }
0x2db: {  	v31 =	vld [tilespmem:s14+$0x157E0];
	(xrf0) =	vadd.scan.msk.s32 $0xffff, v30;
	vm12 =	vlt.s32 v29, $0x80F;
	vm15 =	vlt.s32 v22, $0x80F;
	vm1 =	vlt.s32 v40, $0x80F  }
0x2dc: {  	v30 =	vld [tilespmem:s14+$0x93E0];
	(xrf0) =	vadd.scan.msk.s32 $0xffff, v28;
	v26 =	vnsel vm1, $0x80F, v40;
	v58 =	vadd.s32 v35, v21;
	v21 =	vnsel vm0, $0x80F, v27  }
0x2dd: {  	v57 =	vld [tilespmem:s14+$0x93D0];
	v27 =	vadd.f32 v38, v51;
	vm1 =	vge.f32 v25, v12;
	v56 =	vadd.f32 v24, v37  }
0x2de: {  	v59 =	vld [tilespmem:s14+$0x157B0];
	v20, _, _ =	vpop (xrf0);
	v24 =	vadd.s32 v58, v54;
	v62 =	vsel vm1, $0x1, v7;
	v23 =	vsel vm1, $0xFFFFFFFF, v23  }
0x2df: {  	p2 =	sne.s32 s8, $0xC000;
	v25 =	vld [tilespmem:s14+$0x93B0];
	v33 =	vmpcnt.ones.xlane vm1;
	v20 =	vadd.s32 v35, v20;
	vm11 =	vge.f32 v27, v12  }
.Ltmp6:
0x2e0: {  	v27 =	vadd.s32 v24, v39;
	[tilespmem:$0x1FFF0] =	vst v23;
	v23 =	vnsel vm12, $0x80F, v29;
	v29 =	vsel vm8, $0x1, v7;
	(pc) =	sbr.rel @p2 .LBB2_10-.Ltmp6, $4  }
0x2e1: {  	s8 =	sadd.s32 $0x400, s8;
	s30 =	sadd.s32 $0xFFFFFF60, s7;
	s29 =	sadd.s32 $0xFFFFFFC0, s7;
	v32 =	vld [tilespmem:s14+$0x93C0];
	vm0 =	vlt.s32 v20, $0x80F;
	v60 =	vadd.f32 v31, v30;
	vm9 =	vge.f32 v56, v12;
	v61, _, _ =	vpop (xrf0)  }
0x2e2: {  	s20 =	sadd.s32 $0xFFFFFFD0, s7;
	s28 =	sadd.s32 $0xFFFFFFE0, s7;
	s6 =	sadd.s32 $0xFFFFFFF0, s7;
	v28 =	vld [tilespmem:s14+$0x157C0];
	v30 =	vadd.f32 v55, v57;
	v31, _, _ =	vpop (xrf0);
	[tilespmem:v26+s25+$0x0] =	vst.idx.msk vm10, v41;
	(xrf0) =	vadd.scan.msk.s32 $0xffff, v62;
	v26 =	vsel vm7, $0x1, v7  }
0x2e3: {  	s16 =	smov.u32 s30;
	s26 =	smov.u32 s29;
	s0 =	smov.u32 s20;
	v20 =	vnsel vm0, $0x80F, v20;
	v63 =	vsel vm9, $0x1, v7;
	vm10 =	vge.f32 v60, v12;
	(xrf0) =	vadd.scan.msk.s32 $0xffff, v26  }
0x2e4: {  	s23 =	smov.u32 s28;
	s22 =	smov.u32 s6;
	s2 =	smov.u32 s7;
	v34 =	vadd.f32 v59, v25;
	v25 =	vsel vm10, $0x1, v7;
	v26 =	vadd.s32 v58, v61;
	(xrf0) =	vadd.scan.msk.s32 $0xffff, v63  }
0x2e5: {  	_ =	sdelay $0x1  }
0x2e6: {  	v35 =	vsel vm11, $0x1, v7;
	v49 =	vmpcnt.ones.xlane vm11;
	v28 =	vadd.f32 v28, v32  }
0x2e7: {  	v33 =	vadd.s32 v27, v33;
	v50 =	vmpcnt.ones.xlane vm9;
	vm12 =	vge.f32 v34, v12  }
0x2e8: {  	v51 =	vadd.s32 v33, v49;
	v52 =	vmpcnt.ones.xlane vm12;
	vm13 =	vge.f32 v28, v12  }
0x2e9: {  	vm14 =	vge.f32 v30, v12;
	v53 =	vadd.s32 v51, v50;
	v54 =	vmpcnt.ones.xlane vm13  }
0x2ea: {  	(xrf0) =	vadd.scan.msk.s32 $0xffff, v35;
	v56 =	vmpcnt.ones.xlane vm14;
	v55 =	vsel vm12, $0x1, v7;
	v32 =	vadd.s32 v53, v52  }
0x2eb: {  	v57 =	vmpcnt.ones.xlane vm10;
	(xrf0) =	vadd.scan.msk.s32 $0xffff, v55;
	v30 =	vadd.s32 v32, v54  }
0x2ec: {  	v58 =	vmpcnt.ones.xlane vm8;
	(xrf0) =	vadd.scan.msk.s32 $0xffff, v29;
	v36 =	vsel vm13, $0x1, v7;
	v35 =	vadd.s32 v30, v56  }
0x2ed: {  	v38 =	vsel vm14, $0x1, v7;
	v37, _, _ =	vpop (xrf0);
	(xrf0) =	vadd.scan.msk.s32 $0xffff, v36;
	v34 =	vadd.s32 v35, v57  }
0x2ee: {  	v59, _, _ =	vpop (xrf0);
	(xrf0) =	vadd.scan.msk.s32 $0xffff, v38;
	v29 =	vadd.s32 v34, v58  }
0x2ef: {  	v60, _, _ =	vpop (xrf0);
	(xrf0) =	vadd.scan.msk.s32 $0xffff, v25;
	v61 =	vxor.u32 $0x80000000, v29  }
0x2f0: {  	v62, _, _ =	vpop (xrf0);
	(xrf0) =	vmax.scan.msk.u32 $0xffff, v61  }
0x2f1: {  	v63, _, _ =	vpop (xrf0)  }
0x2f2: {  	v39, _, _ =	vpop (xrf0)  }
0x2f3: {  	v40, _, _ =	vpop (xrf0)  }
0x2f4: {  	v41, _, _ =	vpop (xrf0)  }
0x2f5: {  	v19 =	vadd.s32 v19, v31;
	v42, _, _ =	vpop (xrf0)  }
0x2f6: {  	vm0 =	vlt.s32 v19, $0x80F;
	v43, _, _ =	vpop (xrf0)  }
0x2f7: {  	v19 =	vnsel vm0, $0x80F, v19;
	(v2sf) =	vpush v43, $0xF;
	_ =	sdelay $0x1  }
0x2f8: {  	v22 =	vnsel vm15, $0x80F, v22  }
0x2f9: {  	v12 =	vadd.s32 v53, v63;
	v53 =	vld [tilespmem:$0x1FFE0];
	_ =	sdelay $0x1  }
0x2fa: {  	vm15 =	vlt.s32 v26, $0x80F;
	v44 =	vadd.s32 v27, v37;
	[tilespmem:v19+s25+$0x0] =	vst.idx.msk vm5, v18;
	v57 =	vld [tilespmem:$0x1FFF0]  }
0x2fb: {  	v45 =	vnsel vm15, $0x80F, v26;
	v24 =	vadd.s32 v24, v59;
	vm15 =	vlt.s32 v44, $0x80F;
	[tilespmem:v21+s25+$0x0] =	vst.idx.msk vm3, v17  }
0x2fc: {  	v50 =	vor.u32 s1, v8;
	vm1 =	vlt.s32 v24, $0x80F;
	v48 =	vnsel vm15, $0x80F, v44;
	[tilespmem:v22+s25+$0x0] =	vst.idx.msk vm2, v16  }
0x2fd: {  	v49 =	vadd.s32 v51, v60;
	v51 =	vor.u32 s16, v8;
	[tilespmem:v23+s25+$0x0] =	vst.idx.msk vm4, v50;
	vm15 =	vnez.u8 v53  }
0x2fe: {  	v47 =	vnsel vm1, $0x80F, v24;
	[tilespmem:v20+s25+$0x0] =	vst.idx.msk vm6, v51;
	vm6 =	vlt.s32 v12, $0x80F  }
0x2ff: {  	v29 =	vadd.s32 v33, v62;
	v12 =	vnsel vm6, $0x80F, v12;
	vm6 =	vnez.u8 v57  }
0x300: {  	vm5 =	vlt.s32 v29, $0x80F  }
0x301: {  	v46 =	vnsel vm5, $0x80F, v29;
	vm5 =	vlt.s32 v49, $0x80F  }
0x302: {  	v52 =	vadd.s32 v32, v40;
	v16 =	vnsel vm5, $0x80F, v49  }
0x303: {  	vm4 =	vlt.s32 v52, $0x80F;
	v54 =	vadd.s32 v30, v41;
	[tilespmem:v45+s25+$0x0] =	vst.idx.msk vm15, v15  }
0x304: {  	v55 =	vnsel vm4, $0x80F, v52;
	vm5 =	vlt.s32 v54, $0x80F;
	v56 =	vadd.s32 v35, v42;
	[tilespmem:v47+s25+$0x0] =	vst.idx.msk vm7, v14;
	s1 =	spop (v2sf)  }
0x305: {  	v59 =	vadd.s32 v34, v39;
	v58 =	vnsel vm5, $0x80F, v54;
	vm7 =	vlt.s32 v56, $0x80F;
	[tilespmem:v48+s25+$0x0] =	vst.idx.msk vm6, v13;
	s6 =	sadd.s32 $0x80000001, s1  }
0x306: {  	[tilespmem:v46+s25+$0x0] =	vst.idx.msk vm11, v11;
	v11 =	vnsel vm7, $0x80F, v56;
	vm11 =	vlt.s32 v59, $0x80F;
	v60 =	vadd.s32 s6, v8  }
0x307: {  	[tilespmem:v16+s25+$0x0] =	vst.idx.msk vm9, v10;
	v10 =	vor.u32 s26, v8;
	v15 =	vnsel vm11, $0x80F, v59;
	vm15 =	vlt.s32 v60, $0x80F  }
0x308: {  	v61 =	vor.u32 s0, v8;
	[tilespmem:v12+s25+$0x0] =	vst.idx.msk vm12, v10;
	p2 =	sgt.s32 s6, $0x800;
	v10 =	vnsel vm15, $0x80F, v60  }
.Ltmp7:
0x309: {  	v62 =	vor.u32 s23, v8;
	[tilespmem:v55+s25+$0x0] =	vst.idx.msk vm13, v61;
	(pc) =	sbr.rel @p2 .LBB2_12-.Ltmp7, $4  }
0x30a: {  	v63 =	vor.u32 s22, v8;
	[tilespmem:v58+s25+$0x0] =	vst.idx.msk vm14, v62  }
0x30b: {  	[tilespmem:v11+s25+$0x0] =	vst.idx.msk vm10, v63;
	v11 =	vor.u32 s2, v8  }
0x30c: {  	[tilespmem:v15+s25+$0x0] =	vst.idx.msk vm8, v11  }
0x30d: {  	[tilespmem:v10+s25+$0x0] =	vst.idx.msk $0xffff, v9  }
0x30e: {  	s0 =	sadd.s32 $0x80000010, s1;
	s30 =	sand.u32 $0xF, s1  }
0x30f: {  	s2 =	sshra.s32 s0, $0x1F;
	p2 =	slt.s32 s0, $0x1;
	p3 =	sne.s32 s30, $0x0  }
0x310: {  	s31 =	sshrl.u32 s2, $0x1C;
	p2 =	por !p2, !p3  }
0x311: {  	s1 =	simm.s32 $0x1;
	s0 =	sadd.s32 s31, s0;
	p2 =	por !p2, !p2  }
0x312: {  	s0 =	sshra.s32 s0, $0x4;
	s1 =	simm.s32 @!p2 $0x0  }
0x313: {  	s1 =	ssub.s32 s0, s1  }
0x314: {  	p2 =	slt.s32 s1, $0x1  }
.Ltmp8:
0x315: {  	_ = 	snop;
	(pc) =	sbr.rel @p2 .LBB2_16-.Ltmp8, $2  }
0x316: {  	_ =	sdelay $0x2  }
0x317: {  	v11 =	vimm.f32 $-1.000000020e+30;
	v10 =	vimm.s32 $0x0;
	s0 =	simm.s32 $0x18980  }
0x318: {  	p4 =	seq.s32 s1, $0x1  }
.Ltmp9:
0x319: {  	_ = 	snop;
	(pc) =	sbr.rel @p4 .LBB2_18-.Ltmp9, $3  }
0x31a: {  	_ =	sdelay $0x1  }
0x31b: {  	s1 =	sadd.s32 $0xFFFFFFFF, s1  }
0x31c: {  	v12 =	vld [tilespmem:s0+$0x0];
	p2 =	por $0x0, $0x0;
	p3 =	por $0x0, $0x0;
	s6 =	simm.s32 $0x18800  }
0x31d: {  	_ =	sdelay $0x7  }
0x31e: {  	v13 =	vld.idx.msk [tilespmem:v12+s4+$0x0], $0xffff  }
0x31f: {  	v14 =	vld.idx.msk [tilespmem:v12+s21+$0x0], $0xffff;
	_ =	sdelay $0x1  }
0x320: {  	p4 =	seq.s32 s1, $0x1  }
.Ltmp10:
0x321: {  	_ = 	snop;
	(pc) =	sbr.rel @p4 .LBB2_20-.Ltmp10, $4  }
0x322: {  	_ = 	snop  }
0x323: {  	v14 =	vadd.f32 v14, v13  }
0x324: {  	s0 =	sadd.s32 $0x10, s0  }
0x325: {  	s1 =	sadd.s32 $0xFFFFFFFF, s1;
	p2 =	por $0x1, $0x1;
	v13 =	vld [tilespmem:s0+$0x0];
	(xrf1) =	vsort.ascd.msk.f32 $0xffff, v14, v12  }
0x326: {  	_ =	sdelay $0x7  }
0x327: {  	v12 =	vld.idx.msk [tilespmem:v13+s4+$0x0], $0xffff  }
0x328: {  	v14 =	vld.idx.msk [tilespmem:v13+s21+$0x0], $0xffff;
	_ =	sdelay $0x3  }
0x329: {  	p4 =	seq.s32 s1, $0x1  }
.Ltmp11:
0x32a: {  	v12 =	vadd.f32 v14, v12;
	v15, v16, _ =	vpop (xrf1);
	(pc) =	sbr.rel @p4 .LBB2_23-.Ltmp11, $4  }
0x32b: {  	s0 =	sadd.s32 $0x10, s0;
	vm0 =	vgt.f32 v15, v11  }
0x32c: {  	(xrf1) =	vsort.ascd.msk.f32 $0xffff, v12, v13;
	v12 =	vld [tilespmem:s0+$0x0];
	v13 =	vmax.f32 v11, v15;
	v14 =	vsel vm0, v16, v10  }
0x32d: {  	(xrf1) =	vsort.dscd.msk.f32 $0xffff, v13, v14  }
0x32e: {  	s1 =	sadd.s32 $0xFFFFFFFF, s1;
	p3 =	por $0x1, $0x1  }
.LBB2_22:
0x32f: {  	p4 =	seq.s32 s1, $0x1;
	_ =	sdelay $0x4  }
0x330: {  	v13 =	vld.idx.msk [tilespmem:v12+s4+$0x0], $0xffff  }
0x331: {  	v14 =	vld.idx.msk [tilespmem:v12+s21+$0x0], $0xffff;
	_ =	sdelay $0x4  }
0x332: {  	v15, v16, _ =	vpop (xrf1)  }
.Ltmp12:
0x333: {  	v13 =	vadd.f32 v14, v13;
	v14, v17, _ =	vpop (xrf1);
	(pc) =	sbr.rel @!p4 .LBB2_22-.Ltmp12, $4  }
0x334: {  	s0 =	sadd.s32 $0x10, s0;
	vm0 =	vgt.f32 v15, v14  }
0x335: {  	(xrf1) =	vsort.ascd.msk.f32 $0xffff, v13, v12;
	v12 =	vld [tilespmem:s0+$0x0];
	v13 =	vmax.f32 v14, v15;
	v14 =	vsel vm0, v16, v17  }
0x336: {  	(xrf1) =	vsort.dscd.msk.f32 $0xffff, v13, v14  }
0x337: {  	s1 =	sadd.s32 $0xFFFFFFFF, s1  }
.LBB2_23:
0x338: {  	_ =	sdelay $0x6  }
0x339: {  	v13 =	vld.idx.msk [tilespmem:v12+s4+$0x0], $0xffff  }
0x33a: {  	v14 =	vld.idx.msk [tilespmem:v12+s21+$0x0], $0xffff;
	_ =	sdelay $0x2  }
0x33b: {  	v15, v16, _ =	vpop @p2 (xrf1)  }
0x33c: {  	v17, v18, _ =	vpop @p3 (xrf1)  }
0x33d: {  	v13 =	vadd.f32 v14, v13;
	v14 =	vpsel p3, v17, v11  }
0x33e: {  	v17 =	vpsel p3, v18, v10;
	vm0 =	vgt.f32 @p2 v15, v14  }
0x33f: {  	(xrf1) =	vsort.ascd.msk.f32 $0xffff, v13, v12;
	v12 =	vmax.f32 @p2 v14, v15;
	v13 =	vsel @p2 vm0, v16, v17  }
0x340: {  	(xrf1) =	vsort.dscd.msk.f32 @p2 $0xffff, v12, v13;
	_ =	sdelay $0xc  }
0x341: {  	v12, v13, _ =	vpop (xrf1)  }
0x342: {  	v14, v15, _ =	vpop @p2 (xrf1)  }
0x343: {  	v11 =	vpsel p2, v14, v11  }
0x344: {  	v10 =	vpsel p2, v15, v10;
	vm15 =	vgt.f32 v12, v11  }
0x345: {  	v11 =	vmax.f32 v11, v12;
	v10 =	vsel vm15, v13, v10  }
0x346: {  	(xrf1) =	vsort.dscd.msk.f32 $0xffff, v11, v10;
	_ =	sdelay $0x9  }
.Ltmp13:
0x347: {  	_ = 	snop;
	(pc) =	sbr.rel .LBB2_24-.Ltmp13, $2  }
0x348: {  	_ =	sdelay $0x2  }
0x349: {  	v11, v10, _ =	vpop (xrf1)  }
.LBB2_12:
0x34a: {  	s0 =	simm.s32 $0x0  }
0x34b: {  	s1 =	simm.s32 $0xC400;
	v12 =	vld [tilespmem:s0+$0x0]  }
0x34c: {  	v13 =	vld [tilespmem:s1+$0x0];
	_ =	sdelay $0x4  }
0x34d: {  	v12 =	vadd.f32 v13, v12  }
0x34e: {  	v59 =	vor.u32 s0, v8  }
0x34f: {  	(xrf1) =	vsort.ascd.msk.f32 $0xffff, v12, v59;
	_ =	sdelay $0x6  }
0x350: {  	s30 =	simm.s32 $0x10  }
0x351: {  	s31 =	simm.s32 $0xC410;
	v60 =	vld [tilespmem:s30+$0x0]  }
0x352: {  	v61 =	vld [tilespmem:s31+$0x0];
	_ =	sdelay $0x4  }
0x353: {  	v11 =	vimm.f32 $-1.000000020e+30;
	v12 =	vadd.f32 v61, v60;
	v14, v15, _ =	vpop (xrf1)  }
0x354: {  	v10 =	vimm.s32 $0x0;
	v62 =	vor.u32 s30, v8;
	vm0 =	vgt.f32 v14, v11  }
0x355: {  	(xrf1) =	vsort.ascd.msk.f32 $0xffff, v12, v62;
	v11 =	vmax.f32 v11, v14;
	v63 =	vsel vm0, v15, v10  }
0x356: {  	(xrf1) =	vsort.dscd.msk.f32 $0xffff, v11, v63;
	_ =	sdelay $0x6  }
0x357: {  	s0 =	simm.s32 $0x20  }
0x358: {  	s1 =	simm.s32 $0xC420;
	v10 =	vld [tilespmem:s0+$0x0]  }
0x359: {  	v11 =	vld [tilespmem:s1+$0x0]  }
0x35a: {  	s2 =	simm.s32 $0x30;
	s6 =	simm.s32 $0x20  }
.LBB2_13:
0x35b: {  	p2 =	sne.s32 s2, $0xC3F0;
	_ =	sdelay $0x1  }
0x35c: {  	v12, v13, _ =	vpop (xrf1)  }
0x35d: {  	v10 =	vadd.f32 v11, v10;
	v11, v14, _ =	vpop (xrf1)  }
0x35e: {  	v15 =	vor.u32 s0, v8;
	s0 =	smov.u32 s2;
	vm0 =	vgt.f32 v12, v11  }
0x35f: {  	(xrf1) =	vsort.ascd.msk.f32 $0xffff, v10, v15;
	v10 =	vmax.f32 v11, v12;
	v11 =	vsel vm0, v13, v14  }
0x360: {  	(xrf1) =	vsort.dscd.msk.f32 $0xffff, v10, v11;
	_ =	sdelay $0x5  }
.Ltmp14:
0x361: {  	(pc) =	sbr.rel @p2 .LBB2_13-.Ltmp14, $4  }
0x362: {  	s6 =	sadd.s32 $0x10, s6  }
0x363: {  	s1 =	sadd.s32 $0x10, s1;
	v10 =	vld [tilespmem:s6+$0x0]  }
0x364: {  	v11 =	vld [tilespmem:s1+$0x0]  }
0x365: {  	s2 =	sadd.s32 $0x10, s2  }
0x366: {  	_ =	sdelay $0x1  }
0x367: {  	v12, v13, _ =	vpop (xrf1)  }
0x368: {  	v10 =	vadd.f32 v11, v10;
	v11, v14, _ =	vpop (xrf1)  }
0x369: {  	v15 =	vor.u32 s0, v8;
	vm0 =	vgt.f32 v12, v11  }
0x36a: {  	(xrf1) =	vsort.ascd.msk.f32 $0xffff, v10, v15;
	v10 =	vmax.f32 v11, v12;
	v11 =	vsel vm0, v13, v14  }
0x36b: {  	(xrf1) =	vsort.dscd.msk.f32 $0xffff, v10, v11;
	_ =	sdelay $0xc  }
0x36c: {  	v10, v11, _ =	vpop (xrf1)  }
0x36d: {  	v62, v63, _ =	vpop (xrf1)  }
0x36e: {  	vm15 =	vgt.f32 v10, v62  }
0x36f: {  	v10 =	vmax.f32 v62, v10;
	v11 =	vsel vm15, v11, v63  }
0x370: {  	(xrf1) =	vsort.dscd.msk.f32 $0xffff, v10, v11;
	_ =	sdelay $0x9  }
.Ltmp15:
0x371: {  	_ = 	snop;
	(pc) =	sbr.rel .LBB2_24-.Ltmp15, $2  }
0x372: {  	_ =	sdelay $0x2  }
0x373: {  	s6 =	simm.s32 $0x18800;
	v11, v10, _ =	vpop (xrf1)  }
.LBB2_18:
.Ltmp16:
0x374: {  	(pc) =	sbr.rel .LBB2_23-.Ltmp16, $2  }
0x375: {  	_ =	sdelay $0x2  }
0x376: {  	_ = 	snop  }
.LBB2_20:
.Ltmp17:
0x377: {  	_ = 	snop;
	(pc) =	sbr.rel .LBB2_23-.Ltmp17, $2  }
0x378: {  	_ =	sdelay $0x2  }
0x379: {  	v12 =	vmov v13  }
.LBB2_25:
0x37a: {  	_ =	sfence.sel $0x180000  }
0x37b: {  	[bflag:$0x0] =	sbarrier.arrive $0xFFFF  }
0x37c: {  	_ =	strace $0x90000047  }
0x37d: {  	s0 =	stileid.u32;
	[bflag:$0x2] =	sbarrier.arrive $0xFFFF  }
0x37e: {  	p0 =	sne.s32 s0, $0x0;
	s0 =	rddreg [dreg:$0x5]  }
0x37f: {  	s0 =	sadd.s32 @!p0 $0x100000, s0  }
0x380: {  	[sflag:s0] =	ssyncadd.tile.s32 @!p0 $0x1;
	_ =	shalt  }
.Lfunc_end2:
_tile_overlayer_lowered:
.L_overlay_start_2:
0x381: {  	(tag) =	ssettag $0x2  }
0x382: {  	s0 =	rddreg [dreg:$0x0];
	s2 =	stileid.u32  }
0x383: {  	s1 =	rddreg [dreg:$0x1];
	p0 =	sne.s32 s2, $0x0  }
0x384: {  	s3 =	rddreg [dreg:$0x2];
	[bflag:$0x3] =	sbarrier.arrive $0xFFFF;
	s2 =	simm.s32 @!p0 $0x1C0A  }
0x385: {  	[timem:s3], [sflag:s2] =	dma.local @!p0 [hbm:s0], s1  }
0x386: {  	s0 =	simm.s32 @!p0 $0xA  }
0x387: {  	_ =	swait.ge @!p0 [sflag:s0], s1  }
0x388: {  	s1 =	ssub.s32 @!p0 $0x0, s1;
	[sflag:s0] =	ssyncset.done @!p0 $0x0  }
0x389: {  	[sflag:s0] =	ssyncadd.s32 @!p0 s1  }
0x38a: {  	[bflag:$0x3] =	sbarrier.arrive $0xFFFF  }
0x38b: {  	_ =	shalt  }

</sc_bundles>
